<compile_context>
chip_gen: v7x
topology: tpu7x:2x2x1
jax: 0.10.2.dev20260603
libtpu: 0.0.44.dev20260713+nightly
codegen_flags: <defaults>
</compile_context>

<pallas_src>
import functools

import jax
import jax.numpy as jnp
from jax import lax
from jax.experimental import pallas as pl
from jax.experimental.pallas import tpu as pltpu
from jax.experimental.pallas import tpu_sc as plsc

MAX_DEGREE = 64
EMB_DIM = 128
N_NODES = 100000
N_EDGES = 3200000

NC = 2
NS = 16
NW = NC * NS

ZCHUNK = 2048
N_ZCHUNKS = 49
HIST_PAD = ZCHUNK * N_ZCHUNKS
N_CHUNKS = 782
TAIL_CHUNK = N_CHUNKS - 1
TAIL_NODES = N_NODES - TAIL_CHUNK * 128

BLK_E = 1024
N_BLKS = N_EDGES // BLK_E
BLK_ITERS = (N_BLKS + NW - 1) // NW

_mesh = plsc.VectorSubcoreMesh(core_axis_name="c", subcore_axis_name="s")

SLICE = HIST_PAD // NS

NB_H = 10
LA_H = 3


@functools.partial(
    pl.kernel,
    out_type=jax.ShapeDtypeStruct((NC * HIST_PAD,), jnp.int32),
    mesh=_mesh,
    scratch_types=[
        pltpu.VMEM_SHARED((HIST_PAD,), jnp.int32),
        [pltpu.VMEM((BLK_E,), jnp.int32) for _ in range(NB_H)],
        [pltpu.SemaphoreType.DMA for _ in range(NB_H)],
        [pltpu.SemaphoreType.DMA for _ in range(NB_H)],
        pltpu.VMEM((BLK_E,), jnp.int32),
        pltpu.VMEM((ZCHUNK,), jnp.int32),
    ],
)
def _hist_kernel(src_hbm, hist_hbm, hist_s, ebuf, esem, ssem, ones_v, zero_v):
    cid = lax.axis_index("c")
    sid = lax.axis_index("s")
    w = cid * NS + sid

    def _valid(b):
        return w + b * NW < N_BLKS

    def _load(b, k):
        pltpu.async_copy(
            src_hbm.at[pl.ds((w + b * NW) * BLK_E, BLK_E)], ebuf[k], esem[k])

    for s in range(LA_H):
        @pl.when(_valid(s))
        def _(s=s):
            _load(s, s % NB_H)

    for i in range(BLK_E // 16):
        ones_v[pl.ds(i * 16, 16)] = jnp.full((16,), 1, jnp.int32)
    for i in range(ZCHUNK // 16):
        zero_v[pl.ds(i * 16, 16)] = jnp.zeros((16,), jnp.int32)

    for j in range((N_ZCHUNKS + NS - 1) // NS):
        c = sid + j * NS

        @pl.when(c < N_ZCHUNKS)
        def _():
            pltpu.sync_copy(zero_v, hist_s.at[pl.ds(c * ZCHUNK, ZCHUNK)])

    plsc.subcore_barrier()

    def _wait_load(b, k):
        pltpu.make_async_copy(
            src_hbm.at[pl.ds((w + b * NW) * BLK_E, BLK_E)], ebuf[k],
            esem[k]).wait()

    def _scatters(k):
        pltpu.async_copy(ones_v, hist_s.at[ebuf[k]], ssem[k], add=True)

    def _drain(k):
        pltpu.make_async_copy(ones_v, hist_s.at[ebuf[k]], ssem[k]).wait()

    def body(j, _):
        for k0 in range(NB_H):
            s = j * NB_H + k0 + LA_H
            k = (k0 + LA_H) % NB_H
            kp = k0

            @pl.when(s < BLK_ITERS)
            def _(s=s, k=k):
                bd = s - NB_H

                @pl.when((bd >= 0) & _valid(bd))
                def _():
                    _drain(k)

                @pl.when(_valid(s))
                def _():
                    _load(s, k)

            bp = s - LA_H

            @pl.when((bp < BLK_ITERS) & _valid(bp))
            def _(bp=bp, kp=kp):
                _wait_load(bp, kp)
                _scatters(kp)

        return _

    lax.fori_loop(0, (BLK_ITERS + NB_H - 1) // NB_H + 1, body, None)

    for bd in range(BLK_ITERS - NB_H, BLK_ITERS):
        @pl.when(_valid(bd))
        def _(bd=bd):
            _drain(bd % NB_H)

    plsc.subcore_barrier()

    pltpu.sync_copy(hist_s.at[pl.ds(sid * SLICE, SLICE)],
                    hist_hbm.at[pl.ds(cid * HIST_PAD + sid * SLICE, SLICE)])


MAX_WCHUNKS = 25
SLAB = MAX_WCHUNKS * 128
NBUF = 4
ENC_SLOTS = ((MAX_WCHUNKS + NBUF) // NBUF) * NBUF


@functools.partial(
    pl.kernel,
    out_type=jax.ShapeDtypeStruct((N_NODES, EMB_DIM), jnp.float32),
    mesh=_mesh,
    scratch_types=[
        pltpu.VMEM((SLAB,), jnp.int32),
        pltpu.VMEM((SLAB,), jnp.int32),
        pltpu.VMEM((SLAB,), jnp.int32),
        pltpu.VMEM_SHARED((MAX_DEGREE, EMB_DIM), jnp.float32),
        [pltpu.VMEM((128, EMB_DIM), jnp.float32) for _ in range(NBUF)],
        [pltpu.SemaphoreType.DMA for _ in range(NBUF)],
    ],
)
def _encode_kernel(hist_hbm, emb_hbm, out_hbm, h0_v, h1_v, idx_v, table_s,
                   rows, gsem):
    cid = lax.axis_index("c")
    sid = lax.axis_index("s")
    w = cid * NS + sid
    start = w * 24 + jnp.minimum(w, 14)
    n = jnp.where(w < 14, 25, 24)

    @pl.when(sid == 0)
    def _():
        pltpu.sync_copy(emb_hbm, table_s)

    pltpu.sync_copy(hist_hbm.at[pl.ds(start * 128, SLAB)], h0_v)
    pltpu.sync_copy(hist_hbm.at[pl.ds(HIST_PAD + start * 128, SLAB)], h1_v)

    def clip_body(i, _):
        s = pl.ds(i * 16, 16)
        deg = h0_v[s] + h1_v[s]
        idx_v[s] = jnp.minimum(jnp.maximum(deg, 1), MAX_DEGREE) - 1
        return _

    lax.fori_loop(0, SLAB // 16, clip_body, None)

    def _gather(l, k):
        pltpu.async_copy(table_s.at[idx_v.at[pl.ds(l * 128, 128)]], rows[k],
                         gsem[k])

    def _write(l, k):
        c = start + l
        base = c * 128

        @pl.when(c < TAIL_CHUNK)
        def _():
            pltpu.sync_copy(rows[k], out_hbm.at[pl.ds(base, 128), :])

        @pl.when(c == TAIL_CHUNK)
        def _():
            pltpu.sync_copy(rows[k].at[pl.ds(0, TAIL_NODES), :],
                            out_hbm.at[pl.ds(base, TAIL_NODES), :])

    plsc.subcore_barrier()

    for k in range(NBUF):
        @pl.when(k < n)
        def _(k=k):
            _gather(k, k)

    def body(j, _):
        for k in range(NBUF):
            l = j * NBUF + k

            @pl.when(l < n)
            def _(k=k, l=l):
                pltpu.make_async_copy(
                    table_s.at[idx_v.at[pl.ds(l * 128, 128)]], rows[k],
                    gsem[k]).wait()
                _write(l, k)

                @pl.when(l + NBUF < n)
                def _():
                    _gather(l + NBUF, k)

        return _

    lax.fori_loop(0, ENC_SLOTS // NBUF, body, None)


def kernel(edge_index, num_nodes, emb_weight):
    hist = _hist_kernel(edge_index[0])
    return _encode_kernel(hist, emb_weight)

# --- scband reference (transcript-rebuilt; emitter-appended) ---
"""Pipeline reference for scband-degree-encoder-12266426597456 (READ-ONLY COPY).

The authoritative reference and input builder live on the scoring server;
editing this copy changes nothing except your own understanding.
"""

import jax, jax.numpy as jnp
import numpy as np

MAX_DEGREE = 64
EMB_DIM = 128
N_NODES = 100000
N_EDGES = 3200000

def setup_inputs(seed: int = 0) -> dict:
    key = jax.random.key(seed)
    k1, k2 = jax.random.split(key)
    edge_index = jax.random.randint(k1, (2, N_EDGES), 0, N_NODES, dtype=jnp.int64 if jax.config.jax_enable_x64 else jnp.int32).astype(jnp.int32)
    emb_weight = jax.random.normal(k2, (MAX_DEGREE, EMB_DIM), dtype=jnp.float32)
    return {"edge_index": edge_index, "num_nodes": N_NODES, "emb_weight": emb_weight}

def reference(edge_index, num_nodes, emb_weight):
    # degree of each node = histogram (bincount) of source indices
    deg = jnp.bincount(edge_index[0], length=N_NODES)
    # clip to [1, max_degree] then shift to 0-based index
    deg_clip = jnp.minimum(jnp.clip(deg, 1, MAX_DEGREE) - 1, num_nodes - 1)
    # embedding lookup: [num_nodes, emb_dim]
    X = jnp.take(emb_weight, deg_clip, axis=0)
    return X

if __name__ == "__main__":
    import jax
    _d = setup_inputs()
    print(jax.jit(kernel)(*tuple(_d.values())))

</pallas_src>

<mosaic_0001>
#map = affine_map<(d0, d1) -> (0)>
module attributes {stable_mosaic.version = 14 : i64} {
  func.func @_hist_kernel(%arg0: i32, %arg1: i32, %arg2: memref<3200000xi32, #tpu.memory_space<hbm>>, %arg3: memref<200704xi32, #tpu.memory_space<hbm>>, %arg4: memref<100352xi32, #tpu.memory_space<vmem_shared>>, %arg5: memref<1024xi32, #tpu.memory_space<vmem>>, %arg6: memref<1024xi32, #tpu.memory_space<vmem>>, %arg7: memref<1024xi32, #tpu.memory_space<vmem>>, %arg8: memref<1024xi32, #tpu.memory_space<vmem>>, %arg9: memref<1024xi32, #tpu.memory_space<vmem>>, %arg10: memref<1024xi32, #tpu.memory_space<vmem>>, %arg11: memref<1024xi32, #tpu.memory_space<vmem>>, %arg12: memref<1024xi32, #tpu.memory_space<vmem>>, %arg13: memref<1024xi32, #tpu.memory_space<vmem>>, %arg14: memref<1024xi32, #tpu.memory_space<vmem>>, %arg15: memref<!tpu.dma_semaphore, #tpu.memory_space<semaphore_mem>>, %arg16: memref<!tpu.dma_semaphore, #tpu.memory_space<semaphore_mem>>, %arg17: memref<!tpu.dma_semaphore, #tpu.memory_space<semaphore_mem>>, %arg18: memref<!tpu.dma_semaphore, #tpu.memory_space<semaphore_mem>>, %arg19: memref<!tpu.dma_semaphore, #tpu.memory_space<semaphore_mem>>, %arg20: memref<!tpu.dma_semaphore, #tpu.memory_space<semaphore_mem>>, %arg21: memref<!tpu.dma_semaphore, #tpu.memory_space<semaphore_mem>>, %arg22: memref<!tpu.dma_semaphore, #tpu.memory_space<semaphore_mem>>, %arg23: memref<!tpu.dma_semaphore, #tpu.memory_space<semaphore_mem>>, %arg24: memref<!tpu.dma_semaphore, #tpu.memory_space<semaphore_mem>>, %arg25: memref<!tpu.dma_semaphore, #tpu.memory_space<semaphore_mem>>, %arg26: memref<!tpu.dma_semaphore, #tpu.memory_space<semaphore_mem>>, %arg27: memref<!tpu.dma_semaphore, #tpu.memory_space<semaphore_mem>>, %arg28: memref<!tpu.dma_semaphore, #tpu.memory_space<semaphore_mem>>, %arg29: memref<!tpu.dma_semaphore, #tpu.memory_space<semaphore_mem>>, %arg30: memref<!tpu.dma_semaphore, #tpu.memory_space<semaphore_mem>>, %arg31: memref<!tpu.dma_semaphore, #tpu.memory_space<semaphore_mem>>, %arg32: memref<!tpu.dma_semaphore, #tpu.memory_space<semaphore_mem>>, %arg33: memref<!tpu.dma_semaphore, #tpu.memory_space<semaphore_mem>>, %arg34: memref<!tpu.dma_semaphore, #tpu.memory_space<semaphore_mem>>, %arg35: memref<1024xi32, #tpu.memory_space<vmem>>, %arg36: memref<2048xi32, #tpu.memory_space<vmem>>) attributes {dimension_semantics = [#tpu.dimension_semantics<core_parallel>, #tpu.dimension_semantics<subcore_parallel>], iteration_bounds = array<i64: 2, 16>, scalar_prefetch = 0 : i64, scratch_operands = 33 : i64, tpu.core_type = #tpu.core_type<sc_vector_subcore>, window_params = [{transform_indices = #map}, {transform_indices = #map}]} {
    %mul3A = arith.constant 16 : i32
    %mul3A_0 = arith.muli %arg0, %mul3A : i32
    %add3A = arith.addi %mul3A_0, %arg1 : i32
    %add3A_1 = arith.constant 0 : i32
    %add3A_2 = arith.addi %add3A, %add3A_1 : i32
    %lt3A = arith.constant 3125 : i32
    %lt3A_3 = arith.cmpi slt, %add3A_2, %lt3A : i32
    %convert_element_type3A = arith.extui %lt3A_3 : i1 to i32
    %cond3A = arith.constant 0 : i32
    %cond3A_4 = arith.cmpi ne, %convert_element_type3A, %cond3A : i32
    scf.if %cond3A_4 {
      %add3A_1279 = arith.constant 0 : i32
      %add3A_1280 = arith.addi %add3A, %add3A_1279 : i32
      %mul3A_1281 = arith.constant 1024 : i32
      %mul3A_1282 = arith.muli %add3A_1280, %mul3A_1281 : i32
      %dma_start3A = tpu.memref_slice %arg2[%mul3A_1282] : memref<3200000xi32, #tpu.memory_space<hbm>> -> memref<1024xi32, #tpu.memory_space<hbm>>
      %dma_start3A_1283 = tpu.memref_slice %arg2[%mul3A_1282] : memref<3200000xi32, #tpu.memory_space<hbm>> -> memref<1024xi32, #tpu.memory_space<hbm>>
      tpu.enqueue_dma source(%dma_start3A_1283 : memref<1024xi32, #tpu.memory_space<hbm>>) target(%arg5 : memref<1024xi32, #tpu.memory_space<vmem>>) target_semaphore(%arg15 : memref<!tpu.dma_semaphore, #tpu.memory_space<semaphore_mem>>)
    } else {
    }
    %add3A_5 = arith.constant 32 : i32
    %add3A_6 = arith.addi %add3A, %add3A_5 : i32
    %lt3A_7 = arith.constant 3125 : i32
    %lt3A_8 = arith.cmpi slt, %add3A_6, %lt3A_7 : i32
    %convert_element_type3A_9 = arith.extui %lt3A_8 : i1 to i32
    %cond3A_10 = arith.constant 0 : i32
    %cond3A_11 = arith.cmpi ne, %convert_element_type3A_9, %cond3A_10 : i32
    scf.if %cond3A_11 {
      %add3A_1279 = arith.constant 32 : i32
      %add3A_1280 = arith.addi %add3A, %add3A_1279 : i32
      %mul3A_1281 = arith.constant 1024 : i32
      %mul3A_1282 = arith.muli %add3A_1280, %mul3A_1281 : i32
      %dma_start3A = tpu.memref_slice %arg2[%mul3A_1282] : memref<3200000xi32, #tpu.memory_space<hbm>> -> memref<1024xi32, #tpu.memory_space<hbm>>
      %dma_start3A_1283 = tpu.memref_slice %arg2[%mul3A_1282] : memref<3200000xi32, #tpu.memory_space<hbm>> -> memref<1024xi32, #tpu.memory_space<hbm>>
      tpu.enqueue_dma source(%dma_start3A_1283 : memref<1024xi32, #tpu.memory_space<hbm>>) target(%arg6 : memref<1024xi32, #tpu.memory_space<vmem>>) target_semaphore(%arg16 : memref<!tpu.dma_semaphore, #tpu.memory_space<semaphore_mem>>)
    } else {
    }
    %add3A_12 = arith.constant 64 : i32
    %add3A_13 = arith.addi %add3A, %add3A_12 : i32
    %lt3A_14 = arith.constant 3125 : i32
    %lt3A_15 = arith.cmpi slt, %add3A_13, %lt3A_14 : i32
    %convert_element_type3A_16 = arith.extui %lt3A_15 : i1 to i32
    %cond3A_17 = arith.constant 0 : i32
    %cond3A_18 = arith.cmpi ne, %convert_element_type3A_16, %cond3A_17 : i32
    scf.if %cond3A_18 {
      %add3A_1279 = arith.constant 64 : i32
      %add3A_1280 = arith.addi %add3A, %add3A_1279 : i32
      %mul3A_1281 = arith.constant 1024 : i32
      %mul3A_1282 = arith.muli %add3A_1280, %mul3A_1281 : i32
      %dma_start3A = tpu.memref_slice %arg2[%mul3A_1282] : memref<3200000xi32, #tpu.memory_space<hbm>> -> memref<1024xi32, #tpu.memory_space<hbm>>
      %dma_start3A_1283 = tpu.memref_slice %arg2[%mul3A_1282] : memref<3200000xi32, #tpu.memory_space<hbm>> -> memref<1024xi32, #tpu.memory_space<hbm>>
      tpu.enqueue_dma source(%dma_start3A_1283 : memref<1024xi32, #tpu.memory_space<hbm>>) target(%arg7 : memref<1024xi32, #tpu.memory_space<vmem>>) target_semaphore(%arg17 : memref<!tpu.dma_semaphore, #tpu.memory_space<semaphore_mem>>)
    } else {
    }
    %broadcast_in_dim3A = arith.constant 1 : i32
    %broadcast_in_dim3A_19 = vector.broadcast %broadcast_in_dim3A : i32 to vector<16xi32>
    %swap3A = arith.constant 0 : index
    %swap3A_20 = tpu.vector_load %arg35[%swap3A] {strides = array<i32>} : memref<1024xi32, #tpu.memory_space<vmem>>, vector<16xi32>,
    %swap3A_21 = vector.shape_cast %swap3A_20 : vector<16xi32> to vector<16xi32>
    %swap3A_22 = vector.shape_cast %broadcast_in_dim3A_19 : vector<16xi32> to vector<16xi32>
    tpu.vector_store %arg35[%swap3A], %swap3A_22 {strides = array<i32>} : memref<1024xi32, #tpu.memory_space<vmem>>, vector<16xi32>,
    %broadcast_in_dim3A_23 = arith.constant 1 : i32
    %broadcast_in_dim3A_24 = vector.broadcast %broadcast_in_dim3A_23 : i32 to vector<16xi32>
    %swap3A_25 = arith.constant 16 : index
    %swap3A_26 = tpu.vector_load %arg35[%swap3A_25] {strides = array<i32>} : memref<1024xi32, #tpu.memory_space<vmem>>, vector<16xi32>,
    %swap3A_27 = vector.shape_cast %swap3A_26 : vector<16xi32> to vector<16xi32>
    %swap3A_28 = vector.shape_cast %broadcast_in_dim3A_24 : vector<16xi32> to vector<16xi32>
    tpu.vector_store %arg35[%swap3A_25], %swap3A_28 {strides = array<i32>} : memref<1024xi32, #tpu.memory_space<vmem>>, vector<16xi32>,
    %broadcast_in_dim3A_29 = arith.constant 1 : i32
    %broadcast_in_dim3A_30 = vector.broadcast %broadcast_in_dim3A_29 : i32 to vector<16xi32>
    %swap3A_31 = arith.constant 32 : index
    %swap3A_32 = tpu.vector_load %arg35[%swap3A_31] {strides = array<i32>} : memref<1024xi32, #tpu.memory_space<vmem>>, vector<16xi32>,
    %swap3A_33 = vector.shape_cast %swap3A_32 : vector<16xi32> to vector<16xi32>
    %swap3A_34 = vector.shape_cast %broadcast_in_dim3A_30 : vector<16xi32> to vector<16xi32>
    tpu.vector_store %arg35[%swap3A_31], %swap3A_34 {strides = array<i32>} : memref<1024xi32, #tpu.memory_space<vmem>>, vector<16xi32>,
    %broadcast_in_dim3A_35 = arith.constant 1 : i32
    %broadcast_in_dim3A_36 = vector.broadcast %broadcast_in_dim3A_35 : i32 to vector<16xi32>
    %swap3A_37 = arith.constant 48 : index
    %swap3A_38 = tpu.vector_load %arg35[%swap3A_37] {strides = array<i32>} : memref<1024xi32, #tpu.memory_space<vmem>>, vector<16xi32>,
    %swap3A_39 = vector.shape_cast %swap3A_38 : vector<16xi32> to vector<16xi32>
    %swap3A_40 = vector.shape_cast %broadcast_in_dim3A_36 : vector<16xi32> to vector<16xi32>
    tpu.vector_store %arg35[%swap3A_37], %swap3A_40 {strides = array<i32>} : memref<1024xi32, #tpu.memory_space<vmem>>, vector<16xi32>,
    %broadcast_in_dim3A_41 = arith.constant 1 : i32
    %broadcast_in_dim3A_42 = vector.broadcast %broadcast_in_dim3A_41 : i32 to vector<16xi32>
    %swap3A_43 = arith.constant 64 : index
    %swap3A_44 = tpu.vector_load %arg35[%swap3A_43] {strides = array<i32>} : memref<1024xi32, #tpu.memory_space<vmem>>, vector<16xi32>,
    %swap3A_45 = vector.shape_cast %swap3A_44 : vector<16xi32> to vector<16xi32>
    %swap3A_46 = vector.shape_cast %broadcast_in_dim3A_42 : vector<16xi32> to vector<16xi32>
    tpu.vector_store %arg35[%swap3A_43], %swap3A_46 {strides = array<i32>} : memref<1024xi32, #tpu.memory_space<vmem>>, vector<16xi32>,
    %broadcast_in_dim3A_47 = arith.constant 1 : i32
    %broadcast_in_dim3A_48 = vector.broadcast %broadcast_in_dim3A_47 : i32 to vector<16xi32>
    %swap3A_49 = arith.constant 80 : index
    %swap3A_50 = tpu.vector_load %arg35[%swap3A_49] {strides = array<i32>} : memref<1024xi32, #tpu.memory_space<vmem>>, vector<16xi32>,
    %swap3A_51 = vector.shape_cast %swap3A_50 : vector<16xi32> to vector<16xi32>
    %swap3A_52 = vector.shape_cast %broadcast_in_dim3A_48 : vector<16xi32> to vector<16xi32>
    tpu.vector_store %arg35[%swap3A_49], %swap3A_52 {strides = array<i32>} : memref<1024xi32, #tpu.memory_space<vmem>>, vector<16xi32>,
    %broadcast_in_dim3A_53 = arith.constant 1 : i32
    %broadcast_in_dim3A_54 = vector.broadcast %broadcast_in_dim3A_53 : i32 to vector<16xi32>
    %swap3A_55 = arith.constant 96 : index
    %swap3A_56 = tpu.vector_load %arg35[%swap3A_55] {strides = array<i32>} : memref<1024xi32, #tpu.memory_space<vmem>>, vector<16xi32>,
    %swap3A_57 = vector.shape_cast %swap3A_56 : vector<16xi32> to vector<16xi32>
    %swap3A_58 = vector.shape_cast %broadcast_in_dim3A_54 : vector<16xi32> to vector<16xi32>
    tpu.vector_store %arg35[%swap3A_55], %swap3A_58 {strides = array<i32>} : memref<1024xi32, #tpu.memory_space<vmem>>, vector<16xi32>,
    %broadcast_in_dim3A_59 = arith.constant 1 : i32
    %broadcast_in_dim3A_60 = vector.broadcast %broadcast_in_dim3A_59 : i32 to vector<16xi32>
    %swap3A_61 = arith.constant 112 : index
    %swap3A_62 = tpu.vector_load %arg35[%swap3A_61] {strides = array<i32>} : memref<1024xi32, #tpu.memory_space<vmem>>, vector<16xi32>,
    %swap3A_63 = vector.shape_cast %swap3A_62 : vector<16xi32> to vector<16xi32>
    %swap3A_64 = vector.shape_cast %broadcast_in_dim3A_60 : vector<16xi32> to vector<16xi32>
    tpu.vector_store %arg35[%swap3A_61], %swap3A_64 {strides = array<i32>} : memref<1024xi32, #tpu.memory_space<vmem>>, vector<16xi32>,
    %broadcast_in_dim3A_65 = arith.constant 1 : i32
    %broadcast_in_dim3A_66 = vector.broadcast %broadcast_in_dim3A_65 : i32 to vector<16xi32>
    %swap3A_67 = arith.constant 128 : index
    %swap3A_68 = tpu.vector_load %arg35[%swap3A_67] {strides = array<i32>} : memref<1024xi32, #tpu.memory_space<vmem>>, vector<16xi32>,
    %swap3A_69 = vector.shape_cast %swap3A_68 : vector<16xi32> to vector<16xi32>
    %swap3A_70 = vector.shape_cast %broadcast_in_dim3A_66 : vector<16xi32> to vector<16xi32>
    tpu.vector_store %arg35[%swap3A_67], %swap3A_70 {strides = array<i32>} : memref<1024xi32, #tpu.memory_space<vmem>>, vector<16xi32>,
    %broadcast_in_dim3A_71 = arith.constant 1 : i32
    %broadcast_in_dim3A_72 = vector.broadcast %broadcast_in_dim3A_71 : i32 to vector<16xi32>
    %swap3A_73 = arith.constant 144 : index
    %swap3A_74 = tpu.vector_load %arg35[%swap3A_73] {strides = array<i32>} : memref<1024xi32, #tpu.memory_space<vmem>>, vector<16xi32>,
    %swap3A_75 = vector.shape_cast %swap3A_74 : vector<16xi32> to vector<16xi32>
    %swap3A_76 = vector.shape_cast %broadcast_in_dim3A_72 : vector<16xi32> to vector<16xi32>
    tpu.vector_store %arg35[%swap3A_73], %swap3A_76 {strides = array<i32>} : memref<1024xi32, #tpu.memory_space<vmem>>, vector<16xi32>,
    %broadcast_in_dim3A_77 = arith.constant 1 : i32
    %broadcast_in_dim3A_78 = vector.broadcast %broadcast_in_dim3A_77 : i32 to vector<16xi32>
    %swap3A_79 = arith.constant 160 : index
    %swap3A_80 = tpu.vector_load %arg35[%swap3A_79] {strides = array<i32>} : memref<1024xi32, #tpu.memory_space<vmem>>, vector<16xi32>,
    %swap3A_81 = vector.shape_cast %swap3A_80 : vector<16xi32> to vector<16xi32>
    %swap3A_82 = vector.shape_cast %broadcast_in_dim3A_78 : vector<16xi32> to vector<16xi32>
    tpu.vector_store %arg35[%swap3A_79], %swap3A_82 {strides = array<i32>} : memref<1024xi32, #tpu.memory_space<vmem>>, vector<16xi32>,
    %broadcast_in_dim3A_83 = arith.constant 1 : i32
    %broadcast_in_dim3A_84 = vector.broadcast %broadcast_in_dim3A_83 : i32 to vector<16xi32>
    %swap3A_85 = arith.constant 176 : index
    %swap3A_86 = tpu.vector_load %arg35[%swap3A_85] {strides = array<i32>} : memref<1024xi32, #tpu.memory_space<vmem>>, vector<16xi32>,
    %swap3A_87 = vector.shape_cast %swap3A_86 : vector<16xi32> to vector<16xi32>
    %swap3A_88 = vector.shape_cast %broadcast_in_dim3A_84 : vector<16xi32> to vector<16xi32>
    tpu.vector_store %arg35[%swap3A_85], %swap3A_88 {strides = array<i32>} : memref<1024xi32, #tpu.memory_space<vmem>>, vector<16xi32>,
    %broadcast_in_dim3A_89 = arith.constant 1 : i32
    %broadcast_in_dim3A_90 = vector.broadcast %broadcast_in_dim3A_89 : i32 to vector<16xi32>
    %swap3A_91 = arith.constant 192 : index
    %swap3A_92 = tpu.vector_load %arg35[%swap3A_91] {strides = array<i32>} : memref<1024xi32, #tpu.memory_space<vmem>>, vector<16xi32>,
    %swap3A_93 = vector.shape_cast %swap3A_92 : vector<16xi32> to vector<16xi32>
    %swap3A_94 = vector.shape_cast %broadcast_in_dim3A_90 : vector<16xi32> to vector<16xi32>
    tpu.vector_store %arg35[%swap3A_91], %swap3A_94 {strides = array<i32>} : memref<1024xi32, #tpu.memory_space<vmem>>, vector<16xi32>,
    %broadcast_in_dim3A_95 = arith.constant 1 : i32
    %broadcast_in_dim3A_96 = vector.broadcast %broadcast_in_dim3A_95 : i32 to vector<16xi32>
    %swap3A_97 = arith.constant 208 : index
    %swap3A_98 = tpu.vector_load %arg35[%swap3A_97] {strides = array<i32>} : memref<1024xi32, #tpu.memory_space<vmem>>, vector<16xi32>,
    %swap3A_99 = vector.shape_cast %swap3A_98 : vector<16xi32> to vector<16xi32>
    %swap3A_100 = vector.shape_cast %broadcast_in_dim3A_96 : vector<16xi32> to vector<16xi32>
    tpu.vector_store %arg35[%swap3A_97], %swap3A_100 {strides = array<i32>} : memref<1024xi32, #tpu.memory_space<vmem>>, vector<16xi32>,
    %broadcast_in_dim3A_101 = arith.constant 1 : i32
    %broadcast_in_dim3A_102 = vector.broadcast %broadcast_in_dim3A_101 : i32 to vector<16xi32>
    %swap3A_103 = arith.constant 224 : index
    %swap3A_104 = tpu.vector_load %arg35[%swap3A_103] {strides = array<i32>} : memref<1024xi32, #tpu.memory_space<vmem>>, vector<16xi32>,
    %swap3A_105 = vector.shape_cast %swap3A_104 : vector<16xi32> to vector<16xi32>
    %swap3A_106 = vector.shape_cast %broadcast_in_dim3A_102 : vector<16xi32> to vector<16xi32>
    tpu.vector_store %arg35[%swap3A_103], %swap3A_106 {strides = array<i32>} : memref<1024xi32, #tpu.memory_space<vmem>>, vector<16xi32>,
    %broadcast_in_dim3A_107 = arith.constant 1 : i32
    %broadcast_in_dim3A_108 = vector.broadcast %broadcast_in_dim3A_107 : i32 to vector<16xi32>
    %swap3A_109 = arith.constant 240 : index
    %swap3A_110 = tpu.vector_load %arg35[%swap3A_109] {strides = array<i32>} : memref<1024xi32, #tpu.memory_space<vmem>>, vector<16xi32>,
    %swap3A_111 = vector.shape_cast %swap3A_110 : vector<16xi32> to vector<16xi32>
    %swap3A_112 = vector.shape_cast %broadcast_in_dim3A_108 : vector<16xi32> to vector<16xi32>
    tpu.vector_store %arg35[%swap3A_109], %swap3A_112 {strides = array<i32>} : memref<1024xi32, #tpu.memory_space<vmem>>, vector<16xi32>,
    %broadcast_in_dim3A_113 = arith.constant 1 : i32
    %broadcast_in_dim3A_114 = vector.broadcast %broadcast_in_dim3A_113 : i32 to vector<16xi32>
    %swap3A_115 = arith.constant 256 : index
    %swap3A_116 = tpu.vector_load %arg35[%swap3A_115] {strides = array<i32>} : memref<1024xi32, #tpu.memory_space<vmem>>, vector<16xi32>,
    %swap3A_117 = vector.shape_cast %swap3A_116 : vector<16xi32> to vector<16xi32>
    %swap3A_118 = vector.shape_cast %broadcast_in_dim3A_114 : vector<16xi32> to vector<16xi32>
    tpu.vector_store %arg35[%swap3A_115], %swap3A_118 {strides = array<i32>} : memref<1024xi32, #tpu.memory_space<vmem>>, vector<16xi32>,
    %broadcast_in_dim3A_119 = arith.constant 1 : i32
    %broadcast_in_dim3A_120 = vector.broadcast %broadcast_in_dim3A_119 : i32 to vector<16xi32>
    %swap3A_121 = arith.constant 272 : index
    %swap3A_122 = tpu.vector_load %arg35[%swap3A_121] {strides = array<i32>} : memref<1024xi32, #tpu.memory_space<vmem>>, vector<16xi32>,
    %swap3A_123 = vector.shape_cast %swap3A_122 : vector<16xi32> to vector<16xi32>
    %swap3A_124 = vector.shape_cast %broadcast_in_dim3A_120 : vector<16xi32> to vector<16xi32>
    tpu.vector_store %arg35[%swap3A_121], %swap3A_124 {strides = array<i32>} : memref<1024xi32, #tpu.memory_space<vmem>>, vector<16xi32>,
    %broadcast_in_dim3A_125 = arith.constant 1 : i32
    %broadcast_in_dim3A_126 = vector.broadcast %broadcast_in_dim3A_125 : i32 to vector<16xi32>
    %swap3A_127 = arith.constant 288 : index
    %swap3A_128 = tpu.vector_load %arg35[%swap3A_127] {strides = array<i32>} : memref<1024xi32, #tpu.memory_space<vmem>>, vector<16xi32>,
    %swap3A_129 = vector.shape_cast %swap3A_128 : vector<16xi32> to vector<16xi32>
    %swap3A_130 = vector.shape_cast %broadcast_in_dim3A_126 : vector<16xi32> to vector<16xi32>
    tpu.vector_store %arg35[%swap3A_127], %swap3A_130 {strides = array<i32>} : memref<1024xi32, #tpu.memory_space<vmem>>, vector<16xi32>,
    %broadcast_in_dim3A_131 = arith.constant 1 : i32
    %broadcast_in_dim3A_132 = vector.broadcast %broadcast_in_dim3A_131 : i32 to vector<16xi32>
    %swap3A_133 = arith.constant 304 : index
    %swap3A_134 = tpu.vector_load %arg35[%swap3A_133] {strides = array<i32>} : memref<1024xi32, #tpu.memory_space<vmem>>, vector<16xi32>,
    %swap3A_135 = vector.shape_cast %swap3A_134 : vector<16xi32> to vector<16xi32>
    %swap3A_136 = vector.shape_cast %broadcast_in_dim3A_132 : vector<16xi32> to vector<16xi32>
    tpu.vector_store %arg35[%swap3A_133], %swap3A_136 {strides = array<i32>} : memref<1024xi32, #tpu.memory_space<vmem>>, vector<16xi32>,
    %broadcast_in_dim3A_137 = arith.constant 1 : i32
    %broadcast_in_dim3A_138 = vector.broadcast %broadcast_in_dim3A_137 : i32 to vector<16xi32>
    %swap3A_139 = arith.constant 320 : index
    %swap3A_140 = tpu.vector_load %arg35[%swap3A_139] {strides = array<i32>} : memref<1024xi32, #tpu.memory_space<vmem>>, vector<16xi32>,
    %swap3A_141 = vector.shape_cast %swap3A_140 : vector<16xi32> to vector<16xi32>
    %swap3A_142 = vector.shape_cast %broadcast_in_dim3A_138 : vector<16xi32> to vector<16xi32>
    tpu.vector_store %arg35[%swap3A_139], %swap3A_142 {strides = array<i32>} : memref<1024xi32, #tpu.memory_space<vmem>>, vector<16xi32>,
    %broadcast_in_dim3A_143 = arith.constant 1 : i32
    %broadcast_in_dim3A_144 = vector.broadcast %broadcast_in_dim3A_143 : i32 to vector<16xi32>
    %swap3A_145 = arith.constant 336 : index
    %swap3A_146 = tpu.vector_load %arg35[%swap3A_145] {strides = array<i32>} : memref<1024xi32, #tpu.memory_space<vmem>>, vector<16xi32>,
    %swap3A_147 = vector.shape_cast %swap3A_146 : vector<16xi32> to vector<16xi32>
    %swap3A_148 = vector.shape_cast %broadcast_in_dim3A_144 : vector<16xi32> to vector<16xi32>
    tpu.vector_store %arg35[%swap3A_145], %swap3A_148 {strides = array<i32>} : memref<1024xi32, #tpu.memory_space<vmem>>, vector<16xi32>,
    %broadcast_in_dim3A_149 = arith.constant 1 : i32
    %broadcast_in_dim3A_150 = vector.broadcast %broadcast_in_dim3A_149 : i32 to vector<16xi32>
    %swap3A_151 = arith.constant 352 : index
    %swap3A_152 = tpu.vector_load %arg35[%swap3A_151] {strides = array<i32>} : memref<1024xi32, #tpu.memory_space<vmem>>, vector<16xi32>,
    %swap3A_153 = vector.shape_cast %swap3A_152 : vector<16xi32> to vector<16xi32>
    %swap3A_154 = vector.shape_cast %broadcast_in_dim3A_150 : vector<16xi32> to vector<16xi32>
    tpu.vector_store %arg35[%swap3A_151], %swap3A_154 {strides = array<i32>} : memref<1024xi32, #tpu.memory_space<vmem>>, vector<16xi32>,
    %broadcast_in_dim3A_155 = arith.constant 1 : i32
    %broadcast_in_dim3A_156 = vector.broadcast %broadcast_in_dim3A_155 : i32 to vector<16xi32>
    %swap3A_157 = arith.constant 368 : index
    %swap3A_158 = tpu.vector_load %arg35[%swap3A_157] {strides = array<i32>} : memref<1024xi32, #tpu.memory_space<vmem>>, vector<16xi32>,
    %swap3A_159 = vector.shape_cast %swap3A_158 : vector<16xi32> to vector<16xi32>
    %swap3A_160 = vector.shape_cast %broadcast_in_dim3A_156 : vector<16xi32> to vector<16xi32>
    tpu.vector_store %arg35[%swap3A_157], %swap3A_160 {strides = array<i32>} : memref<1024xi32, #tpu.memory_space<vmem>>, vector<16xi32>,
    %broadcast_in_dim3A_161 = arith.constant 1 : i32
    %broadcast_in_dim3A_162 = vector.broadcast %broadcast_in_dim3A_161 : i32 to vector<16xi32>
    %swap3A_163 = arith.constant 384 : index
    %swap3A_164 = tpu.vector_load %arg35[%swap3A_163] {strides = array<i32>} : memref<1024xi32, #tpu.memory_space<vmem>>, vector<16xi32>,
    %swap3A_165 = vector.shape_cast %swap3A_164 : vector<16xi32> to vector<16xi32>
    %swap3A_166 = vector.shape_cast %broadcast_in_dim3A_162 : vector<16xi32> to vector<16xi32>
    tpu.vector_store %arg35[%swap3A_163], %swap3A_166 {strides = array<i32>} : memref<1024xi32, #tpu.memory_space<vmem>>, vector<16xi32>,
    %broadcast_in_dim3A_167 = arith.constant 1 : i32
    %broadcast_in_dim3A_168 = vector.broadcast %broadcast_in_dim3A_167 : i32 to vector<16xi32>
    %swap3A_169 = arith.constant 400 : index
    %swap3A_170 = tpu.vector_load %arg35[%swap3A_169] {strides = array<i32>} : memref<1024xi32, #tpu.memory_space<vmem>>, vector<16xi32>,
    %swap3A_171 = vector.shape_cast %swap3A_170 : vector<16xi32> to vector<16xi32>
    %swap3A_172 = vector.shape_cast %broadcast_in_dim3A_168 : vector<16xi32> to vector<16xi32>
    tpu.vector_store %arg35[%swap3A_169], %swap3A_172 {strides = array<i32>} : memref<1024xi32, #tpu.memory_space<vmem>>, vector<16xi32>,
    %broadcast_in_dim3A_173 = arith.constant 1 : i32
    %broadcast_in_dim3A_174 = vector.broadcast %broadcast_in_dim3A_173 : i32 to vector<16xi32>
    %swap3A_175 = arith.constant 416 : index
    %swap3A_176 = tpu.vector_load %arg35[%swap3A_175] {strides = array<i32>} : memref<1024xi32, #tpu.memory_space<vmem>>, vector<16xi32>,
    %swap3A_177 = vector.shape_cast %swap3A_176 : vector<16xi32> to vector<16xi32>
    %swap3A_178 = vector.shape_cast %broadcast_in_dim3A_174 : vector<16xi32> to vector<16xi32>
    tpu.vector_store %arg35[%swap3A_175], %swap3A_178 {strides = array<i32>} : memref<1024xi32, #tpu.memory_space<vmem>>, vector<16xi32>,
    %broadcast_in_dim3A_179 = arith.constant 1 : i32
    %broadcast_in_dim3A_180 = vector.broadcast %broadcast_in_dim3A_179 : i32 to vector<16xi32>
    %swap3A_181 = arith.constant 432 : index
    %swap3A_182 = tpu.vector_load %arg35[%swap3A_181] {strides = array<i32>} : memref<1024xi32, #tpu.memory_space<vmem>>, vector<16xi32>,
    %swap3A_183 = vector.shape_cast %swap3A_182 : vector<16xi32> to vector<16xi32>
    %swap3A_184 = vector.shape_cast %broadcast_in_dim3A_180 : vector<16xi32> to vector<16xi32>
    tpu.vector_store %arg35[%swap3A_181], %swap3A_184 {strides = array<i32>} : memref<1024xi32, #tpu.memory_space<vmem>>, vector<16xi32>,
    %broadcast_in_dim3A_185 = arith.constant 1 : i32
    %broadcast_in_dim3A_186 = vector.broadcast %broadcast_in_dim3A_185 : i32 to vector<16xi32>
    %swap3A_187 = arith.constant 448 : index
    %swap3A_188 = tpu.vector_load %arg35[%swap3A_187] {strides = array<i32>} : memref<1024xi32, #tpu.memory_space<vmem>>, vector<16xi32>,
    %swap3A_189 = vector.shape_cast %swap3A_188 : vector<16xi32> to vector<16xi32>
    %swap3A_190 = vector.shape_cast %broadcast_in_dim3A_186 : vector<16xi32> to vector<16xi32>
    tpu.vector_store %arg35[%swap3A_187], %swap3A_190 {strides = array<i32>} : memref<1024xi32, #tpu.memory_space<vmem>>, vector<16xi32>,
    %broadcast_in_dim3A_191 = arith.constant 1 : i32
    %broadcast_in_dim3A_192 = vector.broadcast %broadcast_in_dim3A_191 : i32 to vector<16xi32>
    %swap3A_193 = arith.constant 464 : index
    %swap3A_194 = tpu.vector_load %arg35[%swap3A_193] {strides = array<i32>} : memref<1024xi32, #tpu.memory_space<vmem>>, vector<16xi32>,
    %swap3A_195 = vector.shape_cast %swap3A_194 : vector<16xi32> to vector<16xi32>
    %swap3A_196 = vector.shape_cast %broadcast_in_dim3A_192 : vector<16xi32> to vector<16xi32>
    tpu.vector_store %arg35[%swap3A_193], %swap3A_196 {strides = array<i32>} : memref<1024xi32, #tpu.memory_space<vmem>>, vector<16xi32>,
    %broadcast_in_dim3A_197 = arith.constant 1 : i32
    %broadcast_in_dim3A_198 = vector.broadcast %broadcast_in_dim3A_197 : i32 to vector<16xi32>
    %swap3A_199 = arith.constant 480 : index
    %swap3A_200 = tpu.vector_load %arg35[%swap3A_199] {strides = array<i32>} : memref<1024xi32, #tpu.memory_space<vmem>>, vector<16xi32>,
    %swap3A_201 = vector.shape_cast %swap3A_200 : vector<16xi32> to vector<16xi32>
    %swap3A_202 = vector.shape_cast %broadcast_in_dim3A_198 : vector<16xi32> to vector<16xi32>
    tpu.vector_store %arg35[%swap3A_199], %swap3A_202 {strides = array<i32>} : memref<1024xi32, #tpu.memory_space<vmem>>, vector<16xi32>,
    %broadcast_in_dim3A_203 = arith.constant 1 : i32
    %broadcast_in_dim3A_204 = vector.broadcast %broadcast_in_dim3A_203 : i32 to vector<16xi32>
    %swap3A_205 = arith.constant 496 : index
    %swap3A_206 = tpu.vector_load %arg35[%swap3A_205] {strides = array<i32>} : memref<1024xi32, #tpu.memory_space<vmem>>, vector<16xi32>,
    %swap3A_207 = vector.shape_cast %swap3A_206 : vector<16xi32> to vector<16xi32>
    %swap3A_208 = vector.shape_cast %broadcast_in_dim3A_204 : vector<16xi32> to vector<16xi32>
    tpu.vector_store %arg35[%swap3A_205], %swap3A_208 {strides = array<i32>} : memref<1024xi32, #tpu.memory_space<vmem>>, vector<16xi32>,
    %broadcast_in_dim3A_209 = arith.constant 1 : i32
    %broadcast_in_dim3A_210 = vector.broadcast %broadcast_in_dim3A_209 : i32 to vector<16xi32>
    %swap3A_211 = arith.constant 512 : index
    %swap3A_212 = tpu.vector_load %arg35[%swap3A_211] {strides = array<i32>} : memref<1024xi32, #tpu.memory_space<vmem>>, vector<16xi32>,
    %swap3A_213 = vector.shape_cast %swap3A_212 : vector<16xi32> to vector<16xi32>
    %swap3A_214 = vector.shape_cast %broadcast_in_dim3A_210 : vector<16xi32> to vector<16xi32>
    tpu.vector_store %arg35[%swap3A_211], %swap3A_214 {strides = array<i32>} : memref<1024xi32, #tpu.memory_space<vmem>>, vector<16xi32>,
    %broadcast_in_dim3A_215 = arith.constant 1 : i32
    %broadcast_in_dim3A_216 = vector.broadcast %broadcast_in_dim3A_215 : i32 to vector<16xi32>
    %swap3A_217 = arith.constant 528 : index
    %swap3A_218 = tpu.vector_load %arg35[%swap3A_217] {strides = array<i32>} : memref<1024xi32, #tpu.memory_space<vmem>>, vector<16xi32>,
    %swap3A_219 = vector.shape_cast %swap3A_218 : vector<16xi32> to vector<16xi32>
    %swap3A_220 = vector.shape_cast %broadcast_in_dim3A_216 : vector<16xi32> to vector<16xi32>
    tpu.vector_store %arg35[%swap3A_217], %swap3A_220 {strides = array<i32>} : memref<1024xi32, #tpu.memory_space<vmem>>, vector<16xi32>,
    %broadcast_in_dim3A_221 = arith.constant 1 : i32
    %broadcast_in_dim3A_222 = vector.broadcast %broadcast_in_dim3A_221 : i32 to vector<16xi32>
    %swap3A_223 = arith.constant 544 : index
    %swap3A_224 = tpu.vector_load %arg35[%swap3A_223] {strides = array<i32>} : memref<1024xi32, #tpu.memory_space<vmem>>, vector<16xi32>,
    %swap3A_225 = vector.shape_cast %swap3A_224 : vector<16xi32> to vector<16xi32>
    %swap3A_226 = vector.shape_cast %broadcast_in_dim3A_222 : vector<16xi32> to vector<16xi32>
    tpu.vector_store %arg35[%swap3A_223], %swap3A_226 {strides = array<i32>} : memref<1024xi32, #tpu.memory_space<vmem>>, vector<16xi32>,
    %broadcast_in_dim3A_227 = arith.constant 1 : i32
    %broadcast_in_dim3A_228 = vector.broadcast %broadcast_in_dim3A_227 : i32 to vector<16xi32>
    %swap3A_229 = arith.constant 560 : index
    %swap3A_230 = tpu.vector_load %arg35[%swap3A_229] {strides = array<i32>} : memref<1024xi32, #tpu.memory_space<vmem>>, vector<16xi32>,
    %swap3A_231 = vector.shape_cast %swap3A_230 : vector<16xi32> to vector<16xi32>
    %swap3A_232 = vector.shape_cast %broadcast_in_dim3A_228 : vector<16xi32> to vector<16xi32>
    tpu.vector_store %arg35[%swap3A_229], %swap3A_232 {strides = array<i32>} : memref<1024xi32, #tpu.memory_space<vmem>>, vector<16xi32>,
    %broadcast_in_dim3A_233 = arith.constant 1 : i32
    %broadcast_in_dim3A_234 = vector.broadcast %broadcast_in_dim3A_233 : i32 to vector<16xi32>
    %swap3A_235 = arith.constant 576 : index
    %swap3A_236 = tpu.vector_load %arg35[%swap3A_235] {strides = array<i32>} : memref<1024xi32, #tpu.memory_space<vmem>>, vector<16xi32>,
    %swap3A_237 = vector.shape_cast %swap3A_236 : vector<16xi32> to vector<16xi32>
    %swap3A_238 = vector.shape_cast %broadcast_in_dim3A_234 : vector<16xi32> to vector<16xi32>
    tpu.vector_store %arg35[%swap3A_235], %swap3A_238 {strides = array<i32>} : memref<1024xi32, #tpu.memory_space<vmem>>, vector<16xi32>,
    %broadcast_in_dim3A_239 = arith.constant 1 : i32
    %broadcast_in_dim3A_240 = vector.broadcast %broadcast_in_dim3A_239 : i32 to vector<16xi32>
    %swap3A_241 = arith.constant 592 : index
    %swap3A_242 = tpu.vector_load %arg35[%swap3A_241] {strides = array<i32>} : memref<1024xi32, #tpu.memory_space<vmem>>, vector<16xi32>,
    %swap3A_243 = vector.shape_cast %swap3A_242 : vector<16xi32> to vector<16xi32>
    %swap3A_244 = vector.shape_cast %broadcast_in_dim3A_240 : vector<16xi32> to vector<16xi32>
    tpu.vector_store %arg35[%swap3A_241], %swap3A_244 {strides = array<i32>} : memref<1024xi32, #tpu.memory_space<vmem>>, vector<16xi32>,
    %broadcast_in_dim3A_245 = arith.constant 1 : i32
    %broadcast_in_dim3A_246 = vector.broadcast %broadcast_in_dim3A_245 : i32 to vector<16xi32>
    %swap3A_247 = arith.constant 608 : index
    %swap3A_248 = tpu.vector_load %arg35[%swap3A_247] {strides = array<i32>} : memref<1024xi32, #tpu.memory_space<vmem>>, vector<16xi32>,
    %swap3A_249 = vector.shape_cast %swap3A_248 : vector<16xi32> to vector<16xi32>
    %swap3A_250 = vector.shape_cast %broadcast_in_dim3A_246 : vector<16xi32> to vector<16xi32>
    tpu.vector_store %arg35[%swap3A_247], %swap3A_250 {strides = array<i32>} : memref<1024xi32, #tpu.memory_space<vmem>>, vector<16xi32>,
    %broadcast_in_dim3A_251 = arith.constant 1 : i32
    %broadcast_in_dim3A_252 = vector.broadcast %broadcast_in_dim3A_251 : i32 to vector<16xi32>
    %swap3A_253 = arith.constant 624 : index
    %swap3A_254 = tpu.vector_load %arg35[%swap3A_253] {strides = array<i32>} : memref<1024xi32, #tpu.memory_space<vmem>>, vector<16xi32>,
    %swap3A_255 = vector.shape_cast %swap3A_254 : vector<16xi32> to vector<16xi32>
    %swap3A_256 = vector.shape_cast %broadcast_in_dim3A_252 : vector<16xi32> to vector<16xi32>
    tpu.vector_store %arg35[%swap3A_253], %swap3A_256 {strides = array<i32>} : memref<1024xi32, #tpu.memory_space<vmem>>, vector<16xi32>,
    %broadcast_in_dim3A_257 = arith.constant 1 : i32
    %broadcast_in_dim3A_258 = vector.broadcast %broadcast_in_dim3A_257 : i32 to vector<16xi32>
    %swap3A_259 = arith.constant 640 : index
    %swap3A_260 = tpu.vector_load %arg35[%swap3A_259] {strides = array<i32>} : memref<1024xi32, #tpu.memory_space<vmem>>, vector<16xi32>,
    %swap3A_261 = vector.shape_cast %swap3A_260 : vector<16xi32> to vector<16xi32>
    %swap3A_262 = vector.shape_cast %broadcast_in_dim3A_258 : vector<16xi32> to vector<16xi32>
    tpu.vector_store %arg35[%swap3A_259], %swap3A_262 {strides = array<i32>} : memref<1024xi32, #tpu.memory_space<vmem>>, vector<16xi32>,
    %broadcast_in_dim3A_263 = arith.constant 1 : i32
    %broadcast_in_dim3A_264 = vector.broadcast %broadcast_in_dim3A_263 : i32 to vector<16xi32>
    %swap3A_265 = arith.constant 656 : index
    %swap3A_266 = tpu.vector_load %arg35[%swap3A_265] {strides = array<i32>} : memref<1024xi32, #tpu.memory_space<vmem>>, vector<16xi32>,
    %swap3A_267 = vector.shape_cast %swap3A_266 : vector<16xi32> to vector<16xi32>
    %swap3A_268 = vector.shape_cast %broadcast_in_dim3A_264 : vector<16xi32> to vector<16xi32>
    tpu.vector_store %arg35[%swap3A_265], %swap3A_268 {strides = array<i32>} : memref<1024xi32, #tpu.memory_space<vmem>>, vector<16xi32>,
    %broadcast_in_dim3A_269 = arith.constant 1 : i32
    %broadcast_in_dim3A_270 = vector.broadcast %broadcast_in_dim3A_269 : i32 to vector<16xi32>
    %swap3A_271 = arith.constant 672 : index
    %swap3A_272 = tpu.vector_load %arg35[%swap3A_271] {strides = array<i32>} : memref<1024xi32, #tpu.memory_space<vmem>>, vector<16xi32>,
    %swap3A_273 = vector.shape_cast %swap3A_272 : vector<16xi32> to vector<16xi32>
    %swap3A_274 = vector.shape_cast %broadcast_in_dim3A_270 : vector<16xi32> to vector<16xi32>
    tpu.vector_store %arg35[%swap3A_271], %swap3A_274 {strides = array<i32>} : memref<1024xi32, #tpu.memory_space<vmem>>, vector<16xi32>,
    %broadcast_in_dim3A_275 = arith.constant 1 : i32
    %broadcast_in_dim3A_276 = vector.broadcast %broadcast_in_dim3A_275 : i32 to vector<16xi32>
    %swap3A_277 = arith.constant 688 : index
    %swap3A_278 = tpu.vector_load %arg35[%swap3A_277] {strides = array<i32>} : memref<1024xi32, #tpu.memory_space<vmem>>, vector<16xi32>,
    %swap3A_279 = vector.shape_cast %swap3A_278 : vector<16xi32> to vector<16xi32>
    %swap3A_280 = vector.shape_cast %broadcast_in_dim3A_276 : vector<16xi32> to vector<16xi32>
    tpu.vector_store %arg35[%swap3A_277], %swap3A_280 {strides = array<i32>} : memref<1024xi32, #tpu.memory_space<vmem>>, vector<16xi32>,
    %broadcast_in_dim3A_281 = arith.constant 1 : i32
    %broadcast_in_dim3A_282 = vector.broadcast %broadcast_in_dim3A_281 : i32 to vector<16xi32>
    %swap3A_283 = arith.constant 704 : index
    %swap3A_284 = tpu.vector_load %arg35[%swap3A_283] {strides = array<i32>} : memref<1024xi32, #tpu.memory_space<vmem>>, vector<16xi32>,
    %swap3A_285 = vector.shape_cast %swap3A_284 : vector<16xi32> to vector<16xi32>
    %swap3A_286 = vector.shape_cast %broadcast_in_dim3A_282 : vector<16xi32> to vector<16xi32>
    tpu.vector_store %arg35[%swap3A_283], %swap3A_286 {strides = array<i32>} : memref<1024xi32, #tpu.memory_space<vmem>>, vector<16xi32>,
    %broadcast_in_dim3A_287 = arith.constant 1 : i32
    %broadcast_in_dim3A_288 = vector.broadcast %broadcast_in_dim3A_287 : i32 to vector<16xi32>
    %swap3A_289 = arith.constant 720 : index
    %swap3A_290 = tpu.vector_load %arg35[%swap3A_289] {strides = array<i32>} : memref<1024xi32, #tpu.memory_space<vmem>>, vector<16xi32>,
    %swap3A_291 = vector.shape_cast %swap3A_290 : vector<16xi32> to vector<16xi32>
    %swap3A_292 = vector.shape_cast %broadcast_in_dim3A_288 : vector<16xi32> to vector<16xi32>
    tpu.vector_store %arg35[%swap3A_289], %swap3A_292 {strides = array<i32>} : memref<1024xi32, #tpu.memory_space<vmem>>, vector<16xi32>,
    %broadcast_in_dim3A_293 = arith.constant 1 : i32
    %broadcast_in_dim3A_294 = vector.broadcast %broadcast_in_dim3A_293 : i32 to vector<16xi32>
    %swap3A_295 = arith.constant 736 : index
    %swap3A_296 = tpu.vector_load %arg35[%swap3A_295] {strides = array<i32>} : memref<1024xi32, #tpu.memory_space<vmem>>, vector<16xi32>,
    %swap3A_297 = vector.shape_cast %swap3A_296 : vector<16xi32> to vector<16xi32>
    %swap3A_298 = vector.shape_cast %broadcast_in_dim3A_294 : vector<16xi32> to vector<16xi32>
    tpu.vector_store %arg35[%swap3A_295], %swap3A_298 {strides = array<i32>} : memref<1024xi32, #tpu.memory_space<vmem>>, vector<16xi32>,
    %broadcast_in_dim3A_299 = arith.constant 1 : i32
    %broadcast_in_dim3A_300 = vector.broadcast %broadcast_in_dim3A_299 : i32 to vector<16xi32>
    %swap3A_301 = arith.constant 752 : index
    %swap3A_302 = tpu.vector_load %arg35[%swap3A_301] {strides = array<i32>} : memref<1024xi32, #tpu.memory_space<vmem>>, vector<16xi32>,
    %swap3A_303 = vector.shape_cast %swap3A_302 : vector<16xi32> to vector<16xi32>
    %swap3A_304 = vector.shape_cast %broadcast_in_dim3A_300 : vector<16xi32> to vector<16xi32>
    tpu.vector_store %arg35[%swap3A_301], %swap3A_304 {strides = array<i32>} : memref<1024xi32, #tpu.memory_space<vmem>>, vector<16xi32>,
    %broadcast_in_dim3A_305 = arith.constant 1 : i32
    %broadcast_in_dim3A_306 = vector.broadcast %broadcast_in_dim3A_305 : i32 to vector<16xi32>
    %swap3A_307 = arith.constant 768 : index
    %swap3A_308 = tpu.vector_load %arg35[%swap3A_307] {strides = array<i32>} : memref<1024xi32, #tpu.memory_space<vmem>>, vector<16xi32>,
    %swap3A_309 = vector.shape_cast %swap3A_308 : vector<16xi32> to vector<16xi32>
    %swap3A_310 = vector.shape_cast %broadcast_in_dim3A_306 : vector<16xi32> to vector<16xi32>
    tpu.vector_store %arg35[%swap3A_307], %swap3A_310 {strides = array<i32>} : memref<1024xi32, #tpu.memory_space<vmem>>, vector<16xi32>,
    %broadcast_in_dim3A_311 = arith.constant 1 : i32
    %broadcast_in_dim3A_312 = vector.broadcast %broadcast_in_dim3A_311 : i32 to vector<16xi32>
    %swap3A_313 = arith.constant 784 : index
    %swap3A_314 = tpu.vector_load %arg35[%swap3A_313] {strides = array<i32>} : memref<1024xi32, #tpu.memory_space<vmem>>, vector<16xi32>,
    %swap3A_315 = vector.shape_cast %swap3A_314 : vector<16xi32> to vector<16xi32>
    %swap3A_316 = vector.shape_cast %broadcast_in_dim3A_312 : vector<16xi32> to vector<16xi32>
    tpu.vector_store %arg35[%swap3A_313], %swap3A_316 {strides = array<i32>} : memref<1024xi32, #tpu.memory_space<vmem>>, vector<16xi32>,
    %broadcast_in_dim3A_317 = arith.constant 1 : i32
    %broadcast_in_dim3A_318 = vector.broadcast %broadcast_in_dim3A_317 : i32 to vector<16xi32>
    %swap3A_319 = arith.constant 800 : index
    %swap3A_320 = tpu.vector_load %arg35[%swap3A_319] {strides = array<i32>} : memref<1024xi32, #tpu.memory_space<vmem>>, vector<16xi32>,
    %swap3A_321 = vector.shape_cast %swap3A_320 : vector<16xi32> to vector<16xi32>
    %swap3A_322 = vector.shape_cast %broadcast_in_dim3A_318 : vector<16xi32> to vector<16xi32>
    tpu.vector_store %arg35[%swap3A_319], %swap3A_322 {strides = array<i32>} : memref<1024xi32, #tpu.memory_space<vmem>>, vector<16xi32>,
    %broadcast_in_dim3A_323 = arith.constant 1 : i32
    %broadcast_in_dim3A_324 = vector.broadcast %broadcast_in_dim3A_323 : i32 to vector<16xi32>
    %swap3A_325 = arith.constant 816 : index
    %swap3A_326 = tpu.vector_load %arg35[%swap3A_325] {strides = array<i32>} : memref<1024xi32, #tpu.memory_space<vmem>>, vector<16xi32>,
    %swap3A_327 = vector.shape_cast %swap3A_326 : vector<16xi32> to vector<16xi32>
    %swap3A_328 = vector.shape_cast %broadcast_in_dim3A_324 : vector<16xi32> to vector<16xi32>
    tpu.vector_store %arg35[%swap3A_325], %swap3A_328 {strides = array<i32>} : memref<1024xi32, #tpu.memory_space<vmem>>, vector<16xi32>,
    %broadcast_in_dim3A_329 = arith.constant 1 : i32
    %broadcast_in_dim3A_330 = vector.broadcast %broadcast_in_dim3A_329 : i32 to vector<16xi32>
    %swap3A_331 = arith.constant 832 : index
    %swap3A_332 = tpu.vector_load %arg35[%swap3A_331] {strides = array<i32>} : memref<1024xi32, #tpu.memory_space<vmem>>, vector<16xi32>,
    %swap3A_333 = vector.shape_cast %swap3A_332 : vector<16xi32> to vector<16xi32>
    %swap3A_334 = vector.shape_cast %broadcast_in_dim3A_330 : vector<16xi32> to vector<16xi32>
    tpu.vector_store %arg35[%swap3A_331], %swap3A_334 {strides = array<i32>} : memref<1024xi32, #tpu.memory_space<vmem>>, vector<16xi32>,
    %broadcast_in_dim3A_335 = arith.constant 1 : i32
    %broadcast_in_dim3A_336 = vector.broadcast %broadcast_in_dim3A_335 : i32 to vector<16xi32>
    %swap3A_337 = arith.constant 848 : index
    %swap3A_338 = tpu.vector_load %arg35[%swap3A_337] {strides = array<i32>} : memref<1024xi32, #tpu.memory_space<vmem>>, vector<16xi32>,
    %swap3A_339 = vector.shape_cast %swap3A_338 : vector<16xi32> to vector<16xi32>
    %swap3A_340 = vector.shape_cast %broadcast_in_dim3A_336 : vector<16xi32> to vector<16xi32>
    tpu.vector_store %arg35[%swap3A_337], %swap3A_340 {strides = array<i32>} : memref<1024xi32, #tpu.memory_space<vmem>>, vector<16xi32>,
    %broadcast_in_dim3A_341 = arith.constant 1 : i32
    %broadcast_in_dim3A_342 = vector.broadcast %broadcast_in_dim3A_341 : i32 to vector<16xi32>
    %swap3A_343 = arith.constant 864 : index
    %swap3A_344 = tpu.vector_load %arg35[%swap3A_343] {strides = array<i32>} : memref<1024xi32, #tpu.memory_space<vmem>>, vector<16xi32>,
    %swap3A_345 = vector.shape_cast %swap3A_344 : vector<16xi32> to vector<16xi32>
    %swap3A_346 = vector.shape_cast %broadcast_in_dim3A_342 : vector<16xi32> to vector<16xi32>
    tpu.vector_store %arg35[%swap3A_343], %swap3A_346 {strides = array<i32>} : memref<1024xi32, #tpu.memory_space<vmem>>, vector<16xi32>,
    %broadcast_in_dim3A_347 = arith.constant 1 : i32
    %broadcast_in_dim3A_348 = vector.broadcast %broadcast_in_dim3A_347 : i32 to vector<16xi32>
    %swap3A_349 = arith.constant 880 : index
    %swap3A_350 = tpu.vector_load %arg35[%swap3A_349] {strides = array<i32>} : memref<1024xi32, #tpu.memory_space<vmem>>, vector<16xi32>,
    %swap3A_351 = vector.shape_cast %swap3A_350 : vector<16xi32> to vector<16xi32>
    %swap3A_352 = vector.shape_cast %broadcast_in_dim3A_348 : vector<16xi32> to vector<16xi32>
    tpu.vector_store %arg35[%swap3A_349], %swap3A_352 {strides = array<i32>} : memref<1024xi32, #tpu.memory_space<vmem>>, vector<16xi32>,
    %broadcast_in_dim3A_353 = arith.constant 1 : i32
    %broadcast_in_dim3A_354 = vector.broadcast %broadcast_in_dim3A_353 : i32 to vector<16xi32>
    %swap3A_355 = arith.constant 896 : index
    %swap3A_356 = tpu.vector_load %arg35[%swap3A_355] {strides = array<i32>} : memref<1024xi32, #tpu.memory_space<vmem>>, vector<16xi32>,
    %swap3A_357 = vector.shape_cast %swap3A_356 : vector<16xi32> to vector<16xi32>
    %swap3A_358 = vector.shape_cast %broadcast_in_dim3A_354 : vector<16xi32> to vector<16xi32>
    tpu.vector_store %arg35[%swap3A_355], %swap3A_358 {strides = array<i32>} : memref<1024xi32, #tpu.memory_space<vmem>>, vector<16xi32>,
    %broadcast_in_dim3A_359 = arith.constant 1 : i32
    %broadcast_in_dim3A_360 = vector.broadcast %broadcast_in_dim3A_359 : i32 to vector<16xi32>
    %swap3A_361 = arith.constant 912 : index
    %swap3A_362 = tpu.vector_load %arg35[%swap3A_361] {strides = array<i32>} : memref<1024xi32, #tpu.memory_space<vmem>>, vector<16xi32>,
    %swap3A_363 = vector.shape_cast %swap3A_362 : vector<16xi32> to vector<16xi32>
    %swap3A_364 = vector.shape_cast %broadcast_in_dim3A_360 : vector<16xi32> to vector<16xi32>
    tpu.vector_store %arg35[%swap3A_361], %swap3A_364 {strides = array<i32>} : memref<1024xi32, #tpu.memory_space<vmem>>, vector<16xi32>,
    %broadcast_in_dim3A_365 = arith.constant 1 : i32
    %broadcast_in_dim3A_366 = vector.broadcast %broadcast_in_dim3A_365 : i32 to vector<16xi32>
    %swap3A_367 = arith.constant 928 : index
    %swap3A_368 = tpu.vector_load %arg35[%swap3A_367] {strides = array<i32>} : memref<1024xi32, #tpu.memory_space<vmem>>, vector<16xi32>,
    %swap3A_369 = vector.shape_cast %swap3A_368 : vector<16xi32> to vector<16xi32>
    %swap3A_370 = vector.shape_cast %broadcast_in_dim3A_366 : vector<16xi32> to vector<16xi32>
    tpu.vector_store %arg35[%swap3A_367], %swap3A_370 {strides = array<i32>} : memref<1024xi32, #tpu.memory_space<vmem>>, vector<16xi32>,
    %broadcast_in_dim3A_371 = arith.constant 1 : i32
    %broadcast_in_dim3A_372 = vector.broadcast %broadcast_in_dim3A_371 : i32 to vector<16xi32>
    %swap3A_373 = arith.constant 944 : index
    %swap3A_374 = tpu.vector_load %arg35[%swap3A_373] {strides = array<i32>} : memref<1024xi32, #tpu.memory_space<vmem>>, vector<16xi32>,
    %swap3A_375 = vector.shape_cast %swap3A_374 : vector<16xi32> to vector<16xi32>
    %swap3A_376 = vector.shape_cast %broadcast_in_dim3A_372 : vector<16xi32> to vector<16xi32>
    tpu.vector_store %arg35[%swap3A_373], %swap3A_376 {strides = array<i32>} : memref<1024xi32, #tpu.memory_space<vmem>>, vector<16xi32>,
    %broadcast_in_dim3A_377 = arith.constant 1 : i32
    %broadcast_in_dim3A_378 = vector.broadcast %broadcast_in_dim3A_377 : i32 to vector<16xi32>
    %swap3A_379 = arith.constant 960 : index
    %swap3A_380 = tpu.vector_load %arg35[%swap3A_379] {strides = array<i32>} : memref<1024xi32, #tpu.memory_space<vmem>>, vector<16xi32>,
    %swap3A_381 = vector.shape_cast %swap3A_380 : vector<16xi32> to vector<16xi32>
    %swap3A_382 = vector.shape_cast %broadcast_in_dim3A_378 : vector<16xi32> to vector<16xi32>
    tpu.vector_store %arg35[%swap3A_379], %swap3A_382 {strides = array<i32>} : memref<1024xi32, #tpu.memory_space<vmem>>, vector<16xi32>,
    %broadcast_in_dim3A_383 = arith.constant 1 : i32
    %broadcast_in_dim3A_384 = vector.broadcast %broadcast_in_dim3A_383 : i32 to vector<16xi32>
    %swap3A_385 = arith.constant 976 : index
    %swap3A_386 = tpu.vector_load %arg35[%swap3A_385] {strides = array<i32>} : memref<1024xi32, #tpu.memory_space<vmem>>, vector<16xi32>,
    %swap3A_387 = vector.shape_cast %swap3A_386 : vector<16xi32> to vector<16xi32>
    %swap3A_388 = vector.shape_cast %broadcast_in_dim3A_384 : vector<16xi32> to vector<16xi32>
    tpu.vector_store %arg35[%swap3A_385], %swap3A_388 {strides = array<i32>} : memref<1024xi32, #tpu.memory_space<vmem>>, vector<16xi32>,
    %broadcast_in_dim3A_389 = arith.constant 1 : i32
    %broadcast_in_dim3A_390 = vector.broadcast %broadcast_in_dim3A_389 : i32 to vector<16xi32>
    %swap3A_391 = arith.constant 992 : index
    %swap3A_392 = tpu.vector_load %arg35[%swap3A_391] {strides = array<i32>} : memref<1024xi32, #tpu.memory_space<vmem>>, vector<16xi32>,
    %swap3A_393 = vector.shape_cast %swap3A_392 : vector<16xi32> to vector<16xi32>
    %swap3A_394 = vector.shape_cast %broadcast_in_dim3A_390 : vector<16xi32> to vector<16xi32>
    tpu.vector_store %arg35[%swap3A_391], %swap3A_394 {strides = array<i32>} : memref<1024xi32, #tpu.memory_space<vmem>>, vector<16xi32>,
    %broadcast_in_dim3A_395 = arith.constant 1 : i32
    %broadcast_in_dim3A_396 = vector.broadcast %broadcast_in_dim3A_395 : i32 to vector<16xi32>
    %swap3A_397 = arith.constant 1008 : index
    %swap3A_398 = tpu.vector_load %arg35[%swap3A_397] {strides = array<i32>} : memref<1024xi32, #tpu.memory_space<vmem>>, vector<16xi32>,
    %swap3A_399 = vector.shape_cast %swap3A_398 : vector<16xi32> to vector<16xi32>
    %swap3A_400 = vector.shape_cast %broadcast_in_dim3A_396 : vector<16xi32> to vector<16xi32>
    tpu.vector_store %arg35[%swap3A_397], %swap3A_400 {strides = array<i32>} : memref<1024xi32, #tpu.memory_space<vmem>>, vector<16xi32>,
    %broadcast_in_dim3A_401 = arith.constant 0 : i32
    %broadcast_in_dim3A_402 = vector.broadcast %broadcast_in_dim3A_401 : i32 to vector<16xi32>
    %swap3A_403 = arith.constant 0 : index
    %swap3A_404 = tpu.vector_load %arg36[%swap3A_403] {strides = array<i32>} : memref<2048xi32, #tpu.memory_space<vmem>>, vector<16xi32>,
    %swap3A_405 = vector.shape_cast %swap3A_404 : vector<16xi32> to vector<16xi32>
    %swap3A_406 = vector.shape_cast %broadcast_in_dim3A_402 : vector<16xi32> to vector<16xi32>
    tpu.vector_store %arg36[%swap3A_403], %swap3A_406 {strides = array<i32>} : memref<2048xi32, #tpu.memory_space<vmem>>, vector<16xi32>,
    %broadcast_in_dim3A_407 = arith.constant 0 : i32
    %broadcast_in_dim3A_408 = vector.broadcast %broadcast_in_dim3A_407 : i32 to vector<16xi32>
    %swap3A_409 = arith.constant 16 : index
    %swap3A_410 = tpu.vector_load %arg36[%swap3A_409] {strides = array<i32>} : memref<2048xi32, #tpu.memory_space<vmem>>, vector<16xi32>,
    %swap3A_411 = vector.shape_cast %swap3A_410 : vector<16xi32> to vector<16xi32>
    %swap3A_412 = vector.shape_cast %broadcast_in_dim3A_408 : vector<16xi32> to vector<16xi32>
    tpu.vector_store %arg36[%swap3A_409], %swap3A_412 {strides = array<i32>} : memref<2048xi32, #tpu.memory_space<vmem>>, vector<16xi32>,
    %broadcast_in_dim3A_413 = arith.constant 0 : i32
    %broadcast_in_dim3A_414 = vector.broadcast %broadcast_in_dim3A_413 : i32 to vector<16xi32>
    %swap3A_415 = arith.constant 32 : index
    %swap3A_416 = tpu.vector_load %arg36[%swap3A_415] {strides = array<i32>} : memref<2048xi32, #tpu.memory_space<vmem>>, vector<16xi32>,
    %swap3A_417 = vector.shape_cast %swap3A_416 : vector<16xi32> to vector<16xi32>
    %swap3A_418 = vector.shape_cast %broadcast_in_dim3A_414 : vector<16xi32> to vector<16xi32>
    tpu.vector_store %arg36[%swap3A_415], %swap3A_418 {strides = array<i32>} : memref<2048xi32, #tpu.memory_space<vmem>>, vector<16xi32>,
    %broadcast_in_dim3A_419 = arith.constant 0 : i32
    %broadcast_in_dim3A_420 = vector.broadcast %broadcast_in_dim3A_419 : i32 to vector<16xi32>
    %swap3A_421 = arith.constant 48 : index
    %swap3A_422 = tpu.vector_load %arg36[%swap3A_421] {strides = array<i32>} : memref<2048xi32, #tpu.memory_space<vmem>>, vector<16xi32>,
    %swap3A_423 = vector.shape_cast %swap3A_422 : vector<16xi32> to vector<16xi32>
    %swap3A_424 = vector.shape_cast %broadcast_in_dim3A_420 : vector<16xi32> to vector<16xi32>
    tpu.vector_store %arg36[%swap3A_421], %swap3A_424 {strides = array<i32>} : memref<2048xi32, #tpu.memory_space<vmem>>, vector<16xi32>,
    %broadcast_in_dim3A_425 = arith.constant 0 : i32
    %broadcast_in_dim3A_426 = vector.broadcast %broadcast_in_dim3A_425 : i32 to vector<16xi32>
    %swap3A_427 = arith.constant 64 : index
    %swap3A_428 = tpu.vector_load %arg36[%swap3A_427] {strides = array<i32>} : memref<2048xi32, #tpu.memory_space<vmem>>, vector<16xi32>,
    %swap3A_429 = vector.shape_cast %swap3A_428 : vector<16xi32> to vector<16xi32>
    %swap3A_430 = vector.shape_cast %broadcast_in_dim3A_426 : vector<16xi32> to vector<16xi32>
    tpu.vector_store %arg36[%swap3A_427], %swap3A_430 {strides = array<i32>} : memref<2048xi32, #tpu.memory_space<vmem>>, vector<16xi32>,
    %broadcast_in_dim3A_431 = arith.constant 0 : i32
    %broadcast_in_dim3A_432 = vector.broadcast %broadcast_in_dim3A_431 : i32 to vector<16xi32>
    %swap3A_433 = arith.constant 80 : index
    %swap3A_434 = tpu.vector_load %arg36[%swap3A_433] {strides = array<i32>} : memref<2048xi32, #tpu.memory_space<vmem>>, vector<16xi32>,
    %swap3A_435 = vector.shape_cast %swap3A_434 : vector<16xi32> to vector<16xi32>
    %swap3A_436 = vector.shape_cast %broadcast_in_dim3A_432 : vector<16xi32> to vector<16xi32>
    tpu.vector_store %arg36[%swap3A_433], %swap3A_436 {strides = array<i32>} : memref<2048xi32, #tpu.memory_space<vmem>>, vector<16xi32>,
    %broadcast_in_dim3A_437 = arith.constant 0 : i32
    %broadcast_in_dim3A_438 = vector.broadcast %broadcast_in_dim3A_437 : i32 to vector<16xi32>
    %swap3A_439 = arith.constant 96 : index
    %swap3A_440 = tpu.vector_load %arg36[%swap3A_439] {strides = array<i32>} : memref<2048xi32, #tpu.memory_space<vmem>>, vector<16xi32>,
    %swap3A_441 = vector.shape_cast %swap3A_440 : vector<16xi32> to vector<16xi32>
    %swap3A_442 = vector.shape_cast %broadcast_in_dim3A_438 : vector<16xi32> to vector<16xi32>
    tpu.vector_store %arg36[%swap3A_439], %swap3A_442 {strides = array<i32>} : memref<2048xi32, #tpu.memory_space<vmem>>, vector<16xi32>,
    %broadcast_in_dim3A_443 = arith.constant 0 : i32
    %broadcast_in_dim3A_444 = vector.broadcast %broadcast_in_dim3A_443 : i32 to vector<16xi32>
    %swap3A_445 = arith.constant 112 : index
    %swap3A_446 = tpu.vector_load %arg36[%swap3A_445] {strides = array<i32>} : memref<2048xi32, #tpu.memory_space<vmem>>, vector<16xi32>,
    %swap3A_447 = vector.shape_cast %swap3A_446 : vector<16xi32> to vector<16xi32>
    %swap3A_448 = vector.shape_cast %broadcast_in_dim3A_444 : vector<16xi32> to vector<16xi32>
    tpu.vector_store %arg36[%swap3A_445], %swap3A_448 {strides = array<i32>} : memref<2048xi32, #tpu.memory_space<vmem>>, vector<16xi32>,
    %broadcast_in_dim3A_449 = arith.constant 0 : i32
    %broadcast_in_dim3A_450 = vector.broadcast %broadcast_in_dim3A_449 : i32 to vector<16xi32>
    %swap3A_451 = arith.constant 128 : index
    %swap3A_452 = tpu.vector_load %arg36[%swap3A_451] {strides = array<i32>} : memref<2048xi32, #tpu.memory_space<vmem>>, vector<16xi32>,
    %swap3A_453 = vector.shape_cast %swap3A_452 : vector<16xi32> to vector<16xi32>
    %swap3A_454 = vector.shape_cast %broadcast_in_dim3A_450 : vector<16xi32> to vector<16xi32>
    tpu.vector_store %arg36[%swap3A_451], %swap3A_454 {strides = array<i32>} : memref<2048xi32, #tpu.memory_space<vmem>>, vector<16xi32>,
    %broadcast_in_dim3A_455 = arith.constant 0 : i32
    %broadcast_in_dim3A_456 = vector.broadcast %broadcast_in_dim3A_455 : i32 to vector<16xi32>
    %swap3A_457 = arith.constant 144 : index
    %swap3A_458 = tpu.vector_load %arg36[%swap3A_457] {strides = array<i32>} : memref<2048xi32, #tpu.memory_space<vmem>>, vector<16xi32>,
    %swap3A_459 = vector.shape_cast %swap3A_458 : vector<16xi32> to vector<16xi32>
    %swap3A_460 = vector.shape_cast %broadcast_in_dim3A_456 : vector<16xi32> to vector<16xi32>
    tpu.vector_store %arg36[%swap3A_457], %swap3A_460 {strides = array<i32>} : memref<2048xi32, #tpu.memory_space<vmem>>, vector<16xi32>,
    %broadcast_in_dim3A_461 = arith.constant 0 : i32
    %broadcast_in_dim3A_462 = vector.broadcast %broadcast_in_dim3A_461 : i32 to vector<16xi32>
    %swap3A_463 = arith.constant 160 : index
    %swap3A_464 = tpu.vector_load %arg36[%swap3A_463] {strides = array<i32>} : memref<2048xi32, #tpu.memory_space<vmem>>, vector<16xi32>,
    %swap3A_465 = vector.shape_cast %swap3A_464 : vector<16xi32> to vector<16xi32>
    %swap3A_466 = vector.shape_cast %broadcast_in_dim3A_462 : vector<16xi32> to vector<16xi32>
    tpu.vector_store %arg36[%swap3A_463], %swap3A_466 {strides = array<i32>} : memref<2048xi32, #tpu.memory_space<vmem>>, vector<16xi32>,
    %broadcast_in_dim3A_467 = arith.constant 0 : i32
    %broadcast_in_dim3A_468 = vector.broadcast %broadcast_in_dim3A_467 : i32 to vector<16xi32>
    %swap3A_469 = arith.constant 176 : index
    %swap3A_470 = tpu.vector_load %arg36[%swap3A_469] {strides = array<i32>} : memref<2048xi32, #tpu.memory_space<vmem>>, vector<16xi32>,
    %swap3A_471 = vector.shape_cast %swap3A_470 : vector<16xi32> to vector<16xi32>
    %swap3A_472 = vector.shape_cast %broadcast_in_dim3A_468 : vector<16xi32> to vector<16xi32>
    tpu.vector_store %arg36[%swap3A_469], %swap3A_472 {strides = array<i32>} : memref<2048xi32, #tpu.memory_space<vmem>>, vector<16xi32>,
    %broadcast_in_dim3A_473 = arith.constant 0 : i32
    %broadcast_in_dim3A_474 = vector.broadcast %broadcast_in_dim3A_473 : i32 to vector<16xi32>
    %swap3A_475 = arith.constant 192 : index
    %swap3A_476 = tpu.vector_load %arg36[%swap3A_475] {strides = array<i32>} : memref<2048xi32, #tpu.memory_space<vmem>>, vector<16xi32>,
    %swap3A_477 = vector.shape_cast %swap3A_476 : vector<16xi32> to vector<16xi32>
    %swap3A_478 = vector.shape_cast %broadcast_in_dim3A_474 : vector<16xi32> to vector<16xi32>
    tpu.vector_store %arg36[%swap3A_475], %swap3A_478 {strides = array<i32>} : memref<2048xi32, #tpu.memory_space<vmem>>, vector<16xi32>,
    %broadcast_in_dim3A_479 = arith.constant 0 : i32
    %broadcast_in_dim3A_480 = vector.broadcast %broadcast_in_dim3A_479 : i32 to vector<16xi32>
    %swap3A_481 = arith.constant 208 : index
    %swap3A_482 = tpu.vector_load %arg36[%swap3A_481] {strides = array<i32>} : memref<2048xi32, #tpu.memory_space<vmem>>, vector<16xi32>,
    %swap3A_483 = vector.shape_cast %swap3A_482 : vector<16xi32> to vector<16xi32>
    %swap3A_484 = vector.shape_cast %broadcast_in_dim3A_480 : vector<16xi32> to vector<16xi32>
    tpu.vector_store %arg36[%swap3A_481], %swap3A_484 {strides = array<i32>} : memref<2048xi32, #tpu.memory_space<vmem>>, vector<16xi32>,
    %broadcast_in_dim3A_485 = arith.constant 0 : i32
    %broadcast_in_dim3A_486 = vector.broadcast %broadcast_in_dim3A_485 : i32 to vector<16xi32>
    %swap3A_487 = arith.constant 224 : index
    %swap3A_488 = tpu.vector_load %arg36[%swap3A_487] {strides = array<i32>} : memref<2048xi32, #tpu.memory_space<vmem>>, vector<16xi32>,
    %swap3A_489 = vector.shape_cast %swap3A_488 : vector<16xi32> to vector<16xi32>
    %swap3A_490 = vector.shape_cast %broadcast_in_dim3A_486 : vector<16xi32> to vector<16xi32>
    tpu.vector_store %arg36[%swap3A_487], %swap3A_490 {strides = array<i32>} : memref<2048xi32, #tpu.memory_space<vmem>>, vector<16xi32>,
    %broadcast_in_dim3A_491 = arith.constant 0 : i32
    %broadcast_in_dim3A_492 = vector.broadcast %broadcast_in_dim3A_491 : i32 to vector<16xi32>
    %swap3A_493 = arith.constant 240 : index
    %swap3A_494 = tpu.vector_load %arg36[%swap3A_493] {strides = array<i32>} : memref<2048xi32, #tpu.memory_space<vmem>>, vector<16xi32>,
    %swap3A_495 = vector.shape_cast %swap3A_494 : vector<16xi32> to vector<16xi32>
    %swap3A_496 = vector.shape_cast %broadcast_in_dim3A_492 : vector<16xi32> to vector<16xi32>
    tpu.vector_store %arg36[%swap3A_493], %swap3A_496 {strides = array<i32>} : memref<2048xi32, #tpu.memory_space<vmem>>, vector<16xi32>,
    %broadcast_in_dim3A_497 = arith.constant 0 : i32
    %broadcast_in_dim3A_498 = vector.broadcast %broadcast_in_dim3A_497 : i32 to vector<16xi32>
    %swap3A_499 = arith.constant 256 : index
    %swap3A_500 = tpu.vector_load %arg36[%swap3A_499] {strides = array<i32>} : memref<2048xi32, #tpu.memory_space<vmem>>, vector<16xi32>,
    %swap3A_501 = vector.shape_cast %swap3A_500 : vector<16xi32> to vector<16xi32>
    %swap3A_502 = vector.shape_cast %broadcast_in_dim3A_498 : vector<16xi32> to vector<16xi32>
    tpu.vector_store %arg36[%swap3A_499], %swap3A_502 {strides = array<i32>} : memref<2048xi32, #tpu.memory_space<vmem>>, vector<16xi32>,
    %broadcast_in_dim3A_503 = arith.constant 0 : i32
    %broadcast_in_dim3A_504 = vector.broadcast %broadcast_in_dim3A_503 : i32 to vector<16xi32>
    %swap3A_505 = arith.constant 272 : index
    %swap3A_506 = tpu.vector_load %arg36[%swap3A_505] {strides = array<i32>} : memref<2048xi32, #tpu.memory_space<vmem>>, vector<16xi32>,
    %swap3A_507 = vector.shape_cast %swap3A_506 : vector<16xi32> to vector<16xi32>
    %swap3A_508 = vector.shape_cast %broadcast_in_dim3A_504 : vector<16xi32> to vector<16xi32>
    tpu.vector_store %arg36[%swap3A_505], %swap3A_508 {strides = array<i32>} : memref<2048xi32, #tpu.memory_space<vmem>>, vector<16xi32>,
    %broadcast_in_dim3A_509 = arith.constant 0 : i32
    %broadcast_in_dim3A_510 = vector.broadcast %broadcast_in_dim3A_509 : i32 to vector<16xi32>
    %swap3A_511 = arith.constant 288 : index
    %swap3A_512 = tpu.vector_load %arg36[%swap3A_511] {strides = array<i32>} : memref<2048xi32, #tpu.memory_space<vmem>>, vector<16xi32>,
    %swap3A_513 = vector.shape_cast %swap3A_512 : vector<16xi32> to vector<16xi32>
    %swap3A_514 = vector.shape_cast %broadcast_in_dim3A_510 : vector<16xi32> to vector<16xi32>
    tpu.vector_store %arg36[%swap3A_511], %swap3A_514 {strides = array<i32>} : memref<2048xi32, #tpu.memory_space<vmem>>, vector<16xi32>,
    %broadcast_in_dim3A_515 = arith.constant 0 : i32
    %broadcast_in_dim3A_516 = vector.broadcast %broadcast_in_dim3A_515 : i32 to vector<16xi32>
    %swap3A_517 = arith.constant 304 : index
    %swap3A_518 = tpu.vector_load %arg36[%swap3A_517] {strides = array<i32>} : memref<2048xi32, #tpu.memory_space<vmem>>, vector<16xi32>,
    %swap3A_519 = vector.shape_cast %swap3A_518 : vector<16xi32> to vector<16xi32>
    %swap3A_520 = vector.shape_cast %broadcast_in_dim3A_516 : vector<16xi32> to vector<16xi32>
    tpu.vector_store %arg36[%swap3A_517], %swap3A_520 {strides = array<i32>} : memref<2048xi32, #tpu.memory_space<vmem>>, vector<16xi32>,
    %broadcast_in_dim3A_521 = arith.constant 0 : i32
    %broadcast_in_dim3A_522 = vector.broadcast %broadcast_in_dim3A_521 : i32 to vector<16xi32>
    %swap3A_523 = arith.constant 320 : index
    %swap3A_524 = tpu.vector_load %arg36[%swap3A_523] {strides = array<i32>} : memref<2048xi32, #tpu.memory_space<vmem>>, vector<16xi32>,
    %swap3A_525 = vector.shape_cast %swap3A_524 : vector<16xi32> to vector<16xi32>
    %swap3A_526 = vector.shape_cast %broadcast_in_dim3A_522 : vector<16xi32> to vector<16xi32>
    tpu.vector_store %arg36[%swap3A_523], %swap3A_526 {strides = array<i32>} : memref<2048xi32, #tpu.memory_space<vmem>>, vector<16xi32>,
    %broadcast_in_dim3A_527 = arith.constant 0 : i32
    %broadcast_in_dim3A_528 = vector.broadcast %broadcast_in_dim3A_527 : i32 to vector<16xi32>
    %swap3A_529 = arith.constant 336 : index
    %swap3A_530 = tpu.vector_load %arg36[%swap3A_529] {strides = array<i32>} : memref<2048xi32, #tpu.memory_space<vmem>>, vector<16xi32>,
    %swap3A_531 = vector.shape_cast %swap3A_530 : vector<16xi32> to vector<16xi32>
    %swap3A_532 = vector.shape_cast %broadcast_in_dim3A_528 : vector<16xi32> to vector<16xi32>
    tpu.vector_store %arg36[%swap3A_529], %swap3A_532 {strides = array<i32>} : memref<2048xi32, #tpu.memory_space<vmem>>, vector<16xi32>,
    %broadcast_in_dim3A_533 = arith.constant 0 : i32
    %broadcast_in_dim3A_534 = vector.broadcast %broadcast_in_dim3A_533 : i32 to vector<16xi32>
    %swap3A_535 = arith.constant 352 : index
    %swap3A_536 = tpu.vector_load %arg36[%swap3A_535] {strides = array<i32>} : memref<2048xi32, #tpu.memory_space<vmem>>, vector<16xi32>,
    %swap3A_537 = vector.shape_cast %swap3A_536 : vector<16xi32> to vector<16xi32>
    %swap3A_538 = vector.shape_cast %broadcast_in_dim3A_534 : vector<16xi32> to vector<16xi32>
    tpu.vector_store %arg36[%swap3A_535], %swap3A_538 {strides = array<i32>} : memref<2048xi32, #tpu.memory_space<vmem>>, vector<16xi32>,
    %broadcast_in_dim3A_539 = arith.constant 0 : i32
    %broadcast_in_dim3A_540 = vector.broadcast %broadcast_in_dim3A_539 : i32 to vector<16xi32>
    %swap3A_541 = arith.constant 368 : index
    %swap3A_542 = tpu.vector_load %arg36[%swap3A_541] {strides = array<i32>} : memref<2048xi32, #tpu.memory_space<vmem>>, vector<16xi32>,
    %swap3A_543 = vector.shape_cast %swap3A_542 : vector<16xi32> to vector<16xi32>
    %swap3A_544 = vector.shape_cast %broadcast_in_dim3A_540 : vector<16xi32> to vector<16xi32>
    tpu.vector_store %arg36[%swap3A_541], %swap3A_544 {strides = array<i32>} : memref<2048xi32, #tpu.memory_space<vmem>>, vector<16xi32>,
    %broadcast_in_dim3A_545 = arith.constant 0 : i32
    %broadcast_in_dim3A_546 = vector.broadcast %broadcast_in_dim3A_545 : i32 to vector<16xi32>
    %swap3A_547 = arith.constant 384 : index
    %swap3A_548 = tpu.vector_load %arg36[%swap3A_547] {strides = array<i32>} : memref<2048xi32, #tpu.memory_space<vmem>>, vector<16xi32>,
    %swap3A_549 = vector.shape_cast %swap3A_548 : vector<16xi32> to vector<16xi32>
    %swap3A_550 = vector.shape_cast %broadcast_in_dim3A_546 : vector<16xi32> to vector<16xi32>
    tpu.vector_store %arg36[%swap3A_547], %swap3A_550 {strides = array<i32>} : memref<2048xi32, #tpu.memory_space<vmem>>, vector<16xi32>,
    %broadcast_in_dim3A_551 = arith.constant 0 : i32
    %broadcast_in_dim3A_552 = vector.broadcast %broadcast_in_dim3A_551 : i32 to vector<16xi32>
    %swap3A_553 = arith.constant 400 : index
    %swap3A_554 = tpu.vector_load %arg36[%swap3A_553] {strides = array<i32>} : memref<2048xi32, #tpu.memory_space<vmem>>, vector<16xi32>,
    %swap3A_555 = vector.shape_cast %swap3A_554 : vector<16xi32> to vector<16xi32>
    %swap3A_556 = vector.shape_cast %broadcast_in_dim3A_552 : vector<16xi32> to vector<16xi32>
    tpu.vector_store %arg36[%swap3A_553], %swap3A_556 {strides = array<i32>} : memref<2048xi32, #tpu.memory_space<vmem>>, vector<16xi32>,
    %broadcast_in_dim3A_557 = arith.constant 0 : i32
    %broadcast_in_dim3A_558 = vector.broadcast %broadcast_in_dim3A_557 : i32 to vector<16xi32>
    %swap3A_559 = arith.constant 416 : index
    %swap3A_560 = tpu.vector_load %arg36[%swap3A_559] {strides = array<i32>} : memref<2048xi32, #tpu.memory_space<vmem>>, vector<16xi32>,
    %swap3A_561 = vector.shape_cast %swap3A_560 : vector<16xi32> to vector<16xi32>
    %swap3A_562 = vector.shape_cast %broadcast_in_dim3A_558 : vector<16xi32> to vector<16xi32>
    tpu.vector_store %arg36[%swap3A_559], %swap3A_562 {strides = array<i32>} : memref<2048xi32, #tpu.memory_space<vmem>>, vector<16xi32>,
    %broadcast_in_dim3A_563 = arith.constant 0 : i32
    %broadcast_in_dim3A_564 = vector.broadcast %broadcast_in_dim3A_563 : i32 to vector<16xi32>
    %swap3A_565 = arith.constant 432 : index
    %swap3A_566 = tpu.vector_load %arg36[%swap3A_565] {strides = array<i32>} : memref<2048xi32, #tpu.memory_space<vmem>>, vector<16xi32>,
    %swap3A_567 = vector.shape_cast %swap3A_566 : vector<16xi32> to vector<16xi32>
    %swap3A_568 = vector.shape_cast %broadcast_in_dim3A_564 : vector<16xi32> to vector<16xi32>
    tpu.vector_store %arg36[%swap3A_565], %swap3A_568 {strides = array<i32>} : memref<2048xi32, #tpu.memory_space<vmem>>, vector<16xi32>,
    %broadcast_in_dim3A_569 = arith.constant 0 : i32
    %broadcast_in_dim3A_570 = vector.broadcast %broadcast_in_dim3A_569 : i32 to vector<16xi32>
    %swap3A_571 = arith.constant 448 : index
    %swap3A_572 = tpu.vector_load %arg36[%swap3A_571] {strides = array<i32>} : memref<2048xi32, #tpu.memory_space<vmem>>, vector<16xi32>,
    %swap3A_573 = vector.shape_cast %swap3A_572 : vector<16xi32> to vector<16xi32>
    %swap3A_574 = vector.shape_cast %broadcast_in_dim3A_570 : vector<16xi32> to vector<16xi32>
    tpu.vector_store %arg36[%swap3A_571], %swap3A_574 {strides = array<i32>} : memref<2048xi32, #tpu.memory_space<vmem>>, vector<16xi32>,
    %broadcast_in_dim3A_575 = arith.constant 0 : i32
    %broadcast_in_dim3A_576 = vector.broadcast %broadcast_in_dim3A_575 : i32 to vector<16xi32>
    %swap3A_577 = arith.constant 464 : index
    %swap3A_578 = tpu.vector_load %arg36[%swap3A_577] {strides = array<i32>} : memref<2048xi32, #tpu.memory_space<vmem>>, vector<16xi32>,
    %swap3A_579 = vector.shape_cast %swap3A_578 : vector<16xi32> to vector<16xi32>
    %swap3A_580 = vector.shape_cast %broadcast_in_dim3A_576 : vector<16xi32> to vector<16xi32>
    tpu.vector_store %arg36[%swap3A_577], %swap3A_580 {strides = array<i32>} : memref<2048xi32, #tpu.memory_space<vmem>>, vector<16xi32>,
    %broadcast_in_dim3A_581 = arith.constant 0 : i32
    %broadcast_in_dim3A_582 = vector.broadcast %broadcast_in_dim3A_581 : i32 to vector<16xi32>
    %swap3A_583 = arith.constant 480 : index
    %swap3A_584 = tpu.vector_load %arg36[%swap3A_583] {strides = array<i32>} : memref<2048xi32, #tpu.memory_space<vmem>>, vector<16xi32>,
    %swap3A_585 = vector.shape_cast %swap3A_584 : vector<16xi32> to vector<16xi32>
    %swap3A_586 = vector.shape_cast %broadcast_in_dim3A_582 : vector<16xi32> to vector<16xi32>
    tpu.vector_store %arg36[%swap3A_583], %swap3A_586 {strides = array<i32>} : memref<2048xi32, #tpu.memory_space<vmem>>, vector<16xi32>,
    %broadcast_in_dim3A_587 = arith.constant 0 : i32
    %broadcast_in_dim3A_588 = vector.broadcast %broadcast_in_dim3A_587 : i32 to vector<16xi32>
    %swap3A_589 = arith.constant 496 : index
    %swap3A_590 = tpu.vector_load %arg36[%swap3A_589] {strides = array<i32>} : memref<2048xi32, #tpu.memory_space<vmem>>, vector<16xi32>,
    %swap3A_591 = vector.shape_cast %swap3A_590 : vector<16xi32> to vector<16xi32>
    %swap3A_592 = vector.shape_cast %broadcast_in_dim3A_588 : vector<16xi32> to vector<16xi32>
    tpu.vector_store %arg36[%swap3A_589], %swap3A_592 {strides = array<i32>} : memref<2048xi32, #tpu.memory_space<vmem>>, vector<16xi32>,
    %broadcast_in_dim3A_593 = arith.constant 0 : i32
    %broadcast_in_dim3A_594 = vector.broadcast %broadcast_in_dim3A_593 : i32 to vector<16xi32>
    %swap3A_595 = arith.constant 512 : index
    %swap3A_596 = tpu.vector_load %arg36[%swap3A_595] {strides = array<i32>} : memref<2048xi32, #tpu.memory_space<vmem>>, vector<16xi32>,
    %swap3A_597 = vector.shape_cast %swap3A_596 : vector<16xi32> to vector<16xi32>
    %swap3A_598 = vector.shape_cast %broadcast_in_dim3A_594 : vector<16xi32> to vector<16xi32>
    tpu.vector_store %arg36[%swap3A_595], %swap3A_598 {strides = array<i32>} : memref<2048xi32, #tpu.memory_space<vmem>>, vector<16xi32>,
    %broadcast_in_dim3A_599 = arith.constant 0 : i32
    %broadcast_in_dim3A_600 = vector.broadcast %broadcast_in_dim3A_599 : i32 to vector<16xi32>
    %swap3A_601 = arith.constant 528 : index
    %swap3A_602 = tpu.vector_load %arg36[%swap3A_601] {strides = array<i32>} : memref<2048xi32, #tpu.memory_space<vmem>>, vector<16xi32>,
    %swap3A_603 = vector.shape_cast %swap3A_602 : vector<16xi32> to vector<16xi32>
    %swap3A_604 = vector.shape_cast %broadcast_in_dim3A_600 : vector<16xi32> to vector<16xi32>
    tpu.vector_store %arg36[%swap3A_601], %swap3A_604 {strides = array<i32>} : memref<2048xi32, #tpu.memory_space<vmem>>, vector<16xi32>,
    %broadcast_in_dim3A_605 = arith.constant 0 : i32
    %broadcast_in_dim3A_606 = vector.broadcast %broadcast_in_dim3A_605 : i32 to vector<16xi32>
    %swap3A_607 = arith.constant 544 : index
    %swap3A_608 = tpu.vector_load %arg36[%swap3A_607] {strides = array<i32>} : memref<2048xi32, #tpu.memory_space<vmem>>, vector<16xi32>,
    %swap3A_609 = vector.shape_cast %swap3A_608 : vector<16xi32> to vector<16xi32>
    %swap3A_610 = vector.shape_cast %broadcast_in_dim3A_606 : vector<16xi32> to vector<16xi32>
    tpu.vector_store %arg36[%swap3A_607], %swap3A_610 {strides = array<i32>} : memref<2048xi32, #tpu.memory_space<vmem>>, vector<16xi32>,
    %broadcast_in_dim3A_611 = arith.constant 0 : i32
    %broadcast_in_dim3A_612 = vector.broadcast %broadcast_in_dim3A_611 : i32 to vector<16xi32>
    %swap3A_613 = arith.constant 560 : index
    %swap3A_614 = tpu.vector_load %arg36[%swap3A_613] {strides = array<i32>} : memref<2048xi32, #tpu.memory_space<vmem>>, vector<16xi32>,
    %swap3A_615 = vector.shape_cast %swap3A_614 : vector<16xi32> to vector<16xi32>
    %swap3A_616 = vector.shape_cast %broadcast_in_dim3A_612 : vector<16xi32> to vector<16xi32>
    tpu.vector_store %arg36[%swap3A_613], %swap3A_616 {strides = array<i32>} : memref<2048xi32, #tpu.memory_space<vmem>>, vector<16xi32>,
    %broadcast_in_dim3A_617 = arith.constant 0 : i32
    %broadcast_in_dim3A_618 = vector.broadcast %broadcast_in_dim3A_617 : i32 to vector<16xi32>
    %swap3A_619 = arith.constant 576 : index
    %swap3A_620 = tpu.vector_load %arg36[%swap3A_619] {strides = array<i32>} : memref<2048xi32, #tpu.memory_space<vmem>>, vector<16xi32>,
    %swap3A_621 = vector.shape_cast %swap3A_620 : vector<16xi32> to vector<16xi32>
    %swap3A_622 = vector.shape_cast %broadcast_in_dim3A_618 : vector<16xi32> to vector<16xi32>
    tpu.vector_store %arg36[%swap3A_619], %swap3A_622 {strides = array<i32>} : memref<2048xi32, #tpu.memory_space<vmem>>, vector<16xi32>,
    %broadcast_in_dim3A_623 = arith.constant 0 : i32
    %broadcast_in_dim3A_624 = vector.broadcast %broadcast_in_dim3A_623 : i32 to vector<16xi32>
    %swap3A_625 = arith.constant 592 : index
    %swap3A_626 = tpu.vector_load %arg36[%swap3A_625] {strides = array<i32>} : memref<2048xi32, #tpu.memory_space<vmem>>, vector<16xi32>,
    %swap3A_627 = vector.shape_cast %swap3A_626 : vector<16xi32> to vector<16xi32>
    %swap3A_628 = vector.shape_cast %broadcast_in_dim3A_624 : vector<16xi32> to vector<16xi32>
    tpu.vector_store %arg36[%swap3A_625], %swap3A_628 {strides = array<i32>} : memref<2048xi32, #tpu.memory_space<vmem>>, vector<16xi32>,
    %broadcast_in_dim3A_629 = arith.constant 0 : i32
    %broadcast_in_dim3A_630 = vector.broadcast %broadcast_in_dim3A_629 : i32 to vector<16xi32>
    %swap3A_631 = arith.constant 608 : index
    %swap3A_632 = tpu.vector_load %arg36[%swap3A_631] {strides = array<i32>} : memref<2048xi32, #tpu.memory_space<vmem>>, vector<16xi32>,
    %swap3A_633 = vector.shape_cast %swap3A_632 : vector<16xi32> to vector<16xi32>
    %swap3A_634 = vector.shape_cast %broadcast_in_dim3A_630 : vector<16xi32> to vector<16xi32>
    tpu.vector_store %arg36[%swap3A_631], %swap3A_634 {strides = array<i32>} : memref<2048xi32, #tpu.memory_space<vmem>>, vector<16xi32>,
    %broadcast_in_dim3A_635 = arith.constant 0 : i32
    %broadcast_in_dim3A_636 = vector.broadcast %broadcast_in_dim3A_635 : i32 to vector<16xi32>
    %swap3A_637 = arith.constant 624 : index
    %swap3A_638 = tpu.vector_load %arg36[%swap3A_637] {strides = array<i32>} : memref<2048xi32, #tpu.memory_space<vmem>>, vector<16xi32>,
    %swap3A_639 = vector.shape_cast %swap3A_638 : vector<16xi32> to vector<16xi32>
    %swap3A_640 = vector.shape_cast %broadcast_in_dim3A_636 : vector<16xi32> to vector<16xi32>
    tpu.vector_store %arg36[%swap3A_637], %swap3A_640 {strides = array<i32>} : memref<2048xi32, #tpu.memory_space<vmem>>, vector<16xi32>,
    %broadcast_in_dim3A_641 = arith.constant 0 : i32
    %broadcast_in_dim3A_642 = vector.broadcast %broadcast_in_dim3A_641 : i32 to vector<16xi32>
    %swap3A_643 = arith.constant 640 : index
    %swap3A_644 = tpu.vector_load %arg36[%swap3A_643] {strides = array<i32>} : memref<2048xi32, #tpu.memory_space<vmem>>, vector<16xi32>,
    %swap3A_645 = vector.shape_cast %swap3A_644 : vector<16xi32> to vector<16xi32>
    %swap3A_646 = vector.shape_cast %broadcast_in_dim3A_642 : vector<16xi32> to vector<16xi32>
    tpu.vector_store %arg36[%swap3A_643], %swap3A_646 {strides = array<i32>} : memref<2048xi32, #tpu.memory_space<vmem>>, vector<16xi32>,
    %broadcast_in_dim3A_647 = arith.constant 0 : i32
    %broadcast_in_dim3A_648 = vector.broadcast %broadcast_in_dim3A_647 : i32 to vector<16xi32>
    %swap3A_649 = arith.constant 656 : index
    %swap3A_650 = tpu.vector_load %arg36[%swap3A_649] {strides = array<i32>} : memref<2048xi32, #tpu.memory_space<vmem>>, vector<16xi32>,
    %swap3A_651 = vector.shape_cast %swap3A_650 : vector<16xi32> to vector<16xi32>
    %swap3A_652 = vector.shape_cast %broadcast_in_dim3A_648 : vector<16xi32> to vector<16xi32>
    tpu.vector_store %arg36[%swap3A_649], %swap3A_652 {strides = array<i32>} : memref<2048xi32, #tpu.memory_space<vmem>>, vector<16xi32>,
    %broadcast_in_dim3A_653 = arith.constant 0 : i32
    %broadcast_in_dim3A_654 = vector.broadcast %broadcast_in_dim3A_653 : i32 to vector<16xi32>
    %swap3A_655 = arith.constant 672 : index
    %swap3A_656 = tpu.vector_load %arg36[%swap3A_655] {strides = array<i32>} : memref<2048xi32, #tpu.memory_space<vmem>>, vector<16xi32>,
    %swap3A_657 = vector.shape_cast %swap3A_656 : vector<16xi32> to vector<16xi32>
    %swap3A_658 = vector.shape_cast %broadcast_in_dim3A_654 : vector<16xi32> to vector<16xi32>
    tpu.vector_store %arg36[%swap3A_655], %swap3A_658 {strides = array<i32>} : memref<2048xi32, #tpu.memory_space<vmem>>, vector<16xi32>,
    %broadcast_in_dim3A_659 = arith.constant 0 : i32
    %broadcast_in_dim3A_660 = vector.broadcast %broadcast_in_dim3A_659 : i32 to vector<16xi32>
    %swap3A_661 = arith.constant 688 : index
    %swap3A_662 = tpu.vector_load %arg36[%swap3A_661] {strides = array<i32>} : memref<2048xi32, #tpu.memory_space<vmem>>, vector<16xi32>,
    %swap3A_663 = vector.shape_cast %swap3A_662 : vector<16xi32> to vector<16xi32>
    %swap3A_664 = vector.shape_cast %broadcast_in_dim3A_660 : vector<16xi32> to vector<16xi32>
    tpu.vector_store %arg36[%swap3A_661], %swap3A_664 {strides = array<i32>} : memref<2048xi32, #tpu.memory_space<vmem>>, vector<16xi32>,
    %broadcast_in_dim3A_665 = arith.constant 0 : i32
    %broadcast_in_dim3A_666 = vector.broadcast %broadcast_in_dim3A_665 : i32 to vector<16xi32>
    %swap3A_667 = arith.constant 704 : index
    %swap3A_668 = tpu.vector_load %arg36[%swap3A_667] {strides = array<i32>} : memref<2048xi32, #tpu.memory_space<vmem>>, vector<16xi32>,
    %swap3A_669 = vector.shape_cast %swap3A_668 : vector<16xi32> to vector<16xi32>
    %swap3A_670 = vector.shape_cast %broadcast_in_dim3A_666 : vector<16xi32> to vector<16xi32>
    tpu.vector_store %arg36[%swap3A_667], %swap3A_670 {strides = array<i32>} : memref<2048xi32, #tpu.memory_space<vmem>>, vector<16xi32>,
    %broadcast_in_dim3A_671 = arith.constant 0 : i32
    %broadcast_in_dim3A_672 = vector.broadcast %broadcast_in_dim3A_671 : i32 to vector<16xi32>
    %swap3A_673 = arith.constant 720 : index
    %swap3A_674 = tpu.vector_load %arg36[%swap3A_673] {strides = array<i32>} : memref<2048xi32, #tpu.memory_space<vmem>>, vector<16xi32>,
    %swap3A_675 = vector.shape_cast %swap3A_674 : vector<16xi32> to vector<16xi32>
    %swap3A_676 = vector.shape_cast %broadcast_in_dim3A_672 : vector<16xi32> to vector<16xi32>
    tpu.vector_store %arg36[%swap3A_673], %swap3A_676 {strides = array<i32>} : memref<2048xi32, #tpu.memory_space<vmem>>, vector<16xi32>,
    %broadcast_in_dim3A_677 = arith.constant 0 : i32
    %broadcast_in_dim3A_678 = vector.broadcast %broadcast_in_dim3A_677 : i32 to vector<16xi32>
    %swap3A_679 = arith.constant 736 : index
    %swap3A_680 = tpu.vector_load %arg36[%swap3A_679] {strides = array<i32>} : memref<2048xi32, #tpu.memory_space<vmem>>, vector<16xi32>,
    %swap3A_681 = vector.shape_cast %swap3A_680 : vector<16xi32> to vector<16xi32>
    %swap3A_682 = vector.shape_cast %broadcast_in_dim3A_678 : vector<16xi32> to vector<16xi32>
    tpu.vector_store %arg36[%swap3A_679], %swap3A_682 {strides = array<i32>} : memref<2048xi32, #tpu.memory_space<vmem>>, vector<16xi32>,
    %broadcast_in_dim3A_683 = arith.constant 0 : i32
    %broadcast_in_dim3A_684 = vector.broadcast %broadcast_in_dim3A_683 : i32 to vector<16xi32>
    %swap3A_685 = arith.constant 752 : index
    %swap3A_686 = tpu.vector_load %arg36[%swap3A_685] {strides = array<i32>} : memref<2048xi32, #tpu.memory_space<vmem>>, vector<16xi32>,
    %swap3A_687 = vector.shape_cast %swap3A_686 : vector<16xi32> to vector<16xi32>
    %swap3A_688 = vector.shape_cast %broadcast_in_dim3A_684 : vector<16xi32> to vector<16xi32>
    tpu.vector_store %arg36[%swap3A_685], %swap3A_688 {strides = array<i32>} : memref<2048xi32, #tpu.memory_space<vmem>>, vector<16xi32>,
    %broadcast_in_dim3A_689 = arith.constant 0 : i32
    %broadcast_in_dim3A_690 = vector.broadcast %broadcast_in_dim3A_689 : i32 to vector<16xi32>
    %swap3A_691 = arith.constant 768 : index
    %swap3A_692 = tpu.vector_load %arg36[%swap3A_691] {strides = array<i32>} : memref<2048xi32, #tpu.memory_space<vmem>>, vector<16xi32>,
    %swap3A_693 = vector.shape_cast %swap3A_692 : vector<16xi32> to vector<16xi32>
    %swap3A_694 = vector.shape_cast %broadcast_in_dim3A_690 : vector<16xi32> to vector<16xi32>
    tpu.vector_store %arg36[%swap3A_691], %swap3A_694 {strides = array<i32>} : memref<2048xi32, #tpu.memory_space<vmem>>, vector<16xi32>,
    %broadcast_in_dim3A_695 = arith.constant 0 : i32
    %broadcast_in_dim3A_696 = vector.broadcast %broadcast_in_dim3A_695 : i32 to vector<16xi32>
    %swap3A_697 = arith.constant 784 : index
    %swap3A_698 = tpu.vector_load %arg36[%swap3A_697] {strides = array<i32>} : memref<2048xi32, #tpu.memory_space<vmem>>, vector<16xi32>,
    %swap3A_699 = vector.shape_cast %swap3A_698 : vector<16xi32> to vector<16xi32>
    %swap3A_700 = vector.shape_cast %broadcast_in_dim3A_696 : vector<16xi32> to vector<16xi32>
    tpu.vector_store %arg36[%swap3A_697], %swap3A_700 {strides = array<i32>} : memref<2048xi32, #tpu.memory_space<vmem>>, vector<16xi32>,
    %broadcast_in_dim3A_701 = arith.constant 0 : i32
    %broadcast_in_dim3A_702 = vector.broadcast %broadcast_in_dim3A_701 : i32 to vector<16xi32>
    %swap3A_703 = arith.constant 800 : index
    %swap3A_704 = tpu.vector_load %arg36[%swap3A_703] {strides = array<i32>} : memref<2048xi32, #tpu.memory_space<vmem>>, vector<16xi32>,
    %swap3A_705 = vector.shape_cast %swap3A_704 : vector<16xi32> to vector<16xi32>
    %swap3A_706 = vector.shape_cast %broadcast_in_dim3A_702 : vector<16xi32> to vector<16xi32>
    tpu.vector_store %arg36[%swap3A_703], %swap3A_706 {strides = array<i32>} : memref<2048xi32, #tpu.memory_space<vmem>>, vector<16xi32>,
    %broadcast_in_dim3A_707 = arith.constant 0 : i32
    %broadcast_in_dim3A_708 = vector.broadcast %broadcast_in_dim3A_707 : i32 to vector<16xi32>
    %swap3A_709 = arith.constant 816 : index
    %swap3A_710 = tpu.vector_load %arg36[%swap3A_709] {strides = array<i32>} : memref<2048xi32, #tpu.memory_space<vmem>>, vector<16xi32>,
    %swap3A_711 = vector.shape_cast %swap3A_710 : vector<16xi32> to vector<16xi32>
    %swap3A_712 = vector.shape_cast %broadcast_in_dim3A_708 : vector<16xi32> to vector<16xi32>
    tpu.vector_store %arg36[%swap3A_709], %swap3A_712 {strides = array<i32>} : memref<2048xi32, #tpu.memory_space<vmem>>, vector<16xi32>,
    %broadcast_in_dim3A_713 = arith.constant 0 : i32
    %broadcast_in_dim3A_714 = vector.broadcast %broadcast_in_dim3A_713 : i32 to vector<16xi32>
    %swap3A_715 = arith.constant 832 : index
    %swap3A_716 = tpu.vector_load %arg36[%swap3A_715] {strides = array<i32>} : memref<2048xi32, #tpu.memory_space<vmem>>, vector<16xi32>,
    %swap3A_717 = vector.shape_cast %swap3A_716 : vector<16xi32> to vector<16xi32>
    %swap3A_718 = vector.shape_cast %broadcast_in_dim3A_714 : vector<16xi32> to vector<16xi32>
    tpu.vector_store %arg36[%swap3A_715], %swap3A_718 {strides = array<i32>} : memref<2048xi32, #tpu.memory_space<vmem>>, vector<16xi32>,
    %broadcast_in_dim3A_719 = arith.constant 0 : i32
    %broadcast_in_dim3A_720 = vector.broadcast %broadcast_in_dim3A_719 : i32 to vector<16xi32>
    %swap3A_721 = arith.constant 848 : index
    %swap3A_722 = tpu.vector_load %arg36[%swap3A_721] {strides = array<i32>} : memref<2048xi32, #tpu.memory_space<vmem>>, vector<16xi32>,
    %swap3A_723 = vector.shape_cast %swap3A_722 : vector<16xi32> to vector<16xi32>
    %swap3A_724 = vector.shape_cast %broadcast_in_dim3A_720 : vector<16xi32> to vector<16xi32>
    tpu.vector_store %arg36[%swap3A_721], %swap3A_724 {strides = array<i32>} : memref<2048xi32, #tpu.memory_space<vmem>>, vector<16xi32>,
    %broadcast_in_dim3A_725 = arith.constant 0 : i32
    %broadcast_in_dim3A_726 = vector.broadcast %broadcast_in_dim3A_725 : i32 to vector<16xi32>
    %swap3A_727 = arith.constant 864 : index
    %swap3A_728 = tpu.vector_load %arg36[%swap3A_727] {strides = array<i32>} : memref<2048xi32, #tpu.memory_space<vmem>>, vector<16xi32>,
    %swap3A_729 = vector.shape_cast %swap3A_728 : vector<16xi32> to vector<16xi32>
    %swap3A_730 = vector.shape_cast %broadcast_in_dim3A_726 : vector<16xi32> to vector<16xi32>
    tpu.vector_store %arg36[%swap3A_727], %swap3A_730 {strides = array<i32>} : memref<2048xi32, #tpu.memory_space<vmem>>, vector<16xi32>,
    %broadcast_in_dim3A_731 = arith.constant 0 : i32
    %broadcast_in_dim3A_732 = vector.broadcast %broadcast_in_dim3A_731 : i32 to vector<16xi32>
    %swap3A_733 = arith.constant 880 : index
    %swap3A_734 = tpu.vector_load %arg36[%swap3A_733] {strides = array<i32>} : memref<2048xi32, #tpu.memory_space<vmem>>, vector<16xi32>,
    %swap3A_735 = vector.shape_cast %swap3A_734 : vector<16xi32> to vector<16xi32>
    %swap3A_736 = vector.shape_cast %broadcast_in_dim3A_732 : vector<16xi32> to vector<16xi32>
    tpu.vector_store %arg36[%swap3A_733], %swap3A_736 {strides = array<i32>} : memref<2048xi32, #tpu.memory_space<vmem>>, vector<16xi32>,
    %broadcast_in_dim3A_737 = arith.constant 0 : i32
    %broadcast_in_dim3A_738 = vector.broadcast %broadcast_in_dim3A_737 : i32 to vector<16xi32>
    %swap3A_739 = arith.constant 896 : index
    %swap3A_740 = tpu.vector_load %arg36[%swap3A_739] {strides = array<i32>} : memref<2048xi32, #tpu.memory_space<vmem>>, vector<16xi32>,
    %swap3A_741 = vector.shape_cast %swap3A_740 : vector<16xi32> to vector<16xi32>
    %swap3A_742 = vector.shape_cast %broadcast_in_dim3A_738 : vector<16xi32> to vector<16xi32>
    tpu.vector_store %arg36[%swap3A_739], %swap3A_742 {strides = array<i32>} : memref<2048xi32, #tpu.memory_space<vmem>>, vector<16xi32>,
    %broadcast_in_dim3A_743 = arith.constant 0 : i32
    %broadcast_in_dim3A_744 = vector.broadcast %broadcast_in_dim3A_743 : i32 to vector<16xi32>
    %swap3A_745 = arith.constant 912 : index
    %swap3A_746 = tpu.vector_load %arg36[%swap3A_745] {strides = array<i32>} : memref<2048xi32, #tpu.memory_space<vmem>>, vector<16xi32>,
    %swap3A_747 = vector.shape_cast %swap3A_746 : vector<16xi32> to vector<16xi32>
    %swap3A_748 = vector.shape_cast %broadcast_in_dim3A_744 : vector<16xi32> to vector<16xi32>
    tpu.vector_store %arg36[%swap3A_745], %swap3A_748 {strides = array<i32>} : memref<2048xi32, #tpu.memory_space<vmem>>, vector<16xi32>,
    %broadcast_in_dim3A_749 = arith.constant 0 : i32
    %broadcast_in_dim3A_750 = vector.broadcast %broadcast_in_dim3A_749 : i32 to vector<16xi32>
    %swap3A_751 = arith.constant 928 : index
    %swap3A_752 = tpu.vector_load %arg36[%swap3A_751] {strides = array<i32>} : memref<2048xi32, #tpu.memory_space<vmem>>, vector<16xi32>,
    %swap3A_753 = vector.shape_cast %swap3A_752 : vector<16xi32> to vector<16xi32>
    %swap3A_754 = vector.shape_cast %broadcast_in_dim3A_750 : vector<16xi32> to vector<16xi32>
    tpu.vector_store %arg36[%swap3A_751], %swap3A_754 {strides = array<i32>} : memref<2048xi32, #tpu.memory_space<vmem>>, vector<16xi32>,
    %broadcast_in_dim3A_755 = arith.constant 0 : i32
    %broadcast_in_dim3A_756 = vector.broadcast %broadcast_in_dim3A_755 : i32 to vector<16xi32>
    %swap3A_757 = arith.constant 944 : index
    %swap3A_758 = tpu.vector_load %arg36[%swap3A_757] {strides = array<i32>} : memref<2048xi32, #tpu.memory_space<vmem>>, vector<16xi32>,
    %swap3A_759 = vector.shape_cast %swap3A_758 : vector<16xi32> to vector<16xi32>
    %swap3A_760 = vector.shape_cast %broadcast_in_dim3A_756 : vector<16xi32> to vector<16xi32>
    tpu.vector_store %arg36[%swap3A_757], %swap3A_760 {strides = array<i32>} : memref<2048xi32, #tpu.memory_space<vmem>>, vector<16xi32>,
    %broadcast_in_dim3A_761 = arith.constant 0 : i32
    %broadcast_in_dim3A_762 = vector.broadcast %broadcast_in_dim3A_761 : i32 to vector<16xi32>
    %swap3A_763 = arith.constant 960 : index
    %swap3A_764 = tpu.vector_load %arg36[%swap3A_763] {strides = array<i32>} : memref<2048xi32, #tpu.memory_space<vmem>>, vector<16xi32>,
    %swap3A_765 = vector.shape_cast %swap3A_764 : vector<16xi32> to vector<16xi32>
    %swap3A_766 = vector.shape_cast %broadcast_in_dim3A_762 : vector<16xi32> to vector<16xi32>
    tpu.vector_store %arg36[%swap3A_763], %swap3A_766 {strides = array<i32>} : memref<2048xi32, #tpu.memory_space<vmem>>, vector<16xi32>,
    %broadcast_in_dim3A_767 = arith.constant 0 : i32
    %broadcast_in_dim3A_768 = vector.broadcast %broadcast_in_dim3A_767 : i32 to vector<16xi32>
    %swap3A_769 = arith.constant 976 : index
    %swap3A_770 = tpu.vector_load %arg36[%swap3A_769] {strides = array<i32>} : memref<2048xi32, #tpu.memory_space<vmem>>, vector<16xi32>,
    %swap3A_771 = vector.shape_cast %swap3A_770 : vector<16xi32> to vector<16xi32>
    %swap3A_772 = vector.shape_cast %broadcast_in_dim3A_768 : vector<16xi32> to vector<16xi32>
    tpu.vector_store %arg36[%swap3A_769], %swap3A_772 {strides = array<i32>} : memref<2048xi32, #tpu.memory_space<vmem>>, vector<16xi32>,
    %broadcast_in_dim3A_773 = arith.constant 0 : i32
    %broadcast_in_dim3A_774 = vector.broadcast %broadcast_in_dim3A_773 : i32 to vector<16xi32>
    %swap3A_775 = arith.constant 992 : index
    %swap3A_776 = tpu.vector_load %arg36[%swap3A_775] {strides = array<i32>} : memref<2048xi32, #tpu.memory_space<vmem>>, vector<16xi32>,
    %swap3A_777 = vector.shape_cast %swap3A_776 : vector<16xi32> to vector<16xi32>
    %swap3A_778 = vector.shape_cast %broadcast_in_dim3A_774 : vector<16xi32> to vector<16xi32>
    tpu.vector_store %arg36[%swap3A_775], %swap3A_778 {strides = array<i32>} : memref<2048xi32, #tpu.memory_space<vmem>>, vector<16xi32>,
    %broadcast_in_dim3A_779 = arith.constant 0 : i32
    %broadcast_in_dim3A_780 = vector.broadcast %broadcast_in_dim3A_779 : i32 to vector<16xi32>
    %swap3A_781 = arith.constant 1008 : index
    %swap3A_782 = tpu.vector_load %arg36[%swap3A_781] {strides = array<i32>} : memref<2048xi32, #tpu.memory_space<vmem>>, vector<16xi32>,
    %swap3A_783 = vector.shape_cast %swap3A_782 : vector<16xi32> to vector<16xi32>
    %swap3A_784 = vector.shape_cast %broadcast_in_dim3A_780 : vector<16xi32> to vector<16xi32>
    tpu.vector_store %arg36[%swap3A_781], %swap3A_784 {strides = array<i32>} : memref<2048xi32, #tpu.memory_space<vmem>>, vector<16xi32>,
    %broadcast_in_dim3A_785 = arith.constant 0 : i32
    %broadcast_in_dim3A_786 = vector.broadcast %broadcast_in_dim3A_785 : i32 to vector<16xi32>
    %swap3A_787 = arith.constant 1024 : index
    %swap3A_788 = tpu.vector_load %arg36[%swap3A_787] {strides = array<i32>} : memref<2048xi32, #tpu.memory_space<vmem>>, vector<16xi32>,
    %swap3A_789 = vector.shape_cast %swap3A_788 : vector<16xi32> to vector<16xi32>
    %swap3A_790 = vector.shape_cast %broadcast_in_dim3A_786 : vector<16xi32> to vector<16xi32>
    tpu.vector_store %arg36[%swap3A_787], %swap3A_790 {strides = array<i32>} : memref<2048xi32, #tpu.memory_space<vmem>>, vector<16xi32>,
    %broadcast_in_dim3A_791 = arith.constant 0 : i32
    %broadcast_in_dim3A_792 = vector.broadcast %broadcast_in_dim3A_791 : i32 to vector<16xi32>
    %swap3A_793 = arith.constant 1040 : index
    %swap3A_794 = tpu.vector_load %arg36[%swap3A_793] {strides = array<i32>} : memref<2048xi32, #tpu.memory_space<vmem>>, vector<16xi32>,
    %swap3A_795 = vector.shape_cast %swap3A_794 : vector<16xi32> to vector<16xi32>
    %swap3A_796 = vector.shape_cast %broadcast_in_dim3A_792 : vector<16xi32> to vector<16xi32>
    tpu.vector_store %arg36[%swap3A_793], %swap3A_796 {strides = array<i32>} : memref<2048xi32, #tpu.memory_space<vmem>>, vector<16xi32>,
    %broadcast_in_dim3A_797 = arith.constant 0 : i32
    %broadcast_in_dim3A_798 = vector.broadcast %broadcast_in_dim3A_797 : i32 to vector<16xi32>
    %swap3A_799 = arith.constant 1056 : index
    %swap3A_800 = tpu.vector_load %arg36[%swap3A_799] {strides = array<i32>} : memref<2048xi32, #tpu.memory_space<vmem>>, vector<16xi32>,
    %swap3A_801 = vector.shape_cast %swap3A_800 : vector<16xi32> to vector<16xi32>
    %swap3A_802 = vector.shape_cast %broadcast_in_dim3A_798 : vector<16xi32> to vector<16xi32>
    tpu.vector_store %arg36[%swap3A_799], %swap3A_802 {strides = array<i32>} : memref<2048xi32, #tpu.memory_space<vmem>>, vector<16xi32>,
    %broadcast_in_dim3A_803 = arith.constant 0 : i32
    %broadcast_in_dim3A_804 = vector.broadcast %broadcast_in_dim3A_803 : i32 to vector<16xi32>
    %swap3A_805 = arith.constant 1072 : index
    %swap3A_806 = tpu.vector_load %arg36[%swap3A_805] {strides = array<i32>} : memref<2048xi32, #tpu.memory_space<vmem>>, vector<16xi32>,
    %swap3A_807 = vector.shape_cast %swap3A_806 : vector<16xi32> to vector<16xi32>
    %swap3A_808 = vector.shape_cast %broadcast_in_dim3A_804 : vector<16xi32> to vector<16xi32>
    tpu.vector_store %arg36[%swap3A_805], %swap3A_808 {strides = array<i32>} : memref<2048xi32, #tpu.memory_space<vmem>>, vector<16xi32>,
    %broadcast_in_dim3A_809 = arith.constant 0 : i32
    %broadcast_in_dim3A_810 = vector.broadcast %broadcast_in_dim3A_809 : i32 to vector<16xi32>
    %swap3A_811 = arith.constant 1088 : index
    %swap3A_812 = tpu.vector_load %arg36[%swap3A_811] {strides = array<i32>} : memref<2048xi32, #tpu.memory_space<vmem>>, vector<16xi32>,
    %swap3A_813 = vector.shape_cast %swap3A_812 : vector<16xi32> to vector<16xi32>
    %swap3A_814 = vector.shape_cast %broadcast_in_dim3A_810 : vector<16xi32> to vector<16xi32>
    tpu.vector_store %arg36[%swap3A_811], %swap3A_814 {strides = array<i32>} : memref<2048xi32, #tpu.memory_space<vmem>>, vector<16xi32>,
    %broadcast_in_dim3A_815 = arith.constant 0 : i32
    %broadcast_in_dim3A_816 = vector.broadcast %broadcast_in_dim3A_815 : i32 to vector<16xi32>
    %swap3A_817 = arith.constant 1104 : index
    %swap3A_818 = tpu.vector_load %arg36[%swap3A_817] {strides = array<i32>} : memref<2048xi32, #tpu.memory_space<vmem>>, vector<16xi32>,
    %swap3A_819 = vector.shape_cast %swap3A_818 : vector<16xi32> to vector<16xi32>
    %swap3A_820 = vector.shape_cast %broadcast_in_dim3A_816 : vector<16xi32> to vector<16xi32>
    tpu.vector_store %arg36[%swap3A_817], %swap3A_820 {strides = array<i32>} : memref<2048xi32, #tpu.memory_space<vmem>>, vector<16xi32>,
    %broadcast_in_dim3A_821 = arith.constant 0 : i32
    %broadcast_in_dim3A_822 = vector.broadcast %broadcast_in_dim3A_821 : i32 to vector<16xi32>
    %swap3A_823 = arith.constant 1120 : index
    %swap3A_824 = tpu.vector_load %arg36[%swap3A_823] {strides = array<i32>} : memref<2048xi32, #tpu.memory_space<vmem>>, vector<16xi32>,
    %swap3A_825 = vector.shape_cast %swap3A_824 : vector<16xi32> to vector<16xi32>
    %swap3A_826 = vector.shape_cast %broadcast_in_dim3A_822 : vector<16xi32> to vector<16xi32>
    tpu.vector_store %arg36[%swap3A_823], %swap3A_826 {strides = array<i32>} : memref<2048xi32, #tpu.memory_space<vmem>>, vector<16xi32>,
    %broadcast_in_dim3A_827 = arith.constant 0 : i32
    %broadcast_in_dim3A_828 = vector.broadcast %broadcast_in_dim3A_827 : i32 to vector<16xi32>
    %swap3A_829 = arith.constant 1136 : index
    %swap3A_830 = tpu.vector_load %arg36[%swap3A_829] {strides = array<i32>} : memref<2048xi32, #tpu.memory_space<vmem>>, vector<16xi32>,
    %swap3A_831 = vector.shape_cast %swap3A_830 : vector<16xi32> to vector<16xi32>
    %swap3A_832 = vector.shape_cast %broadcast_in_dim3A_828 : vector<16xi32> to vector<16xi32>
    tpu.vector_store %arg36[%swap3A_829], %swap3A_832 {strides = array<i32>} : memref<2048xi32, #tpu.memory_space<vmem>>, vector<16xi32>,
    %broadcast_in_dim3A_833 = arith.constant 0 : i32
    %broadcast_in_dim3A_834 = vector.broadcast %broadcast_in_dim3A_833 : i32 to vector<16xi32>
    %swap3A_835 = arith.constant 1152 : index
    %swap3A_836 = tpu.vector_load %arg36[%swap3A_835] {strides = array<i32>} : memref<2048xi32, #tpu.memory_space<vmem>>, vector<16xi32>,
    %swap3A_837 = vector.shape_cast %swap3A_836 : vector<16xi32> to vector<16xi32>
    %swap3A_838 = vector.shape_cast %broadcast_in_dim3A_834 : vector<16xi32> to vector<16xi32>
    tpu.vector_store %arg36[%swap3A_835], %swap3A_838 {strides = array<i32>} : memref<2048xi32, #tpu.memory_space<vmem>>, vector<16xi32>,
    %broadcast_in_dim3A_839 = arith.constant 0 : i32
    %broadcast_in_dim3A_840 = vector.broadcast %broadcast_in_dim3A_839 : i32 to vector<16xi32>
    %swap3A_841 = arith.constant 1168 : index
    %swap3A_842 = tpu.vector_load %arg36[%swap3A_841] {strides = array<i32>} : memref<2048xi32, #tpu.memory_space<vmem>>, vector<16xi32>,
    %swap3A_843 = vector.shape_cast %swap3A_842 : vector<16xi32> to vector<16xi32>
    %swap3A_844 = vector.shape_cast %broadcast_in_dim3A_840 : vector<16xi32> to vector<16xi32>
    tpu.vector_store %arg36[%swap3A_841], %swap3A_844 {strides = array<i32>} : memref<2048xi32, #tpu.memory_space<vmem>>, vector<16xi32>,
    %broadcast_in_dim3A_845 = arith.constant 0 : i32
    %broadcast_in_dim3A_846 = vector.broadcast %broadcast_in_dim3A_845 : i32 to vector<16xi32>
    %swap3A_847 = arith.constant 1184 : index
    %swap3A_848 = tpu.vector_load %arg36[%swap3A_847] {strides = array<i32>} : memref<2048xi32, #tpu.memory_space<vmem>>, vector<16xi32>,
    %swap3A_849 = vector.shape_cast %swap3A_848 : vector<16xi32> to vector<16xi32>
    %swap3A_850 = vector.shape_cast %broadcast_in_dim3A_846 : vector<16xi32> to vector<16xi32>
    tpu.vector_store %arg36[%swap3A_847], %swap3A_850 {strides = array<i32>} : memref<2048xi32, #tpu.memory_space<vmem>>, vector<16xi32>,
    %broadcast_in_dim3A_851 = arith.constant 0 : i32
    %broadcast_in_dim3A_852 = vector.broadcast %broadcast_in_dim3A_851 : i32 to vector<16xi32>
    %swap3A_853 = arith.constant 1200 : index
    %swap3A_854 = tpu.vector_load %arg36[%swap3A_853] {strides = array<i32>} : memref<2048xi32, #tpu.memory_space<vmem>>, vector<16xi32>,
    %swap3A_855 = vector.shape_cast %swap3A_854 : vector<16xi32> to vector<16xi32>
    %swap3A_856 = vector.shape_cast %broadcast_in_dim3A_852 : vector<16xi32> to vector<16xi32>
    tpu.vector_store %arg36[%swap3A_853], %swap3A_856 {strides = array<i32>} : memref<2048xi32, #tpu.memory_space<vmem>>, vector<16xi32>,
    %broadcast_in_dim3A_857 = arith.constant 0 : i32
    %broadcast_in_dim3A_858 = vector.broadcast %broadcast_in_dim3A_857 : i32 to vector<16xi32>
    %swap3A_859 = arith.constant 1216 : index
    %swap3A_860 = tpu.vector_load %arg36[%swap3A_859] {strides = array<i32>} : memref<2048xi32, #tpu.memory_space<vmem>>, vector<16xi32>,
    %swap3A_861 = vector.shape_cast %swap3A_860 : vector<16xi32> to vector<16xi32>
    %swap3A_862 = vector.shape_cast %broadcast_in_dim3A_858 : vector<16xi32> to vector<16xi32>
    tpu.vector_store %arg36[%swap3A_859], %swap3A_862 {strides = array<i32>} : memref<2048xi32, #tpu.memory_space<vmem>>, vector<16xi32>,
    %broadcast_in_dim3A_863 = arith.constant 0 : i32
    %broadcast_in_dim3A_864 = vector.broadcast %broadcast_in_dim3A_863 : i32 to vector<16xi32>
    %swap3A_865 = arith.constant 1232 : index
    %swap3A_866 = tpu.vector_load %arg36[%swap3A_865] {strides = array<i32>} : memref<2048xi32, #tpu.memory_space<vmem>>, vector<16xi32>,
    %swap3A_867 = vector.shape_cast %swap3A_866 : vector<16xi32> to vector<16xi32>
    %swap3A_868 = vector.shape_cast %broadcast_in_dim3A_864 : vector<16xi32> to vector<16xi32>
    tpu.vector_store %arg36[%swap3A_865], %swap3A_868 {strides = array<i32>} : memref<2048xi32, #tpu.memory_space<vmem>>, vector<16xi32>,
    %broadcast_in_dim3A_869 = arith.constant 0 : i32
    %broadcast_in_dim3A_870 = vector.broadcast %broadcast_in_dim3A_869 : i32 to vector<16xi32>
    %swap3A_871 = arith.constant 1248 : index
    %swap3A_872 = tpu.vector_load %arg36[%swap3A_871] {strides = array<i32>} : memref<2048xi32, #tpu.memory_space<vmem>>, vector<16xi32>,
    %swap3A_873 = vector.shape_cast %swap3A_872 : vector<16xi32> to vector<16xi32>
    %swap3A_874 = vector.shape_cast %broadcast_in_dim3A_870 : vector<16xi32> to vector<16xi32>
    tpu.vector_store %arg36[%swap3A_871], %swap3A_874 {strides = array<i32>} : memref<2048xi32, #tpu.memory_space<vmem>>, vector<16xi32>,
    %broadcast_in_dim3A_875 = arith.constant 0 : i32
    %broadcast_in_dim3A_876 = vector.broadcast %broadcast_in_dim3A_875 : i32 to vector<16xi32>
    %swap3A_877 = arith.constant 1264 : index
    %swap3A_878 = tpu.vector_load %arg36[%swap3A_877] {strides = array<i32>} : memref<2048xi32, #tpu.memory_space<vmem>>, vector<16xi32>,
    %swap3A_879 = vector.shape_cast %swap3A_878 : vector<16xi32> to vector<16xi32>
    %swap3A_880 = vector.shape_cast %broadcast_in_dim3A_876 : vector<16xi32> to vector<16xi32>
    tpu.vector_store %arg36[%swap3A_877], %swap3A_880 {strides = array<i32>} : memref<2048xi32, #tpu.memory_space<vmem>>, vector<16xi32>,
    %broadcast_in_dim3A_881 = arith.constant 0 : i32
    %broadcast_in_dim3A_882 = vector.broadcast %broadcast_in_dim3A_881 : i32 to vector<16xi32>
    %swap3A_883 = arith.constant 1280 : index
    %swap3A_884 = tpu.vector_load %arg36[%swap3A_883] {strides = array<i32>} : memref<2048xi32, #tpu.memory_space<vmem>>, vector<16xi32>,
    %swap3A_885 = vector.shape_cast %swap3A_884 : vector<16xi32> to vector<16xi32>
    %swap3A_886 = vector.shape_cast %broadcast_in_dim3A_882 : vector<16xi32> to vector<16xi32>
    tpu.vector_store %arg36[%swap3A_883], %swap3A_886 {strides = array<i32>} : memref<2048xi32, #tpu.memory_space<vmem>>, vector<16xi32>,
    %broadcast_in_dim3A_887 = arith.constant 0 : i32
    %broadcast_in_dim3A_888 = vector.broadcast %broadcast_in_dim3A_887 : i32 to vector<16xi32>
    %swap3A_889 = arith.constant 1296 : index
    %swap3A_890 = tpu.vector_load %arg36[%swap3A_889] {strides = array<i32>} : memref<2048xi32, #tpu.memory_space<vmem>>, vector<16xi32>,
    %swap3A_891 = vector.shape_cast %swap3A_890 : vector<16xi32> to vector<16xi32>
    %swap3A_892 = vector.shape_cast %broadcast_in_dim3A_888 : vector<16xi32> to vector<16xi32>
    tpu.vector_store %arg36[%swap3A_889], %swap3A_892 {strides = array<i32>} : memref<2048xi32, #tpu.memory_space<vmem>>, vector<16xi32>,
    %broadcast_in_dim3A_893 = arith.constant 0 : i32
    %broadcast_in_dim3A_894 = vector.broadcast %broadcast_in_dim3A_893 : i32 to vector<16xi32>
    %swap3A_895 = arith.constant 1312 : index
    %swap3A_896 = tpu.vector_load %arg36[%swap3A_895] {strides = array<i32>} : memref<2048xi32, #tpu.memory_space<vmem>>, vector<16xi32>,
    %swap3A_897 = vector.shape_cast %swap3A_896 : vector<16xi32> to vector<16xi32>
    %swap3A_898 = vector.shape_cast %broadcast_in_dim3A_894 : vector<16xi32> to vector<16xi32>
    tpu.vector_store %arg36[%swap3A_895], %swap3A_898 {strides = array<i32>} : memref<2048xi32, #tpu.memory_space<vmem>>, vector<16xi32>,
    %broadcast_in_dim3A_899 = arith.constant 0 : i32
    %broadcast_in_dim3A_900 = vector.broadcast %broadcast_in_dim3A_899 : i32 to vector<16xi32>
    %swap3A_901 = arith.constant 1328 : index
    %swap3A_902 = tpu.vector_load %arg36[%swap3A_901] {strides = array<i32>} : memref<2048xi32, #tpu.memory_space<vmem>>, vector<16xi32>,
    %swap3A_903 = vector.shape_cast %swap3A_902 : vector<16xi32> to vector<16xi32>
    %swap3A_904 = vector.shape_cast %broadcast_in_dim3A_900 : vector<16xi32> to vector<16xi32>
    tpu.vector_store %arg36[%swap3A_901], %swap3A_904 {strides = array<i32>} : memref<2048xi32, #tpu.memory_space<vmem>>, vector<16xi32>,
    %broadcast_in_dim3A_905 = arith.constant 0 : i32
    %broadcast_in_dim3A_906 = vector.broadcast %broadcast_in_dim3A_905 : i32 to vector<16xi32>
    %swap3A_907 = arith.constant 1344 : index
    %swap3A_908 = tpu.vector_load %arg36[%swap3A_907] {strides = array<i32>} : memref<2048xi32, #tpu.memory_space<vmem>>, vector<16xi32>,
    %swap3A_909 = vector.shape_cast %swap3A_908 : vector<16xi32> to vector<16xi32>
    %swap3A_910 = vector.shape_cast %broadcast_in_dim3A_906 : vector<16xi32> to vector<16xi32>
    tpu.vector_store %arg36[%swap3A_907], %swap3A_910 {strides = array<i32>} : memref<2048xi32, #tpu.memory_space<vmem>>, vector<16xi32>,
    %broadcast_in_dim3A_911 = arith.constant 0 : i32
    %broadcast_in_dim3A_912 = vector.broadcast %broadcast_in_dim3A_911 : i32 to vector<16xi32>
    %swap3A_913 = arith.constant 1360 : index
    %swap3A_914 = tpu.vector_load %arg36[%swap3A_913] {strides = array<i32>} : memref<2048xi32, #tpu.memory_space<vmem>>, vector<16xi32>,
    %swap3A_915 = vector.shape_cast %swap3A_914 : vector<16xi32> to vector<16xi32>
    %swap3A_916 = vector.shape_cast %broadcast_in_dim3A_912 : vector<16xi32> to vector<16xi32>
    tpu.vector_store %arg36[%swap3A_913], %swap3A_916 {strides = array<i32>} : memref<2048xi32, #tpu.memory_space<vmem>>, vector<16xi32>,
    %broadcast_in_dim3A_917 = arith.constant 0 : i32
    %broadcast_in_dim3A_918 = vector.broadcast %broadcast_in_dim3A_917 : i32 to vector<16xi32>
    %swap3A_919 = arith.constant 1376 : index
    %swap3A_920 = tpu.vector_load %arg36[%swap3A_919] {strides = array<i32>} : memref<2048xi32, #tpu.memory_space<vmem>>, vector<16xi32>,
    %swap3A_921 = vector.shape_cast %swap3A_920 : vector<16xi32> to vector<16xi32>
    %swap3A_922 = vector.shape_cast %broadcast_in_dim3A_918 : vector<16xi32> to vector<16xi32>
    tpu.vector_store %arg36[%swap3A_919], %swap3A_922 {strides = array<i32>} : memref<2048xi32, #tpu.memory_space<vmem>>, vector<16xi32>,
    %broadcast_in_dim3A_923 = arith.constant 0 : i32
    %broadcast_in_dim3A_924 = vector.broadcast %broadcast_in_dim3A_923 : i32 to vector<16xi32>
    %swap3A_925 = arith.constant 1392 : index
    %swap3A_926 = tpu.vector_load %arg36[%swap3A_925] {strides = array<i32>} : memref<2048xi32, #tpu.memory_space<vmem>>, vector<16xi32>,
    %swap3A_927 = vector.shape_cast %swap3A_926 : vector<16xi32> to vector<16xi32>
    %swap3A_928 = vector.shape_cast %broadcast_in_dim3A_924 : vector<16xi32> to vector<16xi32>
    tpu.vector_store %arg36[%swap3A_925], %swap3A_928 {strides = array<i32>} : memref<2048xi32, #tpu.memory_space<vmem>>, vector<16xi32>,
    %broadcast_in_dim3A_929 = arith.constant 0 : i32
    %broadcast_in_dim3A_930 = vector.broadcast %broadcast_in_dim3A_929 : i32 to vector<16xi32>
    %swap3A_931 = arith.constant 1408 : index
    %swap3A_932 = tpu.vector_load %arg36[%swap3A_931] {strides = array<i32>} : memref<2048xi32, #tpu.memory_space<vmem>>, vector<16xi32>,
    %swap3A_933 = vector.shape_cast %swap3A_932 : vector<16xi32> to vector<16xi32>
    %swap3A_934 = vector.shape_cast %broadcast_in_dim3A_930 : vector<16xi32> to vector<16xi32>
    tpu.vector_store %arg36[%swap3A_931], %swap3A_934 {strides = array<i32>} : memref<2048xi32, #tpu.memory_space<vmem>>, vector<16xi32>,
    %broadcast_in_dim3A_935 = arith.constant 0 : i32
    %broadcast_in_dim3A_936 = vector.broadcast %broadcast_in_dim3A_935 : i32 to vector<16xi32>
    %swap3A_937 = arith.constant 1424 : index
    %swap3A_938 = tpu.vector_load %arg36[%swap3A_937] {strides = array<i32>} : memref<2048xi32, #tpu.memory_space<vmem>>, vector<16xi32>,
    %swap3A_939 = vector.shape_cast %swap3A_938 : vector<16xi32> to vector<16xi32>
    %swap3A_940 = vector.shape_cast %broadcast_in_dim3A_936 : vector<16xi32> to vector<16xi32>
    tpu.vector_store %arg36[%swap3A_937], %swap3A_940 {strides = array<i32>} : memref<2048xi32, #tpu.memory_space<vmem>>, vector<16xi32>,
    %broadcast_in_dim3A_941 = arith.constant 0 : i32
    %broadcast_in_dim3A_942 = vector.broadcast %broadcast_in_dim3A_941 : i32 to vector<16xi32>
    %swap3A_943 = arith.constant 1440 : index
    %swap3A_944 = tpu.vector_load %arg36[%swap3A_943] {strides = array<i32>} : memref<2048xi32, #tpu.memory_space<vmem>>, vector<16xi32>,
    %swap3A_945 = vector.shape_cast %swap3A_944 : vector<16xi32> to vector<16xi32>
    %swap3A_946 = vector.shape_cast %broadcast_in_dim3A_942 : vector<16xi32> to vector<16xi32>
    tpu.vector_store %arg36[%swap3A_943], %swap3A_946 {strides = array<i32>} : memref<2048xi32, #tpu.memory_space<vmem>>, vector<16xi32>,
    %broadcast_in_dim3A_947 = arith.constant 0 : i32
    %broadcast_in_dim3A_948 = vector.broadcast %broadcast_in_dim3A_947 : i32 to vector<16xi32>
    %swap3A_949 = arith.constant 1456 : index
    %swap3A_950 = tpu.vector_load %arg36[%swap3A_949] {strides = array<i32>} : memref<2048xi32, #tpu.memory_space<vmem>>, vector<16xi32>,
    %swap3A_951 = vector.shape_cast %swap3A_950 : vector<16xi32> to vector<16xi32>
    %swap3A_952 = vector.shape_cast %broadcast_in_dim3A_948 : vector<16xi32> to vector<16xi32>
    tpu.vector_store %arg36[%swap3A_949], %swap3A_952 {strides = array<i32>} : memref<2048xi32, #tpu.memory_space<vmem>>, vector<16xi32>,
    %broadcast_in_dim3A_953 = arith.constant 0 : i32
    %broadcast_in_dim3A_954 = vector.broadcast %broadcast_in_dim3A_953 : i32 to vector<16xi32>
    %swap3A_955 = arith.constant 1472 : index
    %swap3A_956 = tpu.vector_load %arg36[%swap3A_955] {strides = array<i32>} : memref<2048xi32, #tpu.memory_space<vmem>>, vector<16xi32>,
    %swap3A_957 = vector.shape_cast %swap3A_956 : vector<16xi32> to vector<16xi32>
    %swap3A_958 = vector.shape_cast %broadcast_in_dim3A_954 : vector<16xi32> to vector<16xi32>
    tpu.vector_store %arg36[%swap3A_955], %swap3A_958 {strides = array<i32>} : memref<2048xi32, #tpu.memory_space<vmem>>, vector<16xi32>,
    %broadcast_in_dim3A_959 = arith.constant 0 : i32
    %broadcast_in_dim3A_960 = vector.broadcast %broadcast_in_dim3A_959 : i32 to vector<16xi32>
    %swap3A_961 = arith.constant 1488 : index
    %swap3A_962 = tpu.vector_load %arg36[%swap3A_961] {strides = array<i32>} : memref<2048xi32, #tpu.memory_space<vmem>>, vector<16xi32>,
    %swap3A_963 = vector.shape_cast %swap3A_962 : vector<16xi32> to vector<16xi32>
    %swap3A_964 = vector.shape_cast %broadcast_in_dim3A_960 : vector<16xi32> to vector<16xi32>
    tpu.vector_store %arg36[%swap3A_961], %swap3A_964 {strides = array<i32>} : memref<2048xi32, #tpu.memory_space<vmem>>, vector<16xi32>,
    %broadcast_in_dim3A_965 = arith.constant 0 : i32
    %broadcast_in_dim3A_966 = vector.broadcast %broadcast_in_dim3A_965 : i32 to vector<16xi32>
    %swap3A_967 = arith.constant 1504 : index
    %swap3A_968 = tpu.vector_load %arg36[%swap3A_967] {strides = array<i32>} : memref<2048xi32, #tpu.memory_space<vmem>>, vector<16xi32>,
    %swap3A_969 = vector.shape_cast %swap3A_968 : vector<16xi32> to vector<16xi32>
    %swap3A_970 = vector.shape_cast %broadcast_in_dim3A_966 : vector<16xi32> to vector<16xi32>
    tpu.vector_store %arg36[%swap3A_967], %swap3A_970 {strides = array<i32>} : memref<2048xi32, #tpu.memory_space<vmem>>, vector<16xi32>,
    %broadcast_in_dim3A_971 = arith.constant 0 : i32
    %broadcast_in_dim3A_972 = vector.broadcast %broadcast_in_dim3A_971 : i32 to vector<16xi32>
    %swap3A_973 = arith.constant 1520 : index
    %swap3A_974 = tpu.vector_load %arg36[%swap3A_973] {strides = array<i32>} : memref<2048xi32, #tpu.memory_space<vmem>>, vector<16xi32>,
    %swap3A_975 = vector.shape_cast %swap3A_974 : vector<16xi32> to vector<16xi32>
    %swap3A_976 = vector.shape_cast %broadcast_in_dim3A_972 : vector<16xi32> to vector<16xi32>
    tpu.vector_store %arg36[%swap3A_973], %swap3A_976 {strides = array<i32>} : memref<2048xi32, #tpu.memory_space<vmem>>, vector<16xi32>,
    %broadcast_in_dim3A_977 = arith.constant 0 : i32
    %broadcast_in_dim3A_978 = vector.broadcast %broadcast_in_dim3A_977 : i32 to vector<16xi32>
    %swap3A_979 = arith.constant 1536 : index
    %swap3A_980 = tpu.vector_load %arg36[%swap3A_979] {strides = array<i32>} : memref<2048xi32, #tpu.memory_space<vmem>>, vector<16xi32>,
    %swap3A_981 = vector.shape_cast %swap3A_980 : vector<16xi32> to vector<16xi32>
    %swap3A_982 = vector.shape_cast %broadcast_in_dim3A_978 : vector<16xi32> to vector<16xi32>
    tpu.vector_store %arg36[%swap3A_979], %swap3A_982 {strides = array<i32>} : memref<2048xi32, #tpu.memory_space<vmem>>, vector<16xi32>,
    %broadcast_in_dim3A_983 = arith.constant 0 : i32
    %broadcast_in_dim3A_984 = vector.broadcast %broadcast_in_dim3A_983 : i32 to vector<16xi32>
    %swap3A_985 = arith.constant 1552 : index
    %swap3A_986 = tpu.vector_load %arg36[%swap3A_985] {strides = array<i32>} : memref<2048xi32, #tpu.memory_space<vmem>>, vector<16xi32>,
    %swap3A_987 = vector.shape_cast %swap3A_986 : vector<16xi32> to vector<16xi32>
    %swap3A_988 = vector.shape_cast %broadcast_in_dim3A_984 : vector<16xi32> to vector<16xi32>
    tpu.vector_store %arg36[%swap3A_985], %swap3A_988 {strides = array<i32>} : memref<2048xi32, #tpu.memory_space<vmem>>, vector<16xi32>,
    %broadcast_in_dim3A_989 = arith.constant 0 : i32
    %broadcast_in_dim3A_990 = vector.broadcast %broadcast_in_dim3A_989 : i32 to vector<16xi32>
    %swap3A_991 = arith.constant 1568 : index
    %swap3A_992 = tpu.vector_load %arg36[%swap3A_991] {strides = array<i32>} : memref<2048xi32, #tpu.memory_space<vmem>>, vector<16xi32>,
    %swap3A_993 = vector.shape_cast %swap3A_992 : vector<16xi32> to vector<16xi32>
    %swap3A_994 = vector.shape_cast %broadcast_in_dim3A_990 : vector<16xi32> to vector<16xi32>
    tpu.vector_store %arg36[%swap3A_991], %swap3A_994 {strides = array<i32>} : memref<2048xi32, #tpu.memory_space<vmem>>, vector<16xi32>,
    %broadcast_in_dim3A_995 = arith.constant 0 : i32
    %broadcast_in_dim3A_996 = vector.broadcast %broadcast_in_dim3A_995 : i32 to vector<16xi32>
    %swap3A_997 = arith.constant 1584 : index
    %swap3A_998 = tpu.vector_load %arg36[%swap3A_997] {strides = array<i32>} : memref<2048xi32, #tpu.memory_space<vmem>>, vector<16xi32>,
    %swap3A_999 = vector.shape_cast %swap3A_998 : vector<16xi32> to vector<16xi32>
    %swap3A_1000 = vector.shape_cast %broadcast_in_dim3A_996 : vector<16xi32> to vector<16xi32>
    tpu.vector_store %arg36[%swap3A_997], %swap3A_1000 {strides = array<i32>} : memref<2048xi32, #tpu.memory_space<vmem>>, vector<16xi32>,
    %broadcast_in_dim3A_1001 = arith.constant 0 : i32
    %broadcast_in_dim3A_1002 = vector.broadcast %broadcast_in_dim3A_1001 : i32 to vector<16xi32>
    %swap3A_1003 = arith.constant 1600 : index
    %swap3A_1004 = tpu.vector_load %arg36[%swap3A_1003] {strides = array<i32>} : memref<2048xi32, #tpu.memory_space<vmem>>, vector<16xi32>,
    %swap3A_1005 = vector.shape_cast %swap3A_1004 : vector<16xi32> to vector<16xi32>
    %swap3A_1006 = vector.shape_cast %broadcast_in_dim3A_1002 : vector<16xi32> to vector<16xi32>
    tpu.vector_store %arg36[%swap3A_1003], %swap3A_1006 {strides = array<i32>} : memref<2048xi32, #tpu.memory_space<vmem>>, vector<16xi32>,
    %broadcast_in_dim3A_1007 = arith.constant 0 : i32
    %broadcast_in_dim3A_1008 = vector.broadcast %broadcast_in_dim3A_1007 : i32 to vector<16xi32>
    %swap3A_1009 = arith.constant 1616 : index
    %swap3A_1010 = tpu.vector_load %arg36[%swap3A_1009] {strides = array<i32>} : memref<2048xi32, #tpu.memory_space<vmem>>, vector<16xi32>,
    %swap3A_1011 = vector.shape_cast %swap3A_1010 : vector<16xi32> to vector<16xi32>
    %swap3A_1012 = vector.shape_cast %broadcast_in_dim3A_1008 : vector<16xi32> to vector<16xi32>
    tpu.vector_store %arg36[%swap3A_1009], %swap3A_1012 {strides = array<i32>} : memref<2048xi32, #tpu.memory_space<vmem>>, vector<16xi32>,
    %broadcast_in_dim3A_1013 = arith.constant 0 : i32
    %broadcast_in_dim3A_1014 = vector.broadcast %broadcast_in_dim3A_1013 : i32 to vector<16xi32>
    %swap3A_1015 = arith.constant 1632 : index
    %swap3A_1016 = tpu.vector_load %arg36[%swap3A_1015] {strides = array<i32>} : memref<2048xi32, #tpu.memory_space<vmem>>, vector<16xi32>,
    %swap3A_1017 = vector.shape_cast %swap3A_1016 : vector<16xi32> to vector<16xi32>
    %swap3A_1018 = vector.shape_cast %broadcast_in_dim3A_1014 : vector<16xi32> to vector<16xi32>
    tpu.vector_store %arg36[%swap3A_1015], %swap3A_1018 {strides = array<i32>} : memref<2048xi32, #tpu.memory_space<vmem>>, vector<16xi32>,
    %broadcast_in_dim3A_1019 = arith.constant 0 : i32
    %broadcast_in_dim3A_1020 = vector.broadcast %broadcast_in_dim3A_1019 : i32 to vector<16xi32>
    %swap3A_1021 = arith.constant 1648 : index
    %swap3A_1022 = tpu.vector_load %arg36[%swap3A_1021] {strides = array<i32>} : memref<2048xi32, #tpu.memory_space<vmem>>, vector<16xi32>,
    %swap3A_1023 = vector.shape_cast %swap3A_1022 : vector<16xi32> to vector<16xi32>
    %swap3A_1024 = vector.shape_cast %broadcast_in_dim3A_1020 : vector<16xi32> to vector<16xi32>
    tpu.vector_store %arg36[%swap3A_1021], %swap3A_1024 {strides = array<i32>} : memref<2048xi32, #tpu.memory_space<vmem>>, vector<16xi32>,
    %broadcast_in_dim3A_1025 = arith.constant 0 : i32
    %broadcast_in_dim3A_1026 = vector.broadcast %broadcast_in_dim3A_1025 : i32 to vector<16xi32>
    %swap3A_1027 = arith.constant 1664 : index
    %swap3A_1028 = tpu.vector_load %arg36[%swap3A_1027] {strides = array<i32>} : memref<2048xi32, #tpu.memory_space<vmem>>, vector<16xi32>,
    %swap3A_1029 = vector.shape_cast %swap3A_1028 : vector<16xi32> to vector<16xi32>
    %swap3A_1030 = vector.shape_cast %broadcast_in_dim3A_1026 : vector<16xi32> to vector<16xi32>
    tpu.vector_store %arg36[%swap3A_1027], %swap3A_1030 {strides = array<i32>} : memref<2048xi32, #tpu.memory_space<vmem>>, vector<16xi32>,
    %broadcast_in_dim3A_1031 = arith.constant 0 : i32
    %broadcast_in_dim3A_1032 = vector.broadcast %broadcast_in_dim3A_1031 : i32 to vector<16xi32>
    %swap3A_1033 = arith.constant 1680 : index
    %swap3A_1034 = tpu.vector_load %arg36[%swap3A_1033] {strides = array<i32>} : memref<2048xi32, #tpu.memory_space<vmem>>, vector<16xi32>,
    %swap3A_1035 = vector.shape_cast %swap3A_1034 : vector<16xi32> to vector<16xi32>
    %swap3A_1036 = vector.shape_cast %broadcast_in_dim3A_1032 : vector<16xi32> to vector<16xi32>
    tpu.vector_store %arg36[%swap3A_1033], %swap3A_1036 {strides = array<i32>} : memref<2048xi32, #tpu.memory_space<vmem>>, vector<16xi32>,
    %broadcast_in_dim3A_1037 = arith.constant 0 : i32
    %broadcast_in_dim3A_1038 = vector.broadcast %broadcast_in_dim3A_1037 : i32 to vector<16xi32>
    %swap3A_1039 = arith.constant 1696 : index
    %swap3A_1040 = tpu.vector_load %arg36[%swap3A_1039] {strides = array<i32>} : memref<2048xi32, #tpu.memory_space<vmem>>, vector<16xi32>,
    %swap3A_1041 = vector.shape_cast %swap3A_1040 : vector<16xi32> to vector<16xi32>
    %swap3A_1042 = vector.shape_cast %broadcast_in_dim3A_1038 : vector<16xi32> to vector<16xi32>
    tpu.vector_store %arg36[%swap3A_1039], %swap3A_1042 {strides = array<i32>} : memref<2048xi32, #tpu.memory_space<vmem>>, vector<16xi32>,
    %broadcast_in_dim3A_1043 = arith.constant 0 : i32
    %broadcast_in_dim3A_1044 = vector.broadcast %broadcast_in_dim3A_1043 : i32 to vector<16xi32>
    %swap3A_1045 = arith.constant 1712 : index
    %swap3A_1046 = tpu.vector_load %arg36[%swap3A_1045] {strides = array<i32>} : memref<2048xi32, #tpu.memory_space<vmem>>, vector<16xi32>,
    %swap3A_1047 = vector.shape_cast %swap3A_1046 : vector<16xi32> to vector<16xi32>
    %swap3A_1048 = vector.shape_cast %broadcast_in_dim3A_1044 : vector<16xi32> to vector<16xi32>
    tpu.vector_store %arg36[%swap3A_1045], %swap3A_1048 {strides = array<i32>} : memref<2048xi32, #tpu.memory_space<vmem>>, vector<16xi32>,
    %broadcast_in_dim3A_1049 = arith.constant 0 : i32
    %broadcast_in_dim3A_1050 = vector.broadcast %broadcast_in_dim3A_1049 : i32 to vector<16xi32>
    %swap3A_1051 = arith.constant 1728 : index
    %swap3A_1052 = tpu.vector_load %arg36[%swap3A_1051] {strides = array<i32>} : memref<2048xi32, #tpu.memory_space<vmem>>, vector<16xi32>,
    %swap3A_1053 = vector.shape_cast %swap3A_1052 : vector<16xi32> to vector<16xi32>
    %swap3A_1054 = vector.shape_cast %broadcast_in_dim3A_1050 : vector<16xi32> to vector<16xi32>
    tpu.vector_store %arg36[%swap3A_1051], %swap3A_1054 {strides = array<i32>} : memref<2048xi32, #tpu.memory_space<vmem>>, vector<16xi32>,
    %broadcast_in_dim3A_1055 = arith.constant 0 : i32
    %broadcast_in_dim3A_1056 = vector.broadcast %broadcast_in_dim3A_1055 : i32 to vector<16xi32>
    %swap3A_1057 = arith.constant 1744 : index
    %swap3A_1058 = tpu.vector_load %arg36[%swap3A_1057] {strides = array<i32>} : memref<2048xi32, #tpu.memory_space<vmem>>, vector<16xi32>,
    %swap3A_1059 = vector.shape_cast %swap3A_1058 : vector<16xi32> to vector<16xi32>
    %swap3A_1060 = vector.shape_cast %broadcast_in_dim3A_1056 : vector<16xi32> to vector<16xi32>
    tpu.vector_store %arg36[%swap3A_1057], %swap3A_1060 {strides = array<i32>} : memref<2048xi32, #tpu.memory_space<vmem>>, vector<16xi32>,
    %broadcast_in_dim3A_1061 = arith.constant 0 : i32
    %broadcast_in_dim3A_1062 = vector.broadcast %broadcast_in_dim3A_1061 : i32 to vector<16xi32>
    %swap3A_1063 = arith.constant 1760 : index
    %swap3A_1064 = tpu.vector_load %arg36[%swap3A_1063] {strides = array<i32>} : memref<2048xi32, #tpu.memory_space<vmem>>, vector<16xi32>,
    %swap3A_1065 = vector.shape_cast %swap3A_1064 : vector<16xi32> to vector<16xi32>
    %swap3A_1066 = vector.shape_cast %broadcast_in_dim3A_1062 : vector<16xi32> to vector<16xi32>
    tpu.vector_store %arg36[%swap3A_1063], %swap3A_1066 {strides = array<i32>} : memref<2048xi32, #tpu.memory_space<vmem>>, vector<16xi32>,
    %broadcast_in_dim3A_1067 = arith.constant 0 : i32
    %broadcast_in_dim3A_1068 = vector.broadcast %broadcast_in_dim3A_1067 : i32 to vector<16xi32>
    %swap3A_1069 = arith.constant 1776 : index
    %swap3A_1070 = tpu.vector_load %arg36[%swap3A_1069] {strides = array<i32>} : memref<2048xi32, #tpu.memory_space<vmem>>, vector<16xi32>,
    %swap3A_1071 = vector.shape_cast %swap3A_1070 : vector<16xi32> to vector<16xi32>
    %swap3A_1072 = vector.shape_cast %broadcast_in_dim3A_1068 : vector<16xi32> to vector<16xi32>
    tpu.vector_store %arg36[%swap3A_1069], %swap3A_1072 {strides = array<i32>} : memref<2048xi32, #tpu.memory_space<vmem>>, vector<16xi32>,
    %broadcast_in_dim3A_1073 = arith.constant 0 : i32
    %broadcast_in_dim3A_1074 = vector.broadcast %broadcast_in_dim3A_1073 : i32 to vector<16xi32>
    %swap3A_1075 = arith.constant 1792 : index
    %swap3A_1076 = tpu.vector_load %arg36[%swap3A_1075] {strides = array<i32>} : memref<2048xi32, #tpu.memory_space<vmem>>, vector<16xi32>,
    %swap3A_1077 = vector.shape_cast %swap3A_1076 : vector<16xi32> to vector<16xi32>
    %swap3A_1078 = vector.shape_cast %broadcast_in_dim3A_1074 : vector<16xi32> to vector<16xi32>
    tpu.vector_store %arg36[%swap3A_1075], %swap3A_1078 {strides = array<i32>} : memref<2048xi32, #tpu.memory_space<vmem>>, vector<16xi32>,
    %broadcast_in_dim3A_1079 = arith.constant 0 : i32
    %broadcast_in_dim3A_1080 = vector.broadcast %broadcast_in_dim3A_1079 : i32 to vector<16xi32>
    %swap3A_1081 = arith.constant 1808 : index
    %swap3A_1082 = tpu.vector_load %arg36[%swap3A_1081] {strides = array<i32>} : memref<2048xi32, #tpu.memory_space<vmem>>, vector<16xi32>,
    %swap3A_1083 = vector.shape_cast %swap3A_1082 : vector<16xi32> to vector<16xi32>
    %swap3A_1084 = vector.shape_cast %broadcast_in_dim3A_1080 : vector<16xi32> to vector<16xi32>
    tpu.vector_store %arg36[%swap3A_1081], %swap3A_1084 {strides = array<i32>} : memref<2048xi32, #tpu.memory_space<vmem>>, vector<16xi32>,
    %broadcast_in_dim3A_1085 = arith.constant 0 : i32
    %broadcast_in_dim3A_1086 = vector.broadcast %broadcast_in_dim3A_1085 : i32 to vector<16xi32>
    %swap3A_1087 = arith.constant 1824 : index
    %swap3A_1088 = tpu.vector_load %arg36[%swap3A_1087] {strides = array<i32>} : memref<2048xi32, #tpu.memory_space<vmem>>, vector<16xi32>,
    %swap3A_1089 = vector.shape_cast %swap3A_1088 : vector<16xi32> to vector<16xi32>
    %swap3A_1090 = vector.shape_cast %broadcast_in_dim3A_1086 : vector<16xi32> to vector<16xi32>
    tpu.vector_store %arg36[%swap3A_1087], %swap3A_1090 {strides = array<i32>} : memref<2048xi32, #tpu.memory_space<vmem>>, vector<16xi32>,
    %broadcast_in_dim3A_1091 = arith.constant 0 : i32
    %broadcast_in_dim3A_1092 = vector.broadcast %broadcast_in_dim3A_1091 : i32 to vector<16xi32>
    %swap3A_1093 = arith.constant 1840 : index
    %swap3A_1094 = tpu.vector_load %arg36[%swap3A_1093] {strides = array<i32>} : memref<2048xi32, #tpu.memory_space<vmem>>, vector<16xi32>,
    %swap3A_1095 = vector.shape_cast %swap3A_1094 : vector<16xi32> to vector<16xi32>
    %swap3A_1096 = vector.shape_cast %broadcast_in_dim3A_1092 : vector<16xi32> to vector<16xi32>
    tpu.vector_store %arg36[%swap3A_1093], %swap3A_1096 {strides = array<i32>} : memref<2048xi32, #tpu.memory_space<vmem>>, vector<16xi32>,
    %broadcast_in_dim3A_1097 = arith.constant 0 : i32
    %broadcast_in_dim3A_1098 = vector.broadcast %broadcast_in_dim3A_1097 : i32 to vector<16xi32>
    %swap3A_1099 = arith.constant 1856 : index
    %swap3A_1100 = tpu.vector_load %arg36[%swap3A_1099] {strides = array<i32>} : memref<2048xi32, #tpu.memory_space<vmem>>, vector<16xi32>,
    %swap3A_1101 = vector.shape_cast %swap3A_1100 : vector<16xi32> to vector<16xi32>
    %swap3A_1102 = vector.shape_cast %broadcast_in_dim3A_1098 : vector<16xi32> to vector<16xi32>
    tpu.vector_store %arg36[%swap3A_1099], %swap3A_1102 {strides = array<i32>} : memref<2048xi32, #tpu.memory_space<vmem>>, vector<16xi32>,
    %broadcast_in_dim3A_1103 = arith.constant 0 : i32
    %broadcast_in_dim3A_1104 = vector.broadcast %broadcast_in_dim3A_1103 : i32 to vector<16xi32>
    %swap3A_1105 = arith.constant 1872 : index
    %swap3A_1106 = tpu.vector_load %arg36[%swap3A_1105] {strides = array<i32>} : memref<2048xi32, #tpu.memory_space<vmem>>, vector<16xi32>,
    %swap3A_1107 = vector.shape_cast %swap3A_1106 : vector<16xi32> to vector<16xi32>
    %swap3A_1108 = vector.shape_cast %broadcast_in_dim3A_1104 : vector<16xi32> to vector<16xi32>
    tpu.vector_store %arg36[%swap3A_1105], %swap3A_1108 {strides = array<i32>} : memref<2048xi32, #tpu.memory_space<vmem>>, vector<16xi32>,
    %broadcast_in_dim3A_1109 = arith.constant 0 : i32
    %broadcast_in_dim3A_1110 = vector.broadcast %broadcast_in_dim3A_1109 : i32 to vector<16xi32>
    %swap3A_1111 = arith.constant 1888 : index
    %swap3A_1112 = tpu.vector_load %arg36[%swap3A_1111] {strides = array<i32>} : memref<2048xi32, #tpu.memory_space<vmem>>, vector<16xi32>,
    %swap3A_1113 = vector.shape_cast %swap3A_1112 : vector<16xi32> to vector<16xi32>
    %swap3A_1114 = vector.shape_cast %broadcast_in_dim3A_1110 : vector<16xi32> to vector<16xi32>
    tpu.vector_store %arg36[%swap3A_1111], %swap3A_1114 {strides = array<i32>} : memref<2048xi32, #tpu.memory_space<vmem>>, vector<16xi32>,
    %broadcast_in_dim3A_1115 = arith.constant 0 : i32
    %broadcast_in_dim3A_1116 = vector.broadcast %broadcast_in_dim3A_1115 : i32 to vector<16xi32>
    %swap3A_1117 = arith.constant 1904 : index
    %swap3A_1118 = tpu.vector_load %arg36[%swap3A_1117] {strides = array<i32>} : memref<2048xi32, #tpu.memory_space<vmem>>, vector<16xi32>,
    %swap3A_1119 = vector.shape_cast %swap3A_1118 : vector<16xi32> to vector<16xi32>
    %swap3A_1120 = vector.shape_cast %broadcast_in_dim3A_1116 : vector<16xi32> to vector<16xi32>
    tpu.vector_store %arg36[%swap3A_1117], %swap3A_1120 {strides = array<i32>} : memref<2048xi32, #tpu.memory_space<vmem>>, vector<16xi32>,
    %broadcast_in_dim3A_1121 = arith.constant 0 : i32
    %broadcast_in_dim3A_1122 = vector.broadcast %broadcast_in_dim3A_1121 : i32 to vector<16xi32>
    %swap3A_1123 = arith.constant 1920 : index
    %swap3A_1124 = tpu.vector_load %arg36[%swap3A_1123] {strides = array<i32>} : memref<2048xi32, #tpu.memory_space<vmem>>, vector<16xi32>,
    %swap3A_1125 = vector.shape_cast %swap3A_1124 : vector<16xi32> to vector<16xi32>
    %swap3A_1126 = vector.shape_cast %broadcast_in_dim3A_1122 : vector<16xi32> to vector<16xi32>
    tpu.vector_store %arg36[%swap3A_1123], %swap3A_1126 {strides = array<i32>} : memref<2048xi32, #tpu.memory_space<vmem>>, vector<16xi32>,
    %broadcast_in_dim3A_1127 = arith.constant 0 : i32
    %broadcast_in_dim3A_1128 = vector.broadcast %broadcast_in_dim3A_1127 : i32 to vector<16xi32>
    %swap3A_1129 = arith.constant 1936 : index
    %swap3A_1130 = tpu.vector_load %arg36[%swap3A_1129] {strides = array<i32>} : memref<2048xi32, #tpu.memory_space<vmem>>, vector<16xi32>,
    %swap3A_1131 = vector.shape_cast %swap3A_1130 : vector<16xi32> to vector<16xi32>
    %swap3A_1132 = vector.shape_cast %broadcast_in_dim3A_1128 : vector<16xi32> to vector<16xi32>
    tpu.vector_store %arg36[%swap3A_1129], %swap3A_1132 {strides = array<i32>} : memref<2048xi32, #tpu.memory_space<vmem>>, vector<16xi32>,
    %broadcast_in_dim3A_1133 = arith.constant 0 : i32
    %broadcast_in_dim3A_1134 = vector.broadcast %broadcast_in_dim3A_1133 : i32 to vector<16xi32>
    %swap3A_1135 = arith.constant 1952 : index
    %swap3A_1136 = tpu.vector_load %arg36[%swap3A_1135] {strides = array<i32>} : memref<2048xi32, #tpu.memory_space<vmem>>, vector<16xi32>,
    %swap3A_1137 = vector.shape_cast %swap3A_1136 : vector<16xi32> to vector<16xi32>
    %swap3A_1138 = vector.shape_cast %broadcast_in_dim3A_1134 : vector<16xi32> to vector<16xi32>
    tpu.vector_store %arg36[%swap3A_1135], %swap3A_1138 {strides = array<i32>} : memref<2048xi32, #tpu.memory_space<vmem>>, vector<16xi32>,
    %broadcast_in_dim3A_1139 = arith.constant 0 : i32
    %broadcast_in_dim3A_1140 = vector.broadcast %broadcast_in_dim3A_1139 : i32 to vector<16xi32>
    %swap3A_1141 = arith.constant 1968 : index
    %swap3A_1142 = tpu.vector_load %arg36[%swap3A_1141] {strides = array<i32>} : memref<2048xi32, #tpu.memory_space<vmem>>, vector<16xi32>,
    %swap3A_1143 = vector.shape_cast %swap3A_1142 : vector<16xi32> to vector<16xi32>
    %swap3A_1144 = vector.shape_cast %broadcast_in_dim3A_1140 : vector<16xi32> to vector<16xi32>
    tpu.vector_store %arg36[%swap3A_1141], %swap3A_1144 {strides = array<i32>} : memref<2048xi32, #tpu.memory_space<vmem>>, vector<16xi32>,
    %broadcast_in_dim3A_1145 = arith.constant 0 : i32
    %broadcast_in_dim3A_1146 = vector.broadcast %broadcast_in_dim3A_1145 : i32 to vector<16xi32>
    %swap3A_1147 = arith.constant 1984 : index
    %swap3A_1148 = tpu.vector_load %arg36[%swap3A_1147] {strides = array<i32>} : memref<2048xi32, #tpu.memory_space<vmem>>, vector<16xi32>,
    %swap3A_1149 = vector.shape_cast %swap3A_1148 : vector<16xi32> to vector<16xi32>
    %swap3A_1150 = vector.shape_cast %broadcast_in_dim3A_1146 : vector<16xi32> to vector<16xi32>
    tpu.vector_store %arg36[%swap3A_1147], %swap3A_1150 {strides = array<i32>} : memref<2048xi32, #tpu.memory_space<vmem>>, vector<16xi32>,
    %broadcast_in_dim3A_1151 = arith.constant 0 : i32
    %broadcast_in_dim3A_1152 = vector.broadcast %broadcast_in_dim3A_1151 : i32 to vector<16xi32>
    %swap3A_1153 = arith.constant 2000 : index
    %swap3A_1154 = tpu.vector_load %arg36[%swap3A_1153] {strides = array<i32>} : memref<2048xi32, #tpu.memory_space<vmem>>, vector<16xi32>,
    %swap3A_1155 = vector.shape_cast %swap3A_1154 : vector<16xi32> to vector<16xi32>
    %swap3A_1156 = vector.shape_cast %broadcast_in_dim3A_1152 : vector<16xi32> to vector<16xi32>
    tpu.vector_store %arg36[%swap3A_1153], %swap3A_1156 {strides = array<i32>} : memref<2048xi32, #tpu.memory_space<vmem>>, vector<16xi32>,
    %broadcast_in_dim3A_1157 = arith.constant 0 : i32
    %broadcast_in_dim3A_1158 = vector.broadcast %broadcast_in_dim3A_1157 : i32 to vector<16xi32>
    %swap3A_1159 = arith.constant 2016 : index
    %swap3A_1160 = tpu.vector_load %arg36[%swap3A_1159] {strides = array<i32>} : memref<2048xi32, #tpu.memory_space<vmem>>, vector<16xi32>,
    %swap3A_1161 = vector.shape_cast %swap3A_1160 : vector<16xi32> to vector<16xi32>
    %swap3A_1162 = vector.shape_cast %broadcast_in_dim3A_1158 : vector<16xi32> to vector<16xi32>
    tpu.vector_store %arg36[%swap3A_1159], %swap3A_1162 {strides = array<i32>} : memref<2048xi32, #tpu.memory_space<vmem>>, vector<16xi32>,
    %broadcast_in_dim3A_1163 = arith.constant 0 : i32
    %broadcast_in_dim3A_1164 = vector.broadcast %broadcast_in_dim3A_1163 : i32 to vector<16xi32>
    %swap3A_1165 = arith.constant 2032 : index
    %swap3A_1166 = tpu.vector_load %arg36[%swap3A_1165] {strides = array<i32>} : memref<2048xi32, #tpu.memory_space<vmem>>, vector<16xi32>,
    %swap3A_1167 = vector.shape_cast %swap3A_1166 : vector<16xi32> to vector<16xi32>
    %swap3A_1168 = vector.shape_cast %broadcast_in_dim3A_1164 : vector<16xi32> to vector<16xi32>
    tpu.vector_store %arg36[%swap3A_1165], %swap3A_1168 {strides = array<i32>} : memref<2048xi32, #tpu.memory_space<vmem>>, vector<16xi32>,
    %add3A_1169 = arith.constant 0 : i32
    %add3A_1170 = arith.addi %arg1, %add3A_1169 : i32
    %lt3A_1171 = arith.constant 49 : i32
    %lt3A_1172 = arith.cmpi slt, %add3A_1170, %lt3A_1171 : i32
    %convert_element_type3A_1173 = arith.extui %lt3A_1172 : i1 to i32
    %cond3A_1174 = arith.constant 0 : i32
    %cond3A_1175 = arith.cmpi ne, %convert_element_type3A_1173, %cond3A_1174 : i32
    scf.if %cond3A_1175 {
      %mul3A_1279 = arith.constant 2048 : i32
      %mul3A_1280 = arith.muli %add3A_1170, %mul3A_1279 : i32
      "tpu.region"() ({
        %run_scoped3A = tpu.sem_alloc : memref<!tpu.dma_semaphore, #tpu.memory_space<semaphore_mem>>
        %dma_start3A = tpu.memref_slice %arg4[%mul3A_1280] : memref<100352xi32, #tpu.memory_space<vmem_shared>> -> memref<2048xi32, #tpu.memory_space<vmem_shared>>
        %dma_start3A_1281 = tpu.memref_slice %arg4[%mul3A_1280] : memref<100352xi32, #tpu.memory_space<vmem_shared>> -> memref<2048xi32, #tpu.memory_space<vmem_shared>>
        tpu.enqueue_dma source(%arg36 : memref<2048xi32, #tpu.memory_space<vmem>>) target(%dma_start3A_1281 : memref<2048xi32, #tpu.memory_space<vmem_shared>>) target_semaphore(%run_scoped3A : memref<!tpu.dma_semaphore, #tpu.memory_space<semaphore_mem>>)
        %dma_wait3A = tpu.memref_slice %arg4[%mul3A_1280] : memref<100352xi32, #tpu.memory_space<vmem_shared>> -> memref<2048xi32, #tpu.memory_space<vmem_shared>>
        %dma_wait3A_1282 = tpu.memref_slice %arg4[%mul3A_1280] : memref<100352xi32, #tpu.memory_space<vmem_shared>> -> memref<2048xi32, #tpu.memory_space<vmem_shared>>
        tpu.wait_dma2 semaphore(%run_scoped3A : memref<!tpu.dma_semaphore, #tpu.memory_space<semaphore_mem>>) src(%arg36 : memref<2048xi32, #tpu.memory_space<vmem>>) dst(%dma_wait3A_1282 : memref<2048xi32, #tpu.memory_space<vmem_shared>>)
        tpu.yield
      }) : () -> ()
    } else {
    }
    %add3A_1176 = arith.constant 16 : i32
    %add3A_1177 = arith.addi %arg1, %add3A_1176 : i32
    %lt3A_1178 = arith.constant 49 : i32
    %lt3A_1179 = arith.cmpi slt, %add3A_1177, %lt3A_1178 : i32
    %convert_element_type3A_1180 = arith.extui %lt3A_1179 : i1 to i32
    %cond3A_1181 = arith.constant 0 : i32
    %cond3A_1182 = arith.cmpi ne, %convert_element_type3A_1180, %cond3A_1181 : i32
    scf.if %cond3A_1182 {
      %mul3A_1279 = arith.constant 2048 : i32
      %mul3A_1280 = arith.muli %add3A_1177, %mul3A_1279 : i32
      "tpu.region"() ({
        %run_scoped3A = tpu.sem_alloc : memref<!tpu.dma_semaphore, #tpu.memory_space<semaphore_mem>>
        %dma_start3A = tpu.memref_slice %arg4[%mul3A_1280] : memref<100352xi32, #tpu.memory_space<vmem_shared>> -> memref<2048xi32, #tpu.memory_space<vmem_shared>>
        %dma_start3A_1281 = tpu.memref_slice %arg4[%mul3A_1280] : memref<100352xi32, #tpu.memory_space<vmem_shared>> -> memref<2048xi32, #tpu.memory_space<vmem_shared>>
        tpu.enqueue_dma source(%arg36 : memref<2048xi32, #tpu.memory_space<vmem>>) target(%dma_start3A_1281 : memref<2048xi32, #tpu.memory_space<vmem_shared>>) target_semaphore(%run_scoped3A : memref<!tpu.dma_semaphore, #tpu.memory_space<semaphore_mem>>)
        %dma_wait3A = tpu.memref_slice %arg4[%mul3A_1280] : memref<100352xi32, #tpu.memory_space<vmem_shared>> -> memref<2048xi32, #tpu.memory_space<vmem_shared>>
        %dma_wait3A_1282 = tpu.memref_slice %arg4[%mul3A_1280] : memref<100352xi32, #tpu.memory_space<vmem_shared>> -> memref<2048xi32, #tpu.memory_space<vmem_shared>>
        tpu.wait_dma2 semaphore(%run_scoped3A : memref<!tpu.dma_semaphore, #tpu.memory_space<semaphore_mem>>) src(%arg36 : memref<2048xi32, #tpu.memory_space<vmem>>) dst(%dma_wait3A_1282 : memref<2048xi32, #tpu.memory_space<vmem_shared>>)
        tpu.yield
      }) : () -> ()
    } else {
    }
    %add3A_1183 = arith.constant 32 : i32
    %add3A_1184 = arith.addi %arg1, %add3A_1183 : i32
    %lt3A_1185 = arith.constant 49 : i32
    %lt3A_1186 = arith.cmpi slt, %add3A_1184, %lt3A_1185 : i32
    %convert_element_type3A_1187 = arith.extui %lt3A_1186 : i1 to i32
    %cond3A_1188 = arith.constant 0 : i32
    %cond3A_1189 = arith.cmpi ne, %convert_element_type3A_1187, %cond3A_1188 : i32
    scf.if %cond3A_1189 {
      %mul3A_1279 = arith.constant 2048 : i32
      %mul3A_1280 = arith.muli %add3A_1184, %mul3A_1279 : i32
      "tpu.region"() ({
        %run_scoped3A = tpu.sem_alloc : memref<!tpu.dma_semaphore, #tpu.memory_space<semaphore_mem>>
        %dma_start3A = tpu.memref_slice %arg4[%mul3A_1280] : memref<100352xi32, #tpu.memory_space<vmem_shared>> -> memref<2048xi32, #tpu.memory_space<vmem_shared>>
        %dma_start3A_1281 = tpu.memref_slice %arg4[%mul3A_1280] : memref<100352xi32, #tpu.memory_space<vmem_shared>> -> memref<2048xi32, #tpu.memory_space<vmem_shared>>
        tpu.enqueue_dma source(%arg36 : memref<2048xi32, #tpu.memory_space<vmem>>) target(%dma_start3A_1281 : memref<2048xi32, #tpu.memory_space<vmem_shared>>) target_semaphore(%run_scoped3A : memref<!tpu.dma_semaphore, #tpu.memory_space<semaphore_mem>>)
        %dma_wait3A = tpu.memref_slice %arg4[%mul3A_1280] : memref<100352xi32, #tpu.memory_space<vmem_shared>> -> memref<2048xi32, #tpu.memory_space<vmem_shared>>
        %dma_wait3A_1282 = tpu.memref_slice %arg4[%mul3A_1280] : memref<100352xi32, #tpu.memory_space<vmem_shared>> -> memref<2048xi32, #tpu.memory_space<vmem_shared>>
        tpu.wait_dma2 semaphore(%run_scoped3A : memref<!tpu.dma_semaphore, #tpu.memory_space<semaphore_mem>>) src(%arg36 : memref<2048xi32, #tpu.memory_space<vmem>>) dst(%dma_wait3A_1282 : memref<2048xi32, #tpu.memory_space<vmem_shared>>)
        tpu.yield
      }) : () -> ()
    } else {
    }
    %add3A_1190 = arith.constant 48 : i32
    %add3A_1191 = arith.addi %arg1, %add3A_1190 : i32
    %lt3A_1192 = arith.constant 49 : i32
    %lt3A_1193 = arith.cmpi slt, %add3A_1191, %lt3A_1192 : i32
    %convert_element_type3A_1194 = arith.extui %lt3A_1193 : i1 to i32
    %cond3A_1195 = arith.constant 0 : i32
    %cond3A_1196 = arith.cmpi ne, %convert_element_type3A_1194, %cond3A_1195 : i32
    scf.if %cond3A_1196 {
      %mul3A_1279 = arith.constant 2048 : i32
      %mul3A_1280 = arith.muli %add3A_1191, %mul3A_1279 : i32
      "tpu.region"() ({
        %run_scoped3A = tpu.sem_alloc : memref<!tpu.dma_semaphore, #tpu.memory_space<semaphore_mem>>
        %dma_start3A = tpu.memref_slice %arg4[%mul3A_1280] : memref<100352xi32, #tpu.memory_space<vmem_shared>> -> memref<2048xi32, #tpu.memory_space<vmem_shared>>
        %dma_start3A_1281 = tpu.memref_slice %arg4[%mul3A_1280] : memref<100352xi32, #tpu.memory_space<vmem_shared>> -> memref<2048xi32, #tpu.memory_space<vmem_shared>>
        tpu.enqueue_dma source(%arg36 : memref<2048xi32, #tpu.memory_space<vmem>>) target(%dma_start3A_1281 : memref<2048xi32, #tpu.memory_space<vmem_shared>>) target_semaphore(%run_scoped3A : memref<!tpu.dma_semaphore, #tpu.memory_space<semaphore_mem>>)
        %dma_wait3A = tpu.memref_slice %arg4[%mul3A_1280] : memref<100352xi32, #tpu.memory_space<vmem_shared>> -> memref<2048xi32, #tpu.memory_space<vmem_shared>>
        %dma_wait3A_1282 = tpu.memref_slice %arg4[%mul3A_1280] : memref<100352xi32, #tpu.memory_space<vmem_shared>> -> memref<2048xi32, #tpu.memory_space<vmem_shared>>
        tpu.wait_dma2 semaphore(%run_scoped3A : memref<!tpu.dma_semaphore, #tpu.memory_space<semaphore_mem>>) src(%arg36 : memref<2048xi32, #tpu.memory_space<vmem>>) dst(%dma_wait3A_1282 : memref<2048xi32, #tpu.memory_space<vmem_shared>>)
        tpu.yield
      }) : () -> ()
    } else {
    }
    %barrier3A = arith.constant 0 : index
    tpu.barrier barrier_id(%barrier3A)
    %scan3A = arith.constant 0 : i32
    %scan3A_1197 = arith.constant 11 : i32
    %scan3A_1198 = arith.addi %scan3A, %scan3A_1197 : i32
    %scan3A_1199 = arith.constant 1 : i32
    scf.for %scan3A_1279 = %scan3A to %scan3A_1198 step %scan3A_1199  : i32 {
      %mul3A_1280 = arith.constant 10 : i32
      %mul3A_1281 = arith.muli %scan3A_1279, %mul3A_1280 : i32
      %add3A_1282 = arith.constant 0 : i32
      %add3A_1283 = arith.addi %mul3A_1281, %add3A_1282 : i32
      %add3A_1284 = arith.constant 3 : i32
      %add3A_1285 = arith.addi %add3A_1283, %add3A_1284 : i32
      %lt3A_1286 = arith.constant 98 : i32
      %lt3A_1287 = arith.cmpi slt, %add3A_1285, %lt3A_1286 : i32
      %convert_element_type3A_1288 = arith.extui %lt3A_1287 : i1 to i32
      %cond3A_1289 = arith.constant 0 : i32
      %cond3A_1290 = arith.cmpi ne, %convert_element_type3A_1288, %cond3A_1289 : i32
      scf.if %cond3A_1290 {
        %sub3A_1518 = arith.constant 10 : i32
        %sub3A_1519 = arith.subi %add3A_1285, %sub3A_1518 : i32
        %ge3A = arith.constant 0 : i32
        %ge3A_1520 = arith.cmpi sge, %sub3A_1519, %ge3A : i32
        %mul3A_1521 = arith.constant 32 : i32
        %mul3A_1522 = arith.muli %sub3A_1519, %mul3A_1521 : i32
        %add3A_1523 = arith.addi %add3A, %mul3A_1522 : i32
        %lt3A_1524 = arith.constant 3125 : i32
        %lt3A_1525 = arith.cmpi slt, %add3A_1523, %lt3A_1524 : i32
        %and3A_1526 = arith.andi %ge3A_1520, %lt3A_1525 : i1
        %convert_element_type3A_1527 = arith.extui %and3A_1526 : i1 to i32
        %cond3A_1528 = arith.constant 0 : i32
        %cond3A_1529 = arith.cmpi ne, %convert_element_type3A_1527, %cond3A_1528 : i32
        scf.if %cond3A_1529 {
          %dma_wait3A = arith.constant 0 : i32
          %dma_wait3A_1538 = tpu.memref_slice %arg4[%dma_wait3A] : memref<100352xi32, #tpu.memory_space<vmem_shared>> -> memref<100352xi32, #tpu.memory_space<vmem_shared>>
          tpu.wait_indirect_dma semaphore(%arg28 : memref<!tpu.dma_semaphore, #tpu.memory_space<semaphore_mem>>) src(%arg35 : memref<1024xi32, #tpu.memory_space<vmem>>) dst(%dma_wait3A_1538 : memref<100352xi32, #tpu.memory_space<vmem_shared>>)
        } else {
        }
        %mul3A_1530 = arith.constant 32 : i32
        %mul3A_1531 = arith.muli %add3A_1285, %mul3A_1530 : i32
        %add3A_1532 = arith.addi %add3A, %mul3A_1531 : i32
        %lt3A_1533 = arith.constant 3125 : i32
        %lt3A_1534 = arith.cmpi slt, %add3A_1532, %lt3A_1533 : i32
        %convert_element_type3A_1535 = arith.extui %lt3A_1534 : i1 to i32
        %cond3A_1536 = arith.constant 0 : i32
        %cond3A_1537 = arith.cmpi ne, %convert_element_type3A_1535, %cond3A_1536 : i32
        scf.if %cond3A_1537 {
          %mul3A_1538 = arith.constant 32 : i32
          %mul3A_1539 = arith.muli %add3A_1285, %mul3A_1538 : i32
          %add3A_1540 = arith.addi %add3A, %mul3A_1539 : i32
          %mul3A_1541 = arith.constant 1024 : i32
          %mul3A_1542 = arith.muli %add3A_1540, %mul3A_1541 : i32
          %dma_start3A = tpu.memref_slice %arg2[%mul3A_1542] : memref<3200000xi32, #tpu.memory_space<hbm>> -> memref<1024xi32, #tpu.memory_space<hbm>>
          %dma_start3A_1543 = tpu.memref_slice %arg2[%mul3A_1542] : memref<3200000xi32, #tpu.memory_space<hbm>> -> memref<1024xi32, #tpu.memory_space<hbm>>
          tpu.enqueue_dma source(%dma_start3A_1543 : memref<1024xi32, #tpu.memory_space<hbm>>) target(%arg8 : memref<1024xi32, #tpu.memory_space<vmem>>) target_semaphore(%arg18 : memref<!tpu.dma_semaphore, #tpu.memory_space<semaphore_mem>>)
        } else {
        }
      } else {
      }
      %sub3A = arith.constant 3 : i32
      %sub3A_1291 = arith.subi %add3A_1285, %sub3A : i32
      %lt3A_1292 = arith.constant 98 : i32
      %lt3A_1293 = arith.cmpi slt, %sub3A_1291, %lt3A_1292 : i32
      %mul3A_1294 = arith.constant 32 : i32
      %mul3A_1295 = arith.muli %sub3A_1291, %mul3A_1294 : i32
      %add3A_1296 = arith.addi %add3A, %mul3A_1295 : i32
      %lt3A_1297 = arith.constant 3125 : i32
      %lt3A_1298 = arith.cmpi slt, %add3A_1296, %lt3A_1297 : i32
      %and3A = arith.andi %lt3A_1293, %lt3A_1298 : i1
      %convert_element_type3A_1299 = arith.extui %and3A : i1 to i32
      %cond3A_1300 = arith.constant 0 : i32
      %cond3A_1301 = arith.cmpi ne, %convert_element_type3A_1299, %cond3A_1300 : i32
      scf.if %cond3A_1301 {
        %mul3A_1518 = arith.constant 32 : i32
        %mul3A_1519 = arith.muli %sub3A_1291, %mul3A_1518 : i32
        %add3A_1520 = arith.addi %add3A, %mul3A_1519 : i32
        %mul3A_1521 = arith.constant 1024 : i32
        %mul3A_1522 = arith.muli %add3A_1520, %mul3A_1521 : i32
        %dma_wait3A = tpu.memref_slice %arg2[%mul3A_1522] : memref<3200000xi32, #tpu.memory_space<hbm>> -> memref<1024xi32, #tpu.memory_space<hbm>>
        %dma_wait3A_1523 = tpu.memref_slice %arg2[%mul3A_1522] : memref<3200000xi32, #tpu.memory_space<hbm>> -> memref<1024xi32, #tpu.memory_space<hbm>>
        tpu.wait_dma2 semaphore(%arg15 : memref<!tpu.dma_semaphore, #tpu.memory_space<semaphore_mem>>) src(%dma_wait3A_1523 : memref<1024xi32, #tpu.memory_space<hbm>>) dst(%arg5 : memref<1024xi32, #tpu.memory_space<vmem>>)
        %dma_start3A = arith.constant 0 : i32
        %dma_start3A_1524 = tpu.memref_slice %arg4[%dma_start3A] : memref<100352xi32, #tpu.memory_space<vmem_shared>> -> memref<100352xi32, #tpu.memory_space<vmem_shared>>
        tpu.enqueue_indirect_dma source(%arg35 : memref<1024xi32, #tpu.memory_space<vmem>>) target(%dma_start3A_1524 : memref<100352xi32, #tpu.memory_space<vmem_shared>>) offsets(%arg5 : memref<1024xi32, #tpu.memory_space<vmem>>) semaphore(%arg25 : memref<!tpu.dma_semaphore, #tpu.memory_space<semaphore_mem>>) {add = true}
      } else {
      }
      %mul3A_1302 = arith.constant 10 : i32
      %mul3A_1303 = arith.muli %scan3A_1279, %mul3A_1302 : i32
      %add3A_1304 = arith.constant 1 : i32
      %add3A_1305 = arith.addi %mul3A_1303, %add3A_1304 : i32
      %add3A_1306 = arith.constant 3 : i32
      %add3A_1307 = arith.addi %add3A_1305, %add3A_1306 : i32
      %lt3A_1308 = arith.constant 98 : i32
      %lt3A_1309 = arith.cmpi slt, %add3A_1307, %lt3A_1308 : i32
      %convert_element_type3A_1310 = arith.extui %lt3A_1309 : i1 to i32
      %cond3A_1311 = arith.constant 0 : i32
      %cond3A_1312 = arith.cmpi ne, %convert_element_type3A_1310, %cond3A_1311 : i32
      scf.if %cond3A_1312 {
        %sub3A_1518 = arith.constant 10 : i32
        %sub3A_1519 = arith.subi %add3A_1307, %sub3A_1518 : i32
        %ge3A = arith.constant 0 : i32
        %ge3A_1520 = arith.cmpi sge, %sub3A_1519, %ge3A : i32
        %mul3A_1521 = arith.constant 32 : i32
        %mul3A_1522 = arith.muli %sub3A_1519, %mul3A_1521 : i32
        %add3A_1523 = arith.addi %add3A, %mul3A_1522 : i32
        %lt3A_1524 = arith.constant 3125 : i32
        %lt3A_1525 = arith.cmpi slt, %add3A_1523, %lt3A_1524 : i32
        %and3A_1526 = arith.andi %ge3A_1520, %lt3A_1525 : i1
        %convert_element_type3A_1527 = arith.extui %and3A_1526 : i1 to i32
        %cond3A_1528 = arith.constant 0 : i32
        %cond3A_1529 = arith.cmpi ne, %convert_element_type3A_1527, %cond3A_1528 : i32
        scf.if %cond3A_1529 {
          %dma_wait3A = arith.constant 0 : i32
          %dma_wait3A_1538 = tpu.memref_slice %arg4[%dma_wait3A] : memref<100352xi32, #tpu.memory_space<vmem_shared>> -> memref<100352xi32, #tpu.memory_space<vmem_shared>>
          tpu.wait_indirect_dma semaphore(%arg29 : memref<!tpu.dma_semaphore, #tpu.memory_space<semaphore_mem>>) src(%arg35 : memref<1024xi32, #tpu.memory_space<vmem>>) dst(%dma_wait3A_1538 : memref<100352xi32, #tpu.memory_space<vmem_shared>>)
        } else {
        }
        %mul3A_1530 = arith.constant 32 : i32
        %mul3A_1531 = arith.muli %add3A_1307, %mul3A_1530 : i32
        %add3A_1532 = arith.addi %add3A, %mul3A_1531 : i32
        %lt3A_1533 = arith.constant 3125 : i32
        %lt3A_1534 = arith.cmpi slt, %add3A_1532, %lt3A_1533 : i32
        %convert_element_type3A_1535 = arith.extui %lt3A_1534 : i1 to i32
        %cond3A_1536 = arith.constant 0 : i32
        %cond3A_1537 = arith.cmpi ne, %convert_element_type3A_1535, %cond3A_1536 : i32
        scf.if %cond3A_1537 {
          %mul3A_1538 = arith.constant 32 : i32
          %mul3A_1539 = arith.muli %add3A_1307, %mul3A_1538 : i32
          %add3A_1540 = arith.addi %add3A, %mul3A_1539 : i32
          %mul3A_1541 = arith.constant 1024 : i32
          %mul3A_1542 = arith.muli %add3A_1540, %mul3A_1541 : i32
          %dma_start3A = tpu.memref_slice %arg2[%mul3A_1542] : memref<3200000xi32, #tpu.memory_space<hbm>> -> memref<1024xi32, #tpu.memory_space<hbm>>
          %dma_start3A_1543 = tpu.memref_slice %arg2[%mul3A_1542] : memref<3200000xi32, #tpu.memory_space<hbm>> -> memref<1024xi32, #tpu.memory_space<hbm>>
          tpu.enqueue_dma source(%dma_start3A_1543 : memref<1024xi32, #tpu.memory_space<hbm>>) target(%arg9 : memref<1024xi32, #tpu.memory_space<vmem>>) target_semaphore(%arg19 : memref<!tpu.dma_semaphore, #tpu.memory_space<semaphore_mem>>)
        } else {
        }
      } else {
      }
      %sub3A_1313 = arith.constant 3 : i32
      %sub3A_1314 = arith.subi %add3A_1307, %sub3A_1313 : i32
      %lt3A_1315 = arith.constant 98 : i32
      %lt3A_1316 = arith.cmpi slt, %sub3A_1314, %lt3A_1315 : i32
      %mul3A_1317 = arith.constant 32 : i32
      %mul3A_1318 = arith.muli %sub3A_1314, %mul3A_1317 : i32
      %add3A_1319 = arith.addi %add3A, %mul3A_1318 : i32
      %lt3A_1320 = arith.constant 3125 : i32
      %lt3A_1321 = arith.cmpi slt, %add3A_1319, %lt3A_1320 : i32
      %and3A_1322 = arith.andi %lt3A_1316, %lt3A_1321 : i1
      %convert_element_type3A_1323 = arith.extui %and3A_1322 : i1 to i32
      %cond3A_1324 = arith.constant 0 : i32
      %cond3A_1325 = arith.cmpi ne, %convert_element_type3A_1323, %cond3A_1324 : i32
      scf.if %cond3A_1325 {
        %mul3A_1518 = arith.constant 32 : i32
        %mul3A_1519 = arith.muli %sub3A_1314, %mul3A_1518 : i32
        %add3A_1520 = arith.addi %add3A, %mul3A_1519 : i32
        %mul3A_1521 = arith.constant 1024 : i32
        %mul3A_1522 = arith.muli %add3A_1520, %mul3A_1521 : i32
        %dma_wait3A = tpu.memref_slice %arg2[%mul3A_1522] : memref<3200000xi32, #tpu.memory_space<hbm>> -> memref<1024xi32, #tpu.memory_space<hbm>>
        %dma_wait3A_1523 = tpu.memref_slice %arg2[%mul3A_1522] : memref<3200000xi32, #tpu.memory_space<hbm>> -> memref<1024xi32, #tpu.memory_space<hbm>>
        tpu.wait_dma2 semaphore(%arg16 : memref<!tpu.dma_semaphore, #tpu.memory_space<semaphore_mem>>) src(%dma_wait3A_1523 : memref<1024xi32, #tpu.memory_space<hbm>>) dst(%arg6 : memref<1024xi32, #tpu.memory_space<vmem>>)
        %dma_start3A = arith.constant 0 : i32
        %dma_start3A_1524 = tpu.memref_slice %arg4[%dma_start3A] : memref<100352xi32, #tpu.memory_space<vmem_shared>> -> memref<100352xi32, #tpu.memory_space<vmem_shared>>
        tpu.enqueue_indirect_dma source(%arg35 : memref<1024xi32, #tpu.memory_space<vmem>>) target(%dma_start3A_1524 : memref<100352xi32, #tpu.memory_space<vmem_shared>>) offsets(%arg6 : memref<1024xi32, #tpu.memory_space<vmem>>) semaphore(%arg26 : memref<!tpu.dma_semaphore, #tpu.memory_space<semaphore_mem>>) {add = true}
      } else {
      }
      %mul3A_1326 = arith.constant 10 : i32
      %mul3A_1327 = arith.muli %scan3A_1279, %mul3A_1326 : i32
      %add3A_1328 = arith.constant 2 : i32
      %add3A_1329 = arith.addi %mul3A_1327, %add3A_1328 : i32
      %add3A_1330 = arith.constant 3 : i32
      %add3A_1331 = arith.addi %add3A_1329, %add3A_1330 : i32
      %lt3A_1332 = arith.constant 98 : i32
      %lt3A_1333 = arith.cmpi slt, %add3A_1331, %lt3A_1332 : i32
      %convert_element_type3A_1334 = arith.extui %lt3A_1333 : i1 to i32
      %cond3A_1335 = arith.constant 0 : i32
      %cond3A_1336 = arith.cmpi ne, %convert_element_type3A_1334, %cond3A_1335 : i32
      scf.if %cond3A_1336 {
        %sub3A_1518 = arith.constant 10 : i32
        %sub3A_1519 = arith.subi %add3A_1331, %sub3A_1518 : i32
        %ge3A = arith.constant 0 : i32
        %ge3A_1520 = arith.cmpi sge, %sub3A_1519, %ge3A : i32
        %mul3A_1521 = arith.constant 32 : i32
        %mul3A_1522 = arith.muli %sub3A_1519, %mul3A_1521 : i32
        %add3A_1523 = arith.addi %add3A, %mul3A_1522 : i32
        %lt3A_1524 = arith.constant 3125 : i32
        %lt3A_1525 = arith.cmpi slt, %add3A_1523, %lt3A_1524 : i32
        %and3A_1526 = arith.andi %ge3A_1520, %lt3A_1525 : i1
        %convert_element_type3A_1527 = arith.extui %and3A_1526 : i1 to i32
        %cond3A_1528 = arith.constant 0 : i32
        %cond3A_1529 = arith.cmpi ne, %convert_element_type3A_1527, %cond3A_1528 : i32
        scf.if %cond3A_1529 {
          %dma_wait3A = arith.constant 0 : i32
          %dma_wait3A_1538 = tpu.memref_slice %arg4[%dma_wait3A] : memref<100352xi32, #tpu.memory_space<vmem_shared>> -> memref<100352xi32, #tpu.memory_space<vmem_shared>>
          tpu.wait_indirect_dma semaphore(%arg30 : memref<!tpu.dma_semaphore, #tpu.memory_space<semaphore_mem>>) src(%arg35 : memref<1024xi32, #tpu.memory_space<vmem>>) dst(%dma_wait3A_1538 : memref<100352xi32, #tpu.memory_space<vmem_shared>>)
        } else {
        }
        %mul3A_1530 = arith.constant 32 : i32
        %mul3A_1531 = arith.muli %add3A_1331, %mul3A_1530 : i32
        %add3A_1532 = arith.addi %add3A, %mul3A_1531 : i32
        %lt3A_1533 = arith.constant 3125 : i32
        %lt3A_1534 = arith.cmpi slt, %add3A_1532, %lt3A_1533 : i32
        %convert_element_type3A_1535 = arith.extui %lt3A_1534 : i1 to i32
        %cond3A_1536 = arith.constant 0 : i32
        %cond3A_1537 = arith.cmpi ne, %convert_element_type3A_1535, %cond3A_1536 : i32
        scf.if %cond3A_1537 {
          %mul3A_1538 = arith.constant 32 : i32
          %mul3A_1539 = arith.muli %add3A_1331, %mul3A_1538 : i32
          %add3A_1540 = arith.addi %add3A, %mul3A_1539 : i32
          %mul3A_1541 = arith.constant 1024 : i32
          %mul3A_1542 = arith.muli %add3A_1540, %mul3A_1541 : i32
          %dma_start3A = tpu.memref_slice %arg2[%mul3A_1542] : memref<3200000xi32, #tpu.memory_space<hbm>> -> memref<1024xi32, #tpu.memory_space<hbm>>
          %dma_start3A_1543 = tpu.memref_slice %arg2[%mul3A_1542] : memref<3200000xi32, #tpu.memory_space<hbm>> -> memref<1024xi32, #tpu.memory_space<hbm>>
          tpu.enqueue_dma source(%dma_start3A_1543 : memref<1024xi32, #tpu.memory_space<hbm>>) target(%arg10 : memref<1024xi32, #tpu.memory_space<vmem>>) target_semaphore(%arg20 : memref<!tpu.dma_semaphore, #tpu.memory_space<semaphore_mem>>)
        } else {
        }
      } else {
      }
      %sub3A_1337 = arith.constant 3 : i32
      %sub3A_1338 = arith.subi %add3A_1331, %sub3A_1337 : i32
      %lt3A_1339 = arith.constant 98 : i32
      %lt3A_1340 = arith.cmpi slt, %sub3A_1338, %lt3A_1339 : i32
      %mul3A_1341 = arith.constant 32 : i32
      %mul3A_1342 = arith.muli %sub3A_1338, %mul3A_1341 : i32
      %add3A_1343 = arith.addi %add3A, %mul3A_1342 : i32
      %lt3A_1344 = arith.constant 3125 : i32
      %lt3A_1345 = arith.cmpi slt, %add3A_1343, %lt3A_1344 : i32
      %and3A_1346 = arith.andi %lt3A_1340, %lt3A_1345 : i1
      %convert_element_type3A_1347 = arith.extui %and3A_1346 : i1 to i32
      %cond3A_1348 = arith.constant 0 : i32
      %cond3A_1349 = arith.cmpi ne, %convert_element_type3A_1347, %cond3A_1348 : i32
      scf.if %cond3A_1349 {
        %mul3A_1518 = arith.constant 32 : i32
        %mul3A_1519 = arith.muli %sub3A_1338, %mul3A_1518 : i32
        %add3A_1520 = arith.addi %add3A, %mul3A_1519 : i32
        %mul3A_1521 = arith.constant 1024 : i32
        %mul3A_1522 = arith.muli %add3A_1520, %mul3A_1521 : i32
        %dma_wait3A = tpu.memref_slice %arg2[%mul3A_1522] : memref<3200000xi32, #tpu.memory_space<hbm>> -> memref<1024xi32, #tpu.memory_space<hbm>>
        %dma_wait3A_1523 = tpu.memref_slice %arg2[%mul3A_1522] : memref<3200000xi32, #tpu.memory_space<hbm>> -> memref<1024xi32, #tpu.memory_space<hbm>>
        tpu.wait_dma2 semaphore(%arg17 : memref<!tpu.dma_semaphore, #tpu.memory_space<semaphore_mem>>) src(%dma_wait3A_1523 : memref<1024xi32, #tpu.memory_space<hbm>>) dst(%arg7 : memref<1024xi32, #tpu.memory_space<vmem>>)
        %dma_start3A = arith.constant 0 : i32
        %dma_start3A_1524 = tpu.memref_slice %arg4[%dma_start3A] : memref<100352xi32, #tpu.memory_space<vmem_shared>> -> memref<100352xi32, #tpu.memory_space<vmem_shared>>
        tpu.enqueue_indirect_dma source(%arg35 : memref<1024xi32, #tpu.memory_space<vmem>>) target(%dma_start3A_1524 : memref<100352xi32, #tpu.memory_space<vmem_shared>>) offsets(%arg7 : memref<1024xi32, #tpu.memory_space<vmem>>) semaphore(%arg27 : memref<!tpu.dma_semaphore, #tpu.memory_space<semaphore_mem>>) {add = true}
      } else {
      }
      %mul3A_1350 = arith.constant 10 : i32
      %mul3A_1351 = arith.muli %scan3A_1279, %mul3A_1350 : i32
      %add3A_1352 = arith.constant 3 : i32
      %add3A_1353 = arith.addi %mul3A_1351, %add3A_1352 : i32
      %add3A_1354 = arith.constant 3 : i32
      %add3A_1355 = arith.addi %add3A_1353, %add3A_1354 : i32
      %lt3A_1356 = arith.constant 98 : i32
      %lt3A_1357 = arith.cmpi slt, %add3A_1355, %lt3A_1356 : i32
      %convert_element_type3A_1358 = arith.extui %lt3A_1357 : i1 to i32
      %cond3A_1359 = arith.constant 0 : i32
      %cond3A_1360 = arith.cmpi ne, %convert_element_type3A_1358, %cond3A_1359 : i32
      scf.if %cond3A_1360 {
        %sub3A_1518 = arith.constant 10 : i32
        %sub3A_1519 = arith.subi %add3A_1355, %sub3A_1518 : i32
        %ge3A = arith.constant 0 : i32
        %ge3A_1520 = arith.cmpi sge, %sub3A_1519, %ge3A : i32
        %mul3A_1521 = arith.constant 32 : i32
        %mul3A_1522 = arith.muli %sub3A_1519, %mul3A_1521 : i32
        %add3A_1523 = arith.addi %add3A, %mul3A_1522 : i32
        %lt3A_1524 = arith.constant 3125 : i32
        %lt3A_1525 = arith.cmpi slt, %add3A_1523, %lt3A_1524 : i32
        %and3A_1526 = arith.andi %ge3A_1520, %lt3A_1525 : i1
        %convert_element_type3A_1527 = arith.extui %and3A_1526 : i1 to i32
        %cond3A_1528 = arith.constant 0 : i32
        %cond3A_1529 = arith.cmpi ne, %convert_element_type3A_1527, %cond3A_1528 : i32
        scf.if %cond3A_1529 {
          %dma_wait3A = arith.constant 0 : i32
          %dma_wait3A_1538 = tpu.memref_slice %arg4[%dma_wait3A] : memref<100352xi32, #tpu.memory_space<vmem_shared>> -> memref<100352xi32, #tpu.memory_space<vmem_shared>>
          tpu.wait_indirect_dma semaphore(%arg31 : memref<!tpu.dma_semaphore, #tpu.memory_space<semaphore_mem>>) src(%arg35 : memref<1024xi32, #tpu.memory_space<vmem>>) dst(%dma_wait3A_1538 : memref<100352xi32, #tpu.memory_space<vmem_shared>>)
        } else {
        }
        %mul3A_1530 = arith.constant 32 : i32
        %mul3A_1531 = arith.muli %add3A_1355, %mul3A_1530 : i32
        %add3A_1532 = arith.addi %add3A, %mul3A_1531 : i32
        %lt3A_1533 = arith.constant 3125 : i32
        %lt3A_1534 = arith.cmpi slt, %add3A_1532, %lt3A_1533 : i32
        %convert_element_type3A_1535 = arith.extui %lt3A_1534 : i1 to i32
        %cond3A_1536 = arith.constant 0 : i32
        %cond3A_1537 = arith.cmpi ne, %convert_element_type3A_1535, %cond3A_1536 : i32
        scf.if %cond3A_1537 {
          %mul3A_1538 = arith.constant 32 : i32
          %mul3A_1539 = arith.muli %add3A_1355, %mul3A_1538 : i32
          %add3A_1540 = arith.addi %add3A, %mul3A_1539 : i32
          %mul3A_1541 = arith.constant 1024 : i32
          %mul3A_1542 = arith.muli %add3A_1540, %mul3A_1541 : i32
          %dma_start3A = tpu.memref_slice %arg2[%mul3A_1542] : memref<3200000xi32, #tpu.memory_space<hbm>> -> memref<1024xi32, #tpu.memory_space<hbm>>
          %dma_start3A_1543 = tpu.memref_slice %arg2[%mul3A_1542] : memref<3200000xi32, #tpu.memory_space<hbm>> -> memref<1024xi32, #tpu.memory_space<hbm>>
          tpu.enqueue_dma source(%dma_start3A_1543 : memref<1024xi32, #tpu.memory_space<hbm>>) target(%arg11 : memref<1024xi32, #tpu.memory_space<vmem>>) target_semaphore(%arg21 : memref<!tpu.dma_semaphore, #tpu.memory_space<semaphore_mem>>)
        } else {
        }
      } else {
      }
      %sub3A_1361 = arith.constant 3 : i32
      %sub3A_1362 = arith.subi %add3A_1355, %sub3A_1361 : i32
      %lt3A_1363 = arith.constant 98 : i32
      %lt3A_1364 = arith.cmpi slt, %sub3A_1362, %lt3A_1363 : i32
      %mul3A_1365 = arith.constant 32 : i32
      %mul3A_1366 = arith.muli %sub3A_1362, %mul3A_1365 : i32
      %add3A_1367 = arith.addi %add3A, %mul3A_1366 : i32
      %lt3A_1368 = arith.constant 3125 : i32
      %lt3A_1369 = arith.cmpi slt, %add3A_1367, %lt3A_1368 : i32
      %and3A_1370 = arith.andi %lt3A_1364, %lt3A_1369 : i1
      %convert_element_type3A_1371 = arith.extui %and3A_1370 : i1 to i32
      %cond3A_1372 = arith.constant 0 : i32
      %cond3A_1373 = arith.cmpi ne, %convert_element_type3A_1371, %cond3A_1372 : i32
      scf.if %cond3A_1373 {
        %mul3A_1518 = arith.constant 32 : i32
        %mul3A_1519 = arith.muli %sub3A_1362, %mul3A_1518 : i32
        %add3A_1520 = arith.addi %add3A, %mul3A_1519 : i32
        %mul3A_1521 = arith.constant 1024 : i32
        %mul3A_1522 = arith.muli %add3A_1520, %mul3A_1521 : i32
        %dma_wait3A = tpu.memref_slice %arg2[%mul3A_1522] : memref<3200000xi32, #tpu.memory_space<hbm>> -> memref<1024xi32, #tpu.memory_space<hbm>>
        %dma_wait3A_1523 = tpu.memref_slice %arg2[%mul3A_1522] : memref<3200000xi32, #tpu.memory_space<hbm>> -> memref<1024xi32, #tpu.memory_space<hbm>>
        tpu.wait_dma2 semaphore(%arg18 : memref<!tpu.dma_semaphore, #tpu.memory_space<semaphore_mem>>) src(%dma_wait3A_1523 : memref<1024xi32, #tpu.memory_space<hbm>>) dst(%arg8 : memref<1024xi32, #tpu.memory_space<vmem>>)
        %dma_start3A = arith.constant 0 : i32
        %dma_start3A_1524 = tpu.memref_slice %arg4[%dma_start3A] : memref<100352xi32, #tpu.memory_space<vmem_shared>> -> memref<100352xi32, #tpu.memory_space<vmem_shared>>
        tpu.enqueue_indirect_dma source(%arg35 : memref<1024xi32, #tpu.memory_space<vmem>>) target(%dma_start3A_1524 : memref<100352xi32, #tpu.memory_space<vmem_shared>>) offsets(%arg8 : memref<1024xi32, #tpu.memory_space<vmem>>) semaphore(%arg28 : memref<!tpu.dma_semaphore, #tpu.memory_space<semaphore_mem>>) {add = true}
      } else {
      }
      %mul3A_1374 = arith.constant 10 : i32
      %mul3A_1375 = arith.muli %scan3A_1279, %mul3A_1374 : i32
      %add3A_1376 = arith.constant 4 : i32
      %add3A_1377 = arith.addi %mul3A_1375, %add3A_1376 : i32
      %add3A_1378 = arith.constant 3 : i32
      %add3A_1379 = arith.addi %add3A_1377, %add3A_1378 : i32
      %lt3A_1380 = arith.constant 98 : i32
      %lt3A_1381 = arith.cmpi slt, %add3A_1379, %lt3A_1380 : i32
      %convert_element_type3A_1382 = arith.extui %lt3A_1381 : i1 to i32
      %cond3A_1383 = arith.constant 0 : i32
      %cond3A_1384 = arith.cmpi ne, %convert_element_type3A_1382, %cond3A_1383 : i32
      scf.if %cond3A_1384 {
        %sub3A_1518 = arith.constant 10 : i32
        %sub3A_1519 = arith.subi %add3A_1379, %sub3A_1518 : i32
        %ge3A = arith.constant 0 : i32
        %ge3A_1520 = arith.cmpi sge, %sub3A_1519, %ge3A : i32
        %mul3A_1521 = arith.constant 32 : i32
        %mul3A_1522 = arith.muli %sub3A_1519, %mul3A_1521 : i32
        %add3A_1523 = arith.addi %add3A, %mul3A_1522 : i32
        %lt3A_1524 = arith.constant 3125 : i32
        %lt3A_1525 = arith.cmpi slt, %add3A_1523, %lt3A_1524 : i32
        %and3A_1526 = arith.andi %ge3A_1520, %lt3A_1525 : i1
        %convert_element_type3A_1527 = arith.extui %and3A_1526 : i1 to i32
        %cond3A_1528 = arith.constant 0 : i32
        %cond3A_1529 = arith.cmpi ne, %convert_element_type3A_1527, %cond3A_1528 : i32
        scf.if %cond3A_1529 {
          %dma_wait3A = arith.constant 0 : i32
          %dma_wait3A_1538 = tpu.memref_slice %arg4[%dma_wait3A] : memref<100352xi32, #tpu.memory_space<vmem_shared>> -> memref<100352xi32, #tpu.memory_space<vmem_shared>>
          tpu.wait_indirect_dma semaphore(%arg32 : memref<!tpu.dma_semaphore, #tpu.memory_space<semaphore_mem>>) src(%arg35 : memref<1024xi32, #tpu.memory_space<vmem>>) dst(%dma_wait3A_1538 : memref<100352xi32, #tpu.memory_space<vmem_shared>>)
        } else {
        }
        %mul3A_1530 = arith.constant 32 : i32
        %mul3A_1531 = arith.muli %add3A_1379, %mul3A_1530 : i32
        %add3A_1532 = arith.addi %add3A, %mul3A_1531 : i32
        %lt3A_1533 = arith.constant 3125 : i32
        %lt3A_1534 = arith.cmpi slt, %add3A_1532, %lt3A_1533 : i32
        %convert_element_type3A_1535 = arith.extui %lt3A_1534 : i1 to i32
        %cond3A_1536 = arith.constant 0 : i32
        %cond3A_1537 = arith.cmpi ne, %convert_element_type3A_1535, %cond3A_1536 : i32
        scf.if %cond3A_1537 {
          %mul3A_1538 = arith.constant 32 : i32
          %mul3A_1539 = arith.muli %add3A_1379, %mul3A_1538 : i32
          %add3A_1540 = arith.addi %add3A, %mul3A_1539 : i32
          %mul3A_1541 = arith.constant 1024 : i32
          %mul3A_1542 = arith.muli %add3A_1540, %mul3A_1541 : i32
          %dma_start3A = tpu.memref_slice %arg2[%mul3A_1542] : memref<3200000xi32, #tpu.memory_space<hbm>> -> memref<1024xi32, #tpu.memory_space<hbm>>
          %dma_start3A_1543 = tpu.memref_slice %arg2[%mul3A_1542] : memref<3200000xi32, #tpu.memory_space<hbm>> -> memref<1024xi32, #tpu.memory_space<hbm>>
          tpu.enqueue_dma source(%dma_start3A_1543 : memref<1024xi32, #tpu.memory_space<hbm>>) target(%arg12 : memref<1024xi32, #tpu.memory_space<vmem>>) target_semaphore(%arg22 : memref<!tpu.dma_semaphore, #tpu.memory_space<semaphore_mem>>)
        } else {
        }
      } else {
      }
      %sub3A_1385 = arith.constant 3 : i32
      %sub3A_1386 = arith.subi %add3A_1379, %sub3A_1385 : i32
      %lt3A_1387 = arith.constant 98 : i32
      %lt3A_1388 = arith.cmpi slt, %sub3A_1386, %lt3A_1387 : i32
      %mul3A_1389 = arith.constant 32 : i32
      %mul3A_1390 = arith.muli %sub3A_1386, %mul3A_1389 : i32
      %add3A_1391 = arith.addi %add3A, %mul3A_1390 : i32
      %lt3A_1392 = arith.constant 3125 : i32
      %lt3A_1393 = arith.cmpi slt, %add3A_1391, %lt3A_1392 : i32
      %and3A_1394 = arith.andi %lt3A_1388, %lt3A_1393 : i1
      %convert_element_type3A_1395 = arith.extui %and3A_1394 : i1 to i32
      %cond3A_1396 = arith.constant 0 : i32
      %cond3A_1397 = arith.cmpi ne, %convert_element_type3A_1395, %cond3A_1396 : i32
      scf.if %cond3A_1397 {
        %mul3A_1518 = arith.constant 32 : i32
        %mul3A_1519 = arith.muli %sub3A_1386, %mul3A_1518 : i32
        %add3A_1520 = arith.addi %add3A, %mul3A_1519 : i32
        %mul3A_1521 = arith.constant 1024 : i32
        %mul3A_1522 = arith.muli %add3A_1520, %mul3A_1521 : i32
        %dma_wait3A = tpu.memref_slice %arg2[%mul3A_1522] : memref<3200000xi32, #tpu.memory_space<hbm>> -> memref<1024xi32, #tpu.memory_space<hbm>>
        %dma_wait3A_1523 = tpu.memref_slice %arg2[%mul3A_1522] : memref<3200000xi32, #tpu.memory_space<hbm>> -> memref<1024xi32, #tpu.memory_space<hbm>>
        tpu.wait_dma2 semaphore(%arg19 : memref<!tpu.dma_semaphore, #tpu.memory_space<semaphore_mem>>) src(%dma_wait3A_1523 : memref<1024xi32, #tpu.memory_space<hbm>>) dst(%arg9 : memref<1024xi32, #tpu.memory_space<vmem>>)
        %dma_start3A = arith.constant 0 : i32
        %dma_start3A_1524 = tpu.memref_slice %arg4[%dma_start3A] : memref<100352xi32, #tpu.memory_space<vmem_shared>> -> memref<100352xi32, #tpu.memory_space<vmem_shared>>
        tpu.enqueue_indirect_dma source(%arg35 : memref<1024xi32, #tpu.memory_space<vmem>>) target(%dma_start3A_1524 : memref<100352xi32, #tpu.memory_space<vmem_shared>>) offsets(%arg9 : memref<1024xi32, #tpu.memory_space<vmem>>) semaphore(%arg29 : memref<!tpu.dma_semaphore, #tpu.memory_space<semaphore_mem>>) {add = true}
      } else {
      }
      %mul3A_1398 = arith.constant 10 : i32
      %mul3A_1399 = arith.muli %scan3A_1279, %mul3A_1398 : i32
      %add3A_1400 = arith.constant 5 : i32
      %add3A_1401 = arith.addi %mul3A_1399, %add3A_1400 : i32
      %add3A_1402 = arith.constant 3 : i32
      %add3A_1403 = arith.addi %add3A_1401, %add3A_1402 : i32
      %lt3A_1404 = arith.constant 98 : i32
      %lt3A_1405 = arith.cmpi slt, %add3A_1403, %lt3A_1404 : i32
      %convert_element_type3A_1406 = arith.extui %lt3A_1405 : i1 to i32
      %cond3A_1407 = arith.constant 0 : i32
      %cond3A_1408 = arith.cmpi ne, %convert_element_type3A_1406, %cond3A_1407 : i32
      scf.if %cond3A_1408 {
        %sub3A_1518 = arith.constant 10 : i32
        %sub3A_1519 = arith.subi %add3A_1403, %sub3A_1518 : i32
        %ge3A = arith.constant 0 : i32
        %ge3A_1520 = arith.cmpi sge, %sub3A_1519, %ge3A : i32
        %mul3A_1521 = arith.constant 32 : i32
        %mul3A_1522 = arith.muli %sub3A_1519, %mul3A_1521 : i32
        %add3A_1523 = arith.addi %add3A, %mul3A_1522 : i32
        %lt3A_1524 = arith.constant 3125 : i32
        %lt3A_1525 = arith.cmpi slt, %add3A_1523, %lt3A_1524 : i32
        %and3A_1526 = arith.andi %ge3A_1520, %lt3A_1525 : i1
        %convert_element_type3A_1527 = arith.extui %and3A_1526 : i1 to i32
        %cond3A_1528 = arith.constant 0 : i32
        %cond3A_1529 = arith.cmpi ne, %convert_element_type3A_1527, %cond3A_1528 : i32
        scf.if %cond3A_1529 {
          %dma_wait3A = arith.constant 0 : i32
          %dma_wait3A_1538 = tpu.memref_slice %arg4[%dma_wait3A] : memref<100352xi32, #tpu.memory_space<vmem_shared>> -> memref<100352xi32, #tpu.memory_space<vmem_shared>>
          tpu.wait_indirect_dma semaphore(%arg33 : memref<!tpu.dma_semaphore, #tpu.memory_space<semaphore_mem>>) src(%arg35 : memref<1024xi32, #tpu.memory_space<vmem>>) dst(%dma_wait3A_1538 : memref<100352xi32, #tpu.memory_space<vmem_shared>>)
        } else {
        }
        %mul3A_1530 = arith.constant 32 : i32
        %mul3A_1531 = arith.muli %add3A_1403, %mul3A_1530 : i32
        %add3A_1532 = arith.addi %add3A, %mul3A_1531 : i32
        %lt3A_1533 = arith.constant 3125 : i32
        %lt3A_1534 = arith.cmpi slt, %add3A_1532, %lt3A_1533 : i32
        %convert_element_type3A_1535 = arith.extui %lt3A_1534 : i1 to i32
        %cond3A_1536 = arith.constant 0 : i32
        %cond3A_1537 = arith.cmpi ne, %convert_element_type3A_1535, %cond3A_1536 : i32
        scf.if %cond3A_1537 {
          %mul3A_1538 = arith.constant 32 : i32
          %mul3A_1539 = arith.muli %add3A_1403, %mul3A_1538 : i32
          %add3A_1540 = arith.addi %add3A, %mul3A_1539 : i32
          %mul3A_1541 = arith.constant 1024 : i32
          %mul3A_1542 = arith.muli %add3A_1540, %mul3A_1541 : i32
          %dma_start3A = tpu.memref_slice %arg2[%mul3A_1542] : memref<3200000xi32, #tpu.memory_space<hbm>> -> memref<1024xi32, #tpu.memory_space<hbm>>
          %dma_start3A_1543 = tpu.memref_slice %arg2[%mul3A_1542] : memref<3200000xi32, #tpu.memory_space<hbm>> -> memref<1024xi32, #tpu.memory_space<hbm>>
          tpu.enqueue_dma source(%dma_start3A_1543 : memref<1024xi32, #tpu.memory_space<hbm>>) target(%arg13 : memref<1024xi32, #tpu.memory_space<vmem>>) target_semaphore(%arg23 : memref<!tpu.dma_semaphore, #tpu.memory_space<semaphore_mem>>)
        } else {
        }
      } else {
      }
      %sub3A_1409 = arith.constant 3 : i32
      %sub3A_1410 = arith.subi %add3A_1403, %sub3A_1409 : i32
      %lt3A_1411 = arith.constant 98 : i32
      %lt3A_1412 = arith.cmpi slt, %sub3A_1410, %lt3A_1411 : i32
      %mul3A_1413 = arith.constant 32 : i32
      %mul3A_1414 = arith.muli %sub3A_1410, %mul3A_1413 : i32
      %add3A_1415 = arith.addi %add3A, %mul3A_1414 : i32
      %lt3A_1416 = arith.constant 3125 : i32
      %lt3A_1417 = arith.cmpi slt, %add3A_1415, %lt3A_1416 : i32
      %and3A_1418 = arith.andi %lt3A_1412, %lt3A_1417 : i1
      %convert_element_type3A_1419 = arith.extui %and3A_1418 : i1 to i32
      %cond3A_1420 = arith.constant 0 : i32
      %cond3A_1421 = arith.cmpi ne, %convert_element_type3A_1419, %cond3A_1420 : i32
      scf.if %cond3A_1421 {
        %mul3A_1518 = arith.constant 32 : i32
        %mul3A_1519 = arith.muli %sub3A_1410, %mul3A_1518 : i32
        %add3A_1520 = arith.addi %add3A, %mul3A_1519 : i32
        %mul3A_1521 = arith.constant 1024 : i32
        %mul3A_1522 = arith.muli %add3A_1520, %mul3A_1521 : i32
        %dma_wait3A = tpu.memref_slice %arg2[%mul3A_1522] : memref<3200000xi32, #tpu.memory_space<hbm>> -> memref<1024xi32, #tpu.memory_space<hbm>>
        %dma_wait3A_1523 = tpu.memref_slice %arg2[%mul3A_1522] : memref<3200000xi32, #tpu.memory_space<hbm>> -> memref<1024xi32, #tpu.memory_space<hbm>>
        tpu.wait_dma2 semaphore(%arg20 : memref<!tpu.dma_semaphore, #tpu.memory_space<semaphore_mem>>) src(%dma_wait3A_1523 : memref<1024xi32, #tpu.memory_space<hbm>>) dst(%arg10 : memref<1024xi32, #tpu.memory_space<vmem>>)
        %dma_start3A = arith.constant 0 : i32
        %dma_start3A_1524 = tpu.memref_slice %arg4[%dma_start3A] : memref<100352xi32, #tpu.memory_space<vmem_shared>> -> memref<100352xi32, #tpu.memory_space<vmem_shared>>
        tpu.enqueue_indirect_dma source(%arg35 : memref<1024xi32, #tpu.memory_space<vmem>>) target(%dma_start3A_1524 : memref<100352xi32, #tpu.memory_space<vmem_shared>>) offsets(%arg10 : memref<1024xi32, #tpu.memory_space<vmem>>) semaphore(%arg30 : memref<!tpu.dma_semaphore, #tpu.memory_space<semaphore_mem>>) {add = true}
      } else {
      }
      %mul3A_1422 = arith.constant 10 : i32
      %mul3A_1423 = arith.muli %scan3A_1279, %mul3A_1422 : i32
      %add3A_1424 = arith.constant 6 : i32
      %add3A_1425 = arith.addi %mul3A_1423, %add3A_1424 : i32
      %add3A_1426 = arith.constant 3 : i32
      %add3A_1427 = arith.addi %add3A_1425, %add3A_1426 : i32
      %lt3A_1428 = arith.constant 98 : i32
      %lt3A_1429 = arith.cmpi slt, %add3A_1427, %lt3A_1428 : i32
      %convert_element_type3A_1430 = arith.extui %lt3A_1429 : i1 to i32
      %cond3A_1431 = arith.constant 0 : i32
      %cond3A_1432 = arith.cmpi ne, %convert_element_type3A_1430, %cond3A_1431 : i32
      scf.if %cond3A_1432 {
        %sub3A_1518 = arith.constant 10 : i32
        %sub3A_1519 = arith.subi %add3A_1427, %sub3A_1518 : i32
        %ge3A = arith.constant 0 : i32
        %ge3A_1520 = arith.cmpi sge, %sub3A_1519, %ge3A : i32
        %mul3A_1521 = arith.constant 32 : i32
        %mul3A_1522 = arith.muli %sub3A_1519, %mul3A_1521 : i32
        %add3A_1523 = arith.addi %add3A, %mul3A_1522 : i32
        %lt3A_1524 = arith.constant 3125 : i32
        %lt3A_1525 = arith.cmpi slt, %add3A_1523, %lt3A_1524 : i32
        %and3A_1526 = arith.andi %ge3A_1520, %lt3A_1525 : i1
        %convert_element_type3A_1527 = arith.extui %and3A_1526 : i1 to i32
        %cond3A_1528 = arith.constant 0 : i32
        %cond3A_1529 = arith.cmpi ne, %convert_element_type3A_1527, %cond3A_1528 : i32
        scf.if %cond3A_1529 {
          %dma_wait3A = arith.constant 0 : i32
          %dma_wait3A_1538 = tpu.memref_slice %arg4[%dma_wait3A] : memref<100352xi32, #tpu.memory_space<vmem_shared>> -> memref<100352xi32, #tpu.memory_space<vmem_shared>>
          tpu.wait_indirect_dma semaphore(%arg34 : memref<!tpu.dma_semaphore, #tpu.memory_space<semaphore_mem>>) src(%arg35 : memref<1024xi32, #tpu.memory_space<vmem>>) dst(%dma_wait3A_1538 : memref<100352xi32, #tpu.memory_space<vmem_shared>>)
        } else {
        }
        %mul3A_1530 = arith.constant 32 : i32
        %mul3A_1531 = arith.muli %add3A_1427, %mul3A_1530 : i32
        %add3A_1532 = arith.addi %add3A, %mul3A_1531 : i32
        %lt3A_1533 = arith.constant 3125 : i32
        %lt3A_1534 = arith.cmpi slt, %add3A_1532, %lt3A_1533 : i32
        %convert_element_type3A_1535 = arith.extui %lt3A_1534 : i1 to i32
        %cond3A_1536 = arith.constant 0 : i32
        %cond3A_1537 = arith.cmpi ne, %convert_element_type3A_1535, %cond3A_1536 : i32
        scf.if %cond3A_1537 {
          %mul3A_1538 = arith.constant 32 : i32
          %mul3A_1539 = arith.muli %add3A_1427, %mul3A_1538 : i32
          %add3A_1540 = arith.addi %add3A, %mul3A_1539 : i32
          %mul3A_1541 = arith.constant 1024 : i32
          %mul3A_1542 = arith.muli %add3A_1540, %mul3A_1541 : i32
          %dma_start3A = tpu.memref_slice %arg2[%mul3A_1542] : memref<3200000xi32, #tpu.memory_space<hbm>> -> memref<1024xi32, #tpu.memory_space<hbm>>
          %dma_start3A_1543 = tpu.memref_slice %arg2[%mul3A_1542] : memref<3200000xi32, #tpu.memory_space<hbm>> -> memref<1024xi32, #tpu.memory_space<hbm>>
          tpu.enqueue_dma source(%dma_start3A_1543 : memref<1024xi32, #tpu.memory_space<hbm>>) target(%arg14 : memref<1024xi32, #tpu.memory_space<vmem>>) target_semaphore(%arg24 : memref<!tpu.dma_semaphore, #tpu.memory_space<semaphore_mem>>)
        } else {
        }
      } else {
      }
      %sub3A_1433 = arith.constant 3 : i32
      %sub3A_1434 = arith.subi %add3A_1427, %sub3A_1433 : i32
      %lt3A_1435 = arith.constant 98 : i32
      %lt3A_1436 = arith.cmpi slt, %sub3A_1434, %lt3A_1435 : i32
      %mul3A_1437 = arith.constant 32 : i32
      %mul3A_1438 = arith.muli %sub3A_1434, %mul3A_1437 : i32
      %add3A_1439 = arith.addi %add3A, %mul3A_1438 : i32
      %lt3A_1440 = arith.constant 3125 : i32
      %lt3A_1441 = arith.cmpi slt, %add3A_1439, %lt3A_1440 : i32
      %and3A_1442 = arith.andi %lt3A_1436, %lt3A_1441 : i1
      %convert_element_type3A_1443 = arith.extui %and3A_1442 : i1 to i32
      %cond3A_1444 = arith.constant 0 : i32
      %cond3A_1445 = arith.cmpi ne, %convert_element_type3A_1443, %cond3A_1444 : i32
      scf.if %cond3A_1445 {
        %mul3A_1518 = arith.constant 32 : i32
        %mul3A_1519 = arith.muli %sub3A_1434, %mul3A_1518 : i32
        %add3A_1520 = arith.addi %add3A, %mul3A_1519 : i32
        %mul3A_1521 = arith.constant 1024 : i32
        %mul3A_1522 = arith.muli %add3A_1520, %mul3A_1521 : i32
        %dma_wait3A = tpu.memref_slice %arg2[%mul3A_1522] : memref<3200000xi32, #tpu.memory_space<hbm>> -> memref<1024xi32, #tpu.memory_space<hbm>>
        %dma_wait3A_1523 = tpu.memref_slice %arg2[%mul3A_1522] : memref<3200000xi32, #tpu.memory_space<hbm>> -> memref<1024xi32, #tpu.memory_space<hbm>>
        tpu.wait_dma2 semaphore(%arg21 : memref<!tpu.dma_semaphore, #tpu.memory_space<semaphore_mem>>) src(%dma_wait3A_1523 : memref<1024xi32, #tpu.memory_space<hbm>>) dst(%arg11 : memref<1024xi32, #tpu.memory_space<vmem>>)
        %dma_start3A = arith.constant 0 : i32
        %dma_start3A_1524 = tpu.memref_slice %arg4[%dma_start3A] : memref<100352xi32, #tpu.memory_space<vmem_shared>> -> memref<100352xi32, #tpu.memory_space<vmem_shared>>
        tpu.enqueue_indirect_dma source(%arg35 : memref<1024xi32, #tpu.memory_space<vmem>>) target(%dma_start3A_1524 : memref<100352xi32, #tpu.memory_space<vmem_shared>>) offsets(%arg11 : memref<1024xi32, #tpu.memory_space<vmem>>) semaphore(%arg31 : memref<!tpu.dma_semaphore, #tpu.memory_space<semaphore_mem>>) {add = true}
      } else {
      }
      %mul3A_1446 = arith.constant 10 : i32
      %mul3A_1447 = arith.muli %scan3A_1279, %mul3A_1446 : i32
      %add3A_1448 = arith.constant 7 : i32
      %add3A_1449 = arith.addi %mul3A_1447, %add3A_1448 : i32
      %add3A_1450 = arith.constant 3 : i32
      %add3A_1451 = arith.addi %add3A_1449, %add3A_1450 : i32
      %lt3A_1452 = arith.constant 98 : i32
      %lt3A_1453 = arith.cmpi slt, %add3A_1451, %lt3A_1452 : i32
      %convert_element_type3A_1454 = arith.extui %lt3A_1453 : i1 to i32
      %cond3A_1455 = arith.constant 0 : i32
      %cond3A_1456 = arith.cmpi ne, %convert_element_type3A_1454, %cond3A_1455 : i32
      scf.if %cond3A_1456 {
        %sub3A_1518 = arith.constant 10 : i32
        %sub3A_1519 = arith.subi %add3A_1451, %sub3A_1518 : i32
        %ge3A = arith.constant 0 : i32
        %ge3A_1520 = arith.cmpi sge, %sub3A_1519, %ge3A : i32
        %mul3A_1521 = arith.constant 32 : i32
        %mul3A_1522 = arith.muli %sub3A_1519, %mul3A_1521 : i32
        %add3A_1523 = arith.addi %add3A, %mul3A_1522 : i32
        %lt3A_1524 = arith.constant 3125 : i32
        %lt3A_1525 = arith.cmpi slt, %add3A_1523, %lt3A_1524 : i32
        %and3A_1526 = arith.andi %ge3A_1520, %lt3A_1525 : i1
        %convert_element_type3A_1527 = arith.extui %and3A_1526 : i1 to i32
        %cond3A_1528 = arith.constant 0 : i32
        %cond3A_1529 = arith.cmpi ne, %convert_element_type3A_1527, %cond3A_1528 : i32
        scf.if %cond3A_1529 {
          %dma_wait3A = arith.constant 0 : i32
          %dma_wait3A_1538 = tpu.memref_slice %arg4[%dma_wait3A] : memref<100352xi32, #tpu.memory_space<vmem_shared>> -> memref<100352xi32, #tpu.memory_space<vmem_shared>>
          tpu.wait_indirect_dma semaphore(%arg25 : memref<!tpu.dma_semaphore, #tpu.memory_space<semaphore_mem>>) src(%arg35 : memref<1024xi32, #tpu.memory_space<vmem>>) dst(%dma_wait3A_1538 : memref<100352xi32, #tpu.memory_space<vmem_shared>>)
        } else {
        }
        %mul3A_1530 = arith.constant 32 : i32
        %mul3A_1531 = arith.muli %add3A_1451, %mul3A_1530 : i32
        %add3A_1532 = arith.addi %add3A, %mul3A_1531 : i32
        %lt3A_1533 = arith.constant 3125 : i32
        %lt3A_1534 = arith.cmpi slt, %add3A_1532, %lt3A_1533 : i32
        %convert_element_type3A_1535 = arith.extui %lt3A_1534 : i1 to i32
        %cond3A_1536 = arith.constant 0 : i32
        %cond3A_1537 = arith.cmpi ne, %convert_element_type3A_1535, %cond3A_1536 : i32
        scf.if %cond3A_1537 {
          %mul3A_1538 = arith.constant 32 : i32
          %mul3A_1539 = arith.muli %add3A_1451, %mul3A_1538 : i32
          %add3A_1540 = arith.addi %add3A, %mul3A_1539 : i32
          %mul3A_1541 = arith.constant 1024 : i32
          %mul3A_1542 = arith.muli %add3A_1540, %mul3A_1541 : i32
          %dma_start3A = tpu.memref_slice %arg2[%mul3A_1542] : memref<3200000xi32, #tpu.memory_space<hbm>> -> memref<1024xi32, #tpu.memory_space<hbm>>
          %dma_start3A_1543 = tpu.memref_slice %arg2[%mul3A_1542] : memref<3200000xi32, #tpu.memory_space<hbm>> -> memref<1024xi32, #tpu.memory_space<hbm>>
          tpu.enqueue_dma source(%dma_start3A_1543 : memref<1024xi32, #tpu.memory_space<hbm>>) target(%arg5 : memref<1024xi32, #tpu.memory_space<vmem>>) target_semaphore(%arg15 : memref<!tpu.dma_semaphore, #tpu.memory_space<semaphore_mem>>)
        } else {
        }
      } else {
      }
      %sub3A_1457 = arith.constant 3 : i32
      %sub3A_1458 = arith.subi %add3A_1451, %sub3A_1457 : i32
      %lt3A_1459 = arith.constant 98 : i32
      %lt3A_1460 = arith.cmpi slt, %sub3A_1458, %lt3A_1459 : i32
      %mul3A_1461 = arith.constant 32 : i32
      %mul3A_1462 = arith.muli %sub3A_1458, %mul3A_1461 : i32
      %add3A_1463 = arith.addi %add3A, %mul3A_1462 : i32
      %lt3A_1464 = arith.constant 3125 : i32
      %lt3A_1465 = arith.cmpi slt, %add3A_1463, %lt3A_1464 : i32
      %and3A_1466 = arith.andi %lt3A_1460, %lt3A_1465 : i1
      %convert_element_type3A_1467 = arith.extui %and3A_1466 : i1 to i32
      %cond3A_1468 = arith.constant 0 : i32
      %cond3A_1469 = arith.cmpi ne, %convert_element_type3A_1467, %cond3A_1468 : i32
      scf.if %cond3A_1469 {
        %mul3A_1518 = arith.constant 32 : i32
        %mul3A_1519 = arith.muli %sub3A_1458, %mul3A_1518 : i32
        %add3A_1520 = arith.addi %add3A, %mul3A_1519 : i32
        %mul3A_1521 = arith.constant 1024 : i32
        %mul3A_1522 = arith.muli %add3A_1520, %mul3A_1521 : i32
        %dma_wait3A = tpu.memref_slice %arg2[%mul3A_1522] : memref<3200000xi32, #tpu.memory_space<hbm>> -> memref<1024xi32, #tpu.memory_space<hbm>>
        %dma_wait3A_1523 = tpu.memref_slice %arg2[%mul3A_1522] : memref<3200000xi32, #tpu.memory_space<hbm>> -> memref<1024xi32, #tpu.memory_space<hbm>>
        tpu.wait_dma2 semaphore(%arg22 : memref<!tpu.dma_semaphore, #tpu.memory_space<semaphore_mem>>) src(%dma_wait3A_1523 : memref<1024xi32, #tpu.memory_space<hbm>>) dst(%arg12 : memref<1024xi32, #tpu.memory_space<vmem>>)
        %dma_start3A = arith.constant 0 : i32
        %dma_start3A_1524 = tpu.memref_slice %arg4[%dma_start3A] : memref<100352xi32, #tpu.memory_space<vmem_shared>> -> memref<100352xi32, #tpu.memory_space<vmem_shared>>
        tpu.enqueue_indirect_dma source(%arg35 : memref<1024xi32, #tpu.memory_space<vmem>>) target(%dma_start3A_1524 : memref<100352xi32, #tpu.memory_space<vmem_shared>>) offsets(%arg12 : memref<1024xi32, #tpu.memory_space<vmem>>) semaphore(%arg32 : memref<!tpu.dma_semaphore, #tpu.memory_space<semaphore_mem>>) {add = true}
      } else {
      }
      %mul3A_1470 = arith.constant 10 : i32
      %mul3A_1471 = arith.muli %scan3A_1279, %mul3A_1470 : i32
      %add3A_1472 = arith.constant 8 : i32
      %add3A_1473 = arith.addi %mul3A_1471, %add3A_1472 : i32
      %add3A_1474 = arith.constant 3 : i32
      %add3A_1475 = arith.addi %add3A_1473, %add3A_1474 : i32
      %lt3A_1476 = arith.constant 98 : i32
      %lt3A_1477 = arith.cmpi slt, %add3A_1475, %lt3A_1476 : i32
      %convert_element_type3A_1478 = arith.extui %lt3A_1477 : i1 to i32
      %cond3A_1479 = arith.constant 0 : i32
      %cond3A_1480 = arith.cmpi ne, %convert_element_type3A_1478, %cond3A_1479 : i32
      scf.if %cond3A_1480 {
        %sub3A_1518 = arith.constant 10 : i32
        %sub3A_1519 = arith.subi %add3A_1475, %sub3A_1518 : i32
        %ge3A = arith.constant 0 : i32
        %ge3A_1520 = arith.cmpi sge, %sub3A_1519, %ge3A : i32
        %mul3A_1521 = arith.constant 32 : i32
        %mul3A_1522 = arith.muli %sub3A_1519, %mul3A_1521 : i32
        %add3A_1523 = arith.addi %add3A, %mul3A_1522 : i32
        %lt3A_1524 = arith.constant 3125 : i32
        %lt3A_1525 = arith.cmpi slt, %add3A_1523, %lt3A_1524 : i32
        %and3A_1526 = arith.andi %ge3A_1520, %lt3A_1525 : i1
        %convert_element_type3A_1527 = arith.extui %and3A_1526 : i1 to i32
        %cond3A_1528 = arith.constant 0 : i32
        %cond3A_1529 = arith.cmpi ne, %convert_element_type3A_1527, %cond3A_1528 : i32
        scf.if %cond3A_1529 {
          %dma_wait3A = arith.constant 0 : i32
          %dma_wait3A_1538 = tpu.memref_slice %arg4[%dma_wait3A] : memref<100352xi32, #tpu.memory_space<vmem_shared>> -> memref<100352xi32, #tpu.memory_space<vmem_shared>>
          tpu.wait_indirect_dma semaphore(%arg26 : memref<!tpu.dma_semaphore, #tpu.memory_space<semaphore_mem>>) src(%arg35 : memref<1024xi32, #tpu.memory_space<vmem>>) dst(%dma_wait3A_1538 : memref<100352xi32, #tpu.memory_space<vmem_shared>>)
        } else {
        }
        %mul3A_1530 = arith.constant 32 : i32
        %mul3A_1531 = arith.muli %add3A_1475, %mul3A_1530 : i32
        %add3A_1532 = arith.addi %add3A, %mul3A_1531 : i32
        %lt3A_1533 = arith.constant 3125 : i32
        %lt3A_1534 = arith.cmpi slt, %add3A_1532, %lt3A_1533 : i32
        %convert_element_type3A_1535 = arith.extui %lt3A_1534 : i1 to i32
        %cond3A_1536 = arith.constant 0 : i32
        %cond3A_1537 = arith.cmpi ne, %convert_element_type3A_1535, %cond3A_1536 : i32
        scf.if %cond3A_1537 {
          %mul3A_1538 = arith.constant 32 : i32
          %mul3A_1539 = arith.muli %add3A_1475, %mul3A_1538 : i32
          %add3A_1540 = arith.addi %add3A, %mul3A_1539 : i32
          %mul3A_1541 = arith.constant 1024 : i32
          %mul3A_1542 = arith.muli %add3A_1540, %mul3A_1541 : i32
          %dma_start3A = tpu.memref_slice %arg2[%mul3A_1542] : memref<3200000xi32, #tpu.memory_space<hbm>> -> memref<1024xi32, #tpu.memory_space<hbm>>
          %dma_start3A_1543 = tpu.memref_slice %arg2[%mul3A_1542] : memref<3200000xi32, #tpu.memory_space<hbm>> -> memref<1024xi32, #tpu.memory_space<hbm>>
          tpu.enqueue_dma source(%dma_start3A_1543 : memref<1024xi32, #tpu.memory_space<hbm>>) target(%arg6 : memref<1024xi32, #tpu.memory_space<vmem>>) target_semaphore(%arg16 : memref<!tpu.dma_semaphore, #tpu.memory_space<semaphore_mem>>)
        } else {
        }
      } else {
      }
      %sub3A_1481 = arith.constant 3 : i32
      %sub3A_1482 = arith.subi %add3A_1475, %sub3A_1481 : i32
      %lt3A_1483 = arith.constant 98 : i32
      %lt3A_1484 = arith.cmpi slt, %sub3A_1482, %lt3A_1483 : i32
      %mul3A_1485 = arith.constant 32 : i32
      %mul3A_1486 = arith.muli %sub3A_1482, %mul3A_1485 : i32
      %add3A_1487 = arith.addi %add3A, %mul3A_1486 : i32
      %lt3A_1488 = arith.constant 3125 : i32
      %lt3A_1489 = arith.cmpi slt, %add3A_1487, %lt3A_1488 : i32
      %and3A_1490 = arith.andi %lt3A_1484, %lt3A_1489 : i1
      %convert_element_type3A_1491 = arith.extui %and3A_1490 : i1 to i32
      %cond3A_1492 = arith.constant 0 : i32
      %cond3A_1493 = arith.cmpi ne, %convert_element_type3A_1491, %cond3A_1492 : i32
      scf.if %cond3A_1493 {
        %mul3A_1518 = arith.constant 32 : i32
        %mul3A_1519 = arith.muli %sub3A_1482, %mul3A_1518 : i32
        %add3A_1520 = arith.addi %add3A, %mul3A_1519 : i32
        %mul3A_1521 = arith.constant 1024 : i32
        %mul3A_1522 = arith.muli %add3A_1520, %mul3A_1521 : i32
        %dma_wait3A = tpu.memref_slice %arg2[%mul3A_1522] : memref<3200000xi32, #tpu.memory_space<hbm>> -> memref<1024xi32, #tpu.memory_space<hbm>>
        %dma_wait3A_1523 = tpu.memref_slice %arg2[%mul3A_1522] : memref<3200000xi32, #tpu.memory_space<hbm>> -> memref<1024xi32, #tpu.memory_space<hbm>>
        tpu.wait_dma2 semaphore(%arg23 : memref<!tpu.dma_semaphore, #tpu.memory_space<semaphore_mem>>) src(%dma_wait3A_1523 : memref<1024xi32, #tpu.memory_space<hbm>>) dst(%arg13 : memref<1024xi32, #tpu.memory_space<vmem>>)
        %dma_start3A = arith.constant 0 : i32
        %dma_start3A_1524 = tpu.memref_slice %arg4[%dma_start3A] : memref<100352xi32, #tpu.memory_space<vmem_shared>> -> memref<100352xi32, #tpu.memory_space<vmem_shared>>
        tpu.enqueue_indirect_dma source(%arg35 : memref<1024xi32, #tpu.memory_space<vmem>>) target(%dma_start3A_1524 : memref<100352xi32, #tpu.memory_space<vmem_shared>>) offsets(%arg13 : memref<1024xi32, #tpu.memory_space<vmem>>) semaphore(%arg33 : memref<!tpu.dma_semaphore, #tpu.memory_space<semaphore_mem>>) {add = true}
      } else {
      }
      %mul3A_1494 = arith.constant 10 : i32
      %mul3A_1495 = arith.muli %scan3A_1279, %mul3A_1494 : i32
      %add3A_1496 = arith.constant 9 : i32
      %add3A_1497 = arith.addi %mul3A_1495, %add3A_1496 : i32
      %add3A_1498 = arith.constant 3 : i32
      %add3A_1499 = arith.addi %add3A_1497, %add3A_1498 : i32
      %lt3A_1500 = arith.constant 98 : i32
      %lt3A_1501 = arith.cmpi slt, %add3A_1499, %lt3A_1500 : i32
      %convert_element_type3A_1502 = arith.extui %lt3A_1501 : i1 to i32
      %cond3A_1503 = arith.constant 0 : i32
      %cond3A_1504 = arith.cmpi ne, %convert_element_type3A_1502, %cond3A_1503 : i32
      scf.if %cond3A_1504 {
        %sub3A_1518 = arith.constant 10 : i32
        %sub3A_1519 = arith.subi %add3A_1499, %sub3A_1518 : i32
        %ge3A = arith.constant 0 : i32
        %ge3A_1520 = arith.cmpi sge, %sub3A_1519, %ge3A : i32
        %mul3A_1521 = arith.constant 32 : i32
        %mul3A_1522 = arith.muli %sub3A_1519, %mul3A_1521 : i32
        %add3A_1523 = arith.addi %add3A, %mul3A_1522 : i32
        %lt3A_1524 = arith.constant 3125 : i32
        %lt3A_1525 = arith.cmpi slt, %add3A_1523, %lt3A_1524 : i32
        %and3A_1526 = arith.andi %ge3A_1520, %lt3A_1525 : i1
        %convert_element_type3A_1527 = arith.extui %and3A_1526 : i1 to i32
        %cond3A_1528 = arith.constant 0 : i32
        %cond3A_1529 = arith.cmpi ne, %convert_element_type3A_1527, %cond3A_1528 : i32
        scf.if %cond3A_1529 {
          %dma_wait3A = arith.constant 0 : i32
          %dma_wait3A_1538 = tpu.memref_slice %arg4[%dma_wait3A] : memref<100352xi32, #tpu.memory_space<vmem_shared>> -> memref<100352xi32, #tpu.memory_space<vmem_shared>>
          tpu.wait_indirect_dma semaphore(%arg27 : memref<!tpu.dma_semaphore, #tpu.memory_space<semaphore_mem>>) src(%arg35 : memref<1024xi32, #tpu.memory_space<vmem>>) dst(%dma_wait3A_1538 : memref<100352xi32, #tpu.memory_space<vmem_shared>>)
        } else {
        }
        %mul3A_1530 = arith.constant 32 : i32
        %mul3A_1531 = arith.muli %add3A_1499, %mul3A_1530 : i32
        %add3A_1532 = arith.addi %add3A, %mul3A_1531 : i32
        %lt3A_1533 = arith.constant 3125 : i32
        %lt3A_1534 = arith.cmpi slt, %add3A_1532, %lt3A_1533 : i32
        %convert_element_type3A_1535 = arith.extui %lt3A_1534 : i1 to i32
        %cond3A_1536 = arith.constant 0 : i32
        %cond3A_1537 = arith.cmpi ne, %convert_element_type3A_1535, %cond3A_1536 : i32
        scf.if %cond3A_1537 {
          %mul3A_1538 = arith.constant 32 : i32
          %mul3A_1539 = arith.muli %add3A_1499, %mul3A_1538 : i32
          %add3A_1540 = arith.addi %add3A, %mul3A_1539 : i32
          %mul3A_1541 = arith.constant 1024 : i32
          %mul3A_1542 = arith.muli %add3A_1540, %mul3A_1541 : i32
          %dma_start3A = tpu.memref_slice %arg2[%mul3A_1542] : memref<3200000xi32, #tpu.memory_space<hbm>> -> memref<1024xi32, #tpu.memory_space<hbm>>
          %dma_start3A_1543 = tpu.memref_slice %arg2[%mul3A_1542] : memref<3200000xi32, #tpu.memory_space<hbm>> -> memref<1024xi32, #tpu.memory_space<hbm>>
          tpu.enqueue_dma source(%dma_start3A_1543 : memref<1024xi32, #tpu.memory_space<hbm>>) target(%arg7 : memref<1024xi32, #tpu.memory_space<vmem>>) target_semaphore(%arg17 : memref<!tpu.dma_semaphore, #tpu.memory_space<semaphore_mem>>)
        } else {
        }
      } else {
      }
      %sub3A_1505 = arith.constant 3 : i32
      %sub3A_1506 = arith.subi %add3A_1499, %sub3A_1505 : i32
      %lt3A_1507 = arith.constant 98 : i32
      %lt3A_1508 = arith.cmpi slt, %sub3A_1506, %lt3A_1507 : i32
      %mul3A_1509 = arith.constant 32 : i32
      %mul3A_1510 = arith.muli %sub3A_1506, %mul3A_1509 : i32
      %add3A_1511 = arith.addi %add3A, %mul3A_1510 : i32
      %lt3A_1512 = arith.constant 3125 : i32
      %lt3A_1513 = arith.cmpi slt, %add3A_1511, %lt3A_1512 : i32
      %and3A_1514 = arith.andi %lt3A_1508, %lt3A_1513 : i1
      %convert_element_type3A_1515 = arith.extui %and3A_1514 : i1 to i32
      %cond3A_1516 = arith.constant 0 : i32
      %cond3A_1517 = arith.cmpi ne, %convert_element_type3A_1515, %cond3A_1516 : i32
      scf.if %cond3A_1517 {
        %mul3A_1518 = arith.constant 32 : i32
        %mul3A_1519 = arith.muli %sub3A_1506, %mul3A_1518 : i32
        %add3A_1520 = arith.addi %add3A, %mul3A_1519 : i32
        %mul3A_1521 = arith.constant 1024 : i32
        %mul3A_1522 = arith.muli %add3A_1520, %mul3A_1521 : i32
        %dma_wait3A = tpu.memref_slice %arg2[%mul3A_1522] : memref<3200000xi32, #tpu.memory_space<hbm>> -> memref<1024xi32, #tpu.memory_space<hbm>>
        %dma_wait3A_1523 = tpu.memref_slice %arg2[%mul3A_1522] : memref<3200000xi32, #tpu.memory_space<hbm>> -> memref<1024xi32, #tpu.memory_space<hbm>>
        tpu.wait_dma2 semaphore(%arg24 : memref<!tpu.dma_semaphore, #tpu.memory_space<semaphore_mem>>) src(%dma_wait3A_1523 : memref<1024xi32, #tpu.memory_space<hbm>>) dst(%arg14 : memref<1024xi32, #tpu.memory_space<vmem>>)
        %dma_start3A = arith.constant 0 : i32
        %dma_start3A_1524 = tpu.memref_slice %arg4[%dma_start3A] : memref<100352xi32, #tpu.memory_space<vmem_shared>> -> memref<100352xi32, #tpu.memory_space<vmem_shared>>
        tpu.enqueue_indirect_dma source(%arg35 : memref<1024xi32, #tpu.memory_space<vmem>>) target(%dma_start3A_1524 : memref<100352xi32, #tpu.memory_space<vmem_shared>>) offsets(%arg14 : memref<1024xi32, #tpu.memory_space<vmem>>) semaphore(%arg34 : memref<!tpu.dma_semaphore, #tpu.memory_space<semaphore_mem>>) {add = true}
      } else {
      }
    }
    %scan3A_1200 = arith.constant 11 : i32
    %add3A_1201 = arith.constant 2816 : i32
    %add3A_1202 = arith.addi %add3A, %add3A_1201 : i32
    %lt3A_1203 = arith.constant 3125 : i32
    %lt3A_1204 = arith.cmpi slt, %add3A_1202, %lt3A_1203 : i32
    %convert_element_type3A_1205 = arith.extui %lt3A_1204 : i1 to i32
    %cond3A_1206 = arith.constant 0 : i32
    %cond3A_1207 = arith.cmpi ne, %convert_element_type3A_1205, %cond3A_1206 : i32
    scf.if %cond3A_1207 {
      %dma_wait3A = arith.constant 0 : i32
      %dma_wait3A_1279 = tpu.memref_slice %arg4[%dma_wait3A] : memref<100352xi32, #tpu.memory_space<vmem_shared>> -> memref<100352xi32, #tpu.memory_space<vmem_shared>>
      tpu.wait_indirect_dma semaphore(%arg33 : memref<!tpu.dma_semaphore, #tpu.memory_space<semaphore_mem>>) src(%arg35 : memref<1024xi32, #tpu.memory_space<vmem>>) dst(%dma_wait3A_1279 : memref<100352xi32, #tpu.memory_space<vmem_shared>>)
    } else {
    }
    %add3A_1208 = arith.constant 2848 : i32
    %add3A_1209 = arith.addi %add3A, %add3A_1208 : i32
    %lt3A_1210 = arith.constant 3125 : i32
    %lt3A_1211 = arith.cmpi slt, %add3A_1209, %lt3A_1210 : i32
    %convert_element_type3A_1212 = arith.extui %lt3A_1211 : i1 to i32
    %cond3A_1213 = arith.constant 0 : i32
    %cond3A_1214 = arith.cmpi ne, %convert_element_type3A_1212, %cond3A_1213 : i32
    scf.if %cond3A_1214 {
      %dma_wait3A = arith.constant 0 : i32
      %dma_wait3A_1279 = tpu.memref_slice %arg4[%dma_wait3A] : memref<100352xi32, #tpu.memory_space<vmem_shared>> -> memref<100352xi32, #tpu.memory_space<vmem_shared>>
      tpu.wait_indirect_dma semaphore(%arg34 : memref<!tpu.dma_semaphore, #tpu.memory_space<semaphore_mem>>) src(%arg35 : memref<1024xi32, #tpu.memory_space<vmem>>) dst(%dma_wait3A_1279 : memref<100352xi32, #tpu.memory_space<vmem_shared>>)
    } else {
    }
    %add3A_1215 = arith.constant 2880 : i32
    %add3A_1216 = arith.addi %add3A, %add3A_1215 : i32
    %lt3A_1217 = arith.constant 3125 : i32
    %lt3A_1218 = arith.cmpi slt, %add3A_1216, %lt3A_1217 : i32
    %convert_element_type3A_1219 = arith.extui %lt3A_1218 : i1 to i32
    %cond3A_1220 = arith.constant 0 : i32
    %cond3A_1221 = arith.cmpi ne, %convert_element_type3A_1219, %cond3A_1220 : i32
    scf.if %cond3A_1221 {
      %dma_wait3A = arith.constant 0 : i32
      %dma_wait3A_1279 = tpu.memref_slice %arg4[%dma_wait3A] : memref<100352xi32, #tpu.memory_space<vmem_shared>> -> memref<100352xi32, #tpu.memory_space<vmem_shared>>
      tpu.wait_indirect_dma semaphore(%arg25 : memref<!tpu.dma_semaphore, #tpu.memory_space<semaphore_mem>>) src(%arg35 : memref<1024xi32, #tpu.memory_space<vmem>>) dst(%dma_wait3A_1279 : memref<100352xi32, #tpu.memory_space<vmem_shared>>)
    } else {
    }
    %add3A_1222 = arith.constant 2912 : i32
    %add3A_1223 = arith.addi %add3A, %add3A_1222 : i32
    %lt3A_1224 = arith.constant 3125 : i32
    %lt3A_1225 = arith.cmpi slt, %add3A_1223, %lt3A_1224 : i32
    %convert_element_type3A_1226 = arith.extui %lt3A_1225 : i1 to i32
    %cond3A_1227 = arith.constant 0 : i32
    %cond3A_1228 = arith.cmpi ne, %convert_element_type3A_1226, %cond3A_1227 : i32
    scf.if %cond3A_1228 {
      %dma_wait3A = arith.constant 0 : i32
      %dma_wait3A_1279 = tpu.memref_slice %arg4[%dma_wait3A] : memref<100352xi32, #tpu.memory_space<vmem_shared>> -> memref<100352xi32, #tpu.memory_space<vmem_shared>>
      tpu.wait_indirect_dma semaphore(%arg26 : memref<!tpu.dma_semaphore, #tpu.memory_space<semaphore_mem>>) src(%arg35 : memref<1024xi32, #tpu.memory_space<vmem>>) dst(%dma_wait3A_1279 : memref<100352xi32, #tpu.memory_space<vmem_shared>>)
    } else {
    }
    %add3A_1229 = arith.constant 2944 : i32
    %add3A_1230 = arith.addi %add3A, %add3A_1229 : i32
    %lt3A_1231 = arith.constant 3125 : i32
    %lt3A_1232 = arith.cmpi slt, %add3A_1230, %lt3A_1231 : i32
    %convert_element_type3A_1233 = arith.extui %lt3A_1232 : i1 to i32
    %cond3A_1234 = arith.constant 0 : i32
    %cond3A_1235 = arith.cmpi ne, %convert_element_type3A_1233, %cond3A_1234 : i32
    scf.if %cond3A_1235 {
      %dma_wait3A = arith.constant 0 : i32
      %dma_wait3A_1279 = tpu.memref_slice %arg4[%dma_wait3A] : memref<100352xi32, #tpu.memory_space<vmem_shared>> -> memref<100352xi32, #tpu.memory_space<vmem_shared>>
      tpu.wait_indirect_dma semaphore(%arg27 : memref<!tpu.dma_semaphore, #tpu.memory_space<semaphore_mem>>) src(%arg35 : memref<1024xi32, #tpu.memory_space<vmem>>) dst(%dma_wait3A_1279 : memref<100352xi32, #tpu.memory_space<vmem_shared>>)
    } else {
    }
    %add3A_1236 = arith.constant 2976 : i32
    %add3A_1237 = arith.addi %add3A, %add3A_1236 : i32
    %lt3A_1238 = arith.constant 3125 : i32
    %lt3A_1239 = arith.cmpi slt, %add3A_1237, %lt3A_1238 : i32
    %convert_element_type3A_1240 = arith.extui %lt3A_1239 : i1 to i32
    %cond3A_1241 = arith.constant 0 : i32
    %cond3A_1242 = arith.cmpi ne, %convert_element_type3A_1240, %cond3A_1241 : i32
    scf.if %cond3A_1242 {
      %dma_wait3A = arith.constant 0 : i32
      %dma_wait3A_1279 = tpu.memref_slice %arg4[%dma_wait3A] : memref<100352xi32, #tpu.memory_space<vmem_shared>> -> memref<100352xi32, #tpu.memory_space<vmem_shared>>
      tpu.wait_indirect_dma semaphore(%arg28 : memref<!tpu.dma_semaphore, #tpu.memory_space<semaphore_mem>>) src(%arg35 : memref<1024xi32, #tpu.memory_space<vmem>>) dst(%dma_wait3A_1279 : memref<100352xi32, #tpu.memory_space<vmem_shared>>)
    } else {
    }
    %add3A_1243 = arith.constant 3008 : i32
    %add3A_1244 = arith.addi %add3A, %add3A_1243 : i32
    %lt3A_1245 = arith.constant 3125 : i32
    %lt3A_1246 = arith.cmpi slt, %add3A_1244, %lt3A_1245 : i32
    %convert_element_type3A_1247 = arith.extui %lt3A_1246 : i1 to i32
    %cond3A_1248 = arith.constant 0 : i32
    %cond3A_1249 = arith.cmpi ne, %convert_element_type3A_1247, %cond3A_1248 : i32
    scf.if %cond3A_1249 {
      %dma_wait3A = arith.constant 0 : i32
      %dma_wait3A_1279 = tpu.memref_slice %arg4[%dma_wait3A] : memref<100352xi32, #tpu.memory_space<vmem_shared>> -> memref<100352xi32, #tpu.memory_space<vmem_shared>>
      tpu.wait_indirect_dma semaphore(%arg29 : memref<!tpu.dma_semaphore, #tpu.memory_space<semaphore_mem>>) src(%arg35 : memref<1024xi32, #tpu.memory_space<vmem>>) dst(%dma_wait3A_1279 : memref<100352xi32, #tpu.memory_space<vmem_shared>>)
    } else {
    }
    %add3A_1250 = arith.constant 3040 : i32
    %add3A_1251 = arith.addi %add3A, %add3A_1250 : i32
    %lt3A_1252 = arith.constant 3125 : i32
    %lt3A_1253 = arith.cmpi slt, %add3A_1251, %lt3A_1252 : i32
    %convert_element_type3A_1254 = arith.extui %lt3A_1253 : i1 to i32
    %cond3A_1255 = arith.constant 0 : i32
    %cond3A_1256 = arith.cmpi ne, %convert_element_type3A_1254, %cond3A_1255 : i32
    scf.if %cond3A_1256 {
      %dma_wait3A = arith.constant 0 : i32
      %dma_wait3A_1279 = tpu.memref_slice %arg4[%dma_wait3A] : memref<100352xi32, #tpu.memory_space<vmem_shared>> -> memref<100352xi32, #tpu.memory_space<vmem_shared>>
      tpu.wait_indirect_dma semaphore(%arg30 : memref<!tpu.dma_semaphore, #tpu.memory_space<semaphore_mem>>) src(%arg35 : memref<1024xi32, #tpu.memory_space<vmem>>) dst(%dma_wait3A_1279 : memref<100352xi32, #tpu.memory_space<vmem_shared>>)
    } else {
    }
    %add3A_1257 = arith.constant 3072 : i32
    %add3A_1258 = arith.addi %add3A, %add3A_1257 : i32
    %lt3A_1259 = arith.constant 3125 : i32
    %lt3A_1260 = arith.cmpi slt, %add3A_1258, %lt3A_1259 : i32
    %convert_element_type3A_1261 = arith.extui %lt3A_1260 : i1 to i32
    %cond3A_1262 = arith.constant 0 : i32
    %cond3A_1263 = arith.cmpi ne, %convert_element_type3A_1261, %cond3A_1262 : i32
    scf.if %cond3A_1263 {
      %dma_wait3A = arith.constant 0 : i32
      %dma_wait3A_1279 = tpu.memref_slice %arg4[%dma_wait3A] : memref<100352xi32, #tpu.memory_space<vmem_shared>> -> memref<100352xi32, #tpu.memory_space<vmem_shared>>
      tpu.wait_indirect_dma semaphore(%arg31 : memref<!tpu.dma_semaphore, #tpu.memory_space<semaphore_mem>>) src(%arg35 : memref<1024xi32, #tpu.memory_space<vmem>>) dst(%dma_wait3A_1279 : memref<100352xi32, #tpu.memory_space<vmem_shared>>)
    } else {
    }
    %add3A_1264 = arith.constant 3104 : i32
    %add3A_1265 = arith.addi %add3A, %add3A_1264 : i32
    %lt3A_1266 = arith.constant 3125 : i32
    %lt3A_1267 = arith.cmpi slt, %add3A_1265, %lt3A_1266 : i32
    %convert_element_type3A_1268 = arith.extui %lt3A_1267 : i1 to i32
    %cond3A_1269 = arith.constant 0 : i32
    %cond3A_1270 = arith.cmpi ne, %convert_element_type3A_1268, %cond3A_1269 : i32
    scf.if %cond3A_1270 {
      %dma_wait3A = arith.constant 0 : i32
      %dma_wait3A_1279 = tpu.memref_slice %arg4[%dma_wait3A] : memref<100352xi32, #tpu.memory_space<vmem_shared>> -> memref<100352xi32, #tpu.memory_space<vmem_shared>>
      tpu.wait_indirect_dma semaphore(%arg32 : memref<!tpu.dma_semaphore, #tpu.memory_space<semaphore_mem>>) src(%arg35 : memref<1024xi32, #tpu.memory_space<vmem>>) dst(%dma_wait3A_1279 : memref<100352xi32, #tpu.memory_space<vmem_shared>>)
    } else {
    }
    %barrier3A_1271 = arith.constant 0 : index
    tpu.barrier barrier_id(%barrier3A_1271)
    %mul3A_1272 = arith.constant 6272 : i32
    %mul3A_1273 = arith.muli %arg1, %mul3A_1272 : i32
    %mul3A_1274 = arith.constant 100352 : i32
    %mul3A_1275 = arith.muli %arg0, %mul3A_1274 : i32
    %mul3A_1276 = arith.constant 6272 : i32
    %mul3A_1277 = arith.muli %arg1, %mul3A_1276 : i32
    %add3A_1278 = arith.addi %mul3A_1275, %mul3A_1277 : i32
    "tpu.region"() ({
      %run_scoped3A = tpu.sem_alloc : memref<!tpu.dma_semaphore, #tpu.memory_space<semaphore_mem>>
      %dma_start3A = tpu.memref_slice %arg3[%add3A_1278] : memref<200704xi32, #tpu.memory_space<hbm>> -> memref<6272xi32, #tpu.memory_space<hbm>>
      %dma_start3A_1279 = tpu.memref_slice %arg4[%mul3A_1273] : memref<100352xi32, #tpu.memory_space<vmem_shared>> -> memref<6272xi32, #tpu.memory_space<vmem_shared>>
      tpu.enqueue_dma source(%dma_start3A_1279 : memref<6272xi32, #tpu.memory_space<vmem_shared>>) target(%dma_start3A : memref<6272xi32, #tpu.memory_space<hbm>>) target_semaphore(%run_scoped3A : memref<!tpu.dma_semaphore, #tpu.memory_space<semaphore_mem>>)
      %dma_wait3A = tpu.memref_slice %arg3[%add3A_1278] : memref<200704xi32, #tpu.memory_space<hbm>> -> memref<6272xi32, #tpu.memory_space<hbm>>
      %dma_wait3A_1280 = tpu.memref_slice %arg4[%mul3A_1273] : memref<100352xi32, #tpu.memory_space<vmem_shared>> -> memref<6272xi32, #tpu.memory_space<vmem_shared>>
      tpu.wait_dma2 semaphore(%run_scoped3A : memref<!tpu.dma_semaphore, #tpu.memory_space<semaphore_mem>>) src(%dma_wait3A_1280 : memref<6272xi32, #tpu.memory_space<vmem_shared>>) dst(%dma_wait3A : memref<6272xi32, #tpu.memory_space<hbm>>)
      tpu.yield
    }) : () -> ()
    return
  }
}

#map = affine_map<(d0, d1) -> (0)>
#map1 = affine_map<(d0, d1) -> (0, 0)>
module attributes {stable_mosaic.version = 14 : i64} {
  func.func @_encode_kernel(%arg0: i32, %arg1: i32, %arg2: memref<200704xi32, #tpu.memory_space<hbm>>, %arg3: memref<64x128xf32, #tpu.memory_space<hbm>>, %arg4: memref<100000x128xf32, #tpu.memory_space<hbm>>, %arg5: memref<3200xi32, #tpu.memory_space<vmem>>, %arg6: memref<3200xi32, #tpu.memory_space<vmem>>, %arg7: memref<3200xi32, #tpu.memory_space<vmem>>, %arg8: memref<64x128xf32, #tpu.memory_space<vmem_shared>>, %arg9: memref<128x128xf32, #tpu.memory_space<vmem>>, %arg10: memref<128x128xf32, #tpu.memory_space<vmem>>, %arg11: memref<128x128xf32, #tpu.memory_space<vmem>>, %arg12: memref<128x128xf32, #tpu.memory_space<vmem>>, %arg13: memref<!tpu.dma_semaphore, #tpu.memory_space<semaphore_mem>>, %arg14: memref<!tpu.dma_semaphore, #tpu.memory_space<semaphore_mem>>, %arg15: memref<!tpu.dma_semaphore, #tpu.memory_space<semaphore_mem>>, %arg16: memref<!tpu.dma_semaphore, #tpu.memory_space<semaphore_mem>>) attributes {dimension_semantics = [#tpu.dimension_semantics<core_parallel>, #tpu.dimension_semantics<subcore_parallel>], iteration_bounds = array<i64: 2, 16>, scalar_prefetch = 0 : i64, scratch_operands = 12 : i64, tpu.core_type = #tpu.core_type<sc_vector_subcore>, window_params = [{transform_indices = #map}, {transform_indices = #map1}, {transform_indices = #map1}]} {
    %mul3A = arith.constant 16 : i32
    %mul3A_0 = arith.muli %arg0, %mul3A : i32
    %add3A = arith.addi %mul3A_0, %arg1 : i32
    %mul3A_1 = arith.constant 24 : i32
    %mul3A_2 = arith.muli %add3A, %mul3A_1 : i32
    %min3A = arith.constant 14 : i32
    %min3A_3 = arith.minsi %add3A, %min3A : i32
    %add3A_4 = arith.addi %mul3A_2, %min3A_3 : i32
    %lt3A = arith.constant 14 : i32
    %lt3A_5 = arith.cmpi slt, %add3A, %lt3A : i32
    %jit3A = arith.constant 25 : i32
    %jit3A_6 = arith.constant 24 : i32
    %select_n3A = arith.select %lt3A_5, %jit3A, %jit3A_6 : i32
    %eq3A = arith.constant 0 : i32
    %eq3A_7 = arith.cmpi eq, %arg1, %eq3A : i32
    %convert_element_type3A = arith.extui %eq3A_7 : i1 to i32
    %cond3A = arith.constant 0 : i32
    %cond3A_8 = arith.cmpi ne, %convert_element_type3A, %cond3A : i32
    scf.if %cond3A_8 {
      "tpu.region"() ({
        %run_scoped3A = tpu.sem_alloc : memref<!tpu.dma_semaphore, #tpu.memory_space<semaphore_mem>>
        tpu.enqueue_dma source(%arg3 : memref<64x128xf32, #tpu.memory_space<hbm>>) target(%arg8 : memref<64x128xf32, #tpu.memory_space<vmem_shared>>) target_semaphore(%run_scoped3A : memref<!tpu.dma_semaphore, #tpu.memory_space<semaphore_mem>>)
        tpu.wait_dma2 semaphore(%run_scoped3A : memref<!tpu.dma_semaphore, #tpu.memory_space<semaphore_mem>>) src(%arg3 : memref<64x128xf32, #tpu.memory_space<hbm>>) dst(%arg8 : memref<64x128xf32, #tpu.memory_space<vmem_shared>>)
        tpu.yield
      }) : () -> ()
    } else {
    }
    %mul3A_9 = arith.constant 128 : i32
    %mul3A_10 = arith.muli %add3A_4, %mul3A_9 : i32
    "tpu.region"() ({
      %run_scoped3A = tpu.sem_alloc : memref<!tpu.dma_semaphore, #tpu.memory_space<semaphore_mem>>
      %dma_start3A = tpu.memref_slice %arg2[%mul3A_10] : memref<200704xi32, #tpu.memory_space<hbm>> -> memref<3200xi32, #tpu.memory_space<hbm>>
      %dma_start3A_43 = tpu.memref_slice %arg2[%mul3A_10] : memref<200704xi32, #tpu.memory_space<hbm>> -> memref<3200xi32, #tpu.memory_space<hbm>>
      tpu.enqueue_dma source(%dma_start3A_43 : memref<3200xi32, #tpu.memory_space<hbm>>) target(%arg5 : memref<3200xi32, #tpu.memory_space<vmem>>) target_semaphore(%run_scoped3A : memref<!tpu.dma_semaphore, #tpu.memory_space<semaphore_mem>>)
      %dma_wait3A = tpu.memref_slice %arg2[%mul3A_10] : memref<200704xi32, #tpu.memory_space<hbm>> -> memref<3200xi32, #tpu.memory_space<hbm>>
      %dma_wait3A_44 = tpu.memref_slice %arg2[%mul3A_10] : memref<200704xi32, #tpu.memory_space<hbm>> -> memref<3200xi32, #tpu.memory_space<hbm>>
      tpu.wait_dma2 semaphore(%run_scoped3A : memref<!tpu.dma_semaphore, #tpu.memory_space<semaphore_mem>>) src(%dma_wait3A_44 : memref<3200xi32, #tpu.memory_space<hbm>>) dst(%arg5 : memref<3200xi32, #tpu.memory_space<vmem>>)
      tpu.yield
    }) : () -> ()
    %mul3A_11 = arith.constant 128 : i32
    %mul3A_12 = arith.muli %add3A_4, %mul3A_11 : i32
    %add3A_13 = arith.constant 100352 : i32
    %add3A_14 = arith.addi %add3A_13, %mul3A_12 : i32
    "tpu.region"() ({
      %run_scoped3A = tpu.sem_alloc : memref<!tpu.dma_semaphore, #tpu.memory_space<semaphore_mem>>
      %dma_start3A = tpu.memref_slice %arg2[%add3A_14] : memref<200704xi32, #tpu.memory_space<hbm>> -> memref<3200xi32, #tpu.memory_space<hbm>>
      %dma_start3A_43 = tpu.memref_slice %arg2[%add3A_14] : memref<200704xi32, #tpu.memory_space<hbm>> -> memref<3200xi32, #tpu.memory_space<hbm>>
      tpu.enqueue_dma source(%dma_start3A_43 : memref<3200xi32, #tpu.memory_space<hbm>>) target(%arg6 : memref<3200xi32, #tpu.memory_space<vmem>>) target_semaphore(%run_scoped3A : memref<!tpu.dma_semaphore, #tpu.memory_space<semaphore_mem>>)
      %dma_wait3A = tpu.memref_slice %arg2[%add3A_14] : memref<200704xi32, #tpu.memory_space<hbm>> -> memref<3200xi32, #tpu.memory_space<hbm>>
      %dma_wait3A_44 = tpu.memref_slice %arg2[%add3A_14] : memref<200704xi32, #tpu.memory_space<hbm>> -> memref<3200xi32, #tpu.memory_space<hbm>>
      tpu.wait_dma2 semaphore(%run_scoped3A : memref<!tpu.dma_semaphore, #tpu.memory_space<semaphore_mem>>) src(%dma_wait3A_44 : memref<3200xi32, #tpu.memory_space<hbm>>) dst(%arg6 : memref<3200xi32, #tpu.memory_space<vmem>>)
      tpu.yield
    }) : () -> ()
    %scan3A = arith.constant 0 : i32
    %scan3A_15 = arith.constant 200 : i32
    %scan3A_16 = arith.addi %scan3A, %scan3A_15 : i32
    %scan3A_17 = arith.constant 1 : i32
    scf.for %scan3A_43 = %scan3A to %scan3A_16 step %scan3A_17  : i32 {
      %mul3A_44 = arith.constant 16 : i32
      %mul3A_45 = arith.muli %scan3A_43, %mul3A_44 : i32
      %get3A = arith.index_cast %mul3A_45 : i32 to index
      %get3A_46 = tpu.vector_load %arg5[%get3A] {strides = array<i32>} : memref<3200xi32, #tpu.memory_space<vmem>>, vector<16xi32>,
      %get3A_47 = vector.shape_cast %get3A_46 : vector<16xi32> to vector<16xi32>
      %get3A_48 = arith.index_cast %mul3A_45 : i32 to index
      %get3A_49 = tpu.vector_load %arg6[%get3A_48] {strides = array<i32>} : memref<3200xi32, #tpu.memory_space<vmem>>, vector<16xi32>,
      %get3A_50 = vector.shape_cast %get3A_49 : vector<16xi32> to vector<16xi32>
      %add3A_51 = arith.addi %get3A_47, %get3A_50 : vector<16xi32>
      %max3A = arith.constant 1 : i32
      %max3A_52 = vector.broadcast %max3A : i32 to vector<16xi32>
      %max3A_53 = arith.maxsi %add3A_51, %max3A_52 : vector<16xi32>
      %min3A_54 = arith.constant 64 : i32
      %min3A_55 = vector.broadcast %min3A_54 : i32 to vector<16xi32>
      %min3A_56 = arith.minsi %max3A_53, %min3A_55 : vector<16xi32>
      %sub3A = arith.constant 1 : i32
      %sub3A_57 = vector.broadcast %sub3A : i32 to vector<16xi32>
      %sub3A_58 = arith.subi %min3A_56, %sub3A_57 : vector<16xi32>
      %swap3A = arith.index_cast %mul3A_45 : i32 to index
      %swap3A_59 = tpu.vector_load %arg7[%swap3A] {strides = array<i32>} : memref<3200xi32, #tpu.memory_space<vmem>>, vector<16xi32>,
      %swap3A_60 = vector.shape_cast %swap3A_59 : vector<16xi32> to vector<16xi32>
      %swap3A_61 = vector.shape_cast %sub3A_58 : vector<16xi32> to vector<16xi32>
      tpu.vector_store %arg7[%swap3A], %swap3A_61 {strides = array<i32>} : memref<3200xi32, #tpu.memory_space<vmem>>, vector<16xi32>,
    }
    %scan3A_18 = arith.constant 200 : i32
    %barrier3A = arith.constant 0 : index
    tpu.barrier barrier_id(%barrier3A)
    %gt3A = arith.constant 0 : i32
    %gt3A_19 = arith.cmpi sgt, %select_n3A, %gt3A : i32
    %convert_element_type3A_20 = arith.extui %gt3A_19 : i1 to i32
    %cond3A_21 = arith.constant 0 : i32
    %cond3A_22 = arith.cmpi ne, %convert_element_type3A_20, %cond3A_21 : i32
    scf.if %cond3A_22 {
      %dma_start3A = arith.constant 0 : i32
      %dma_start3A_43 = tpu.memref_slice %arg7[%dma_start3A] : memref<3200xi32, #tpu.memory_space<vmem>> -> memref<128xi32, #tpu.memory_space<vmem>>
      %dma_start3A_44 = arith.constant 0 : i32
      %dma_start3A_45 = arith.constant 0 : i32
      %dma_start3A_46 = tpu.memref_slice %arg8[%dma_start3A_44, %dma_start3A_45] : memref<64x128xf32, #tpu.memory_space<vmem_shared>> -> memref<64x128xf32, #tpu.memory_space<vmem_shared>>
      tpu.enqueue_indirect_dma source(%dma_start3A_46 : memref<64x128xf32, #tpu.memory_space<vmem_shared>>) target(%arg9 : memref<128x128xf32, #tpu.memory_space<vmem>>) offsets(%dma_start3A_43 : memref<128xi32, #tpu.memory_space<vmem>>) semaphore(%arg13 : memref<!tpu.dma_semaphore, #tpu.memory_space<semaphore_mem>>)
    } else {
    }
    %gt3A_23 = arith.constant 1 : i32
    %gt3A_24 = arith.cmpi sgt, %select_n3A, %gt3A_23 : i32
    %convert_element_type3A_25 = arith.extui %gt3A_24 : i1 to i32
    %cond3A_26 = arith.constant 0 : i32
    %cond3A_27 = arith.cmpi ne, %convert_element_type3A_25, %cond3A_26 : i32
    scf.if %cond3A_27 {
      %dma_start3A = arith.constant 128 : i32
      %dma_start3A_43 = tpu.memref_slice %arg7[%dma_start3A] : memref<3200xi32, #tpu.memory_space<vmem>> -> memref<128xi32, #tpu.memory_space<vmem>>
      %dma_start3A_44 = arith.constant 0 : i32
      %dma_start3A_45 = arith.constant 0 : i32
      %dma_start3A_46 = tpu.memref_slice %arg8[%dma_start3A_44, %dma_start3A_45] : memref<64x128xf32, #tpu.memory_space<vmem_shared>> -> memref<64x128xf32, #tpu.memory_space<vmem_shared>>
      tpu.enqueue_indirect_dma source(%dma_start3A_46 : memref<64x128xf32, #tpu.memory_space<vmem_shared>>) target(%arg10 : memref<128x128xf32, #tpu.memory_space<vmem>>) offsets(%dma_start3A_43 : memref<128xi32, #tpu.memory_space<vmem>>) semaphore(%arg14 : memref<!tpu.dma_semaphore, #tpu.memory_space<semaphore_mem>>)
    } else {
    }
    %gt3A_28 = arith.constant 2 : i32
    %gt3A_29 = arith.cmpi sgt, %select_n3A, %gt3A_28 : i32
    %convert_element_type3A_30 = arith.extui %gt3A_29 : i1 to i32
    %cond3A_31 = arith.constant 0 : i32
    %cond3A_32 = arith.cmpi ne, %convert_element_type3A_30, %cond3A_31 : i32
    scf.if %cond3A_32 {
      %dma_start3A = arith.constant 256 : i32
      %dma_start3A_43 = tpu.memref_slice %arg7[%dma_start3A] : memref<3200xi32, #tpu.memory_space<vmem>> -> memref<128xi32, #tpu.memory_space<vmem>>
      %dma_start3A_44 = arith.constant 0 : i32
      %dma_start3A_45 = arith.constant 0 : i32
      %dma_start3A_46 = tpu.memref_slice %arg8[%dma_start3A_44, %dma_start3A_45] : memref<64x128xf32, #tpu.memory_space<vmem_shared>> -> memref<64x128xf32, #tpu.memory_space<vmem_shared>>
      tpu.enqueue_indirect_dma source(%dma_start3A_46 : memref<64x128xf32, #tpu.memory_space<vmem_shared>>) target(%arg11 : memref<128x128xf32, #tpu.memory_space<vmem>>) offsets(%dma_start3A_43 : memref<128xi32, #tpu.memory_space<vmem>>) semaphore(%arg15 : memref<!tpu.dma_semaphore, #tpu.memory_space<semaphore_mem>>)
    } else {
    }
    %gt3A_33 = arith.constant 3 : i32
    %gt3A_34 = arith.cmpi sgt, %select_n3A, %gt3A_33 : i32
    %convert_element_type3A_35 = arith.extui %gt3A_34 : i1 to i32
    %cond3A_36 = arith.constant 0 : i32
    %cond3A_37 = arith.cmpi ne, %convert_element_type3A_35, %cond3A_36 : i32
    scf.if %cond3A_37 {
      %dma_start3A = arith.constant 384 : i32
      %dma_start3A_43 = tpu.memref_slice %arg7[%dma_start3A] : memref<3200xi32, #tpu.memory_space<vmem>> -> memref<128xi32, #tpu.memory_space<vmem>>
      %dma_start3A_44 = arith.constant 0 : i32
      %dma_start3A_45 = arith.constant 0 : i32
      %dma_start3A_46 = tpu.memref_slice %arg8[%dma_start3A_44, %dma_start3A_45] : memref<64x128xf32, #tpu.memory_space<vmem_shared>> -> memref<64x128xf32, #tpu.memory_space<vmem_shared>>
      tpu.enqueue_indirect_dma source(%dma_start3A_46 : memref<64x128xf32, #tpu.memory_space<vmem_shared>>) target(%arg12 : memref<128x128xf32, #tpu.memory_space<vmem>>) offsets(%dma_start3A_43 : memref<128xi32, #tpu.memory_space<vmem>>) semaphore(%arg16 : memref<!tpu.dma_semaphore, #tpu.memory_space<semaphore_mem>>)
    } else {
    }
    %scan3A_38 = arith.constant 0 : i32
    %scan3A_39 = arith.constant 7 : i32
    %scan3A_40 = arith.addi %scan3A_38, %scan3A_39 : i32
    %scan3A_41 = arith.constant 1 : i32
    scf.for %scan3A_43 = %scan3A_38 to %scan3A_40 step %scan3A_41  : i32 {
      %mul3A_44 = arith.constant 4 : i32
      %mul3A_45 = arith.muli %scan3A_43, %mul3A_44 : i32
      %add3A_46 = arith.constant 0 : i32
      %add3A_47 = arith.addi %mul3A_45, %add3A_46 : i32
      %lt3A_48 = arith.cmpi slt, %add3A_47, %select_n3A : i32
      %convert_element_type3A_49 = arith.extui %lt3A_48 : i1 to i32
      %cond3A_50 = arith.constant 0 : i32
      %cond3A_51 = arith.cmpi ne, %convert_element_type3A_49, %cond3A_50 : i32
      scf.if %cond3A_51 {
        %mul3A_76 = arith.constant 128 : i32
        %mul3A_77 = arith.muli %add3A_47, %mul3A_76 : i32
        %dma_wait3A = tpu.memref_slice %arg7[%mul3A_77] : memref<3200xi32, #tpu.memory_space<vmem>> -> memref<128xi32, #tpu.memory_space<vmem>>
        %dma_wait3A_78 = arith.constant 0 : i32
        %dma_wait3A_79 = arith.constant 0 : i32
        %dma_wait3A_80 = tpu.memref_slice %arg8[%dma_wait3A_78, %dma_wait3A_79] : memref<64x128xf32, #tpu.memory_space<vmem_shared>> -> memref<64x128xf32, #tpu.memory_space<vmem_shared>>
        tpu.wait_indirect_dma semaphore(%arg13 : memref<!tpu.dma_semaphore, #tpu.memory_space<semaphore_mem>>) src(%dma_wait3A_80 : memref<64x128xf32, #tpu.memory_space<vmem_shared>>) dst(%arg9 : memref<128x128xf32, #tpu.memory_space<vmem>>)
        %add3A_81 = arith.addi %add3A_4, %add3A_47 : i32
        %mul3A_82 = arith.constant 128 : i32
        %mul3A_83 = arith.muli %add3A_81, %mul3A_82 : i32
        %lt3A_84 = arith.constant 781 : i32
        %lt3A_85 = arith.cmpi slt, %add3A_81, %lt3A_84 : i32
        %convert_element_type3A_86 = arith.extui %lt3A_85 : i1 to i32
        %cond3A_87 = arith.constant 0 : i32
        %cond3A_88 = arith.cmpi ne, %convert_element_type3A_86, %cond3A_87 : i32
        scf.if %cond3A_88 {
          "tpu.region"() ({
            %run_scoped3A = tpu.sem_alloc : memref<!tpu.dma_semaphore, #tpu.memory_space<semaphore_mem>>
            %dma_start3A = arith.constant 0 : i32
            %dma_start3A_100 = tpu.memref_slice %arg4[%mul3A_83, %dma_start3A] : memref<100000x128xf32, #tpu.memory_space<hbm>> -> memref<128x128xf32, #tpu.memory_space<hbm>>
            %dma_start3A_101 = arith.constant 0 : i32
            %dma_start3A_102 = tpu.memref_slice %arg4[%mul3A_83, %dma_start3A_101] : memref<100000x128xf32, #tpu.memory_space<hbm>> -> memref<128x128xf32, #tpu.memory_space<hbm>>
            tpu.enqueue_dma source(%arg9 : memref<128x128xf32, #tpu.memory_space<vmem>>) target(%dma_start3A_102 : memref<128x128xf32, #tpu.memory_space<hbm>>) target_semaphore(%run_scoped3A : memref<!tpu.dma_semaphore, #tpu.memory_space<semaphore_mem>>)
            %dma_wait3A_103 = arith.constant 0 : i32
            %dma_wait3A_104 = tpu.memref_slice %arg4[%mul3A_83, %dma_wait3A_103] : memref<100000x128xf32, #tpu.memory_space<hbm>> -> memref<128x128xf32, #tpu.memory_space<hbm>>
            %dma_wait3A_105 = arith.constant 0 : i32
            %dma_wait3A_106 = tpu.memref_slice %arg4[%mul3A_83, %dma_wait3A_105] : memref<100000x128xf32, #tpu.memory_space<hbm>> -> memref<128x128xf32, #tpu.memory_space<hbm>>
            tpu.wait_dma2 semaphore(%run_scoped3A : memref<!tpu.dma_semaphore, #tpu.memory_space<semaphore_mem>>) src(%arg9 : memref<128x128xf32, #tpu.memory_space<vmem>>) dst(%dma_wait3A_106 : memref<128x128xf32, #tpu.memory_space<hbm>>)
            tpu.yield
          }) : () -> ()
        } else {
        }
        %eq3A_89 = arith.constant 781 : i32
        %eq3A_90 = arith.cmpi eq, %add3A_81, %eq3A_89 : i32
        %convert_element_type3A_91 = arith.extui %eq3A_90 : i1 to i32
        %cond3A_92 = arith.constant 0 : i32
        %cond3A_93 = arith.cmpi ne, %convert_element_type3A_91, %cond3A_92 : i32
        scf.if %cond3A_93 {
          "tpu.region"() ({
            %run_scoped3A = tpu.sem_alloc : memref<!tpu.dma_semaphore, #tpu.memory_space<semaphore_mem>>
            %dma_start3A = arith.constant 0 : i32
            %dma_start3A_100 = arith.constant 0 : i32
            %dma_start3A_101 = tpu.memref_slice %arg9[%dma_start3A, %dma_start3A_100] : memref<128x128xf32, #tpu.memory_space<vmem>> -> memref<32x128xf32, #tpu.memory_space<vmem>>
            %dma_start3A_102 = arith.constant 0 : i32
            %dma_start3A_103 = tpu.memref_slice %arg4[%mul3A_83, %dma_start3A_102] : memref<100000x128xf32, #tpu.memory_space<hbm>> -> memref<32x128xf32, #tpu.memory_space<hbm>>
            %dma_start3A_104 = arith.constant 0 : i32
            %dma_start3A_105 = tpu.memref_slice %arg4[%mul3A_83, %dma_start3A_104] : memref<100000x128xf32, #tpu.memory_space<hbm>> -> memref<32x128xf32, #tpu.memory_space<hbm>>
            %dma_start3A_106 = arith.constant 0 : i32
            %dma_start3A_107 = arith.constant 0 : i32
            %dma_start3A_108 = tpu.memref_slice %arg9[%dma_start3A_106, %dma_start3A_107] : memref<128x128xf32, #tpu.memory_space<vmem>> -> memref<32x128xf32, #tpu.memory_space<vmem>>
            tpu.enqueue_dma source(%dma_start3A_108 : memref<32x128xf32, #tpu.memory_space<vmem>>) target(%dma_start3A_105 : memref<32x128xf32, #tpu.memory_space<hbm>>) target_semaphore(%run_scoped3A : memref<!tpu.dma_semaphore, #tpu.memory_space<semaphore_mem>>)
            %dma_wait3A_109 = arith.constant 0 : i32
            %dma_wait3A_110 = arith.constant 0 : i32
            %dma_wait3A_111 = tpu.memref_slice %arg9[%dma_wait3A_109, %dma_wait3A_110] : memref<128x128xf32, #tpu.memory_space<vmem>> -> memref<32x128xf32, #tpu.memory_space<vmem>>
            %dma_wait3A_112 = arith.constant 0 : i32
            %dma_wait3A_113 = tpu.memref_slice %arg4[%mul3A_83, %dma_wait3A_112] : memref<100000x128xf32, #tpu.memory_space<hbm>> -> memref<32x128xf32, #tpu.memory_space<hbm>>
            %dma_wait3A_114 = arith.constant 0 : i32
            %dma_wait3A_115 = tpu.memref_slice %arg4[%mul3A_83, %dma_wait3A_114] : memref<100000x128xf32, #tpu.memory_space<hbm>> -> memref<32x128xf32, #tpu.memory_space<hbm>>
            %dma_wait3A_116 = arith.constant 0 : i32
            %dma_wait3A_117 = arith.constant 0 : i32
            %dma_wait3A_118 = tpu.memref_slice %arg9[%dma_wait3A_116, %dma_wait3A_117] : memref<128x128xf32, #tpu.memory_space<vmem>> -> memref<32x128xf32, #tpu.memory_space<vmem>>
            tpu.wait_dma2 semaphore(%run_scoped3A : memref<!tpu.dma_semaphore, #tpu.memory_space<semaphore_mem>>) src(%dma_wait3A_118 : memref<32x128xf32, #tpu.memory_space<vmem>>) dst(%dma_wait3A_115 : memref<32x128xf32, #tpu.memory_space<hbm>>)
            tpu.yield
          }) : () -> ()
        } else {
        }
        %add3A_94 = arith.constant 4 : i32
        %add3A_95 = arith.addi %add3A_47, %add3A_94 : i32
        %lt3A_96 = arith.cmpi slt, %add3A_95, %select_n3A : i32
        %convert_element_type3A_97 = arith.extui %lt3A_96 : i1 to i32
        %cond3A_98 = arith.constant 0 : i32
        %cond3A_99 = arith.cmpi ne, %convert_element_type3A_97, %cond3A_98 : i32
        scf.if %cond3A_99 {
          %add3A_100 = arith.constant 4 : i32
          %add3A_101 = arith.addi %add3A_47, %add3A_100 : i32
          %mul3A_102 = arith.constant 128 : i32
          %mul3A_103 = arith.muli %add3A_101, %mul3A_102 : i32
          %dma_start3A = tpu.memref_slice %arg7[%mul3A_103] : memref<3200xi32, #tpu.memory_space<vmem>> -> memref<128xi32, #tpu.memory_space<vmem>>
          %dma_start3A_104 = arith.constant 0 : i32
          %dma_start3A_105 = arith.constant 0 : i32
          %dma_start3A_106 = tpu.memref_slice %arg8[%dma_start3A_104, %dma_start3A_105] : memref<64x128xf32, #tpu.memory_space<vmem_shared>> -> memref<64x128xf32, #tpu.memory_space<vmem_shared>>
          tpu.enqueue_indirect_dma source(%dma_start3A_106 : memref<64x128xf32, #tpu.memory_space<vmem_shared>>) target(%arg9 : memref<128x128xf32, #tpu.memory_space<vmem>>) offsets(%dma_start3A : memref<128xi32, #tpu.memory_space<vmem>>) semaphore(%arg13 : memref<!tpu.dma_semaphore, #tpu.memory_space<semaphore_mem>>)
        } else {
        }
      } else {
      }
      %mul3A_52 = arith.constant 4 : i32
      %mul3A_53 = arith.muli %scan3A_43, %mul3A_52 : i32
      %add3A_54 = arith.constant 1 : i32
      %add3A_55 = arith.addi %mul3A_53, %add3A_54 : i32
      %lt3A_56 = arith.cmpi slt, %add3A_55, %select_n3A : i32
      %convert_element_type3A_57 = arith.extui %lt3A_56 : i1 to i32
      %cond3A_58 = arith.constant 0 : i32
      %cond3A_59 = arith.cmpi ne, %convert_element_type3A_57, %cond3A_58 : i32
      scf.if %cond3A_59 {
        %mul3A_76 = arith.constant 128 : i32
        %mul3A_77 = arith.muli %add3A_55, %mul3A_76 : i32
        %dma_wait3A = tpu.memref_slice %arg7[%mul3A_77] : memref<3200xi32, #tpu.memory_space<vmem>> -> memref<128xi32, #tpu.memory_space<vmem>>
        %dma_wait3A_78 = arith.constant 0 : i32
        %dma_wait3A_79 = arith.constant 0 : i32
        %dma_wait3A_80 = tpu.memref_slice %arg8[%dma_wait3A_78, %dma_wait3A_79] : memref<64x128xf32, #tpu.memory_space<vmem_shared>> -> memref<64x128xf32, #tpu.memory_space<vmem_shared>>
        tpu.wait_indirect_dma semaphore(%arg14 : memref<!tpu.dma_semaphore, #tpu.memory_space<semaphore_mem>>) src(%dma_wait3A_80 : memref<64x128xf32, #tpu.memory_space<vmem_shared>>) dst(%arg10 : memref<128x128xf32, #tpu.memory_space<vmem>>)
        %add3A_81 = arith.addi %add3A_4, %add3A_55 : i32
        %mul3A_82 = arith.constant 128 : i32
        %mul3A_83 = arith.muli %add3A_81, %mul3A_82 : i32
        %lt3A_84 = arith.constant 781 : i32
        %lt3A_85 = arith.cmpi slt, %add3A_81, %lt3A_84 : i32
        %convert_element_type3A_86 = arith.extui %lt3A_85 : i1 to i32
        %cond3A_87 = arith.constant 0 : i32
        %cond3A_88 = arith.cmpi ne, %convert_element_type3A_86, %cond3A_87 : i32
        scf.if %cond3A_88 {
          "tpu.region"() ({
            %run_scoped3A = tpu.sem_alloc : memref<!tpu.dma_semaphore, #tpu.memory_space<semaphore_mem>>
            %dma_start3A = arith.constant 0 : i32
            %dma_start3A_100 = tpu.memref_slice %arg4[%mul3A_83, %dma_start3A] : memref<100000x128xf32, #tpu.memory_space<hbm>> -> memref<128x128xf32, #tpu.memory_space<hbm>>
            %dma_start3A_101 = arith.constant 0 : i32
            %dma_start3A_102 = tpu.memref_slice %arg4[%mul3A_83, %dma_start3A_101] : memref<100000x128xf32, #tpu.memory_space<hbm>> -> memref<128x128xf32, #tpu.memory_space<hbm>>
            tpu.enqueue_dma source(%arg10 : memref<128x128xf32, #tpu.memory_space<vmem>>) target(%dma_start3A_102 : memref<128x128xf32, #tpu.memory_space<hbm>>) target_semaphore(%run_scoped3A : memref<!tpu.dma_semaphore, #tpu.memory_space<semaphore_mem>>)
            %dma_wait3A_103 = arith.constant 0 : i32
            %dma_wait3A_104 = tpu.memref_slice %arg4[%mul3A_83, %dma_wait3A_103] : memref<100000x128xf32, #tpu.memory_space<hbm>> -> memref<128x128xf32, #tpu.memory_space<hbm>>
            %dma_wait3A_105 = arith.constant 0 : i32
            %dma_wait3A_106 = tpu.memref_slice %arg4[%mul3A_83, %dma_wait3A_105] : memref<100000x128xf32, #tpu.memory_space<hbm>> -> memref<128x128xf32, #tpu.memory_space<hbm>>
            tpu.wait_dma2 semaphore(%run_scoped3A : memref<!tpu.dma_semaphore, #tpu.memory_space<semaphore_mem>>) src(%arg10 : memref<128x128xf32, #tpu.memory_space<vmem>>) dst(%dma_wait3A_106 : memref<128x128xf32, #tpu.memory_space<hbm>>)
            tpu.yield
          }) : () -> ()
        } else {
        }
        %eq3A_89 = arith.constant 781 : i32
        %eq3A_90 = arith.cmpi eq, %add3A_81, %eq3A_89 : i32
        %convert_element_type3A_91 = arith.extui %eq3A_90 : i1 to i32
        %cond3A_92 = arith.constant 0 : i32
        %cond3A_93 = arith.cmpi ne, %convert_element_type3A_91, %cond3A_92 : i32
        scf.if %cond3A_93 {
          "tpu.region"() ({
            %run_scoped3A = tpu.sem_alloc : memref<!tpu.dma_semaphore, #tpu.memory_space<semaphore_mem>>
            %dma_start3A = arith.constant 0 : i32
            %dma_start3A_100 = arith.constant 0 : i32
            %dma_start3A_101 = tpu.memref_slice %arg10[%dma_start3A, %dma_start3A_100] : memref<128x128xf32, #tpu.memory_space<vmem>> -> memref<32x128xf32, #tpu.memory_space<vmem>>
            %dma_start3A_102 = arith.constant 0 : i32
            %dma_start3A_103 = tpu.memref_slice %arg4[%mul3A_83, %dma_start3A_102] : memref<100000x128xf32, #tpu.memory_space<hbm>> -> memref<32x128xf32, #tpu.memory_space<hbm>>
            %dma_start3A_104 = arith.constant 0 : i32
            %dma_start3A_105 = tpu.memref_slice %arg4[%mul3A_83, %dma_start3A_104] : memref<100000x128xf32, #tpu.memory_space<hbm>> -> memref<32x128xf32, #tpu.memory_space<hbm>>
            %dma_start3A_106 = arith.constant 0 : i32
            %dma_start3A_107 = arith.constant 0 : i32
            %dma_start3A_108 = tpu.memref_slice %arg10[%dma_start3A_106, %dma_start3A_107] : memref<128x128xf32, #tpu.memory_space<vmem>> -> memref<32x128xf32, #tpu.memory_space<vmem>>
            tpu.enqueue_dma source(%dma_start3A_108 : memref<32x128xf32, #tpu.memory_space<vmem>>) target(%dma_start3A_105 : memref<32x128xf32, #tpu.memory_space<hbm>>) target_semaphore(%run_scoped3A : memref<!tpu.dma_semaphore, #tpu.memory_space<semaphore_mem>>)
            %dma_wait3A_109 = arith.constant 0 : i32
            %dma_wait3A_110 = arith.constant 0 : i32
            %dma_wait3A_111 = tpu.memref_slice %arg10[%dma_wait3A_109, %dma_wait3A_110] : memref<128x128xf32, #tpu.memory_space<vmem>> -> memref<32x128xf32, #tpu.memory_space<vmem>>
            %dma_wait3A_112 = arith.constant 0 : i32
            %dma_wait3A_113 = tpu.memref_slice %arg4[%mul3A_83, %dma_wait3A_112] : memref<100000x128xf32, #tpu.memory_space<hbm>> -> memref<32x128xf32, #tpu.memory_space<hbm>>
            %dma_wait3A_114 = arith.constant 0 : i32
            %dma_wait3A_115 = tpu.memref_slice %arg4[%mul3A_83, %dma_wait3A_114] : memref<100000x128xf32, #tpu.memory_space<hbm>> -> memref<32x128xf32, #tpu.memory_space<hbm>>
            %dma_wait3A_116 = arith.constant 0 : i32
            %dma_wait3A_117 = arith.constant 0 : i32
            %dma_wait3A_118 = tpu.memref_slice %arg10[%dma_wait3A_116, %dma_wait3A_117] : memref<128x128xf32, #tpu.memory_space<vmem>> -> memref<32x128xf32, #tpu.memory_space<vmem>>
            tpu.wait_dma2 semaphore(%run_scoped3A : memref<!tpu.dma_semaphore, #tpu.memory_space<semaphore_mem>>) src(%dma_wait3A_118 : memref<32x128xf32, #tpu.memory_space<vmem>>) dst(%dma_wait3A_115 : memref<32x128xf32, #tpu.memory_space<hbm>>)
            tpu.yield
          }) : () -> ()
        } else {
        }
        %add3A_94 = arith.constant 4 : i32
        %add3A_95 = arith.addi %add3A_55, %add3A_94 : i32
        %lt3A_96 = arith.cmpi slt, %add3A_95, %select_n3A : i32
        %convert_element_type3A_97 = arith.extui %lt3A_96 : i1 to i32
        %cond3A_98 = arith.constant 0 : i32
        %cond3A_99 = arith.cmpi ne, %convert_element_type3A_97, %cond3A_98 : i32
        scf.if %cond3A_99 {
          %add3A_100 = arith.constant 4 : i32
          %add3A_101 = arith.addi %add3A_55, %add3A_100 : i32
          %mul3A_102 = arith.constant 128 : i32
          %mul3A_103 = arith.muli %add3A_101, %mul3A_102 : i32
          %dma_start3A = tpu.memref_slice %arg7[%mul3A_103] : memref<3200xi32, #tpu.memory_space<vmem>> -> memref<128xi32, #tpu.memory_space<vmem>>
          %dma_start3A_104 = arith.constant 0 : i32
          %dma_start3A_105 = arith.constant 0 : i32
          %dma_start3A_106 = tpu.memref_slice %arg8[%dma_start3A_104, %dma_start3A_105] : memref<64x128xf32, #tpu.memory_space<vmem_shared>> -> memref<64x128xf32, #tpu.memory_space<vmem_shared>>
          tpu.enqueue_indirect_dma source(%dma_start3A_106 : memref<64x128xf32, #tpu.memory_space<vmem_shared>>) target(%arg10 : memref<128x128xf32, #tpu.memory_space<vmem>>) offsets(%dma_start3A : memref<128xi32, #tpu.memory_space<vmem>>) semaphore(%arg14 : memref<!tpu.dma_semaphore, #tpu.memory_space<semaphore_mem>>)
        } else {
        }
      } else {
      }
      %mul3A_60 = arith.constant 4 : i32
      %mul3A_61 = arith.muli %scan3A_43, %mul3A_60 : i32
      %add3A_62 = arith.constant 2 : i32
      %add3A_63 = arith.addi %mul3A_61, %add3A_62 : i32
      %lt3A_64 = arith.cmpi slt, %add3A_63, %select_n3A : i32
      %convert_element_type3A_65 = arith.extui %lt3A_64 : i1 to i32
      %cond3A_66 = arith.constant 0 : i32
      %cond3A_67 = arith.cmpi ne, %convert_element_type3A_65, %cond3A_66 : i32
      scf.if %cond3A_67 {
        %mul3A_76 = arith.constant 128 : i32
        %mul3A_77 = arith.muli %add3A_63, %mul3A_76 : i32
        %dma_wait3A = tpu.memref_slice %arg7[%mul3A_77] : memref<3200xi32, #tpu.memory_space<vmem>> -> memref<128xi32, #tpu.memory_space<vmem>>
        %dma_wait3A_78 = arith.constant 0 : i32
        %dma_wait3A_79 = arith.constant 0 : i32
        %dma_wait3A_80 = tpu.memref_slice %arg8[%dma_wait3A_78, %dma_wait3A_79] : memref<64x128xf32, #tpu.memory_space<vmem_shared>> -> memref<64x128xf32, #tpu.memory_space<vmem_shared>>
        tpu.wait_indirect_dma semaphore(%arg15 : memref<!tpu.dma_semaphore, #tpu.memory_space<semaphore_mem>>) src(%dma_wait3A_80 : memref<64x128xf32, #tpu.memory_space<vmem_shared>>) dst(%arg11 : memref<128x128xf32, #tpu.memory_space<vmem>>)
        %add3A_81 = arith.addi %add3A_4, %add3A_63 : i32
        %mul3A_82 = arith.constant 128 : i32
        %mul3A_83 = arith.muli %add3A_81, %mul3A_82 : i32
        %lt3A_84 = arith.constant 781 : i32
        %lt3A_85 = arith.cmpi slt, %add3A_81, %lt3A_84 : i32
        %convert_element_type3A_86 = arith.extui %lt3A_85 : i1 to i32
        %cond3A_87 = arith.constant 0 : i32
        %cond3A_88 = arith.cmpi ne, %convert_element_type3A_86, %cond3A_87 : i32
        scf.if %cond3A_88 {
          "tpu.region"() ({
            %run_scoped3A = tpu.sem_alloc : memref<!tpu.dma_semaphore, #tpu.memory_space<semaphore_mem>>
            %dma_start3A = arith.constant 0 : i32
            %dma_start3A_100 = tpu.memref_slice %arg4[%mul3A_83, %dma_start3A] : memref<100000x128xf32, #tpu.memory_space<hbm>> -> memref<128x128xf32, #tpu.memory_space<hbm>>
            %dma_start3A_101 = arith.constant 0 : i32
            %dma_start3A_102 = tpu.memref_slice %arg4[%mul3A_83, %dma_start3A_101] : memref<100000x128xf32, #tpu.memory_space<hbm>> -> memref<128x128xf32, #tpu.memory_space<hbm>>
            tpu.enqueue_dma source(%arg11 : memref<128x128xf32, #tpu.memory_space<vmem>>) target(%dma_start3A_102 : memref<128x128xf32, #tpu.memory_space<hbm>>) target_semaphore(%run_scoped3A : memref<!tpu.dma_semaphore, #tpu.memory_space<semaphore_mem>>)
            %dma_wait3A_103 = arith.constant 0 : i32
            %dma_wait3A_104 = tpu.memref_slice %arg4[%mul3A_83, %dma_wait3A_103] : memref<100000x128xf32, #tpu.memory_space<hbm>> -> memref<128x128xf32, #tpu.memory_space<hbm>>
            %dma_wait3A_105 = arith.constant 0 : i32
            %dma_wait3A_106 = tpu.memref_slice %arg4[%mul3A_83, %dma_wait3A_105] : memref<100000x128xf32, #tpu.memory_space<hbm>> -> memref<128x128xf32, #tpu.memory_space<hbm>>
            tpu.wait_dma2 semaphore(%run_scoped3A : memref<!tpu.dma_semaphore, #tpu.memory_space<semaphore_mem>>) src(%arg11 : memref<128x128xf32, #tpu.memory_space<vmem>>) dst(%dma_wait3A_106 : memref<128x128xf32, #tpu.memory_space<hbm>>)
            tpu.yield
          }) : () -> ()
        } else {
        }
        %eq3A_89 = arith.constant 781 : i32
        %eq3A_90 = arith.cmpi eq, %add3A_81, %eq3A_89 : i32
        %convert_element_type3A_91 = arith.extui %eq3A_90 : i1 to i32
        %cond3A_92 = arith.constant 0 : i32
        %cond3A_93 = arith.cmpi ne, %convert_element_type3A_91, %cond3A_92 : i32
        scf.if %cond3A_93 {
          "tpu.region"() ({
            %run_scoped3A = tpu.sem_alloc : memref<!tpu.dma_semaphore, #tpu.memory_space<semaphore_mem>>
            %dma_start3A = arith.constant 0 : i32
            %dma_start3A_100 = arith.constant 0 : i32
            %dma_start3A_101 = tpu.memref_slice %arg11[%dma_start3A, %dma_start3A_100] : memref<128x128xf32, #tpu.memory_space<vmem>> -> memref<32x128xf32, #tpu.memory_space<vmem>>
            %dma_start3A_102 = arith.constant 0 : i32
            %dma_start3A_103 = tpu.memref_slice %arg4[%mul3A_83, %dma_start3A_102] : memref<100000x128xf32, #tpu.memory_space<hbm>> -> memref<32x128xf32, #tpu.memory_space<hbm>>
            %dma_start3A_104 = arith.constant 0 : i32
            %dma_start3A_105 = tpu.memref_slice %arg4[%mul3A_83, %dma_start3A_104] : memref<100000x128xf32, #tpu.memory_space<hbm>> -> memref<32x128xf32, #tpu.memory_space<hbm>>
            %dma_start3A_106 = arith.constant 0 : i32
            %dma_start3A_107 = arith.constant 0 : i32
            %dma_start3A_108 = tpu.memref_slice %arg11[%dma_start3A_106, %dma_start3A_107] : memref<128x128xf32, #tpu.memory_space<vmem>> -> memref<32x128xf32, #tpu.memory_space<vmem>>
            tpu.enqueue_dma source(%dma_start3A_108 : memref<32x128xf32, #tpu.memory_space<vmem>>) target(%dma_start3A_105 : memref<32x128xf32, #tpu.memory_space<hbm>>) target_semaphore(%run_scoped3A : memref<!tpu.dma_semaphore, #tpu.memory_space<semaphore_mem>>)
            %dma_wait3A_109 = arith.constant 0 : i32
            %dma_wait3A_110 = arith.constant 0 : i32
            %dma_wait3A_111 = tpu.memref_slice %arg11[%dma_wait3A_109, %dma_wait3A_110] : memref<128x128xf32, #tpu.memory_space<vmem>> -> memref<32x128xf32, #tpu.memory_space<vmem>>
            %dma_wait3A_112 = arith.constant 0 : i32
            %dma_wait3A_113 = tpu.memref_slice %arg4[%mul3A_83, %dma_wait3A_112] : memref<100000x128xf32, #tpu.memory_space<hbm>> -> memref<32x128xf32, #tpu.memory_space<hbm>>
            %dma_wait3A_114 = arith.constant 0 : i32
            %dma_wait3A_115 = tpu.memref_slice %arg4[%mul3A_83, %dma_wait3A_114] : memref<100000x128xf32, #tpu.memory_space<hbm>> -> memref<32x128xf32, #tpu.memory_space<hbm>>
            %dma_wait3A_116 = arith.constant 0 : i32
            %dma_wait3A_117 = arith.constant 0 : i32
            %dma_wait3A_118 = tpu.memref_slice %arg11[%dma_wait3A_116, %dma_wait3A_117] : memref<128x128xf32, #tpu.memory_space<vmem>> -> memref<32x128xf32, #tpu.memory_space<vmem>>
            tpu.wait_dma2 semaphore(%run_scoped3A : memref<!tpu.dma_semaphore, #tpu.memory_space<semaphore_mem>>) src(%dma_wait3A_118 : memref<32x128xf32, #tpu.memory_space<vmem>>) dst(%dma_wait3A_115 : memref<32x128xf32, #tpu.memory_space<hbm>>)
            tpu.yield
          }) : () -> ()
        } else {
        }
        %add3A_94 = arith.constant 4 : i32
        %add3A_95 = arith.addi %add3A_63, %add3A_94 : i32
        %lt3A_96 = arith.cmpi slt, %add3A_95, %select_n3A : i32
        %convert_element_type3A_97 = arith.extui %lt3A_96 : i1 to i32
        %cond3A_98 = arith.constant 0 : i32
        %cond3A_99 = arith.cmpi ne, %convert_element_type3A_97, %cond3A_98 : i32
        scf.if %cond3A_99 {
          %add3A_100 = arith.constant 4 : i32
          %add3A_101 = arith.addi %add3A_63, %add3A_100 : i32
          %mul3A_102 = arith.constant 128 : i32
          %mul3A_103 = arith.muli %add3A_101, %mul3A_102 : i32
          %dma_start3A = tpu.memref_slice %arg7[%mul3A_103] : memref<3200xi32, #tpu.memory_space<vmem>> -> memref<128xi32, #tpu.memory_space<vmem>>
          %dma_start3A_104 = arith.constant 0 : i32
          %dma_start3A_105 = arith.constant 0 : i32
          %dma_start3A_106 = tpu.memref_slice %arg8[%dma_start3A_104, %dma_start3A_105] : memref<64x128xf32, #tpu.memory_space<vmem_shared>> -> memref<64x128xf32, #tpu.memory_space<vmem_shared>>
          tpu.enqueue_indirect_dma source(%dma_start3A_106 : memref<64x128xf32, #tpu.memory_space<vmem_shared>>) target(%arg11 : memref<128x128xf32, #tpu.memory_space<vmem>>) offsets(%dma_start3A : memref<128xi32, #tpu.memory_space<vmem>>) semaphore(%arg15 : memref<!tpu.dma_semaphore, #tpu.memory_space<semaphore_mem>>)
        } else {
        }
      } else {
      }
      %mul3A_68 = arith.constant 4 : i32
      %mul3A_69 = arith.muli %scan3A_43, %mul3A_68 : i32
      %add3A_70 = arith.constant 3 : i32
      %add3A_71 = arith.addi %mul3A_69, %add3A_70 : i32
      %lt3A_72 = arith.cmpi slt, %add3A_71, %select_n3A : i32
      %convert_element_type3A_73 = arith.extui %lt3A_72 : i1 to i32
      %cond3A_74 = arith.constant 0 : i32
      %cond3A_75 = arith.cmpi ne, %convert_element_type3A_73, %cond3A_74 : i32
      scf.if %cond3A_75 {
        %mul3A_76 = arith.constant 128 : i32
        %mul3A_77 = arith.muli %add3A_71, %mul3A_76 : i32
        %dma_wait3A = tpu.memref_slice %arg7[%mul3A_77] : memref<3200xi32, #tpu.memory_space<vmem>> -> memref<128xi32, #tpu.memory_space<vmem>>
        %dma_wait3A_78 = arith.constant 0 : i32
        %dma_wait3A_79 = arith.constant 0 : i32
        %dma_wait3A_80 = tpu.memref_slice %arg8[%dma_wait3A_78, %dma_wait3A_79] : memref<64x128xf32, #tpu.memory_space<vmem_shared>> -> memref<64x128xf32, #tpu.memory_space<vmem_shared>>
        tpu.wait_indirect_dma semaphore(%arg16 : memref<!tpu.dma_semaphore, #tpu.memory_space<semaphore_mem>>) src(%dma_wait3A_80 : memref<64x128xf32, #tpu.memory_space<vmem_shared>>) dst(%arg12 : memref<128x128xf32, #tpu.memory_space<vmem>>)
        %add3A_81 = arith.addi %add3A_4, %add3A_71 : i32
        %mul3A_82 = arith.constant 128 : i32
        %mul3A_83 = arith.muli %add3A_81, %mul3A_82 : i32
        %lt3A_84 = arith.constant 781 : i32
        %lt3A_85 = arith.cmpi slt, %add3A_81, %lt3A_84 : i32
        %convert_element_type3A_86 = arith.extui %lt3A_85 : i1 to i32
        %cond3A_87 = arith.constant 0 : i32
        %cond3A_88 = arith.cmpi ne, %convert_element_type3A_86, %cond3A_87 : i32
        scf.if %cond3A_88 {
          "tpu.region"() ({
            %run_scoped3A = tpu.sem_alloc : memref<!tpu.dma_semaphore, #tpu.memory_space<semaphore_mem>>
            %dma_start3A = arith.constant 0 : i32
            %dma_start3A_100 = tpu.memref_slice %arg4[%mul3A_83, %dma_start3A] : memref<100000x128xf32, #tpu.memory_space<hbm>> -> memref<128x128xf32, #tpu.memory_space<hbm>>
            %dma_start3A_101 = arith.constant 0 : i32
            %dma_start3A_102 = tpu.memref_slice %arg4[%mul3A_83, %dma_start3A_101] : memref<100000x128xf32, #tpu.memory_space<hbm>> -> memref<128x128xf32, #tpu.memory_space<hbm>>
            tpu.enqueue_dma source(%arg12 : memref<128x128xf32, #tpu.memory_space<vmem>>) target(%dma_start3A_102 : memref<128x128xf32, #tpu.memory_space<hbm>>) target_semaphore(%run_scoped3A : memref<!tpu.dma_semaphore, #tpu.memory_space<semaphore_mem>>)
            %dma_wait3A_103 = arith.constant 0 : i32
            %dma_wait3A_104 = tpu.memref_slice %arg4[%mul3A_83, %dma_wait3A_103] : memref<100000x128xf32, #tpu.memory_space<hbm>> -> memref<128x128xf32, #tpu.memory_space<hbm>>
            %dma_wait3A_105 = arith.constant 0 : i32
            %dma_wait3A_106 = tpu.memref_slice %arg4[%mul3A_83, %dma_wait3A_105] : memref<100000x128xf32, #tpu.memory_space<hbm>> -> memref<128x128xf32, #tpu.memory_space<hbm>>
            tpu.wait_dma2 semaphore(%run_scoped3A : memref<!tpu.dma_semaphore, #tpu.memory_space<semaphore_mem>>) src(%arg12 : memref<128x128xf32, #tpu.memory_space<vmem>>) dst(%dma_wait3A_106 : memref<128x128xf32, #tpu.memory_space<hbm>>)
            tpu.yield
          }) : () -> ()
        } else {
        }
        %eq3A_89 = arith.constant 781 : i32
        %eq3A_90 = arith.cmpi eq, %add3A_81, %eq3A_89 : i32
        %convert_element_type3A_91 = arith.extui %eq3A_90 : i1 to i32
        %cond3A_92 = arith.constant 0 : i32
        %cond3A_93 = arith.cmpi ne, %convert_element_type3A_91, %cond3A_92 : i32
        scf.if %cond3A_93 {
          "tpu.region"() ({
            %run_scoped3A = tpu.sem_alloc : memref<!tpu.dma_semaphore, #tpu.memory_space<semaphore_mem>>
            %dma_start3A = arith.constant 0 : i32
            %dma_start3A_100 = arith.constant 0 : i32
            %dma_start3A_101 = tpu.memref_slice %arg12[%dma_start3A, %dma_start3A_100] : memref<128x128xf32, #tpu.memory_space<vmem>> -> memref<32x128xf32, #tpu.memory_space<vmem>>
            %dma_start3A_102 = arith.constant 0 : i32
            %dma_start3A_103 = tpu.memref_slice %arg4[%mul3A_83, %dma_start3A_102] : memref<100000x128xf32, #tpu.memory_space<hbm>> -> memref<32x128xf32, #tpu.memory_space<hbm>>
            %dma_start3A_104 = arith.constant 0 : i32
            %dma_start3A_105 = tpu.memref_slice %arg4[%mul3A_83, %dma_start3A_104] : memref<100000x128xf32, #tpu.memory_space<hbm>> -> memref<32x128xf32, #tpu.memory_space<hbm>>
            %dma_start3A_106 = arith.constant 0 : i32
            %dma_start3A_107 = arith.constant 0 : i32
            %dma_start3A_108 = tpu.memref_slice %arg12[%dma_start3A_106, %dma_start3A_107] : memref<128x128xf32, #tpu.memory_space<vmem>> -> memref<32x128xf32, #tpu.memory_space<vmem>>
            tpu.enqueue_dma source(%dma_start3A_108 : memref<32x128xf32, #tpu.memory_space<vmem>>) target(%dma_start3A_105 : memref<32x128xf32, #tpu.memory_space<hbm>>) target_semaphore(%run_scoped3A : memref<!tpu.dma_semaphore, #tpu.memory_space<semaphore_mem>>)
            %dma_wait3A_109 = arith.constant 0 : i32
            %dma_wait3A_110 = arith.constant 0 : i32
            %dma_wait3A_111 = tpu.memref_slice %arg12[%dma_wait3A_109, %dma_wait3A_110] : memref<128x128xf32, #tpu.memory_space<vmem>> -> memref<32x128xf32, #tpu.memory_space<vmem>>
            %dma_wait3A_112 = arith.constant 0 : i32
            %dma_wait3A_113 = tpu.memref_slice %arg4[%mul3A_83, %dma_wait3A_112] : memref<100000x128xf32, #tpu.memory_space<hbm>> -> memref<32x128xf32, #tpu.memory_space<hbm>>
            %dma_wait3A_114 = arith.constant 0 : i32
            %dma_wait3A_115 = tpu.memref_slice %arg4[%mul3A_83, %dma_wait3A_114] : memref<100000x128xf32, #tpu.memory_space<hbm>> -> memref<32x128xf32, #tpu.memory_space<hbm>>
            %dma_wait3A_116 = arith.constant 0 : i32
            %dma_wait3A_117 = arith.constant 0 : i32
            %dma_wait3A_118 = tpu.memref_slice %arg12[%dma_wait3A_116, %dma_wait3A_117] : memref<128x128xf32, #tpu.memory_space<vmem>> -> memref<32x128xf32, #tpu.memory_space<vmem>>
            tpu.wait_dma2 semaphore(%run_scoped3A : memref<!tpu.dma_semaphore, #tpu.memory_space<semaphore_mem>>) src(%dma_wait3A_118 : memref<32x128xf32, #tpu.memory_space<vmem>>) dst(%dma_wait3A_115 : memref<32x128xf32, #tpu.memory_space<hbm>>)
            tpu.yield
          }) : () -> ()
        } else {
        }
        %add3A_94 = arith.constant 4 : i32
        %add3A_95 = arith.addi %add3A_71, %add3A_94 : i32
        %lt3A_96 = arith.cmpi slt, %add3A_95, %select_n3A : i32
        %convert_element_type3A_97 = arith.extui %lt3A_96 : i1 to i32
        %cond3A_98 = arith.constant 0 : i32
        %cond3A_99 = arith.cmpi ne, %convert_element_type3A_97, %cond3A_98 : i32
        scf.if %cond3A_99 {
          %add3A_100 = arith.constant 4 : i32
          %add3A_101 = arith.addi %add3A_71, %add3A_100 : i32
          %mul3A_102 = arith.constant 128 : i32
          %mul3A_103 = arith.muli %add3A_101, %mul3A_102 : i32
          %dma_start3A = tpu.memref_slice %arg7[%mul3A_103] : memref<3200xi32, #tpu.memory_space<vmem>> -> memref<128xi32, #tpu.memory_space<vmem>>
          %dma_start3A_104 = arith.constant 0 : i32
          %dma_start3A_105 = arith.constant 0 : i32
          %dma_start3A_106 = tpu.memref_slice %arg8[%dma_start3A_104, %dma_start3A_105] : memref<64x128xf32, #tpu.memory_space<vmem_shared>> -> memref<64x128xf32, #tpu.memory_space<vmem_shared>>
          tpu.enqueue_indirect_dma source(%dma_start3A_106 : memref<64x128xf32, #tpu.memory_space<vmem_shared>>) target(%arg12 : memref<128x128xf32, #tpu.memory_space<vmem>>) offsets(%dma_start3A : memref<128xi32, #tpu.memory_space<vmem>>) semaphore(%arg16 : memref<!tpu.dma_semaphore, #tpu.memory_space<semaphore_mem>>)
        } else {
        }
      } else {
      }
    }
    %scan3A_42 = arith.constant 7 : i32
    return
  }
}

</mosaic_0001>

<sc_bundles>
// kernel: kernel.4.cloned.1.call-start
scs
__scs_entry_jumppad:
0x0: {  	(pc) =	sbr.rel $0x88, $3  }
0x1: {  	(tag) =	ssettag $0x0;
	lr =	simm.s32 $0x1  }
0x2: {  	[smem:$0x3F9F] =	sst lr;
	_ =	strace $0xD0000000  }
0x3: {  	_ = 	snop  }
0x4: {  	_ = 	snop  }
0x5: {  	_ = 	snop  }
0x6: {  	_ = 	snop  }
0x7: {  	_ = 	snop  }
__scs_overlays_trampoline_lowered:
0x8: {  	[smem:$0x3FAE] =	sst s0  }
0x9: {  	[smem:$0x3FAF] =	sst s1  }
0xa: {  	[smem:$0x3FB0] =	sst s2  }
0xb: {  	[smem:$0x3FB1] =	sst s3  }
0xc: {  	[smem:$0x3FB2] =	sst s4  }
0xd: {  	[smem:$0x3FB3] =	sst s5  }
0xe: {  	[smem:$0x3FB4] =	sst s6  }
0xf: {  	[smem:$0x3FB5] =	sst s7  }
0x10: {  	[smem:$0x3FB6] =	sst s8  }
0x11: {  	[smem:$0x3FB7] =	sst s9;
	s0 =	simm.s32 @!p0 $0x0  }
0x12: {  	s1 =	sld [smem:$0x3F9D];
	s0 =	simm.s32 @p0 $0x1  }
0x13: {  	[smem:$0x3FB8] =	sst s0;
	s0 =	simm.s32 @!p1 $0x0  }
0x14: {  	s2 =	sld [smem:$0x3F9C];
	s0 =	simm.s32 @p1 $0x1  }
0x15: {  	[smem:$0x3FB9] =	sst s0;
	s0 =	simm.s32 @!p2 $0x0  }
0x16: {  	s3 =	sld [smem:$0x3FDB];
	s0 =	simm.s32 @p2 $0x1  }
0x17: {  	s4 =	simm.s32 $0x1BF5;
	[smem:$0x3FBB] =	sst s0  }
0x18: {  	s0 =	sld [smem:$0x3F9E];
	_ =	swait.ge [sflag:s4], $0x0  }
0x19: {  	s7 =	sld [smem:$0x3F9F]  }
0x1a: {  	s8 =	sadd.s32 $0xFFFFE003, lr  }
0x1b: {  	s9 =	sadd.s32 $0xFFFFFEF7, lr;
	s5 =	simm.s32 $0xFFFFFFFF;
	p2 =	slt.u32 s8, $0xFFFFF086  }
0x1c: {  	p1 =	slt.u32 s9, $0xF7A;
	s5 =	simm.s32 @!p2 $0x0  }
0x1d: {  	s5 =	simm.s32 @p1 $0x1;
	p0 =	seq.s32 s7, s2  }
0x1e: {  	s7 =	smul.u32 @!p0 $0xF7A, s2;
	p2 =	seq.s32 @!p0 s5, $0x0  }
0x1f: {  	s9 =	smul.u32 $0xF7A, s1;
	s8 =	simm.s32 @!p0 $0x1BF5;
	p2 =	por !p2, p0  }
0x20: {  	[sflag:s8] =	ssyncset.s32 @!p0 $0xFFFFF086;
	s6 =	sadd.s32 @!p0 s3, s7;
	s7 =	simm.s32 @!p0 $0x108  }
0x21: {  	s3 =	sadd.s32 s3, s9;
	s6 =	sadd.s32 @!p0 $0x88, s6;
	s7 =	simm.s32 @p2 $0x1082  }
0x22: {  	[simem:s7], [sflag:s8] =	dma.local @!p0 [hbm:s6], $0xF7A  }
0x23: {  	s9 =	sor.u32 $0xD0000000, s2;
	s6 =	simm.s32 $0x108;
	_ =	swait.ge @!p0 [sflag:s8], $0x0  }
0x24: {  	s3 =	sadd.s32 $0x88, s3;
	s6 =	simm.s32 @!p1 $0x1082;
	[sflag:s4] =	ssyncset.s32 $0xFFFFF086  }
0x25: {  	[simem:s6], [sflag:s4] =	dma.local [hbm:s3], $0xF7A  }
0x26: {  	[smem:$0x3F9F] =	sst s1;
	(tag) =	ssettag s2;
	_ =	strace s9  }
0x27: {  	s1 =	sld [smem:$0x3FAF]  }
0x28: {  	s2 =	sld [smem:$0x3FB0]  }
0x29: {  	s4 =	sld [smem:$0x3FB2]  }
0x2a: {  	p0 =	seq.s32 s5, $0x0;
	s5 =	sld [smem:$0x3FB3]  }
0x2b: {  	s6 =	sld [smem:$0x3FB4]  }
0x2c: {  	s7 =	sld [smem:$0x3FB5]  }
0x2d: {  	s3 =	simm.s32 $0x108;
	s8 =	sld [smem:$0x3FB6]  }
0x2e: {  	s3 =	simm.s32 @!p0 $0x1082;
	s9 =	sld [smem:$0x3FB7]  }
0x2f: {  	lr =	sadd.s32 s0, s3;
	s0 =	sld [smem:$0x3FAE]  }
0x30: {  	s3 =	sld [smem:$0x3FB1]  }
0x31: {  	[smem:$0x3FBA] =	sst s10  }
0x32: {  	s10 =	sld [smem:$0x3FB8];
	_ =	sdelay $0x3  }
0x33: {  	p0 =	seq.s32 s10, $0x1;
	s10 =	sld [smem:$0x3FBA];
	_ =	sdelay $0x3  }
0x34: {  	[smem:$0x3FBA] =	sst s10  }
0x35: {  	s10 =	sld [smem:$0x3FB9];
	_ =	sdelay $0x3  }
0x36: {  	p1 =	seq.s32 s10, $0x1;
	s10 =	sld [smem:$0x3FBA];
	_ =	sdelay $0x3  }
0x37: {  	[smem:$0x3FBA] =	sst s10  }
0x38: {  	s10 =	sld [smem:$0x3FBB]  }
0x39: {  	_ = 	snop;
	(pc) =	sbr.ind lr, $3  }
0x3a: {  	_ = 	snop  }
0x3b: {  	_ = 	snop  }
0x3c: {  	p2 =	seq.s32 s10, $0x1;
	s10 =	sld [smem:$0x3FBA]  }
0x3d: {  	_ =	shalt  }
0x3e: {  	_ =	shalt  }
0x3f: {  	_ =	shalt  }
0x40: {  	_ =	shalt  }
0x41: {  	_ =	shalt  }
0x42: {  	_ =	shalt  }
0x43: {  	_ =	shalt  }
0x44: {  	_ =	shalt  }
0x45: {  	_ =	shalt  }
0x46: {  	_ =	shalt  }
0x47: {  	_ =	shalt  }
0x48: {  	_ =	shalt  }
0x49: {  	_ =	shalt  }
0x4a: {  	_ =	shalt  }
0x4b: {  	_ =	shalt  }
0x4c: {  	_ =	shalt  }
0x4d: {  	_ =	shalt  }
0x4e: {  	_ =	shalt  }
0x4f: {  	_ =	shalt  }
0x50: {  	_ =	shalt  }
0x51: {  	_ =	shalt  }
0x52: {  	_ =	shalt  }
0x53: {  	_ =	shalt  }
0x54: {  	_ =	shalt  }
0x55: {  	_ =	shalt  }
0x56: {  	_ =	shalt  }
0x57: {  	_ =	shalt  }
0x58: {  	_ =	shalt  }
0x59: {  	_ =	shalt  }
0x5a: {  	_ =	shalt  }
0x5b: {  	_ =	shalt  }
0x5c: {  	_ =	shalt  }
0x5d: {  	_ =	shalt  }
0x5e: {  	_ =	shalt  }
0x5f: {  	_ =	shalt  }
0x60: {  	_ =	shalt  }
0x61: {  	_ =	shalt  }
0x62: {  	_ =	shalt  }
0x63: {  	_ =	shalt  }
0x64: {  	_ =	shalt  }
0x65: {  	_ =	shalt  }
0x66: {  	_ =	shalt  }
0x67: {  	_ =	shalt  }
0x68: {  	_ =	shalt  }
0x69: {  	_ =	shalt  }
0x6a: {  	_ =	shalt  }
0x6b: {  	_ =	shalt  }
0x6c: {  	_ =	shalt  }
0x6d: {  	_ =	shalt  }
0x6e: {  	_ =	shalt  }
0x6f: {  	_ =	shalt  }
0x70: {  	_ =	shalt  }
0x71: {  	_ =	shalt  }
0x72: {  	_ =	shalt  }
0x73: {  	_ =	shalt  }
0x74: {  	_ =	shalt  }
0x75: {  	_ =	shalt  }
0x76: {  	_ =	shalt  }
0x77: {  	_ =	shalt  }
0x78: {  	_ =	shalt  }
0x79: {  	_ =	shalt  }
0x7a: {  	_ =	shalt  }
0x7b: {  	_ =	shalt  }
0x7c: {  	_ =	shalt  }
0x7d: {  	_ =	shalt  }
0x7e: {  	_ =	shalt  }
0x7f: {  	_ =	shalt  }
0x80: {  	_ =	shalt  }
0x81: {  	_ =	shalt  }
0x82: {  	_ =	shalt  }
0x83: {  	_ =	shalt  }
0x84: {  	_ =	shalt  }
0x85: {  	_ =	shalt  }
0x86: {  	_ =	shalt  }
0x87: {  	_ =	shalt  }
.Lfunc_end0:
.L_simem_size_0:
called_computation_lowered:
.L_overlay_start_0:
0x88: {  	s2 =	sld [smem:$0x3FD9]  }
0x89: {  	s3 =	sld [smem:$0x3FFE];
	_ =	sdelay $0x1  }
0x8a: {  	s1 =	srdreg.scid  }
0x8b: {  	s0 =	sand.u32 $0x1, s1  }
0x8c: {  	s17 =	sshll.u32 s0, $0xA;
	s2 =	sadd.s32 s3, s2  }
0x8d: {  	s2 =	sadd.s32 s2, s17  }
0x8e: {  	[smem:$0x3FC6] =	sst s2  }
0x8f: {  	_ = 	snop  }
0x90: {  	s2 =	sld [smem:$0x3FD0];
	(tm) =	ssettm $0x1  }
0x91: {  	s18 =	sld [smem:$0x3FFB];
	_ =	sdelay $0x3  }
0x92: {  	_ =	strace s18  }
0x93: {  	s3 =	sld [smem:$0x3FFC];
	_ =	sdelay $0x3  }
0x94: {  	_ =	strace s3  }
0x95: {  	s3 =	sld [smem:$0x3FFD];
	_ =	sdelay $0x3  }
0x96: {  	_ =	strace s3  }
0x97: {  	_ =	strace $0x8FFFFFFF  }
0x98: {  	s19 =	sld [smem:$0x3FDB];
	_ =	sdelay $0x1  }
0x99: {  	s4 =	simm.s32 $_scs_section_size  }
0x9a: {  	s5 =	simm.s32 $_size__tile_overlayer_lowered;
	s6 =	simm.s32 $_tile_overlayer_lowered  }
0x9b: {  	s22 =	simm.s32 $0x1BFF;
	s21 =	sshll.u32 s6, $0x1;
	s3 =	sadd.s32 s4, s19  }
0x9c: {  	s7 =	simm.s32 $0x0;
	s20 =	sshll.u32 s5, $0x1;
	s5 =	sadd.s32 s21, s3  }
0x9d: {  	[timem:s7], [sflag:s22] =	dma.local [hbm:s5], s20  }
0x9e: {  	_ =	swait.ge [sflag:s22], s20  }
0x9f: {  	s4 =	ssub.s32 $0x0, s20;
	[sflag:s22] =	ssyncset.done $0x0  }
0xa0: {  	[sflag:s22] =	ssyncadd.s32 s4;
	_ =	sdelay $0x1  }
0xa1: {  	s23 =	simm.s32 $0x1B8B  }
0xa2: {  	_ =	swait.ge [sflag:s23], $0x1  }
0xa3: {  	[sflag:s23] =	ssyncset.done $0x0  }
0xa4: {  	s25 =	simm.s32 $0x1B8E;
	s24 =	sld [smem:$0x3FFE];
	[sflag:s23] =	ssyncadd.s32 $0xFFFFFFFF  }
0xa5: {  	s26 =	simm.s32 $execute0_lowered;
	[smem:$0x3FD2] =	sst s25  }
0xa6: {  	s5 =	sshll.u32 s26, $0x1;
	_ =	strace $0x80000046;
	[dreg:$0x1] =	wrdreg $0xFFFFFFFF  }
0xa7: {  	s28 =	simm.s32 $_size_execute0_lowered;
	s3 =	sadd.s32 s3, s5;
	[dreg:$0x0] =	wrdreg $0x0  }
0xa8: {  	s5 =	sshll.u32 s28, $0x1;
	[dreg:$0x2] =	wrdreg s3  }
0xa9: {  	[dreg:$0x3] =	wrdreg s5  }
0xaa: {  	[dreg:$0x4] =	wrdreg $0xC0  }
0xab: {  	_ =	task [dreg:s7], $0x5FFFF  }
0xac: {  	[dreg:$0x1] =	wrdreg $0xFFFFFFFF  }
0xad: {  	[dreg:$0x0] =	wrdreg $0x60  }
0xae: {  	[dreg:$0x2] =	wrdreg s2  }
0xaf: {  	[dreg:$0x3] =	wrdreg s24  }
0xb0: {  	[dreg:$0x4] =	wrdreg $0x0  }
0xb1: {  	[dreg:$0x5] =	wrdreg $0x9  }
0xb2: {  	_ =	task.clear_ibuf [dreg:s7], $0x6FFFF;
	_ =	strace $0x90000046  }
0xb3: {  	s29 =	simm.s32 $0x9;
	_ =	strace $0x80000048  }
0xb4: {  	_ =	swait.ge [sflag:s29], $0x1  }
0xb5: {  	[sflag:s29] =	ssyncadd.s32 $0xFFFFFFFF  }
0xb6: {  	_ =	strace $0x90000048  }
0xb7: {  	_ =	sfence  }
0xb8: {  	s30 =	sld [smem:$0x0];
	_ =	sdelay $0x2  }
0xb9: {  	s31 =	sshll.u32 s1, $0xD;
	s1 =	sshrl.u32 s1, $0x2  }
0xba: {  	s3 =	sand.u32 $0x4000, s31;
	s1 =	sadd.s32 s1, s30  }
0xbb: {  	s0 =	sor.u32 s3, s0;
	s1 =	sshll.u32 s1, $0x11  }
0xbc: {  	s0 =	sor.u32 s1, s0  }
0xbd: {  	s0 =	sadd.s32 $0x8F2B, s0  }
0xbe: {  	[sflag:s0] =	ssyncadd.remote.s32 $0x1  }
0xbf: {  	_ =	sfence.sel $0xFFFF  }
0xc0: {  	[dreg:$0x0] =	wrdreg $0xFFFFFFFF;
	(pc) =	sbr.abs _section_cstart, $3  }
0xc1: {  	[dreg:$0x1] =	wrdreg $0xFFFFFFFF  }
0xc2: {  	_ =	task.clear_ibuf [dreg:s7], $0x2FFFF;
	_ =	strace $0x9FFFFFFF  }
0xc3: {  	(tm) =	ssettm $0x7FFFFFFF  }
tec
execute0_lowered:
.L_overlay_start_1:
0x0: {  	(tag) =	ssettag $0x1  }
0x1: {  	s0 =	rddreg [dreg:$0x0]  }
0x2: {  	s2 =	rddreg [dreg:$0x1];
	s3 =	srdreg.scid  }
0x3: {  	s1 =	rddreg [dreg:$0x2];
	s9 =	stileid.u32  }
0x4: {  	s6 =	simm.s32 $0x0;
	s28 =	simm.s32 $0x6;
	s29 =	simm.s32 $0x400  }
0x5: {  	s30 =	simm.s32 $0x2C80;
	s31 =	simm.s32 $0x4080;
	s11 =	simm.s32 $0xE  }
0x6: {  	s3 =	sand.u32 $0x1, s3;
	s5 =	smul.u32 $0x1880, s9;
	[smem:$0x7FF] =	sst s6  }
0x7: {  	s20 =	sshll.u32 s9, $0xB;
	s22 =	sadd.s32 $0x18000, s1;
	s25 =	sshll.u32 s9, $0x7  }
0x8: {  	p0 =	sne.s32 s9, $0x0;
	s4 =	smul.u32 $0x18800, s3;
	_ =	strace $0x80000047  }
0x9: {  	s16 =	sshll.u32 s3, $0x4;
	s8 =	ssub.s32 $0x2, s3;
	[dreg:$0xa] =	wrdreg s22  }
0xa: {  	s3 =	sshll.u32 s3, $0xB;
	s22 =	simm.s32 $0x8;
	s17 =	sshrl.u32 s8, $0x1  }
0xb: {  	s23 =	sadd.s32 s5, s1;
	s4 =	sadd.s32 s5, s4;
	s6 =	ssub.s32 s8, s17  }
0xc: {  	s26 =	sshrl.u32 s23, $0x3;
	s23 =	simm.s32 $0x3480;
	s7 =	sshrl.u32 s4, $0x3  }
0xd: {  	s4 =	sor.u32 s9, s16;
	s24 =	smax.u32 s6, $0x1;
	[dreg:$0xe] =	wrdreg s26  }
0xe: {  	s26 =	simm.s32 $0x15;
	s2 =	sadd.s32 s7, s2;
	s18 =	sshll.u32 s4, $0x7  }
0xf: {  	s7 =	sadd.s32 s20, s1;
	s12 =	ssub.s32 $0xC35, s4;
	s13 =	ssub.s32 $0xBF5, s4  }
0x10: {  	s14 =	ssub.s32 $0xC15, s4;
	[dreg:$0xc] =	wrdreg s24;
	s17 =	ssub.s32 $0xC95, s4  }
0x11: {  	s20 =	simm.s32 $0x11;
	s19 =	sadd.s32 s0, s18;
	[dreg:$0x7] =	wrdreg s7  }
0x12: {  	s21 =	sadd.s32 $0x8000, s7;
	s7 =	sadd.s32 $0x10000, s7;
	[dreg:$0x4] =	wrdreg s19  }
0x13: {  	s2 =	sadd.s32 $0x800, s2;
	s0 =	sadd.s32 s3, s0;
	[dreg:$0x8] =	wrdreg s21  }
0x14: {  	s18 =	ssub.s32 $0xC75, s4;
	s10 =	sadd.s32 $0x1000, s19;
	[dreg:$0x9] =	wrdreg s7  }
.Ltmp0:
0x15: {  	[dreg:$0xb] =	wrdreg s2;
	s0 =	sadd.s32 s25, s0;
	(pc) =	sbr.rel .LBB2_1-.Ltmp0, $4  }
0x16: {  	s8 =	sadd.s32 $0x2000, s19;
	[dreg:$0x5] =	wrdreg s10;
	s0 =	sadd.s32 $0x6000, s0  }
0x17: {  	s19 =	ssub.s32 $0xC55, s4;
	[dreg:$0xd] =	wrdreg s0;
	s0 =	simm.s32 @!p0 $0x0  }
0x18: {  	s21 =	simm.s32 $0x3080;
	[dreg:$0x6] =	wrdreg s8;
	s0 =	simm.s32 @p0 $0x1  }
0x19: {  	v0 =	vimm.s32 $0x1;
	v1 =	vimm.s32 $0x0;
	s25 =	simm.s32 $0x0;
	[smem:$0x7FD] =	sst s0;
	s0 =	simm.s32 $0x7  }
.LBB2_19:
0x1a: {  	s2 =	simm.s32 $0x13  }
0x1b: {  	_ =	swait.ge [sflag:s2], $0x400  }
0x1c: {  	[sflag:s2] =	ssyncset.done $0x0  }
0x1d: {  	s6 =	simm.s32 $0x14;
	[sflag:s2] =	ssyncadd.s32 $0xFFFFFC00  }
0x1e: {  	_ =	swait.ge [sflag:s6], $0x400  }
0x1f: {  	[sflag:s6] =	ssyncset.done $0x0  }
0x20: {  	s7 =	simm.s32 $0xB;
	[sflag:s6] =	ssyncadd.s32 $0xFFFFFC00  }
0x21: {  	_ =	swait.ge [sflag:s7], $0x400  }
0x22: {  	[sflag:s7] =	ssyncset.done $0x0  }
0x23: {  	s8 =	simm.s32 $0xC;
	[sflag:s7] =	ssyncadd.s32 $0xFFFFFC00  }
0x24: {  	_ =	swait.ge [sflag:s8], $0x400  }
0x25: {  	[sflag:s8] =	ssyncset.done $0x0  }
0x26: {  	s9 =	simm.s32 $0xD;
	[sflag:s8] =	ssyncadd.s32 $0xFFFFFC00  }
0x27: {  	_ =	swait.ge [sflag:s9], $0x400  }
0x28: {  	[sflag:s9] =	ssyncset.done $0x0  }
0x29: {  	[sflag:s9] =	ssyncadd.s32 $0xFFFFFC00  }
0x2a: {  	_ =	swait.ge [sflag:s11], $0x400  }
0x2b: {  	[sflag:s11] =	ssyncset.done $0x0  }
0x2c: {  	s10 =	simm.s32 $0xF;
	[sflag:s11] =	ssyncadd.s32 $0xFFFFFC00  }
0x2d: {  	_ =	swait.ge [sflag:s10], $0x400  }
0x2e: {  	[sflag:s10] =	ssyncset.done $0x0  }
0x2f: {  	s15 =	simm.s32 $0x10;
	[sflag:s10] =	ssyncadd.s32 $0xFFFFFC00  }
0x30: {  	_ =	swait.ge [sflag:s15], $0x400  }
0x31: {  	[sflag:s15] =	ssyncset.done $0x0  }
0x32: {  	[sflag:s15] =	ssyncadd.s32 $0xFFFFFC00  }
0x33: {  	_ =	swait.ge [sflag:s20], $0x400  }
0x34: {  	p0 =	sgt.u32 s4, $0x14;
	[sflag:s20] =	ssyncset.done $0x0  }
0x35: {  	s2 =	simm.s32 @!p0 $0x12;
	[sflag:s20] =	ssyncadd.s32 $0xFFFFFC00  }
0x36: {  	_ =	swait.ge @!p0 [sflag:s2], $0x400  }
0x37: {  	[sflag:s2] =	ssyncset.done @!p0 $0x0  }
0x38: {  	[sflag:s2] =	ssyncadd.s32 @!p0 $0xFFFFFC00  }
0x39: {  	s16 =	stileid.u32;
	[bflag:$0x0] =	sbarrier.arrive $0xFFFF  }
0x3a: {  	s2 =	sshll.u32 s16, $0x6;
	s3 =	rddreg [dreg:$0xb]  }
0x3b: {  	s2 =	sor.u32 $0x1C15, s2;
	s5 =	rddreg [dreg:$0xe]  }
0x3c: {  	[hbm:s3], [sflag:s2] =	dma.local [spmem:s5], $0x310  }
0x3d: {  	_ =	swait.ge [sflag:s26], $0x310  }
0x3e: {  	s25 =	sadd.s32 $0x1, s25;
	s24 =	rddreg [dreg:$0xc]  }
0x3f: {  	p0 =	sne.s32 s25, s24  }
.Ltmp1:
0x40: {  	_ = 	snop;
	(pc) =	sbr.rel @!p0 .LBB2_20-.Ltmp1, $3  }
0x41: {  	_ =	sdelay $0x1  }
0x42: {  	[sflag:s26] =	ssyncset.done $0x0  }
0x43: {  	[sflag:s26] =	ssyncadd.s32 $0xFFFFFCF0  }
.LBB2_1:
0x44: {  	s2 =	simm.s32 $0x0;
	s3 =	rddreg [dreg:$0x4];
	s5 =	simm.s32 $0x1880  }
0x45: {  	[tilespmem:s5], [sflag:$0x1] =	stream.linear.gather [hbm4b:s3+s2], $0x400, $0x38;
	[tilespmem:$0x4C80] =	vst v63  }
0x46: {  	s6 =	simm.s32 $0x1C80;
	s5 =	rddreg [dreg:$0x5]  }
0x47: {  	[tilespmem:s6], [sflag:$0x2] =	stream.linear.gather [hbm4b:s5+s2], $0x400, $0x38;
	[tilespmem:$0x4C80] =	vst v63  }
0x48: {  	s7 =	rddreg [dreg:$0x6];
	s8 =	simm.s32 $0x2080  }
0x49: {  	[tilespmem:s8], [sflag:$0x3] =	stream.linear.gather [hbm4b:s7+s2], $0x400, $0x38;
	[tilespmem:$0x4C80] =	vst v63  }
0x4a: {  	[tilespmem:$0x4080] =	vst v0  }
0x4b: {  	[tilespmem:$0x4090] =	vst v0  }
0x4c: {  	[tilespmem:$0x40A0] =	vst v0  }
0x4d: {  	[tilespmem:$0x40B0] =	vst v0  }
0x4e: {  	[tilespmem:$0x40C0] =	vst v0  }
0x4f: {  	[tilespmem:$0x40D0] =	vst v0  }
0x50: {  	[tilespmem:$0x40E0] =	vst v0  }
0x51: {  	[tilespmem:$0x40F0] =	vst v0  }
0x52: {  	[tilespmem:$0x4100] =	vst v0  }
0x53: {  	[tilespmem:$0x4110] =	vst v0  }
0x54: {  	[tilespmem:$0x4120] =	vst v0  }
0x55: {  	[tilespmem:$0x4130] =	vst v0  }
0x56: {  	[tilespmem:$0x4140] =	vst v0  }
0x57: {  	[tilespmem:$0x4150] =	vst v0  }
0x58: {  	[tilespmem:$0x4160] =	vst v0  }
0x59: {  	[tilespmem:$0x4170] =	vst v0  }
0x5a: {  	[tilespmem:$0x4180] =	vst v0  }
0x5b: {  	[tilespmem:$0x4190] =	vst v0  }
0x5c: {  	[tilespmem:$0x41A0] =	vst v0  }
0x5d: {  	[tilespmem:$0x41B0] =	vst v0  }
0x5e: {  	[tilespmem:$0x41C0] =	vst v0  }
0x5f: {  	[tilespmem:$0x41D0] =	vst v0  }
0x60: {  	[tilespmem:$0x41E0] =	vst v0  }
0x61: {  	[tilespmem:$0x41F0] =	vst v0  }
0x62: {  	[tilespmem:$0x4200] =	vst v0  }
0x63: {  	[tilespmem:$0x4210] =	vst v0  }
0x64: {  	[tilespmem:$0x4220] =	vst v0  }
0x65: {  	[tilespmem:$0x4230] =	vst v0  }
0x66: {  	[tilespmem:$0x4240] =	vst v0  }
0x67: {  	[tilespmem:$0x4250] =	vst v0  }
0x68: {  	[tilespmem:$0x4260] =	vst v0  }
0x69: {  	[tilespmem:$0x4270] =	vst v0  }
0x6a: {  	[tilespmem:$0x4280] =	vst v0  }
0x6b: {  	[tilespmem:$0x4290] =	vst v0  }
0x6c: {  	[tilespmem:$0x42A0] =	vst v0  }
0x6d: {  	[tilespmem:$0x42B0] =	vst v0  }
0x6e: {  	[tilespmem:$0x42C0] =	vst v0  }
0x6f: {  	[tilespmem:$0x42D0] =	vst v0  }
0x70: {  	[tilespmem:$0x42E0] =	vst v0  }
0x71: {  	[tilespmem:$0x42F0] =	vst v0  }
0x72: {  	[tilespmem:$0x4300] =	vst v0  }
0x73: {  	[tilespmem:$0x4310] =	vst v0  }
0x74: {  	[tilespmem:$0x4320] =	vst v0  }
0x75: {  	[tilespmem:$0x4330] =	vst v0  }
0x76: {  	[tilespmem:$0x4340] =	vst v0  }
0x77: {  	[tilespmem:$0x4350] =	vst v0  }
0x78: {  	[tilespmem:$0x4360] =	vst v0  }
0x79: {  	[tilespmem:$0x4370] =	vst v0  }
0x7a: {  	[tilespmem:$0x4380] =	vst v0  }
0x7b: {  	[tilespmem:$0x4390] =	vst v0  }
0x7c: {  	[tilespmem:$0x43A0] =	vst v0  }
0x7d: {  	[tilespmem:$0x43B0] =	vst v0  }
0x7e: {  	[tilespmem:$0x43C0] =	vst v0  }
0x7f: {  	[tilespmem:$0x43D0] =	vst v0  }
0x80: {  	[tilespmem:$0x43E0] =	vst v0  }
0x81: {  	[tilespmem:$0x43F0] =	vst v0  }
0x82: {  	[tilespmem:$0x4400] =	vst v0  }
0x83: {  	[tilespmem:$0x4410] =	vst v0  }
0x84: {  	[tilespmem:$0x4420] =	vst v0  }
0x85: {  	[tilespmem:$0x4430] =	vst v0  }
0x86: {  	[tilespmem:$0x4440] =	vst v0  }
0x87: {  	[tilespmem:$0x4450] =	vst v0  }
0x88: {  	[tilespmem:$0x4460] =	vst v0  }
0x89: {  	[tilespmem:$0x4470] =	vst v0  }
0x8a: {  	[tilespmem:$0x4480] =	vst v1  }
0x8b: {  	[tilespmem:$0x4490] =	vst v1  }
0x8c: {  	[tilespmem:$0x44A0] =	vst v1  }
0x8d: {  	[tilespmem:$0x44B0] =	vst v1  }
0x8e: {  	[tilespmem:$0x44C0] =	vst v1  }
0x8f: {  	[tilespmem:$0x44D0] =	vst v1  }
0x90: {  	[tilespmem:$0x44E0] =	vst v1  }
0x91: {  	[tilespmem:$0x44F0] =	vst v1  }
0x92: {  	[tilespmem:$0x4500] =	vst v1  }
0x93: {  	[tilespmem:$0x4510] =	vst v1  }
0x94: {  	[tilespmem:$0x4520] =	vst v1  }
0x95: {  	[tilespmem:$0x4530] =	vst v1  }
0x96: {  	[tilespmem:$0x4540] =	vst v1  }
0x97: {  	[tilespmem:$0x4550] =	vst v1  }
0x98: {  	[tilespmem:$0x4560] =	vst v1  }
0x99: {  	[tilespmem:$0x4570] =	vst v1  }
0x9a: {  	[tilespmem:$0x4580] =	vst v1  }
0x9b: {  	[tilespmem:$0x4590] =	vst v1  }
0x9c: {  	[tilespmem:$0x45A0] =	vst v1  }
0x9d: {  	[tilespmem:$0x45B0] =	vst v1  }
0x9e: {  	[tilespmem:$0x45C0] =	vst v1  }
0x9f: {  	[tilespmem:$0x45D0] =	vst v1  }
0xa0: {  	[tilespmem:$0x45E0] =	vst v1  }
0xa1: {  	[tilespmem:$0x45F0] =	vst v1  }
0xa2: {  	[tilespmem:$0x4600] =	vst v1  }
0xa3: {  	[tilespmem:$0x4610] =	vst v1  }
0xa4: {  	[tilespmem:$0x4620] =	vst v1  }
0xa5: {  	[tilespmem:$0x4630] =	vst v1  }
0xa6: {  	[tilespmem:$0x4640] =	vst v1  }
0xa7: {  	[tilespmem:$0x4650] =	vst v1  }
0xa8: {  	[tilespmem:$0x4660] =	vst v1  }
0xa9: {  	[tilespmem:$0x4670] =	vst v1  }
0xaa: {  	[tilespmem:$0x4680] =	vst v1  }
0xab: {  	[tilespmem:$0x4690] =	vst v1  }
0xac: {  	[tilespmem:$0x46A0] =	vst v1  }
0xad: {  	[tilespmem:$0x46B0] =	vst v1  }
0xae: {  	[tilespmem:$0x46C0] =	vst v1  }
0xaf: {  	[tilespmem:$0x46D0] =	vst v1  }
0xb0: {  	[tilespmem:$0x46E0] =	vst v1  }
0xb1: {  	[tilespmem:$0x46F0] =	vst v1  }
0xb2: {  	[tilespmem:$0x4700] =	vst v1  }
0xb3: {  	[tilespmem:$0x4710] =	vst v1  }
0xb4: {  	[tilespmem:$0x4720] =	vst v1  }
0xb5: {  	[tilespmem:$0x4730] =	vst v1  }
0xb6: {  	[tilespmem:$0x4740] =	vst v1  }
0xb7: {  	[tilespmem:$0x4750] =	vst v1  }
0xb8: {  	[tilespmem:$0x4760] =	vst v1  }
0xb9: {  	[tilespmem:$0x4770] =	vst v1  }
0xba: {  	[tilespmem:$0x4780] =	vst v1  }
0xbb: {  	[tilespmem:$0x4790] =	vst v1  }
0xbc: {  	[tilespmem:$0x47A0] =	vst v1  }
0xbd: {  	[tilespmem:$0x47B0] =	vst v1  }
0xbe: {  	[tilespmem:$0x47C0] =	vst v1  }
0xbf: {  	[tilespmem:$0x47D0] =	vst v1  }
0xc0: {  	[tilespmem:$0x47E0] =	vst v1  }
0xc1: {  	[tilespmem:$0x47F0] =	vst v1  }
0xc2: {  	[tilespmem:$0x4800] =	vst v1  }
0xc3: {  	[tilespmem:$0x4810] =	vst v1  }
0xc4: {  	[tilespmem:$0x4820] =	vst v1  }
0xc5: {  	[tilespmem:$0x4830] =	vst v1  }
0xc6: {  	[tilespmem:$0x4840] =	vst v1  }
0xc7: {  	[tilespmem:$0x4850] =	vst v1  }
0xc8: {  	[tilespmem:$0x4860] =	vst v1  }
0xc9: {  	[tilespmem:$0x4870] =	vst v1  }
0xca: {  	[tilespmem:$0x4880] =	vst v1  }
0xcb: {  	[tilespmem:$0x4890] =	vst v1  }
0xcc: {  	[tilespmem:$0x48A0] =	vst v1  }
0xcd: {  	[tilespmem:$0x48B0] =	vst v1  }
0xce: {  	[tilespmem:$0x48C0] =	vst v1  }
0xcf: {  	[tilespmem:$0x48D0] =	vst v1  }
0xd0: {  	[tilespmem:$0x48E0] =	vst v1  }
0xd1: {  	[tilespmem:$0x48F0] =	vst v1  }
0xd2: {  	[tilespmem:$0x4900] =	vst v1  }
0xd3: {  	[tilespmem:$0x4910] =	vst v1  }
0xd4: {  	[tilespmem:$0x4920] =	vst v1  }
0xd5: {  	[tilespmem:$0x4930] =	vst v1  }
0xd6: {  	[tilespmem:$0x4940] =	vst v1  }
0xd7: {  	[tilespmem:$0x4950] =	vst v1  }
0xd8: {  	[tilespmem:$0x4960] =	vst v1  }
0xd9: {  	[tilespmem:$0x4970] =	vst v1  }
0xda: {  	[tilespmem:$0x4980] =	vst v1  }
0xdb: {  	[tilespmem:$0x4990] =	vst v1  }
0xdc: {  	[tilespmem:$0x49A0] =	vst v1  }
0xdd: {  	[tilespmem:$0x49B0] =	vst v1  }
0xde: {  	[tilespmem:$0x49C0] =	vst v1  }
0xdf: {  	[tilespmem:$0x49D0] =	vst v1  }
0xe0: {  	[tilespmem:$0x49E0] =	vst v1  }
0xe1: {  	[tilespmem:$0x49F0] =	vst v1  }
0xe2: {  	[tilespmem:$0x4A00] =	vst v1  }
0xe3: {  	[tilespmem:$0x4A10] =	vst v1  }
0xe4: {  	[tilespmem:$0x4A20] =	vst v1  }
0xe5: {  	[tilespmem:$0x4A30] =	vst v1  }
0xe6: {  	[tilespmem:$0x4A40] =	vst v1  }
0xe7: {  	[tilespmem:$0x4A50] =	vst v1  }
0xe8: {  	[tilespmem:$0x4A60] =	vst v1  }
0xe9: {  	[tilespmem:$0x4A70] =	vst v1  }
0xea: {  	[tilespmem:$0x4A80] =	vst v1  }
0xeb: {  	[tilespmem:$0x4A90] =	vst v1  }
0xec: {  	[tilespmem:$0x4AA0] =	vst v1  }
0xed: {  	[tilespmem:$0x4AB0] =	vst v1  }
0xee: {  	[tilespmem:$0x4AC0] =	vst v1  }
0xef: {  	[tilespmem:$0x4AD0] =	vst v1  }
0xf0: {  	[tilespmem:$0x4AE0] =	vst v1  }
0xf1: {  	[tilespmem:$0x4AF0] =	vst v1  }
0xf2: {  	[tilespmem:$0x4B00] =	vst v1  }
0xf3: {  	[tilespmem:$0x4B10] =	vst v1  }
0xf4: {  	[tilespmem:$0x4B20] =	vst v1  }
0xf5: {  	[tilespmem:$0x4B30] =	vst v1  }
0xf6: {  	[tilespmem:$0x4B40] =	vst v1  }
0xf7: {  	[tilespmem:$0x4B50] =	vst v1  }
0xf8: {  	[tilespmem:$0x4B60] =	vst v1  }
0xf9: {  	[tilespmem:$0x4B70] =	vst v1  }
0xfa: {  	[tilespmem:$0x4B80] =	vst v1  }
0xfb: {  	[tilespmem:$0x4B90] =	vst v1  }
0xfc: {  	[tilespmem:$0x4BA0] =	vst v1  }
0xfd: {  	[tilespmem:$0x4BB0] =	vst v1  }
0xfe: {  	[tilespmem:$0x4BC0] =	vst v1  }
0xff: {  	[tilespmem:$0x4BD0] =	vst v1  }
0x100: {  	[tilespmem:$0x4BE0] =	vst v1  }
0x101: {  	[tilespmem:$0x4BF0] =	vst v1  }
0x102: {  	[tilespmem:$0x4C00] =	vst v1  }
0x103: {  	[tilespmem:$0x4C10] =	vst v1  }
0x104: {  	[tilespmem:$0x4C20] =	vst v1  }
0x105: {  	[tilespmem:$0x4C30] =	vst v1  }
0x106: {  	[tilespmem:$0x4C40] =	vst v1  }
0x107: {  	[tilespmem:$0x4C50] =	vst v1  }
0x108: {  	[tilespmem:$0x4C60] =	vst v1  }
0x109: {  	s9 =	rddreg [dreg:$0x7];
	s10 =	simm.s32 $0x4480;
	[tilespmem:$0x4C70] =	vst v1  }
0x10a: {  	[spmem:s9] =	stream.linear.scatter [tilespmem:s10], [sflag:$0x15], $0x800, $0x38;
	[tilespmem:$0x4C80] =	vst v63  }
0x10b: {  	_ =	swait.ge [sflag:s26], $0x800  }
0x10c: {  	[sflag:s26] =	ssyncset.done $0x0  }
0x10d: {  	s15 =	rddreg [dreg:$0x8];
	[sflag:s26] =	ssyncadd.s32 $0xFFFFF800  }
0x10e: {  	[spmem:s15] =	stream.linear.scatter [tilespmem:s10], [sflag:$0x15], $0x800, $0x38;
	[tilespmem:$0x4C80] =	vst v63  }
0x10f: {  	_ =	swait.ge [sflag:s26], $0x800  }
0x110: {  	[sflag:s26] =	ssyncset.done $0x0  }
0x111: {  	s16 =	rddreg [dreg:$0x9];
	[sflag:s26] =	ssyncadd.s32 $0xFFFFF800  }
0x112: {  	[spmem:s16] =	stream.linear.scatter [tilespmem:s10], [sflag:$0x15], $0x800, $0x38;
	[tilespmem:$0x4C80] =	vst v63  }
0x113: {  	_ =	swait.ge [sflag:s26], $0x800  }
0x114: {  	s24 =	sld [smem:$0x7FD];
	_ =	sdelay $0x2  }
0x115: {  	[sflag:s26] =	ssyncset.done $0x0;
	p0 =	seq.s32 s24, $0x1  }
0x116: {  	s3 =	rddreg [dreg:$0xa];
	[sflag:s26] =	ssyncadd.s32 $0xFFFFF800;
	s2 =	simm.s32 @!p0 $0x4480  }
0x117: {  	[spmem:s3] =	stream.linear.scatter @!p0 [tilespmem:s2], [sflag:$0x15], $0x800, $0x38;
	[tilespmem:$0x4C80] =	vst v63  }
0x118: {  	s2 =	simm.s32 @!p0 $0x15  }
.Ltmp2:
0x119: {  	_ =	swait.ge @!p0 [sflag:s2], $0x800;
	(pc) =	sbr.rel .LBB2_2-.Ltmp2, $4  }
0x11a: {  	[sflag:s2] =	ssyncset.done @!p0 $0x0  }
0x11b: {  	[sflag:s2] =	ssyncadd.s32 @!p0 $0xFFFFF800  }
0x11c: {  	s5 =	simm.s32 $0x9;
	[bflag:$0x0] =	sbarrier.arrive $0xFFFF  }
0x11d: {  	s8 =	simm.s32 $0x0;
	s24 =	simm.s32 $0x0;
	s3 =	rddreg [dreg:$0xd]  }
.LBB2_17:
0x11e: {  	s2 =	simm.s32 @!p1 $0xC  }
0x11f: {  	s7 =	sadd.s32 s8, s4;
	_ =	swait.ge @!p1 [sflag:s2], $0x400  }
0x120: {  	s9 =	sadd.s32 $0x160, s7;
	[sflag:s2] =	ssyncset.done @!p1 $0x0  }
0x121: {  	s15 =	sadd.s32 $0x100, s8;
	p0 =	sgt.u32 s9, $0xC34;
	[sflag:s2] =	ssyncadd.s32 @!p1 $0xFFFFFC00  }
0x122: {  	s2 =	sadd.s32 @!p0 $0x5000, s3;
	s9 =	simm.s32 @!p0 $0x0;
	s10 =	simm.s32 @!p0 $0x1C80  }
0x123: {  	[tilespmem:s10], [sflag:$0x2] =	stream.linear.gather @!p0 [hbm4b:s2+s9], $0x400, $0x38;
	[tilespmem:$0x4C80] =	vst v63  }
0x124: {  	p0 =	sge.u32 s15, s12  }
0x125: {  	s2 =	simm.s32 @!p0 $0x9  }
0x126: {  	p2 =	slt.u32 s8, s13;
	p1 =	por @!p4 $0x1, $0x1;
	_ =	swait.ge @!p0 [sflag:s2], $0x400  }
0x127: {  	p2 =	por @!p4 p1, p1;
	s9 =	simm.s32 @!p0 $0x3880;
	[sflag:s2] =	ssyncset.done @!p0 $0x0  }
0x128: {  	s10 =	simm.s32 @!p0 $0x4080;
	[sflag:s2] =	ssyncadd.s32 @!p0 $0xFFFFFC00;
	s2 =	simm.s32 @!p0 $0x400  }
0x129: {  	[spmem:s1] =	stream.indirect.scatter.add.s32 @!p0 [tilespmem:s10], [sflag:$0x13], $0x1, s9, s2, $0xb8;
	[tilespmem:$0x4C80] =	vst v63  }
0x12a: {  	s7 =	sadd.s32 $0x180, s7;
	s2 =	simm.s32 @p2 $0xD  }
0x12b: {  	p0 =	sgt.u32 s7, $0xC34;
	_ =	swait.ge @p2 [sflag:s2], $0x400  }
0x12c: {  	s16 =	sshll.u32 s6, $0x5;
	s7 =	simm.s32 @!p0 $0x0;
	[sflag:s2] =	ssyncset.done @p2 $0x0  }
0x12d: {  	s9 =	simm.s32 @!p0 $0x2080;
	[sflag:s2] =	ssyncadd.s32 @p2 $0xFFFFFC00;
	s2 =	sadd.s32 @!p0 $0x6000, s3  }
0x12e: {  	[tilespmem:s9], [sflag:$0x3] =	stream.linear.gather @!p0 [hbm4b:s2+s7], $0x400, $0x38;
	[tilespmem:$0x4C80] =	vst v63  }
0x12f: {  	p0 =	sge.u32 s16, s12  }
0x130: {  	s2 =	simm.s32 @!p0 $0xA  }
0x131: {  	_ =	swait.ge @!p0 [sflag:s2], $0x400  }
0x132: {  	s6 =	simm.s32 @!p0 $0x3C80;
	[sflag:s2] =	ssyncset.done @!p0 $0x0  }
0x133: {  	s7 =	simm.s32 @!p0 $0x4080;
	[sflag:s2] =	ssyncadd.s32 @!p0 $0xFFFFFC00;
	s2 =	simm.s32 @!p0 $0x400  }
0x134: {  	[spmem:s1] =	stream.indirect.scatter.add.s32 @!p0 [tilespmem:s7], [sflag:$0x14], $0x1, s6, s2, $0xb8;
	[tilespmem:$0x4C80] =	vst v63  }
.LBB2_18:
0x135: {  	s8 =	sadd.s32 $0x140, s8  }
0x136: {  	p0 =	sne.s32 s8, $0xDC0  }
.Ltmp3:
0x137: {  	_ = 	snop;
	(pc) =	sbr.rel @!p0 .LBB2_19-.Ltmp3, $2  }
0x138: {  	_ =	sdelay $0x2  }
0x139: {  	s24 =	sadd.s32 $0x1, s24;
	s3 =	sadd.s32 $0xA000, s3;
	s5 =	sadd.s32 $0xA, s5  }
.LBB2_2:
0x13a: {  	p3 =	seq.s32 s8, $0x0  }
.Ltmp4:
0x13b: {  	_ = 	snop;
	(pc) =	sbr.rel @p3 .LBB2_5-.Ltmp4, $1  }
0x13c: {  	_ =	sdelay $0x3  }
0x13d: {  	p1 =	seq.s32 s8, $0xC80  }
.Ltmp5:
0x13e: {  	_ = 	snop;
	(pc) =	sbr.rel @p1 .LBB2_19-.Ltmp5, $1  }
0x13f: {  	_ =	sdelay $0x3  }
0x140: {  	_ =	swait.ge [sflag:s11], $0x400  }
0x141: {  	[sflag:s11] =	ssyncset.done $0x0  }
0x142: {  	[sflag:s11] =	ssyncadd.s32 $0xFFFFFC00  }
.LBB2_5:
0x143: {  	s2 =	sadd.s32 $0x60, s8  }
0x144: {  	s6 =	sadd.s32 s4, s2  }
0x145: {  	p2 =	sge.u32 s8, s12;
	p1 =	sgt.u32 s6, $0xC34  }
0x146: {  	s6 =	sadd.s32 @!p1 $0xFFFFD000, s3;
	s7 =	simm.s32 @!p1 $0x0;
	s9 =	simm.s32 @!p1 $0x2480  }
0x147: {  	[tilespmem:s9], [sflag:$0x4] =	stream.linear.gather @!p1 [hbm4b:s6+s7], $0x400, $0x38;
	[tilespmem:$0x4C80] =	vst v63  }
0x148: {  	s6 =	simm.s32 @!p2 $0x1  }
0x149: {  	_ =	swait.ge @!p2 [sflag:s6], $0x400  }
0x14a: {  	s7 =	simm.s32 @!p2 $0x1880;
	[sflag:s6] =	ssyncset.done @!p2 $0x0  }
0x14b: {  	s9 =	simm.s32 @!p2 $0x4080;
	[sflag:s6] =	ssyncadd.s32 @!p2 $0xFFFFFC00;
	s6 =	simm.s32 @!p2 $0x400  }
0x14c: {  	[spmem:s1] =	stream.indirect.scatter.add.s32 @!p2 [tilespmem:s9], [sflag:$0xB], $0x1, s7, s6, $0xb8;
	[tilespmem:$0x4C80] =	vst v63  }
0x14d: {  	s6 =	simm.s32 @!p3 $0xF  }
0x14e: {  	s9 =	sadd.s32 $0x80, s8;
	_ =	swait.ge @!p3 [sflag:s6], $0x400  }
0x14f: {  	s10 =	sadd.s32 s4, s9;
	[sflag:s6] =	ssyncset.done @!p3 $0x0  }
0x150: {  	p1 =	sgt.u32 s10, $0xC34;
	[sflag:s6] =	ssyncadd.s32 @!p3 $0xFFFFFC00  }
0x151: {  	s6 =	sadd.s32 @!p1 $0xFFFFE000, s3;
	s7 =	simm.s32 @!p1 $0x0;
	s10 =	simm.s32 @!p1 $0x2880  }
0x152: {  	[tilespmem:s10], [sflag:$0x5] =	stream.linear.gather @!p1 [hbm4b:s6+s7], $0x400, $0x38;
	[tilespmem:$0x4C80] =	vst v63  }
0x153: {  	p1 =	sge.u32 s8, s14  }
0x154: {  	s6 =	simm.s32 @!p1 $0x2  }
0x155: {  	_ =	swait.ge @!p1 [sflag:s6], $0x400  }
0x156: {  	s7 =	simm.s32 @!p1 $0x1C80;
	[sflag:s6] =	ssyncset.done @!p1 $0x0  }
0x157: {  	s10 =	simm.s32 @!p1 $0x4080;
	[sflag:s6] =	ssyncadd.s32 @!p1 $0xFFFFFC00;
	s6 =	simm.s32 @!p1 $0x400  }
0x158: {  	[spmem:s1] =	stream.indirect.scatter.add.s32 @!p1 [tilespmem:s10], [sflag:$0xC], $0x1, s7, s6, $0xb8;
	[tilespmem:$0x4C80] =	vst v63  }
0x159: {  	s7 =	simm.s32 @!p3 $0x10  }
0x15a: {  	s6 =	sadd.s32 $0xA0, s8;
	_ =	swait.ge @!p3 [sflag:s7], $0x400  }
0x15b: {  	s15 =	sadd.s32 s4, s6;
	[sflag:s7] =	ssyncset.done @!p3 $0x0  }
0x15c: {  	p4 =	sgt.u32 s15, $0xC34;
	[sflag:s7] =	ssyncadd.s32 @!p3 $0xFFFFFC00  }
0x15d: {  	s7 =	sadd.s32 @!p4 $0xFFFFF000, s3;
	s10 =	simm.s32 @!p4 $0x0;
	s15 =	simm.s32 @!p4 $0x2C80  }
0x15e: {  	[tilespmem:s15], [sflag:$0x6] =	stream.linear.gather @!p4 [hbm4b:s7+s10], $0x400, $0x38;
	[tilespmem:$0x4C80] =	vst v63  }
0x15f: {  	p4 =	sge.u32 s8, s13  }
0x160: {  	s7 =	simm.s32 @!p4 $0x3  }
0x161: {  	_ =	swait.ge @!p4 [sflag:s7], $0x400  }
0x162: {  	s10 =	simm.s32 @!p4 $0x2080;
	[sflag:s7] =	ssyncset.done @!p4 $0x0  }
0x163: {  	s15 =	simm.s32 @!p4 $0x4080;
	[sflag:s7] =	ssyncadd.s32 @!p4 $0xFFFFFC00;
	s7 =	simm.s32 @!p4 $0x400  }
0x164: {  	[spmem:s1] =	stream.indirect.scatter.add.s32 @!p4 [tilespmem:s15], [sflag:$0xD], $0x1, s10, s7, $0xb8;
	[tilespmem:$0x4C80] =	vst v63  }
0x165: {  	s10 =	simm.s32 @!p3 $0x11;
	s7 =	sadd.s32 $0xC0, s8  }
0x166: {  	_ =	swait.ge @!p3 [sflag:s10], $0x400;
	s16 =	sadd.s32 s4, s7  }
0x167: {  	[sflag:s10] =	ssyncset.done @!p3 $0x0;
	p4 =	sgt.u32 s16, $0xC34  }
0x168: {  	[sflag:s10] =	ssyncadd.s32 @!p3 $0xFFFFFC00;
	s10 =	simm.s32 @!p4 $0x0;
	s15 =	simm.s32 @!p4 $0x3080  }
0x169: {  	[tilespmem:s15], [sflag:$0x7] =	stream.linear.gather @!p4 [hbm4b:s3+s10], $0x400, $0x38;
	[tilespmem:$0x4C80] =	vst v63  }
0x16a: {  	p4 =	sge.u32 s2, s12  }
0x16b: {  	s2 =	simm.s32 @!p4 $0x4  }
0x16c: {  	_ =	swait.ge @!p4 [sflag:s2], $0x400  }
0x16d: {  	s10 =	simm.s32 @!p4 $0x2480;
	[sflag:s2] =	ssyncset.done @!p4 $0x0  }
0x16e: {  	s15 =	simm.s32 @!p4 $0x4080;
	[sflag:s2] =	ssyncadd.s32 @!p4 $0xFFFFFC00;
	s2 =	simm.s32 @!p4 $0x400  }
0x16f: {  	[spmem:s1] =	stream.indirect.scatter.add.s32 @!p4 [tilespmem:s15], [sflag:$0xE], $0x1, s10, s2, $0xb8;
	[tilespmem:$0x4C80] =	vst v63  }
0x170: {  	p4 =	sge.u32 @!p3 s8, s17  }
0x171: {  	p4 =	por p4, p3  }
0x172: {  	s10 =	simm.s32 @!p4 $0x12  }
0x173: {  	s2 =	sadd.s32 $0xE0, s8;
	_ =	swait.ge @!p4 [sflag:s10], $0x400  }
0x174: {  	p5 =	sgt.u32 s24, $0x8;
	s16 =	sadd.s32 s4, s2;
	[sflag:s10] =	ssyncset.done @!p4 $0x0  }
0x175: {  	p6 =	seq.s32 @!p5 s8, $0x0;
	[sflag:s10] =	ssyncadd.s32 @!p4 $0xFFFFFC00;
	p4 =	sgt.u32 s16, $0xC34  }
0x176: {  	s10 =	sadd.s32 @!p4 $0x1000, s3;
	s15 =	simm.s32 @!p4 $0x0;
	s16 =	simm.s32 @!p4 $0x3480  }
0x177: {  	[tilespmem:s16], [sflag:$0x8] =	stream.linear.gather @!p4 [hbm4b:s10+s15], $0x400, $0x38;
	[tilespmem:$0x4C80] =	vst v63  }
0x178: {  	p0 =	por p6, p5;
	p4 =	sge.u32 s9, s12  }
0x179: {  	p0 =	sge.u32 @!p0 s8, s18;
	s9 =	simm.s32 @!p4 $0x5  }
0x17a: {  	p0 =	por @!p5 p0, p6;
	_ =	swait.ge @!p4 [sflag:s9], $0x400  }
0x17b: {  	p0 =	por p0, p5;
	s10 =	simm.s32 @!p4 $0x2880;
	[sflag:s9] =	ssyncset.done @!p4 $0x0  }
0x17c: {  	s15 =	simm.s32 @!p4 $0x4080;
	[sflag:s9] =	ssyncadd.s32 @!p4 $0xFFFFFC00;
	s9 =	simm.s32 @!p4 $0x400  }
0x17d: {  	[spmem:s1] =	stream.indirect.scatter.add.s32 @!p4 [tilespmem:s15], [sflag:$0xF], $0x1, s10, s9, $0xb8;
	[tilespmem:$0x4C80] =	vst v63  }
0x17e: {  	s9 =	simm.s32 @!p0 $0x13;
	s10 =	sadd.s32 @!p5 s8, s4  }
0x17f: {  	_ =	swait.ge @!p0 [sflag:s9], $0x400;
	s10 =	sadd.s32 @!p5 $0x100, s10  }
0x180: {  	[sflag:s9] =	ssyncset.done @!p0 $0x0;
	p6 =	sgt.u32 @!p5 s10, $0xC34  }
0x181: {  	[sflag:s9] =	ssyncadd.s32 @!p0 $0xFFFFFC00;
	p0 =	por p6, p5  }
0x182: {  	s9 =	sadd.s32 @!p0 $0x2000, s3;
	s10 =	simm.s32 @!p0 $0x0;
	s15 =	simm.s32 @!p0 $0x3880  }
0x183: {  	[tilespmem:s15], [sflag:$0x9] =	stream.linear.gather @!p0 [hbm4b:s9+s10], $0x400, $0x38;
	[tilespmem:$0x4C80] =	vst v63  }
0x184: {  	p0 =	sge.u32 s6, s12  }
.Ltmp6:
0x185: {  	_ = 	snop;
	(pc) =	sbr.rel @p0 .LBB2_8-.Ltmp6, $2  }
0x186: {  	_ =	sdelay $0x2  }
0x187: {  	s9 =	smul.u32 $0xA, s24  }
0x188: {  	p0 =	slt.u32 s24, $0x9  }
.Ltmp7:
0x189: {  	_ = 	snop;
	(pc) =	sbr.rel @!p0 .LBB2_10-.Ltmp7, $4  }
0x18a: {  	_ =	swait.ge [sflag:s28], $0x400  }
0x18b: {  	[sflag:s28] =	ssyncset.done $0x0  }
0x18c: {  	p6 =	por $0x0, $0x0;
	s6 =	smov.u32 s5;
	[sflag:s28] =	ssyncadd.s32 $0xFFFFFC00  }
0x18d: {  	[spmem:s1] =	stream.indirect.scatter.add.s32 [tilespmem:s31], [sflag:$0x10], $0x1, s30, s29, $0xb8;
	[tilespmem:$0x4C80] =	vst v63  }
.Ltmp8:
0x18e: {  	(pc) =	sbr.rel .LBB2_9-.Ltmp8, $2  }
0x18f: {  	_ =	sdelay $0x2  }
0x190: {  	s6 =	sadd.s32 $0x9, s9  }
.LBB2_8:
.Ltmp9:
0x191: {  	(pc) =	sbr.rel @p5 .LBB2_10-.Ltmp9, $2  }
0x192: {  	_ =	sdelay $0x2  }
0x193: {  	p6 =	por $0x0, $0x0;
	s6 =	sadd.s32 $0x9, s9  }
.LBB2_9:
0x194: {  	p0 =	sge.u32 @!p3 s8, s19  }
0x195: {  	p0 =	por p0, p3  }
0x196: {  	s9 =	simm.s32 @!p0 $0x14  }
0x197: {  	s10 =	sadd.s32 s8, s4;
	_ =	swait.ge @!p0 [sflag:s9], $0x400  }
0x198: {  	s10 =	sadd.s32 $0x120, s10;
	[sflag:s9] =	ssyncset.done @!p0 $0x0  }
0x199: {  	[sflag:s9] =	ssyncadd.s32 @!p0 $0xFFFFFC00;
	p0 =	sgt.u32 s10, $0xC34  }
0x19a: {  	p6 =	por $0x1, $0x1;
	s9 =	sadd.s32 @!p0 $0x3000, s3  }
0x19b: {  	s10 =	simm.s32 @!p0 $0x0;
	s15 =	simm.s32 @!p0 $0x3C80;
	p3 =	por @!p0 $0x1, $0x1  }
0x19c: {  	[tilespmem:s15], [sflag:$0xA] =	stream.linear.gather @!p0 [hbm4b:s9+s10], $0x400, $0x38;
	[tilespmem:$0x4C80] =	vst v63  }
0x19d: {  	p6 =	por @!p0 p3, p3  }
.LBB2_10:
0x19e: {  	p0 =	sge.u32 s7, s12  }
.Ltmp10:
0x19f: {  	_ = 	snop;
	(pc) =	sbr.rel @p0 .LBB2_12-.Ltmp10, $1  }
0x1a0: {  	_ =	sdelay $0x3  }
.Ltmp11:
0x1a1: {  	(pc) =	sbr.rel @p6 .LBB2_13-.Ltmp11, $4  }
.Ltmp12:
0x1a2: {  	_ =	swait.ge [sflag:s0], $0x400;
	(pc) =	sbr.rel @!p6 .LBB2_14-.Ltmp12, $4  }
0x1a3: {  	[sflag:s0] =	ssyncset.done $0x0  }
0x1a4: {  	p3 =	por $0x0, $0x0;
	[sflag:s0] =	ssyncadd.s32 $0xFFFFFC00  }
0x1a5: {  	[spmem:s1] =	stream.indirect.scatter.add.s32 [tilespmem:s31], [sflag:$0x11], $0x1, s21, s29, $0xb8;
	[tilespmem:$0x4C80] =	vst v63  }
0x1a6: {  	_ = 	snop  }
.LBB2_12:
.Ltmp13:
0x1a7: {  	(pc) =	sbr.rel @!p6 .LBB2_14-.Ltmp13, $2  }
0x1a8: {  	_ =	sdelay $0x2  }
0x1a9: {  	p3 =	por $0x0, $0x0  }
.LBB2_13:
0x1aa: {  	s7 =	simm.s32 @!p2 $0xB;
	s9 =	sadd.s32 s8, s4  }
0x1ab: {  	_ =	swait.ge @!p2 [sflag:s7], $0x400;
	s9 =	sadd.s32 $0x140, s9  }
0x1ac: {  	[sflag:s7] =	ssyncset.done @!p2 $0x0;
	p0 =	sgt.u32 s9, $0xC34  }
0x1ad: {  	p3 =	por $0x1, $0x1;
	[sflag:s7] =	ssyncadd.s32 @!p2 $0xFFFFFC00;
	s7 =	sadd.s32 @!p0 $0x4000, s3  }
0x1ae: {  	s9 =	simm.s32 @!p0 $0x0;
	s10 =	simm.s32 @!p0 $0x1880;
	p2 =	por @!p0 $0x1, $0x1  }
0x1af: {  	[tilespmem:s10], [sflag:$0x1] =	stream.linear.gather @!p0 [hbm4b:s7+s9], $0x400, $0x38;
	[tilespmem:$0x4C80] =	vst v63  }
0x1b0: {  	p3 =	por @!p0 p2, p2  }
.LBB2_14:
0x1b1: {  	p0 =	sge.u32 s2, s12  }
.Ltmp14:
0x1b2: {  	_ = 	snop;
	(pc) =	sbr.rel @p0 .LBB2_16-.Ltmp14, $1  }
0x1b3: {  	_ =	sdelay $0x3  }
.Ltmp15:
0x1b4: {  	(pc) =	sbr.rel @p3 .LBB2_17-.Ltmp15, $4  }
.Ltmp16:
0x1b5: {  	_ =	swait.ge [sflag:s22], $0x400;
	(pc) =	sbr.rel @!p3 .LBB2_18-.Ltmp16, $4  }
0x1b6: {  	[sflag:s22] =	ssyncset.done $0x0  }
0x1b7: {  	[sflag:s22] =	ssyncadd.s32 $0xFFFFFC00  }
0x1b8: {  	[spmem:s1] =	stream.indirect.scatter.add.s32 [tilespmem:s31], [sflag:$0x12], $0x1, s23, s29, $0xb8;
	[tilespmem:$0x4C80] =	vst v63  }
0x1b9: {  	_ = 	snop  }
.LBB2_16:
.Ltmp17:
0x1ba: {  	(pc) =	sbr.rel @!p3 .LBB2_18-.Ltmp17, $4  }
.Ltmp18:
0x1bb: {  	(pc) =	sbr.rel @p3 .LBB2_17-.Ltmp18, $4  }
0x1bc: {  	_ = 	snop  }
0x1bd: {  	_ = 	snop  }
0x1be: {  	_ = 	snop  }
0x1bf: {  	_ = 	snop  }
.LBB2_20:
0x1c0: {  	_ =	sfence.sel $0x180000  }
0x1c1: {  	[bflag:$0x0] =	sbarrier.arrive $0xFFFF  }
0x1c2: {  	_ =	strace $0x90000047  }
0x1c3: {  	[bflag:$0x2] =	sbarrier.arrive $0xFFFF  }
0x1c4: {  	s1 =	sld [smem:$0x7FD];
	_ =	sdelay $0x2  }
0x1c5: {  	s0 =	rddreg [dreg:$0x3];
	p0 =	seq.s32 s1, $0x1  }
0x1c6: {  	s0 =	sadd.s32 @!p0 $0x100000, s0  }
0x1c7: {  	[sflag:s0] =	ssyncadd.tile.s32 @!p0 $0x1;
	_ =	shalt  }
.Lfunc_end2:
_tile_overlayer_lowered:
.L_overlay_start_2:
0x1c8: {  	(tag) =	ssettag $0x2  }
0x1c9: {  	s0 =	rddreg [dreg:$0x0];
	s2 =	stileid.u32  }
0x1ca: {  	s1 =	rddreg [dreg:$0x1];
	p0 =	sne.s32 s2, $0x0  }
0x1cb: {  	s3 =	rddreg [dreg:$0x2];
	[bflag:$0x3] =	sbarrier.arrive $0xFFFF;
	s2 =	simm.s32 @!p0 $0x1C15  }
0x1cc: {  	[timem:s3], [sflag:s2] =	dma.local @!p0 [hbm:s0], s1  }
0x1cd: {  	s0 =	simm.s32 @!p0 $0x15  }
0x1ce: {  	_ =	swait.ge @!p0 [sflag:s0], s1  }
0x1cf: {  	s1 =	ssub.s32 @!p0 $0x0, s1;
	[sflag:s0] =	ssyncset.done @!p0 $0x0  }
0x1d0: {  	[sflag:s0] =	ssyncadd.s32 @!p0 s1  }
0x1d1: {  	[bflag:$0x3] =	sbarrier.arrive $0xFFFF  }
0x1d2: {  	_ =	shalt  }

// kernel: kernel.7.cloned.1.call-start
scs
__scs_entry_jumppad:
0x0: {  	(pc) =	sbr.rel $0x88, $3  }
0x1: {  	(tag) =	ssettag $0x0;
	lr =	simm.s32 $0x1  }
0x2: {  	[smem:$0x3F9F] =	sst lr;
	_ =	strace $0xD0000000  }
0x3: {  	_ = 	snop  }
0x4: {  	_ = 	snop  }
0x5: {  	_ = 	snop  }
0x6: {  	_ = 	snop  }
0x7: {  	_ = 	snop  }
__scs_overlays_trampoline_lowered:
0x8: {  	[smem:$0x3FAE] =	sst s0  }
0x9: {  	[smem:$0x3FAF] =	sst s1  }
0xa: {  	[smem:$0x3FB0] =	sst s2  }
0xb: {  	[smem:$0x3FB1] =	sst s3  }
0xc: {  	[smem:$0x3FB2] =	sst s4  }
0xd: {  	[smem:$0x3FB3] =	sst s5  }
0xe: {  	[smem:$0x3FB4] =	sst s6  }
0xf: {  	[smem:$0x3FB5] =	sst s7  }
0x10: {  	[smem:$0x3FB6] =	sst s8  }
0x11: {  	[smem:$0x3FB7] =	sst s9;
	s0 =	simm.s32 @!p0 $0x0  }
0x12: {  	s1 =	sld [smem:$0x3F9D];
	s0 =	simm.s32 @p0 $0x1  }
0x13: {  	[smem:$0x3FB8] =	sst s0;
	s0 =	simm.s32 @!p1 $0x0  }
0x14: {  	s2 =	sld [smem:$0x3F9C];
	s0 =	simm.s32 @p1 $0x1  }
0x15: {  	[smem:$0x3FB9] =	sst s0;
	s0 =	simm.s32 @!p2 $0x0  }
0x16: {  	s3 =	sld [smem:$0x3FDB];
	s0 =	simm.s32 @p2 $0x1  }
0x17: {  	s4 =	simm.s32 $0x1BF5;
	[smem:$0x3FBB] =	sst s0  }
0x18: {  	s0 =	sld [smem:$0x3F9E];
	_ =	swait.ge [sflag:s4], $0x0  }
0x19: {  	s7 =	sld [smem:$0x3F9F]  }
0x1a: {  	s8 =	sadd.s32 $0xFFFFE003, lr  }
0x1b: {  	s9 =	sadd.s32 $0xFFFFFEF7, lr;
	s5 =	simm.s32 $0xFFFFFFFF;
	p2 =	slt.u32 s8, $0xFFFFF086  }
0x1c: {  	p1 =	slt.u32 s9, $0xF7A;
	s5 =	simm.s32 @!p2 $0x0  }
0x1d: {  	s5 =	simm.s32 @p1 $0x1;
	p0 =	seq.s32 s7, s2  }
0x1e: {  	s7 =	smul.u32 @!p0 $0xF7A, s2;
	p2 =	seq.s32 @!p0 s5, $0x0  }
0x1f: {  	s9 =	smul.u32 $0xF7A, s1;
	s8 =	simm.s32 @!p0 $0x1BF5;
	p2 =	por !p2, p0  }
0x20: {  	[sflag:s8] =	ssyncset.s32 @!p0 $0xFFFFF086;
	s6 =	sadd.s32 @!p0 s3, s7;
	s7 =	simm.s32 @!p0 $0x108  }
0x21: {  	s3 =	sadd.s32 s3, s9;
	s6 =	sadd.s32 @!p0 $0x88, s6;
	s7 =	simm.s32 @p2 $0x1082  }
0x22: {  	[simem:s7], [sflag:s8] =	dma.local @!p0 [hbm:s6], $0xF7A  }
0x23: {  	s9 =	sor.u32 $0xD0000000, s2;
	s6 =	simm.s32 $0x108;
	_ =	swait.ge @!p0 [sflag:s8], $0x0  }
0x24: {  	s3 =	sadd.s32 $0x88, s3;
	s6 =	simm.s32 @!p1 $0x1082;
	[sflag:s4] =	ssyncset.s32 $0xFFFFF086  }
0x25: {  	[simem:s6], [sflag:s4] =	dma.local [hbm:s3], $0xF7A  }
0x26: {  	[smem:$0x3F9F] =	sst s1;
	(tag) =	ssettag s2;
	_ =	strace s9  }
0x27: {  	s1 =	sld [smem:$0x3FAF]  }
0x28: {  	s2 =	sld [smem:$0x3FB0]  }
0x29: {  	s4 =	sld [smem:$0x3FB2]  }
0x2a: {  	p0 =	seq.s32 s5, $0x0;
	s5 =	sld [smem:$0x3FB3]  }
0x2b: {  	s6 =	sld [smem:$0x3FB4]  }
0x2c: {  	s7 =	sld [smem:$0x3FB5]  }
0x2d: {  	s3 =	simm.s32 $0x108;
	s8 =	sld [smem:$0x3FB6]  }
0x2e: {  	s3 =	simm.s32 @!p0 $0x1082;
	s9 =	sld [smem:$0x3FB7]  }
0x2f: {  	lr =	sadd.s32 s0, s3;
	s0 =	sld [smem:$0x3FAE]  }
0x30: {  	s3 =	sld [smem:$0x3FB1]  }
0x31: {  	[smem:$0x3FBA] =	sst s10  }
0x32: {  	s10 =	sld [smem:$0x3FB8];
	_ =	sdelay $0x3  }
0x33: {  	p0 =	seq.s32 s10, $0x1;
	s10 =	sld [smem:$0x3FBA];
	_ =	sdelay $0x3  }
0x34: {  	[smem:$0x3FBA] =	sst s10  }
0x35: {  	s10 =	sld [smem:$0x3FB9];
	_ =	sdelay $0x3  }
0x36: {  	p1 =	seq.s32 s10, $0x1;
	s10 =	sld [smem:$0x3FBA];
	_ =	sdelay $0x3  }
0x37: {  	[smem:$0x3FBA] =	sst s10  }
0x38: {  	s10 =	sld [smem:$0x3FBB]  }
0x39: {  	_ = 	snop;
	(pc) =	sbr.ind lr, $3  }
0x3a: {  	_ = 	snop  }
0x3b: {  	_ = 	snop  }
0x3c: {  	p2 =	seq.s32 s10, $0x1;
	s10 =	sld [smem:$0x3FBA]  }
0x3d: {  	_ =	shalt  }
0x3e: {  	_ =	shalt  }
0x3f: {  	_ =	shalt  }
0x40: {  	_ =	shalt  }
0x41: {  	_ =	shalt  }
0x42: {  	_ =	shalt  }
0x43: {  	_ =	shalt  }
0x44: {  	_ =	shalt  }
0x45: {  	_ =	shalt  }
0x46: {  	_ =	shalt  }
0x47: {  	_ =	shalt  }
0x48: {  	_ =	shalt  }
0x49: {  	_ =	shalt  }
0x4a: {  	_ =	shalt  }
0x4b: {  	_ =	shalt  }
0x4c: {  	_ =	shalt  }
0x4d: {  	_ =	shalt  }
0x4e: {  	_ =	shalt  }
0x4f: {  	_ =	shalt  }
0x50: {  	_ =	shalt  }
0x51: {  	_ =	shalt  }
0x52: {  	_ =	shalt  }
0x53: {  	_ =	shalt  }
0x54: {  	_ =	shalt  }
0x55: {  	_ =	shalt  }
0x56: {  	_ =	shalt  }
0x57: {  	_ =	shalt  }
0x58: {  	_ =	shalt  }
0x59: {  	_ =	shalt  }
0x5a: {  	_ =	shalt  }
0x5b: {  	_ =	shalt  }
0x5c: {  	_ =	shalt  }
0x5d: {  	_ =	shalt  }
0x5e: {  	_ =	shalt  }
0x5f: {  	_ =	shalt  }
0x60: {  	_ =	shalt  }
0x61: {  	_ =	shalt  }
0x62: {  	_ =	shalt  }
0x63: {  	_ =	shalt  }
0x64: {  	_ =	shalt  }
0x65: {  	_ =	shalt  }
0x66: {  	_ =	shalt  }
0x67: {  	_ =	shalt  }
0x68: {  	_ =	shalt  }
0x69: {  	_ =	shalt  }
0x6a: {  	_ =	shalt  }
0x6b: {  	_ =	shalt  }
0x6c: {  	_ =	shalt  }
0x6d: {  	_ =	shalt  }
0x6e: {  	_ =	shalt  }
0x6f: {  	_ =	shalt  }
0x70: {  	_ =	shalt  }
0x71: {  	_ =	shalt  }
0x72: {  	_ =	shalt  }
0x73: {  	_ =	shalt  }
0x74: {  	_ =	shalt  }
0x75: {  	_ =	shalt  }
0x76: {  	_ =	shalt  }
0x77: {  	_ =	shalt  }
0x78: {  	_ =	shalt  }
0x79: {  	_ =	shalt  }
0x7a: {  	_ =	shalt  }
0x7b: {  	_ =	shalt  }
0x7c: {  	_ =	shalt  }
0x7d: {  	_ =	shalt  }
0x7e: {  	_ =	shalt  }
0x7f: {  	_ =	shalt  }
0x80: {  	_ =	shalt  }
0x81: {  	_ =	shalt  }
0x82: {  	_ =	shalt  }
0x83: {  	_ =	shalt  }
0x84: {  	_ =	shalt  }
0x85: {  	_ =	shalt  }
0x86: {  	_ =	shalt  }
0x87: {  	_ =	shalt  }
.Lfunc_end0:
.L_simem_size_0:
called_computation.1_lowered:
.L_overlay_start_0:
0x88: {  	s2 =	sld [smem:$0x3FD9]  }
0x89: {  	s3 =	sld [smem:$0x3FFE];
	_ =	sdelay $0x1  }
0x8a: {  	s1 =	srdreg.scid  }
0x8b: {  	s0 =	sand.u32 $0x1, s1  }
0x8c: {  	s17 =	sshll.u32 s0, $0xA;
	s2 =	sadd.s32 s3, s2  }
0x8d: {  	s2 =	sadd.s32 s2, s17  }
0x8e: {  	[smem:$0x3FC6] =	sst s2  }
0x8f: {  	_ = 	snop  }
0x90: {  	s2 =	sld [smem:$0x3FC8]  }
0x91: {  	s18 =	sld [smem:$0x3FD0];
	(tm) =	ssettm $0x1  }
0x92: {  	s4 =	sld [smem:$0x3FFB];
	_ =	sdelay $0x3  }
0x93: {  	_ =	strace s4  }
0x94: {  	s4 =	sld [smem:$0x3FFC];
	_ =	sdelay $0x3  }
0x95: {  	_ =	strace s4  }
0x96: {  	s4 =	sld [smem:$0x3FFD];
	_ =	sdelay $0x3  }
0x97: {  	_ =	strace s4  }
0x98: {  	_ =	strace $0x8FFFFFFF  }
0x99: {  	s19 =	sld [smem:$0x3FDB];
	_ =	sdelay $0x1  }
0x9a: {  	s5 =	simm.s32 $_scs_section_size  }
0x9b: {  	s6 =	simm.s32 $_size__tile_overlayer_lowered;
	s7 =	simm.s32 $_tile_overlayer_lowered  }
0x9c: {  	s22 =	simm.s32 $0x1BFF;
	s21 =	sshll.u32 s7, $0x1;
	s4 =	sadd.s32 s5, s19  }
0x9d: {  	s8 =	simm.s32 $0x0;
	s20 =	sshll.u32 s6, $0x1;
	s6 =	sadd.s32 s21, s4  }
0x9e: {  	[timem:s8], [sflag:s22] =	dma.local [hbm:s6], s20  }
0x9f: {  	_ =	swait.ge [sflag:s22], s20  }
0xa0: {  	s5 =	ssub.s32 $0x0, s20;
	[sflag:s22] =	ssyncset.done $0x0  }
0xa1: {  	[sflag:s22] =	ssyncadd.s32 s5;
	_ =	sdelay $0x1  }
0xa2: {  	s23 =	simm.s32 $0x1B8B  }
0xa3: {  	_ =	swait.ge [sflag:s23], $0x1  }
0xa4: {  	[sflag:s23] =	ssyncset.done $0x0  }
0xa5: {  	s25 =	simm.s32 $0x1B8E;
	s24 =	sld [smem:$0x3FFE];
	[sflag:s23] =	ssyncadd.s32 $0xFFFFFFFF  }
0xa6: {  	s26 =	simm.s32 $execute0_lowered;
	[smem:$0x3FD2] =	sst s25  }
0xa7: {  	s6 =	sshll.u32 s26, $0x1;
	_ =	strace $0x80000049;
	[dreg:$0x1] =	wrdreg $0xFFFFFFFF  }
0xa8: {  	s28 =	simm.s32 $_size_execute0_lowered;
	s4 =	sadd.s32 s4, s6;
	[dreg:$0x0] =	wrdreg $0x0  }
0xa9: {  	s6 =	sshll.u32 s28, $0x1;
	[dreg:$0x2] =	wrdreg s4  }
0xaa: {  	[dreg:$0x3] =	wrdreg s6  }
0xab: {  	[dreg:$0x4] =	wrdreg $0xC0  }
0xac: {  	_ =	task [dreg:s8], $0x5FFFF  }
0xad: {  	[dreg:$0x1] =	wrdreg $0xFFFFFFFF  }
0xae: {  	[dreg:$0x0] =	wrdreg $0x60  }
0xaf: {  	[dreg:$0x2] =	wrdreg s24  }
0xb0: {  	[dreg:$0x3] =	wrdreg s2  }
0xb1: {  	[dreg:$0x4] =	wrdreg s18  }
0xb2: {  	[dreg:$0x5] =	wrdreg $0x25800  }
0xb3: {  	[dreg:$0x6] =	wrdreg $0x9  }
0xb4: {  	_ =	task.clear_ibuf [dreg:s8], $0x7FFFF;
	_ =	strace $0x90000049  }
0xb5: {  	s29 =	simm.s32 $0x9;
	_ =	strace $0x8000004B  }
0xb6: {  	_ =	swait.ge [sflag:s29], $0x1  }
0xb7: {  	[sflag:s29] =	ssyncadd.s32 $0xFFFFFFFF  }
0xb8: {  	_ =	strace $0x9000004B  }
0xb9: {  	_ =	sfence  }
0xba: {  	s30 =	sld [smem:$0x0];
	_ =	sdelay $0x2  }
0xbb: {  	s31 =	sshll.u32 s1, $0xD;
	s1 =	sshrl.u32 s1, $0x2  }
0xbc: {  	s3 =	sand.u32 $0x4000, s31;
	s1 =	sadd.s32 s1, s30  }
0xbd: {  	s0 =	sor.u32 s3, s0;
	s1 =	sshll.u32 s1, $0x11  }
0xbe: {  	s0 =	sor.u32 s1, s0  }
0xbf: {  	s0 =	sadd.s32 $0x8F2B, s0  }
0xc0: {  	[sflag:s0] =	ssyncadd.remote.s32 $0x1  }
0xc1: {  	_ =	sfence.sel $0xFFFF  }
0xc2: {  	[dreg:$0x0] =	wrdreg $0xFFFFFFFF;
	(pc) =	sbr.abs _section_cstart, $3  }
0xc3: {  	[dreg:$0x1] =	wrdreg $0xFFFFFFFF  }
0xc4: {  	_ =	task.clear_ibuf [dreg:s8], $0x2FFFF;
	_ =	strace $0x9FFFFFFF  }
0xc5: {  	(tm) =	ssettm $0x7FFFFFFF  }
tec
execute0_lowered:
.L_overlay_start_1:
0x0: {  	(tag) =	ssettag $0x1  }
0x1: {  	s0 =	srdreg.scid;
	s1 =	rddreg [dreg:$0x0]  }
0x2: {  	s10 =	stileid.u32;
	s9 =	rddreg [dreg:$0x2]  }
0x3: {  	s3 =	simm.s32 $0x0;
	s23 =	simm.s32 $0x0;
	s13 =	smul.u32 $0x18, s10  }
0x4: {  	s0 =	sand.u32 $0x1, s0;
	[smem:$0x7FF] =	sst s3;
	s28 =	smul.u32 $0xC000, s10  }
0x5: {  	s2 =	sshll.u32 s0, $0x4;
	s6 =	ssub.s32 $0x2, s0;
	s12 =	smul.u32 $0x180, s0  }
0x6: {  	s0 =	smul.u32 $0xC0000, s0;
	s4 =	sor.u32 s10, s2;
	s2 =	rddreg [dreg:$0x3]  }
0x7: {  	s7 =	sshrl.u32 s6, $0x1;
	_ =	strace $0x8000004A;
	s5 =	smul.u32 $0x18, s4  }
0x8: {  	s11 =	smin.u32 s4, $0xE;
	s8 =	ssub.s32 s6, s7;
	p0 =	slt.u32 s4, $0xE  }
0x9: {  	s4 =	simm.s32 $0x19;
	s7 =	sadd.s32 $0x186800, s9;
	s0 =	sadd.s32 s0, s9  }
0xa: {  	s4 =	simm.s32 @!p0 $0x18;
	s8 =	smax.u32 s8, $0x1;
	s14 =	sadd.s32 s13, s11  }
0xb: {  	s15 =	sor.u32 s12, s11;
	s0 =	sadd.s32 s28, s0;
	p0 =	sne.s32 s10, $0x0  }
0xc: {  	s5 =	sadd.s32 s11, s5;
	s12 =	sadd.s32 s12, s14;
	s9 =	sadd.s32 s13, s15  }
0xd: {  	s11 =	sshll.u32 s11, $0xB;
	s14 =	simm.s32 $0x80;
	s5 =	sshll.u32 s5, $0x4  }
0xe: {  	s29 =	ssub.s32 $0x30A, s12;
	s30 =	ssub.s32 $0x30B, s12;
	s31 =	ssub.s32 $0x30C, s12  }
0xf: {  	s10 =	sadd.s32 s11, s0;
	s0 =	simm.s32 @!p0 $0x0;
	[dreg:$0x7] =	wrdreg s29  }
0x10: {  	s11 =	sshrl.u32 @!p0 s2, $0x3;
	s12 =	simm.s32 $0x5;
	[dreg:$0x6] =	wrdreg s30  }
0x11: {  	s1 =	sadd.s32 s5, s1;
	[dreg:$0x5] =	wrdreg s31;
	s0 =	simm.s32 @p0 $0x1  }
0x12: {  	s5 =	sadd.s32 $0x800, s1;
	s6 =	sadd.s32 $0x3900, s1;
	[smem:$0x7FD] =	sst s0  }
.LBB2_1:
0x13: {  	s0 =	sld [smem:$0x7FD];
	_ =	sdelay $0x2  }
0x14: {  	p0 =	seq.s32 s0, $0x1  }
0x15: {  	s1 =	rddreg [dreg:$0x1];
	s0 =	simm.s32 @!p0 $0x1C05  }
0x16: {  	[spmem:s11], [sflag:s0] =	dma.local @!p0 [hbm:s1], $0x400  }
0x17: {  	s0 =	simm.s32 @!p0 $0x5  }
0x18: {  	_ =	swait.ge @!p0 [sflag:s0], $0x400  }
0x19: {  	[sflag:s0] =	ssyncset.done @!p0 $0x0  }
0x1a: {  	[sflag:s0] =	ssyncadd.s32 @!p0 $0xFFFFFC00  }
0x1b: {  	[tilespmem:s3], [sflag:$0x5] =	stream.linear.gather [hbm4b:s5+s3], $0xC80, $0x38;
	[tilespmem:$0x12780] =	vst v63  }
0x1c: {  	_ =	swait.ge [sflag:s12], $0xC80  }
0x1d: {  	[sflag:s12] =	ssyncset.done $0x0  }
0x1e: {  	s31 =	simm.s32 $0xC80;
	[sflag:s12] =	ssyncadd.s32 $0xFFFFF380  }
0x1f: {  	[tilespmem:s31], [sflag:$0x5] =	stream.linear.gather [hbm4b:s6+s3], $0xC80, $0x38;
	[tilespmem:$0x12780] =	vst v63  }
0x20: {  	_ =	swait.ge [sflag:s12], $0xC80  }
0x21: {  	[sflag:s12] =	ssyncset.done $0x0  }
0x22: {  	s1 =	simm.s32 $0x0;
	[sflag:s12] =	ssyncadd.s32 $0xFFFFF380  }
0x23: {  	v0 =	vld [tilespmem:s1+$0x0]  }
0x24: {  	v1 =	vld [tilespmem:s1+$0xC80];
	_ =	sdelay $0x4  }
0x25: {  	v0 =	vadd.s32 v0, v1  }
0x26: {  	s24 =	simm.s32 $0x10;
	vm0 =	vgt.s32 v0, $0x1  }
0x27: {  	v1 =	vnsel vm0, $0x1, v0;
	v0 =	vld [tilespmem:s24+$0x0]  }
0x28: {  	v2 =	vmin.u32 v1, $0x40;
	v1 =	vld [tilespmem:s24+$0xC80];
	_ =	sdelay $0x2  }
0x29: {  	s25 =	simm.s32 $0x80;
	v2 =	vadd.s32 $0xFFFFFFFF, v2  }
.LBB2_2:
0x2a: {  	[tilespmem:s1+$0x1900] =	vst v2;
	s1 =	smov.u32 s24;
	s24 =	sshra.s32 s25, $0x2;
	p0 =	sne.s32 s25, $0x31C0  }
.Ltmp0:
0x2b: {  	s25 =	sadd.s32 $0x40, s25;
	v2 =	vadd.s32 v0, v1;
	v0 =	vld [tilespmem:s24+$0x0];
	(pc) =	sbr.rel @p0 .LBB2_2-.Ltmp0, $4  }
0x2c: {  	v1 =	vld [tilespmem:s24+$0xC80];
	vm0 =	vgt.s32 v2, $0x1  }
0x2d: {  	v2 =	vnsel vm0, $0x1, v2  }
0x2e: {  	v2 =	vmin.u32 v2, $0x40  }
0x2f: {  	v2 =	vadd.s32 $0xFFFFFFFF, v2  }
0x30: {  	_ = 	snop  }
0x31: {  	v0 =	vadd.s32 v0, v1  }
0x32: {  	vm0 =	vgt.s32 v0, $0x1  }
0x33: {  	v0 =	vnsel vm0, $0x1, v0  }
0x34: {  	v0 =	vmin.u32 v0, $0x40  }
0x35: {  	[tilespmem:s1+$0x1900] =	vst v2;
	v0 =	vadd.s32 $0xFFFFFFFF, v0  }
0x36: {  	s0 =	simm.s32 $0x1900;
	[tilespmem:s24+$0x1900] =	vst v0  }
0x37: {  	p0 =	sle.u32 s4, $0x0;
	s24 =	simm.s32 $0x2780;
	[bflag:$0x0] =	sbarrier.arrive $0xFFFF  }
0x38: {  	[tilespmem:s24], [sflag:$0x1] =	stream.indirect.gather [spmem:s2], $0x80, s0, s14, $0xb8;
	[tilespmem:$0x12780] =	vst v63  }
0x39: {  	s0 =	sadd.s32 @!p0 $0x0, s9  }
0x3a: {  	s25 =	simm.s32 $0x1980;
	s26 =	simm.s32 $0x6780;
	p1 =	sgt.u32 @!p0 s0, $0x30C  }
0x3b: {  	[tilespmem:s26], [sflag:$0x2] =	stream.indirect.gather [spmem:s2], $0x80, s25, s14, $0xb8;
	[tilespmem:$0x12780] =	vst v63  }
0x3c: {  	s13 =	simm.s32 $0x1A00;
	s0 =	sadd.s32 @!p0 $0xFFFFFCF3, s0;
	p2 =	por !p1, p0  }
0x3d: {  	s15 =	simm.s32 $0xA780;
	s16 =	simm.s32 $0x1A80;
	p2 =	sne.s32 @!p2 s0, $0x0  }
0x3e: {  	[tilespmem:s15], [sflag:$0x3] =	stream.indirect.gather [spmem:s2], $0x80, s13, s14, $0xb8;
	[tilespmem:$0x12780] =	vst v63  }
0x3f: {  	s17 =	simm.s32 $0xE780;
	s0 =	simm.s32 @!p0 $0x1;
	p2 =	por @!p0 p2, !p1  }
0x40: {  	[tilespmem:s17], [sflag:$0x4] =	stream.indirect.gather [spmem:s2], $0x80, s16, s14, $0xb8;
	[tilespmem:$0x12780] =	vst v63  }
0x41: {  	p2 =	por p2, p0;
	_ =	swait.ge @!p0 [sflag:s0], $0x4000  }
0x42: {  	s1 =	simm.s32 @!p2 $0x0;
	[sflag:s0] =	ssyncset.done @!p0 $0x0  }
0x43: {  	s24 =	simm.s32 @!p2 $0x2780;
	s25 =	simm.s32 @!p2 $0x5;
	[sflag:s0] =	ssyncadd.s32 @!p0 $0xFFFFC000  }
0x44: {  	[hbm4b:s7+s1] =	stream.linear.scatter @!p2 [tilespmem:s24], [sflag:$0x5], $0x1000, $0x38;
	[tilespmem:$0x12780] =	vst v63  }
0x45: {  	p1 =	por p1, p0;
	_ =	swait.ge @!p2 [sflag:s25], $0x1000  }
0x46: {  	s0 =	simm.s32 @!p1 $0x5;
	s1 =	sadd.s32 @!p1 $0x0, s10;
	[sflag:s25] =	ssyncset.done @!p2 $0x0  }
0x47: {  	s24 =	simm.s32 @!p1 $0x0;
	[sflag:s25] =	ssyncadd.s32 @!p2 $0xFFFFF000;
	s25 =	simm.s32 @!p1 $0x2780  }
0x48: {  	[hbm4b:s1+s24] =	stream.linear.scatter @!p1 [tilespmem:s25], [sflag:$0x5], $0x4000, $0x38;
	[tilespmem:$0x12780] =	vst v63  }
0x49: {  	p3 =	sle.u32 @!p0 s4, $0x4;
	s26 =	simm.s32 $0x1B00;
	_ =	swait.ge @!p1 [sflag:s0], $0x4000  }
0x4a: {  	p2 =	por p3, p0;
	p0 =	sle.u32 s4, $0x1;
	[sflag:s0] =	ssyncset.done @!p1 $0x0  }
0x4b: {  	s1 =	simm.s32 @!p2 $0x2780;
	[sflag:s0] =	ssyncadd.s32 @!p1 $0xFFFFC000;
	s0 =	simm.s32 @!p2 $0x80  }
0x4c: {  	[tilespmem:s1], [sflag:$0x1] =	stream.indirect.gather @!p2 [spmem:s2], $0x80, s26, s0, $0xb8;
	[tilespmem:$0x12780] =	vst v63  }
0x4d: {  	s0 =	sadd.s32 @!p0 $0x0, s9  }
0x4e: {  	s24 =	simm.s32 @!p0 $0x2;
	s0 =	sadd.s32 @!p0 $0x1, s0  }
0x4f: {  	_ =	swait.ge @!p0 [sflag:s24], $0x4000;
	p1 =	sgt.u32 @!p0 s0, $0x30C  }
0x50: {  	s1 =	rddreg [dreg:$0x5];
	p2 =	por !p1, p0  }
0x51: {  	p2 =	sne.s32 @!p2 s1, $0x0  }
0x52: {  	p3 =	sle.u32 @!p0 s4, $0x5;
	[sflag:s24] =	ssyncset.done @!p0 $0x0;
	p2 =	por @!p0 p2, !p1  }
0x53: {  	[sflag:s24] =	ssyncadd.s32 @!p0 $0xFFFFC000;
	p1 =	por p1, p0;
	p2 =	por p2, p0  }
0x54: {  	s0 =	simm.s32 @!p2 $0x0;
	s1 =	simm.s32 @!p2 $0x6780;
	s24 =	simm.s32 @!p2 $0x5  }
0x55: {  	[hbm4b:s7+s0] =	stream.linear.scatter @!p2 [tilespmem:s1], [sflag:$0x5], $0x1000, $0x38;
	[tilespmem:$0x12780] =	vst v63  }
0x56: {  	s25 =	simm.s32 @!p1 $0x6780;
	s29 =	simm.s32 @!p1 $0x5;
	_ =	swait.ge @!p2 [sflag:s24], $0x1000  }
0x57: {  	s0 =	sadd.s32 @!p1 $0x0, s10;
	s1 =	simm.s32 @!p1 $0x0;
	[sflag:s24] =	ssyncset.done @!p2 $0x0  }
0x58: {  	s0 =	sadd.s32 @!p1 $0x800, s0;
	[sflag:s24] =	ssyncadd.s32 @!p2 $0xFFFFF000;
	p2 =	por p3, p0  }
0x59: {  	[hbm4b:s0+s1] =	stream.linear.scatter @!p1 [tilespmem:s25], [sflag:$0x5], $0x4000, $0x38;
	[tilespmem:$0x12780] =	vst v63  }
0x5a: {  	p0 =	sle.u32 s4, $0x2;
	s0 =	simm.s32 @!p2 $0x6780;
	_ =	swait.ge @!p1 [sflag:s29], $0x4000  }
0x5b: {  	s1 =	simm.s32 @!p0 $0x3;
	s24 =	simm.s32 @!p2 $0x1B80;
	[sflag:s29] =	ssyncset.done @!p1 $0x0  }
0x5c: {  	s25 =	simm.s32 @!p2 $0x80;
	[sflag:s29] =	ssyncadd.s32 @!p1 $0xFFFFC000;
	p1 =	sle.u32 s4, $0x3  }
0x5d: {  	[tilespmem:s0], [sflag:$0x2] =	stream.indirect.gather @!p2 [spmem:s2], $0x80, s24, s25, $0xb8;
	[tilespmem:$0x12780] =	vst v63  }
0x5e: {  	s0 =	sadd.s32 @!p0 $0x0, s9;
	s24 =	sadd.s32 @!p1 $0x0, s9;
	p2 =	sle.u32 @!p1 s4, $0x7  }
0x5f: {  	_ =	swait.ge @!p0 [sflag:s1], $0x4000;
	s0 =	sadd.s32 @!p0 $0x2, s0;
	s24 =	sadd.s32 @!p1 $0x3, s24  }
0x60: {  	p2 =	por p2, p1;
	s29 =	rddreg [dreg:$0x6];
	p3 =	sgt.u32 @!p0 s0, $0x30C  }
0x61: {  	p5 =	sgt.u32 @!p1 s24, $0x30C;
	s0 =	simm.s32 @!p2 $0x0;
	p4 =	por !p3, p0  }
0x62: {  	[sflag:s1] =	ssyncset.done @!p0 $0x0;
	p6 =	por !p5, p1;
	p4 =	sne.s32 @!p4 s29, $0x0  }
0x63: {  	s0 =	simm.s32 @p2 $0x1;
	[sflag:s1] =	ssyncadd.s32 @!p0 $0xFFFFC000;
	p2 =	por @!p0 p4, !p3  }
0x64: {  	[smem:$0x7EC] =	sst s0;
	p4 =	por p1, p1;
	p2 =	por p2, p0  }
0x65: {  	p1 =	por p5, p5;
	s0 =	simm.s32 @!p2 $0x0;
	s1 =	simm.s32 @!p2 $0xA780  }
0x66: {  	[hbm4b:s7+s0] =	stream.linear.scatter @!p2 [tilespmem:s1], [sflag:$0x5], $0x1000, $0x38;
	[tilespmem:$0x12780] =	vst v63  }
0x67: {  	s0 =	simm.s32 @!p1 $0x0  }
0x68: {  	s0 =	simm.s32 @p1 $0x1;
	p1 =	por p6, p6  }
0x69: {  	s29 =	simm.s32 @!p2 $0x5;
	[smem:$0x7EE] =	sst s0;
	s0 =	simm.s32 @!p1 $0x0  }
0x6a: {  	p5 =	por p3, p0;
	_ =	swait.ge @!p2 [sflag:s29], $0x1000;
	s0 =	simm.s32 @p1 $0x1  }
0x6b: {  	s30 =	simm.s32 @!p5 $0x0;
	[smem:$0x7F3] =	sst s0  }
0x6c: {  	s0 =	sadd.s32 @!p5 $0x0, s10;
	[sflag:s29] =	ssyncset.done @!p2 $0x0;
	s18 =	sld [smem:$0x7EC]  }
0x6d: {  	s1 =	simm.s32 @!p5 $0xA780;
	s0 =	sadd.s32 @!p5 $0x1000, s0;
	[sflag:s29] =	ssyncadd.s32 @!p2 $0xFFFFF000  }
0x6e: {  	[hbm4b:s0+s30] =	stream.linear.scatter @!p5 [tilespmem:s1], [sflag:$0x5], $0x4000, $0x38;
	[tilespmem:$0x12780] =	vst v63  }
0x6f: {  	p6 =	seq.s32 s18, $0x1  }
0x70: {  	p1 =	por p6, p6  }
0x71: {  	s0 =	simm.s32 @!p1 $0x0  }
0x72: {  	p2 =	sle.u32 @!p0 s4, $0x6;
	s29 =	simm.s32 @!p5 $0x5;
	s0 =	simm.s32 @p1 $0x1  }
0x73: {  	p2 =	por p2, p0;
	p0 =	sle.u32 s4, $0x7;
	[smem:$0x7F5] =	sst s0  }
0x74: {  	s1 =	simm.s32 @!p2 $0x80;
	p3 =	sle.u32 @!p0 s4, $0xB;
	_ =	swait.ge @!p5 [sflag:s29], $0x4000  }
0x75: {  	p6 =	por p4, p4;
	p1 =	por p3, p0;
	[sflag:s29] =	ssyncset.done @!p5 $0x0  }
0x76: {  	s0 =	simm.s32 @!p2 $0xA780;
	[sflag:s29] =	ssyncadd.s32 @!p5 $0xFFFFC000;
	s29 =	simm.s32 @!p2 $0x1C00  }
0x77: {  	[tilespmem:s0], [sflag:$0x3] =	stream.indirect.gather @!p2 [spmem:s2], $0x80, s29, s1, $0xb8;
	[tilespmem:$0x12780] =	vst v63  }
0x78: {  	s19 =	sld [smem:$0x7EE];
	s0 =	sadd.s32 @!p0 $0x4, s9;
	s1 =	simm.s32 @!p1 $0x0  }
0x79: {  	p2 =	sle.u32 s4, $0x4;
	s0 =	sadd.s32 @!p0 $0x3, s0;
	s1 =	simm.s32 @p1 $0x1  }
0x7a: {  	[smem:$0x7F6] =	sst s1;
	s1 =	sadd.s32 @!p2 $0x4, s9;
	p4 =	sgt.u32 @!p0 s0, $0x30C  }
0x7b: {  	p3 =	sgt.u32 @!p2 s1, $0x30C;
	p5 =	por !p4, p0;
	p0 =	por p0, p0  }
0x7c: {  	s1 =	sadd.s32 @!p2 $0xFFFFFCF3, s1;
	p1 =	por !p3, p2;
	s0 =	simm.s32 @!p0 $0x0  }
0x7d: {  	s0 =	simm.s32 @p0 $0x1;
	p0 =	sne.s32 @!p1 s1, $0x0;
	p1 =	seq.s32 s19, $0x1  }
0x7e: {  	s28 =	simm.s32 $0x0;
	s25 =	simm.s32 $0x4;
	p1 =	por p1, p1  }
0x7f: {  	s24 =	simm.s32 $0x8;
	[smem:$0x7ED] =	sst s0;
	s0 =	simm.s32 @!p1 $0x0  }
0x80: {  	s20 =	sld [smem:$0x7F3];
	s0 =	simm.s32 @p1 $0x1;
	p1 =	por p4, p4  }
0x81: {  	s30 =	simm.s32 $0xC;
	[smem:$0x7EF] =	sst s0;
	s0 =	simm.s32 @!p1 $0x0  }
0x82: {  	s21 =	sld [smem:$0x7F5];
	s13 =	simm.s32 @!p2 $0x0;
	s0 =	simm.s32 @p1 $0x1  }
0x83: {  	s13 =	simm.s32 @p2 $0x1;
	[smem:$0x7F0] =	sst s0;
	s0 =	simm.s32 @!p3 $0x0  }
0x84: {  	s22 =	sld [smem:$0x7F6];
	p0 =	por @!p2 p0, !p3;
	s0 =	simm.s32 @p3 $0x1  }
0x85: {  	p2 =	sle.u32 @!p2 s4, $0x8;
	[smem:$0x7F1] =	sst s0;
	s0 =	simm.s32 @!p0 $0x0  }
0x86: {  	p1 =	por p6, p6;
	s0 =	simm.s32 @p0 $0x1;
	p0 =	por p5, p5  }
0x87: {  	p5 =	seq.s32 s22, $0x1;
	[smem:$0x7F2] =	sst s0;
	s0 =	simm.s32 @!p0 $0x0  }
0x88: {  	s1 =	simm.s32 @!p1 $0x4;
	s0 =	simm.s32 @p0 $0x1;
	p0 =	por p5, p5  }
0x89: {  	p3 =	seq.s32 s20, $0x1;
	[smem:$0x7F4] =	sst s0;
	s0 =	simm.s32 @!p0 $0x0  }
0x8a: {  	p6 =	por p3, p3;
	p3 =	sle.u32 s4, $0xB;
	s0 =	simm.s32 @p0 $0x1  }
0x8b: {  	p0 =	sle.u32 @!p3 s4, $0xF;
	[smem:$0x7F7] =	sst s0;
	s0 =	sadd.s32 @!p3 $0x8, s9  }
0x8c: {  	p0 =	por p0, p3;
	_ =	swait.ge @!p1 [sflag:s1], $0x4000;
	s31 =	sadd.s32 @!p3 $0x3, s0  }
0x8d: {  	s0 =	simm.s32 @!p0 $0x0;
	[smem:$0x7F9] =	sst s13;
	s13 =	simm.s32 @!p2 $0x0  }
0x8e: {  	s0 =	simm.s32 @p0 $0x1;
	p0 =	sgt.u32 @!p3 s31, $0x30C;
	s13 =	simm.s32 @p2 $0x1  }
0x8f: {  	s29 =	simm.s32 $0x0;
	[smem:$0x7FA] =	sst s13;
	s13 =	simm.s32 @!p0 $0x0  }
0x90: {  	[smem:$0x7F8] =	sst s0;
	s13 =	simm.s32 @p0 $0x1;
	p0 =	por !p0, p3  }
0x91: {  	p4 =	seq.s32 s21, $0x1;
	[smem:$0x7FB] =	sst s13;
	s13 =	simm.s32 @!p0 $0x0  }
0x92: {  	p4 =	por p4, p4;
	s0 =	rddreg [dreg:$0x7];
	s13 =	simm.s32 @p0 $0x1  }
0x93: {  	[sflag:s1] =	ssyncset.done @!p1 $0x0;
	s31 =	simm.s32 $0x1B00;
	[smem:$0x7FC] =	sst s13  }
.LBB2_4:
0x94: {  	s13 =	smov.u32 s30;
	s30 =	sadd.s32 $0x4, s30  }
0x95: {  	s17 =	sld [smem:$0x7EF];
	p0 =	sne.s32 s30, $0x1C  }
0x96: {  	s15 =	simm.s32 @!p0 $0x0  }
0x97: {  	[sflag:s1] =	ssyncadd.s32 @!p1 $0xFFFFC000;
	p5 =	por p1, p1;
	s15 =	simm.s32 @p0 $0x1  }
0x98: {  	p0 =	sne.s32 @!p6 s0, s28;
	s28 =	smov.u32 s25;
	p6 =	seq.s32 s17, $0x1  }
0x99: {  	s25 =	smov.u32 s24;
	s24 =	smov.u32 s13;
	p0 =	por @!p1 p0, !p6  }
0x9a: {  	[smem:$0x7EB] =	sst s15;
	p1 =	por p0, p1;
	p0 =	por p6, p5  }
0x9b: {  	s0 =	simm.s32 @!p1 $0x0;
	s1 =	simm.s32 @!p1 $0xE780;
	s13 =	simm.s32 @!p1 $0x5  }
0x9c: {  	[hbm4b:s7+s0] =	stream.linear.scatter @!p1 [tilespmem:s1], [sflag:$0x5], $0x1000, $0x38;
	[tilespmem:$0x12780] =	vst v63  }
0x9d: {  	s15 =	simm.s32 @!p0 $0xE780;
	_ =	swait.ge @!p1 [sflag:s13], $0x1000  }
0x9e: {  	s0 =	sadd.s32 @!p0 s29, s10;
	[sflag:s13] =	ssyncset.done @!p1 $0x0;
	s16 =	sld [smem:$0x7ED]  }
0x9f: {  	s1 =	simm.s32 @!p0 $0x0;
	s0 =	sadd.s32 @!p0 $0x1800, s0;
	[sflag:s13] =	ssyncadd.s32 @!p1 $0xFFFFF000  }
0xa0: {  	[hbm4b:s0+s1] =	stream.linear.scatter @!p0 [tilespmem:s15], [sflag:$0x5], $0x4000, $0x38;
	[tilespmem:$0x12780] =	vst v63  }
0xa1: {  	p2 =	seq.s32 s16, $0x1  }
0xa2: {  	p5 =	por p2, p2  }
0xa3: {  	s16 =	simm.s32 @!p5 $0x0  }
0xa4: {  	s16 =	simm.s32 @p5 $0x1  }
0xa5: {  	s13 =	simm.s32 @!p0 $0x5;
	[smem:$0x7E9] =	sst s16  }
0xa6: {  	s31 =	sadd.s32 @!p4 $0x180, s31;
	_ =	swait.ge @!p0 [sflag:s13], $0x4000  }
0xa7: {  	s0 =	simm.s32 @!p4 $0x80;
	s18 =	sld [smem:$0x7F9];
	[sflag:s13] =	ssyncset.done @!p0 $0x0  }
0xa8: {  	s1 =	simm.s32 @!p4 $0xE780;
	s19 =	sld [smem:$0x7F2];
	[sflag:s13] =	ssyncadd.s32 @!p0 $0xFFFFC000  }
0xa9: {  	[tilespmem:s1], [sflag:$0x4] =	stream.indirect.gather @!p4 [spmem:s2], $0x80, s31, s0, $0xb8;
	[tilespmem:$0x12780] =	vst v63  }
0xaa: {  	p2 =	seq.s32 s18, $0x1  }
0xab: {  	s26 =	sadd.s32 $0x200, s26;
	s15 =	simm.s32 @!p2 $0x1  }
0xac: {  	s22 =	sadd.s32 $0x1, s28;
	p6 =	seq.s32 s19, $0x1;
	_ =	swait.ge @!p2 [sflag:s15], $0x4000  }
0xad: {  	p6 =	por p6, p2;
	[sflag:s15] =	ssyncset.done @!p2 $0x0;
	s20 =	sld [smem:$0x7F1]  }
0xae: {  	s0 =	simm.s32 @!p6 $0x0;
	s1 =	simm.s32 @!p6 $0x2780;
	[sflag:s15] =	ssyncadd.s32 @!p2 $0xFFFFC000  }
0xaf: {  	[hbm4b:s7+s0] =	stream.linear.scatter @!p6 [tilespmem:s1], [sflag:$0x5], $0x1000, $0x38;
	[tilespmem:$0x12780] =	vst v63  }
0xb0: {  	s29 =	sadd.s32 $0x2000, s29;
	s13 =	simm.s32 @!p6 $0x5;
	p4 =	seq.s32 s20, $0x1  }
0xb1: {  	s21 =	sld [smem:$0x7FA];
	_ =	swait.ge @!p6 [sflag:s13], $0x1000;
	p1 =	por p4, p2  }
0xb2: {  	[sflag:s13] =	ssyncset.done @!p6 $0x0;
	s15 =	simm.s32 @!p1 $0x5;
	s31 =	sadd.s32 @!p1 s29, s10  }
0xb3: {  	s16 =	simm.s32 @!p1 $0x0;
	[sflag:s13] =	ssyncadd.s32 @!p6 $0xFFFFF000;
	s13 =	simm.s32 @!p1 $0x2780  }
0xb4: {  	[hbm4b:s31+s16] =	stream.linear.scatter @!p1 [tilespmem:s13], [sflag:$0x5], $0x4000, $0x38;
	[tilespmem:$0x12780] =	vst v63  }
0xb5: {  	p0 =	sge.u32 s22, s4;
	p5 =	seq.s32 s21, $0x1;
	_ =	swait.ge @!p1 [sflag:s15], $0x4000  }
0xb6: {  	s1 =	simm.s32 @!p0 $0x2;
	p2 =	por p5, p2;
	[sflag:s15] =	ssyncset.done @!p1 $0x0  }
0xb7: {  	s0 =	simm.s32 @!p2 $0x2780;
	[sflag:s15] =	ssyncadd.s32 @!p1 $0xFFFFC000;
	s15 =	simm.s32 @!p2 $0x80  }
0xb8: {  	[tilespmem:s0], [sflag:$0x1] =	stream.indirect.gather @!p2 [spmem:s2], $0x80, s26, s15, $0xb8;
	[tilespmem:$0x12780] =	vst v63  }
0xb9: {  	_ =	swait.ge @!p0 [sflag:s1], $0x4000  }
0xba: {  	p4 =	por p3, p3;
	s17 =	sld [smem:$0x7F0]  }
0xbb: {  	s13 =	sadd.s32 @!p0 s28, s9;
	s16 =	sadd.s32 @!p0 $0x5, s28;
	[sflag:s1] =	ssyncset.done @!p0 $0x0  }
0xbc: {  	p1 =	sge.u32 @!p0 s16, s4;
	[sflag:s1] =	ssyncadd.s32 @!p0 $0xFFFFC000;
	s1 =	simm.s32 @!p4 $0x0  }
0xbd: {  	s18 =	sld [smem:$0x7FB];
	s1 =	simm.s32 @p4 $0x1;
	p4 =	seq.s32 s17, $0x1  }
0xbe: {  	s13 =	sadd.s32 @!p0 $0x1, s13;
	p5 =	por p1, p0;
	p1 =	por p4, p4  }
0xbf: {  	p6 =	sgt.u32 @!p0 s13, $0x30C;
	s13 =	simm.s32 @!p1 $0x0  }
0xc0: {  	s13 =	simm.s32 @p1 $0x1;
	p1 =	seq.s32 s18, $0x1  }
0xc1: {  	s0 =	rddreg [dreg:$0x5];
	p3 =	por p1, p1  }
0xc2: {  	p2 =	por !p6, p0;
	[smem:$0x7EF] =	sst s13;
	s13 =	simm.s32 @!p3 $0x0  }
0xc3: {  	s13 =	simm.s32 @p3 $0x1;
	p3 =	sne.s32 @!p2 s0, s28  }
0xc4: {  	[smem:$0x7ED] =	sst s1;
	p4 =	por p6, p0;
	p6 =	por @!p0 p3, !p6  }
0xc5: {  	[smem:$0x7F0] =	sst s13;
	p0 =	por p6, p0  }
0xc6: {  	s15 =	simm.s32 @!p0 $0x0;
	s16 =	simm.s32 @!p0 $0x6780;
	s17 =	simm.s32 @!p0 $0x5  }
0xc7: {  	[hbm4b:s7+s15] =	stream.linear.scatter @!p0 [tilespmem:s16], [sflag:$0x5], $0x1000, $0x38;
	[tilespmem:$0x12780] =	vst v63  }
0xc8: {  	_ =	swait.ge @!p0 [sflag:s17], $0x1000  }
0xc9: {  	s18 =	sadd.s32 @!p4 s29, s10;
	s15 =	simm.s32 @!p4 $0x0;
	[sflag:s17] =	ssyncset.done @!p0 $0x0  }
0xca: {  	s16 =	simm.s32 @!p4 $0x6780;
	[sflag:s17] =	ssyncadd.s32 @!p0 $0xFFFFF000;
	s17 =	sadd.s32 @!p4 $0x800, s18  }
0xcb: {  	[hbm4b:s17+s15] =	stream.linear.scatter @!p4 [tilespmem:s16], [sflag:$0x5], $0x4000, $0x38;
	[tilespmem:$0x12780] =	vst v63  }
0xcc: {  	s19 =	sadd.s32 $0x2, s28;
	s22 =	simm.s32 @!p4 $0x5;
	s15 =	simm.s32 @!p5 $0x0  }
0xcd: {  	p3 =	sge.u32 s19, s4;
	_ =	swait.ge @!p4 [sflag:s22], $0x4000;
	s15 =	simm.s32 @p5 $0x1  }
0xce: {  	s1 =	simm.s32 @!p5 $0x6780;
	s20 =	sadd.s32 @!p3 s28, s9;
	[smem:$0x7E8] =	sst s15  }
0xcf: {  	p2 =	sge.u32 s25, s4;
	s18 =	sadd.s32 @!p3 $0x2, s20;
	s20 =	sld [smem:$0x7E8]  }
0xd0: {  	s0 =	sadd.s32 @!p2 s25, s9;
	s13 =	sadd.s32 @!p2 $0x4, s25;
	s19 =	simm.s32 @!p3 $0x3  }
0xd1: {  	p1 =	sgt.u32 @!p2 s0, $0x30C;
	s16 =	simm.s32 @!p5 $0x80;
	[sflag:s22] =	ssyncset.done @!p4 $0x0  }
0xd2: {  	s15 =	sadd.s32 @!p5 $0x80, s26;
	[sflag:s22] =	ssyncadd.s32 @!p4 $0xFFFFC000;
	p4 =	seq.s32 s20, $0x1  }
0xd3: {  	[tilespmem:s1], [sflag:$0x2] =	stream.indirect.gather @!p4 [spmem:s2], $0x80, s15, s16, $0xb8;
	[tilespmem:$0x12780] =	vst v63  }
0xd4: {  	s21 =	sadd.s32 @!p2 $0xFFFFFCF3, s0;
	s15 =	simm.s32 @!p1 $0x0;
	_ =	swait.ge @!p3 [sflag:s19], $0x4000  }
0xd5: {  	p6 =	sgt.u32 @!p3 s18, $0x30C;
	s15 =	simm.s32 @p1 $0x1;
	s1 =	rddreg [dreg:$0x6]  }
0xd6: {  	p0 =	por p6, p3;
	p5 =	por !p1, p2;
	[smem:$0x7F1] =	sst s15  }
0xd7: {  	s0 =	sadd.s32 @!p0 s29, s10;
	p4 =	sne.s32 @!p5 s21, $0x0;
	s22 =	sld [smem:$0x7F4]  }
0xd8: {  	s0 =	sadd.s32 @!p0 $0x1000, s0;
	p1 =	por @!p2 p4, !p1;
	s16 =	sld [smem:$0x7FC]  }
0xd9: {  	p4 =	por !p6, p3;
	s15 =	simm.s32 @!p1 $0x0;
	s17 =	sld [smem:$0x7F7]  }
0xda: {  	[sflag:s19] =	ssyncset.done @!p3 $0x0;
	s18 =	sld [smem:$0x7F8];
	s15 =	simm.s32 @p1 $0x1  }
0xdb: {  	[smem:$0x7F2] =	sst s15;
	s15 =	simm.s32 @!p2 $0x0;
	p5 =	seq.s32 s22, $0x1  }
0xdc: {  	p1 =	sge.u32 @!p2 s13, s4;
	s15 =	simm.s32 @p2 $0x1;
	p2 =	por p5, p5  }
0xdd: {  	s13 =	simm.s32 @!p1 $0x0;
	[smem:$0x7F9] =	sst s15;
	s15 =	simm.s32 @!p2 $0x0  }
0xde: {  	s15 =	simm.s32 @p2 $0x1;
	p2 =	sne.s32 @!p4 s1, s28;
	p4 =	seq.s32 s16, $0x1  }
0xdf: {  	[sflag:s19] =	ssyncadd.s32 @!p3 $0xFFFFC000;
	s13 =	simm.s32 @p1 $0x1;
	p1 =	por p4, p4  }
0xe0: {  	[smem:$0x7FA] =	sst s13;
	s13 =	sadd.s32 @!p3 $0x6, s28;
	s1 =	simm.s32 @!p1 $0x0  }
0xe1: {  	s1 =	simm.s32 @p1 $0x1;
	p1 =	por @!p3 p2, !p6;
	p2 =	seq.s32 s17, $0x1  }
0xe2: {  	p5 =	sge.u32 @!p3 s13, s4;
	p4 =	por p2, p2;
	p2 =	seq.s32 s18, $0x1  }
0xe3: {  	s19 =	sadd.s32 $0x3, s24;
	p6 =	por p5, p3;
	p5 =	por p2, p2  }
0xe4: {  	[smem:$0x7F4] =	sst s1;
	p3 =	por p1, p3;
	s1 =	simm.s32 @!p5 $0x0  }
0xe5: {  	[smem:$0x7EA] =	sst s15;
	s15 =	simm.s32 @!p3 $0xA780;
	s1 =	simm.s32 @p5 $0x1  }
0xe6: {  	s16 =	simm.s32 @!p3 $0x5;
	[smem:$0x7F7] =	sst s1;
	s1 =	simm.s32 @!p3 $0x0  }
0xe7: {  	[hbm4b:s7+s1] =	stream.linear.scatter @!p3 [tilespmem:s15], [sflag:$0x5], $0x1000, $0x38;
	[tilespmem:$0x12780] =	vst v63  }
0xe8: {  	s13 =	simm.s32 @!p6 $0xA780;
	s18 =	simm.s32 @!p0 $0x5;
	_ =	swait.ge @!p3 [sflag:s16], $0x1000  }
0xe9: {  	p1 =	sge.u32 s19, s4;
	s1 =	simm.s32 @!p0 $0xA780;
	[sflag:s16] =	ssyncset.done @!p3 $0x0  }
0xea: {  	s15 =	simm.s32 @!p6 $0x80;
	[sflag:s16] =	ssyncadd.s32 @!p3 $0xFFFFF000;
	s16 =	simm.s32 @!p0 $0x0  }
0xeb: {  	[hbm4b:s0+s16] =	stream.linear.scatter @!p0 [tilespmem:s1], [sflag:$0x5], $0x4000, $0x38;
	[tilespmem:$0x12780] =	vst v63  }
0xec: {  	p3 =	por p1, p1;
	s0 =	sadd.s32 @!p1 s24, s9;
	_ =	swait.ge @!p0 [sflag:s18], $0x4000  }
0xed: {  	s16 =	sadd.s32 @!p1 $0x7, s24;
	s0 =	sadd.s32 @!p1 $0x3, s0;
	[sflag:s18] =	ssyncset.done @!p0 $0x0  }
0xee: {  	p1 =	sgt.u32 @!p1 s0, $0x30C;
	s0 =	sadd.s32 @!p6 $0x100, s26;
	[sflag:s18] =	ssyncadd.s32 @!p0 $0xFFFFC000  }
0xef: {  	[tilespmem:s13], [sflag:$0x3] =	stream.indirect.gather @!p6 [spmem:s2], $0x80, s0, s15, $0xb8;
	[tilespmem:$0x12780] =	vst v63  }
0xf0: {  	s20 =	sld [smem:$0x7E9];
	s0 =	simm.s32 @!p1 $0x0  }
0xf1: {  	p0 =	por !p1, p3;
	s0 =	simm.s32 @p1 $0x1  }
0xf2: {  	[smem:$0x7FB] =	sst s0;
	s0 =	simm.s32 @!p0 $0x0  }
0xf3: {  	p5 =	seq.s32 s20, $0x1;
	s0 =	simm.s32 @p0 $0x1  }
0xf4: {  	s1 =	simm.s32 @!p5 $0x4;
	[smem:$0x7FC] =	sst s0  }
0xf5: {  	s21 =	sld [smem:$0x7EA];
	_ =	swait.ge @!p5 [sflag:s1], $0x4000  }
0xf6: {  	p0 =	sge.u32 @!p3 s16, s4;
	s22 =	sld [smem:$0x7EB]  }
0xf7: {  	p0 =	por p0, p3  }
0xf8: {  	s0 =	simm.s32 @!p0 $0x0  }
0xf9: {  	s0 =	simm.s32 @p0 $0x1;
	p0 =	seq.s32 s22, $0x1  }
.Ltmp1:
0xfa: {  	_ = 	snop;
	(pc) =	sbr.rel @p0 .LBB2_4-.Ltmp1, $3  }
0xfb: {  	_ =	sdelay $0x1  }
0xfc: {  	s31 =	smov.u32 s26;
	p6 =	seq.s32 s21, $0x1;
	[smem:$0x7F8] =	sst s0  }
0xfd: {  	p1 =	por p5, p5;
	[sflag:s1] =	ssyncset.done @!p5 $0x0;
	s0 =	rddreg [dreg:$0x7]  }
0xfe: {  	p0 =	sne.s32 @!p6 s0, s28;
	s28 =	sld [smem:$0x7EF];
	_ =	sdelay $0x2  }
0xff: {  	p2 =	seq.s32 s28, $0x1  }
0x100: {  	p0 =	por @!p1 p0, !p2  }
0x101: {  	[sflag:s1] =	ssyncadd.s32 @!p1 $0xFFFFC000;
	p0 =	por p0, p1;
	p1 =	por p2, p1  }
0x102: {  	s0 =	simm.s32 @!p0 $0x0;
	s1 =	simm.s32 @!p0 $0xE780;
	s13 =	simm.s32 @!p0 $0x5  }
0x103: {  	[hbm4b:s7+s0] =	stream.linear.scatter @!p0 [tilespmem:s1], [sflag:$0x5], $0x1000, $0x38;
	[tilespmem:$0x12780] =	vst v63  }
0x104: {  	s15 =	simm.s32 @!p1 $0x5;
	_ =	swait.ge @!p0 [sflag:s13], $0x1000  }
0x105: {  	s0 =	sadd.s32 @!p1 s29, s10;
	s1 =	simm.s32 @!p1 $0x0;
	[sflag:s13] =	ssyncset.done @!p0 $0x0  }
0x106: {  	s0 =	sadd.s32 @!p1 $0x1800, s0;
	[sflag:s13] =	ssyncadd.s32 @!p0 $0xFFFFF000;
	s13 =	simm.s32 @!p1 $0xE780  }
0x107: {  	[hbm4b:s0+s1] =	stream.linear.scatter @!p1 [tilespmem:s13], [sflag:$0x5], $0x4000, $0x38;
	[tilespmem:$0x12780] =	vst v63  }
0x108: {  	s0 =	simm.s32 @!p4 $0x80;
	_ =	swait.ge @!p1 [sflag:s15], $0x4000  }
0x109: {  	s1 =	simm.s32 @!p4 $0xE780;
	[sflag:s15] =	ssyncset.done @!p1 $0x0;
	s30 =	sld [smem:$0x7F9]  }
0x10a: {  	s13 =	sadd.s32 @!p4 $0x180, s31;
	s31 =	sld [smem:$0x7F2];
	[sflag:s15] =	ssyncadd.s32 @!p1 $0xFFFFC000  }
0x10b: {  	[tilespmem:s1], [sflag:$0x4] =	stream.indirect.gather @!p4 [spmem:s2], $0x80, s13, s0, $0xb8;
	[tilespmem:$0x12780] =	vst v63  }
0x10c: {  	p2 =	seq.s32 s30, $0x1  }
0x10d: {  	p4 =	seq.s32 s31, $0x1;
	s0 =	simm.s32 @!p2 $0x1  }
0x10e: {  	p0 =	por p4, p2;
	_ =	swait.ge @!p2 [sflag:s0], $0x4000  }
0x10f: {  	s1 =	simm.s32 @!p0 $0x0;
	[sflag:s0] =	ssyncset.done @!p2 $0x0  }
0x110: {  	s13 =	simm.s32 @!p0 $0x2780;
	s15 =	simm.s32 @!p0 $0x5;
	[sflag:s0] =	ssyncadd.s32 @!p2 $0xFFFFC000  }
0x111: {  	[hbm4b:s7+s1] =	stream.linear.scatter @!p0 [tilespmem:s13], [sflag:$0x5], $0x1000, $0x38;
	[tilespmem:$0x12780] =	vst v63  }
0x112: {  	_ =	swait.ge @!p0 [sflag:s15], $0x1000  }
0x113: {  	s13 =	sld [smem:$0x7F1];
	_ =	sdelay $0x2  }
0x114: {  	p5 =	seq.s32 s13, $0x1  }
0x115: {  	[sflag:s15] =	ssyncset.done @!p0 $0x0;
	p1 =	por p5, p2  }
0x116: {  	s28 =	sadd.s32 $0x2000, s29;
	[sflag:s15] =	ssyncadd.s32 @!p0 $0xFFFFF000;
	s0 =	simm.s32 @!p1 $0x5  }
0x117: {  	s1 =	sadd.s32 @!p1 s28, s10;
	s13 =	simm.s32 @!p1 $0x0;
	s15 =	simm.s32 @!p1 $0x2780  }
0x118: {  	[hbm4b:s1+s13] =	stream.linear.scatter @!p1 [tilespmem:s15], [sflag:$0x5], $0x4000, $0x38;
	[tilespmem:$0x12780] =	vst v63  }
0x119: {  	_ =	swait.ge @!p1 [sflag:s0], $0x4000  }
0x11a: {  	s15 =	sld [smem:$0x7FA];
	_ =	sdelay $0x2  }
0x11b: {  	s26 =	sadd.s32 $0x200, s26;
	p6 =	seq.s32 s15, $0x1  }
0x11c: {  	s16 =	sadd.s32 $0x1, s25;
	[sflag:s0] =	ssyncset.done @!p1 $0x0;
	p0 =	por p6, p2  }
0x11d: {  	[sflag:s0] =	ssyncadd.s32 @!p1 $0xFFFFC000;
	s0 =	simm.s32 @!p0 $0x2780;
	s1 =	simm.s32 @!p0 $0x80  }
0x11e: {  	[tilespmem:s0], [sflag:$0x1] =	stream.indirect.gather @!p0 [spmem:s2], $0x80, s26, s1, $0xb8;
	[tilespmem:$0x12780] =	vst v63  }
0x11f: {  	p0 =	sge.u32 s16, s4  }
0x120: {  	s1 =	sadd.s32 @!p0 s25, s9  }
0x121: {  	s0 =	simm.s32 @!p0 $0x2;
	s1 =	sadd.s32 @!p0 $0x1, s1  }
0x122: {  	_ =	swait.ge @!p0 [sflag:s0], $0x4000;
	p1 =	sgt.u32 @!p0 s1, $0x30C  }
0x123: {  	s13 =	rddreg [dreg:$0x5];
	p2 =	por !p1, p0  }
0x124: {  	p2 =	sne.s32 @!p2 s13, s25  }
0x125: {  	[sflag:s0] =	ssyncset.done @!p0 $0x0;
	p2 =	por @!p0 p2, !p1  }
0x126: {  	[sflag:s0] =	ssyncadd.s32 @!p0 $0xFFFFC000;
	p1 =	por p1, p0;
	p2 =	por p2, p0  }
0x127: {  	s0 =	simm.s32 @!p2 $0x0;
	s1 =	simm.s32 @!p2 $0x6780;
	s13 =	simm.s32 @!p2 $0x5  }
0x128: {  	[hbm4b:s7+s0] =	stream.linear.scatter @!p2 [tilespmem:s1], [sflag:$0x5], $0x1000, $0x38;
	[tilespmem:$0x12780] =	vst v63  }
0x129: {  	s15 =	simm.s32 @!p1 $0x5;
	_ =	swait.ge @!p2 [sflag:s13], $0x1000  }
0x12a: {  	s0 =	sadd.s32 @!p1 s28, s10;
	s1 =	simm.s32 @!p1 $0x0;
	[sflag:s13] =	ssyncset.done @!p2 $0x0  }
0x12b: {  	s0 =	sadd.s32 @!p1 $0x800, s0;
	[sflag:s13] =	ssyncadd.s32 @!p2 $0xFFFFF000;
	s13 =	simm.s32 @!p1 $0x6780  }
0x12c: {  	[hbm4b:s0+s1] =	stream.linear.scatter @!p1 [tilespmem:s13], [sflag:$0x5], $0x4000, $0x38;
	[tilespmem:$0x12780] =	vst v63  }
0x12d: {  	s0 =	sadd.s32 @!p0 $0x5, s25;
	_ =	swait.ge @!p1 [sflag:s15], $0x4000  }
0x12e: {  	p2 =	sge.u32 @!p0 s0, s4;
	[sflag:s15] =	ssyncset.done @!p1 $0x0  }
0x12f: {  	s17 =	sadd.s32 $0x2, s25;
	p0 =	por p2, p0;
	[sflag:s15] =	ssyncadd.s32 @!p1 $0xFFFFC000  }
0x130: {  	s0 =	simm.s32 @!p0 $0x6780;
	s1 =	sadd.s32 @!p0 $0x80, s26;
	s13 =	simm.s32 @!p0 $0x80  }
0x131: {  	[tilespmem:s0], [sflag:$0x2] =	stream.indirect.gather @!p0 [spmem:s2], $0x80, s1, s13, $0xb8;
	[tilespmem:$0x12780] =	vst v63  }
0x132: {  	p0 =	sge.u32 s17, s4  }
0x133: {  	s1 =	sadd.s32 @!p0 s25, s9  }
0x134: {  	s0 =	simm.s32 @!p0 $0x3;
	s1 =	sadd.s32 @!p0 $0x2, s1  }
0x135: {  	_ =	swait.ge @!p0 [sflag:s0], $0x4000;
	p1 =	sgt.u32 @!p0 s1, $0x30C  }
0x136: {  	s13 =	rddreg [dreg:$0x6];
	p2 =	por !p1, p0  }
0x137: {  	p2 =	sne.s32 @!p2 s13, s25  }
0x138: {  	[sflag:s0] =	ssyncset.done @!p0 $0x0;
	p2 =	por @!p0 p2, !p1  }
0x139: {  	[sflag:s0] =	ssyncadd.s32 @!p0 $0xFFFFC000;
	p1 =	por p1, p0;
	p2 =	por p2, p0  }
0x13a: {  	s0 =	simm.s32 @!p2 $0x0;
	s1 =	simm.s32 @!p2 $0xA780;
	s13 =	simm.s32 @!p2 $0x5  }
0x13b: {  	[hbm4b:s7+s0] =	stream.linear.scatter @!p2 [tilespmem:s1], [sflag:$0x5], $0x1000, $0x38;
	[tilespmem:$0x12780] =	vst v63  }
0x13c: {  	s15 =	simm.s32 @!p1 $0x0;
	_ =	swait.ge @!p2 [sflag:s13], $0x1000  }
0x13d: {  	s0 =	sadd.s32 @!p1 s28, s10;
	s1 =	simm.s32 @!p1 $0xA780;
	[sflag:s13] =	ssyncset.done @!p2 $0x0  }
0x13e: {  	s0 =	sadd.s32 @!p1 $0x1000, s0;
	[sflag:s13] =	ssyncadd.s32 @!p2 $0xFFFFF000;
	s13 =	simm.s32 @!p1 $0x5  }
0x13f: {  	[hbm4b:s0+s15] =	stream.linear.scatter @!p1 [tilespmem:s1], [sflag:$0x5], $0x4000, $0x38;
	[tilespmem:$0x12780] =	vst v63  }
0x140: {  	s0 =	sadd.s32 @!p0 $0x6, s25;
	_ =	swait.ge @!p1 [sflag:s13], $0x4000  }
0x141: {  	p2 =	sge.u32 @!p0 s0, s4;
	[sflag:s13] =	ssyncset.done @!p1 $0x0  }
0x142: {  	p0 =	por p2, p0;
	s18 =	sld [smem:$0x7ED];
	[sflag:s13] =	ssyncadd.s32 @!p1 $0xFFFFC000  }
0x143: {  	s0 =	simm.s32 @!p0 $0xA780;
	s1 =	simm.s32 @!p0 $0x80;
	s13 =	sadd.s32 @!p0 $0x100, s26  }
0x144: {  	[tilespmem:s0], [sflag:$0x3] =	stream.indirect.gather @!p0 [spmem:s2], $0x80, s13, s1, $0xb8;
	[tilespmem:$0x12780] =	vst v63  }
0x145: {  	p1 =	seq.s32 s18, $0x1  }
0x146: {  	p0 =	por p1, p1  }
0x147: {  	s0 =	simm.s32 @!p0 $0x4  }
0x148: {  	_ =	swait.ge @!p0 [sflag:s0], $0x4000  }
0x149: {  	s19 =	sld [smem:$0x7F4]  }
0x14a: {  	s20 =	sld [smem:$0x7F0];
	_ =	sdelay $0x1  }
0x14b: {  	p2 =	seq.s32 s19, $0x1  }
0x14c: {  	s1 =	rddreg [dreg:$0x7];
	p4 =	seq.s32 s20, $0x1;
	p1 =	por p2, p2  }
0x14d: {  	p2 =	por p4, p4;
	p1 =	sne.s32 @!p1 s1, s25  }
0x14e: {  	p5 =	por p3, p3;
	[sflag:s0] =	ssyncset.done @!p0 $0x0;
	p1 =	por @!p0 p1, !p2  }
0x14f: {  	[sflag:s0] =	ssyncadd.s32 @!p0 $0xFFFFC000;
	p3 =	por p1, p0;
	p1 =	por p2, p0  }
0x150: {  	s0 =	simm.s32 @!p3 $0x0;
	s1 =	simm.s32 @!p3 $0xE780;
	s13 =	simm.s32 @!p3 $0x5  }
0x151: {  	[hbm4b:s7+s0] =	stream.linear.scatter @!p3 [tilespmem:s1], [sflag:$0x5], $0x1000, $0x38;
	[tilespmem:$0x12780] =	vst v63  }
0x152: {  	s15 =	simm.s32 @!p1 $0xE780;
	_ =	swait.ge @!p3 [sflag:s13], $0x1000  }
0x153: {  	s0 =	sadd.s32 @!p1 s28, s10;
	s1 =	simm.s32 @!p1 $0x0;
	[sflag:s13] =	ssyncset.done @!p3 $0x0  }
0x154: {  	s0 =	sadd.s32 @!p1 $0x1800, s0;
	[sflag:s13] =	ssyncadd.s32 @!p3 $0xFFFFF000;
	s13 =	simm.s32 @!p1 $0x5  }
0x155: {  	[hbm4b:s0+s1] =	stream.linear.scatter @!p1 [tilespmem:s15], [sflag:$0x5], $0x4000, $0x38;
	[tilespmem:$0x12780] =	vst v63  }
0x156: {  	_ =	swait.ge @!p1 [sflag:s13], $0x4000  }
0x157: {  	s21 =	sld [smem:$0x7F7];
	_ =	sdelay $0x1  }
0x158: {  	p0 =	sge.u32 s24, s4  }
0x159: {  	s0 =	sadd.s32 @!p0 s24, s9;
	[sflag:s13] =	ssyncset.done @!p1 $0x0;
	p6 =	seq.s32 s21, $0x1  }
0x15a: {  	[sflag:s13] =	ssyncadd.s32 @!p1 $0xFFFFC000;
	p1 =	sgt.u32 @!p0 s0, $0x30C;
	p2 =	por p6, p6  }
0x15b: {  	s1 =	simm.s32 @!p2 $0x80;
	s13 =	simm.s32 @!p2 $0xE780;
	s15 =	sadd.s32 @!p2 $0x180, s26  }
0x15c: {  	[tilespmem:s13], [sflag:$0x4] =	stream.indirect.gather @!p2 [spmem:s2], $0x80, s15, s1, $0xb8;
	[tilespmem:$0x12780] =	vst v63  }
0x15d: {  	s0 =	sadd.s32 @!p0 $0xFFFFFCF3, s0;
	p2 =	por !p1, p0  }
0x15e: {  	p2 =	sne.s32 @!p2 s0, $0x0  }
0x15f: {  	s0 =	simm.s32 @!p0 $0x1;
	p2 =	por @!p0 p2, !p1  }
0x160: {  	_ =	swait.ge @!p0 [sflag:s0], $0x4000;
	p2 =	por p2, p0  }
0x161: {  	[sflag:s0] =	ssyncset.done @!p0 $0x0;
	s1 =	simm.s32 @!p2 $0x0  }
0x162: {  	s13 =	simm.s32 @!p2 $0x2780;
	s15 =	simm.s32 @!p2 $0x5;
	[sflag:s0] =	ssyncadd.s32 @!p0 $0xFFFFC000  }
0x163: {  	[hbm4b:s7+s1] =	stream.linear.scatter @!p2 [tilespmem:s13], [sflag:$0x5], $0x1000, $0x38;
	[tilespmem:$0x12780] =	vst v63  }
0x164: {  	s25 =	sadd.s32 $0x200, s26;
	s26 =	sadd.s32 $0x2000, s28;
	_ =	swait.ge @!p2 [sflag:s15], $0x1000  }
0x165: {  	p1 =	por p1, p0;
	s0 =	sadd.s32 @!p0 $0x4, s24;
	[sflag:s15] =	ssyncset.done @!p2 $0x0  }
0x166: {  	s1 =	sadd.s32 @!p1 s26, s10;
	s13 =	simm.s32 @!p1 $0x0;
	[sflag:s15] =	ssyncadd.s32 @!p2 $0xFFFFF000  }
0x167: {  	p2 =	sge.u32 @!p0 s0, s4;
	s0 =	simm.s32 @!p1 $0x5;
	s15 =	simm.s32 @!p1 $0x2780  }
0x168: {  	[hbm4b:s1+s13] =	stream.linear.scatter @!p1 [tilespmem:s15], [sflag:$0x5], $0x4000, $0x38;
	[tilespmem:$0x12780] =	vst v63  }
0x169: {  	s22 =	sadd.s32 $0x1, s24;
	_ =	swait.ge @!p1 [sflag:s0], $0x4000  }
0x16a: {  	p2 =	por p2, p0;
	p0 =	sge.u32 s22, s4;
	[sflag:s0] =	ssyncset.done @!p1 $0x0  }
0x16b: {  	s13 =	simm.s32 @!p2 $0x2780;
	[sflag:s0] =	ssyncadd.s32 @!p1 $0xFFFFC000;
	s0 =	simm.s32 @!p2 $0x80  }
0x16c: {  	[tilespmem:s13], [sflag:$0x1] =	stream.indirect.gather @!p2 [spmem:s2], $0x80, s25, s0, $0xb8;
	[tilespmem:$0x12780] =	vst v63  }
0x16d: {  	s0 =	sadd.s32 @!p0 s24, s9  }
0x16e: {  	s1 =	simm.s32 @!p0 $0x2;
	s0 =	sadd.s32 @!p0 $0x1, s0  }
0x16f: {  	_ =	swait.ge @!p0 [sflag:s1], $0x4000;
	p1 =	sgt.u32 @!p0 s0, $0x30C  }
0x170: {  	s13 =	rddreg [dreg:$0x5];
	p2 =	por !p1, p0  }
0x171: {  	p2 =	sne.s32 @!p2 s13, s24  }
0x172: {  	[sflag:s1] =	ssyncset.done @!p0 $0x0;
	p2 =	por @!p0 p2, !p1;
	p1 =	por p1, p0  }
0x173: {  	[sflag:s1] =	ssyncadd.s32 @!p0 $0xFFFFC000;
	p2 =	por p2, p0;
	s15 =	simm.s32 @!p1 $0x6780  }
0x174: {  	s0 =	simm.s32 @!p2 $0x0;
	s1 =	simm.s32 @!p2 $0x6780;
	s13 =	simm.s32 @!p2 $0x5  }
0x175: {  	[hbm4b:s7+s0] =	stream.linear.scatter @!p2 [tilespmem:s1], [sflag:$0x5], $0x1000, $0x38;
	[tilespmem:$0x12780] =	vst v63  }
0x176: {  	s16 =	simm.s32 @!p1 $0x5;
	s1 =	sadd.s32 @!p1 s26, s10;
	_ =	swait.ge @!p2 [sflag:s13], $0x1000  }
0x177: {  	s0 =	sadd.s32 @!p0 $0x5, s24;
	s1 =	sadd.s32 @!p1 $0x800, s1;
	[sflag:s13] =	ssyncset.done @!p2 $0x0  }
0x178: {  	[sflag:s13] =	ssyncadd.s32 @!p2 $0xFFFFF000;
	p2 =	sge.u32 @!p0 s0, s4;
	s13 =	simm.s32 @!p1 $0x0  }
0x179: {  	[hbm4b:s1+s13] =	stream.linear.scatter @!p1 [tilespmem:s15], [sflag:$0x5], $0x4000, $0x38;
	[tilespmem:$0x12780] =	vst v63  }
0x17a: {  	s28 =	sadd.s32 $0x2, s24;
	p2 =	por p2, p0;
	_ =	swait.ge @!p1 [sflag:s16], $0x4000  }
0x17b: {  	p0 =	sge.u32 s28, s4;
	s0 =	simm.s32 @!p2 $0x6780;
	[sflag:s16] =	ssyncset.done @!p1 $0x0  }
0x17c: {  	s13 =	sadd.s32 @!p2 $0x80, s25;
	s15 =	simm.s32 @!p2 $0x80;
	[sflag:s16] =	ssyncadd.s32 @!p1 $0xFFFFC000  }
0x17d: {  	[tilespmem:s0], [sflag:$0x2] =	stream.indirect.gather @!p2 [spmem:s2], $0x80, s13, s15, $0xb8;
	[tilespmem:$0x12780] =	vst v63  }
0x17e: {  	s0 =	sadd.s32 @!p0 s24, s9  }
0x17f: {  	s1 =	simm.s32 @!p0 $0x3;
	s0 =	sadd.s32 @!p0 $0x2, s0  }
0x180: {  	_ =	swait.ge @!p0 [sflag:s1], $0x4000;
	p1 =	sgt.u32 @!p0 s0, $0x30C  }
0x181: {  	s13 =	rddreg [dreg:$0x6];
	p2 =	por !p1, p0  }
0x182: {  	p2 =	sne.s32 @!p2 s13, s24  }
0x183: {  	[sflag:s1] =	ssyncset.done @!p0 $0x0;
	p2 =	por @!p0 p2, !p1  }
0x184: {  	[sflag:s1] =	ssyncadd.s32 @!p0 $0xFFFFC000;
	p1 =	por p1, p0;
	p2 =	por p2, p0  }
0x185: {  	s0 =	simm.s32 @!p2 $0x0;
	s1 =	simm.s32 @!p2 $0xA780;
	s13 =	simm.s32 @!p2 $0x5  }
0x186: {  	[hbm4b:s7+s0] =	stream.linear.scatter @!p2 [tilespmem:s1], [sflag:$0x5], $0x1000, $0x38;
	[tilespmem:$0x12780] =	vst v63  }
0x187: {  	s15 =	simm.s32 @!p1 $0x5;
	_ =	swait.ge @!p2 [sflag:s13], $0x1000  }
0x188: {  	s0 =	sadd.s32 @!p1 s26, s10;
	s1 =	simm.s32 @!p1 $0xA780;
	[sflag:s13] =	ssyncset.done @!p2 $0x0  }
0x189: {  	s0 =	sadd.s32 @!p1 $0x1000, s0;
	[sflag:s13] =	ssyncadd.s32 @!p2 $0xFFFFF000;
	s13 =	simm.s32 @!p1 $0x0  }
0x18a: {  	[hbm4b:s0+s13] =	stream.linear.scatter @!p1 [tilespmem:s1], [sflag:$0x5], $0x4000, $0x38;
	[tilespmem:$0x12780] =	vst v63  }
0x18b: {  	s0 =	sadd.s32 @!p0 $0x6, s24;
	_ =	swait.ge @!p1 [sflag:s15], $0x4000  }
0x18c: {  	p2 =	sge.u32 @!p0 s0, s4;
	[sflag:s15] =	ssyncset.done @!p1 $0x0  }
0x18d: {  	p3 =	por p5, p5;
	p0 =	por p2, p0;
	[sflag:s15] =	ssyncadd.s32 @!p1 $0xFFFFC000  }
0x18e: {  	s0 =	simm.s32 @!p0 $0xA780;
	s1 =	simm.s32 @!p0 $0x80;
	s13 =	sadd.s32 @!p0 $0x100, s25  }
0x18f: {  	[tilespmem:s0], [sflag:$0x3] =	stream.indirect.gather @!p0 [spmem:s2], $0x80, s13, s1, $0xb8;
	[tilespmem:$0x12780] =	vst v63  }
0x190: {  	p0 =	por p3, p3  }
0x191: {  	s0 =	simm.s32 @!p0 $0x4  }
0x192: {  	_ =	swait.ge @!p0 [sflag:s0], $0x4000  }
0x193: {  	s29 =	sld [smem:$0x7FC]  }
0x194: {  	s30 =	sld [smem:$0x7FB];
	_ =	sdelay $0x1  }
0x195: {  	p4 =	seq.s32 s29, $0x1  }
0x196: {  	p5 =	seq.s32 s30, $0x1;
	p1 =	por p4, p4  }
0x197: {  	s1 =	rddreg [dreg:$0x7];
	p2 =	por p5, p5;
	p1 =	por p1, p1  }
0x198: {  	p2 =	por p2, p2;
	p1 =	sne.s32 @!p1 s1, s24  }
0x199: {  	[sflag:s0] =	ssyncset.done @!p0 $0x0;
	p1 =	por @!p0 p1, !p2  }
0x19a: {  	[sflag:s0] =	ssyncadd.s32 @!p0 $0xFFFFC000;
	p1 =	por p1, p0;
	p0 =	por p2, p0  }
0x19b: {  	s0 =	simm.s32 @!p1 $0x0;
	s1 =	simm.s32 @!p1 $0xE780;
	s13 =	simm.s32 @!p1 $0x5  }
0x19c: {  	[hbm4b:s7+s0] =	stream.linear.scatter @!p1 [tilespmem:s1], [sflag:$0x5], $0x1000, $0x38;
	[tilespmem:$0x12780] =	vst v63  }
0x19d: {  	s15 =	simm.s32 @!p0 $0x5;
	_ =	swait.ge @!p1 [sflag:s13], $0x1000  }
0x19e: {  	s0 =	sadd.s32 @!p0 s26, s10;
	s1 =	simm.s32 @!p0 $0x0;
	[sflag:s13] =	ssyncset.done @!p1 $0x0  }
0x19f: {  	s0 =	sadd.s32 @!p0 $0x1800, s0;
	[sflag:s13] =	ssyncadd.s32 @!p1 $0xFFFFF000;
	s13 =	simm.s32 @!p0 $0xE780  }
0x1a0: {  	[hbm4b:s0+s1] =	stream.linear.scatter @!p0 [tilespmem:s13], [sflag:$0x5], $0x4000, $0x38;
	[tilespmem:$0x12780] =	vst v63  }
0x1a1: {  	_ =	swait.ge @!p0 [sflag:s15], $0x4000  }
0x1a2: {  	s31 =	sld [smem:$0x7F8];
	_ =	sdelay $0x2  }
0x1a3: {  	p6 =	seq.s32 s31, $0x1  }
0x1a4: {  	[sflag:s15] =	ssyncset.done @!p0 $0x0;
	p1 =	por p6, p6  }
0x1a5: {  	s23 =	sadd.s32 $0x1, s23;
	[sflag:s15] =	ssyncadd.s32 @!p0 $0xFFFFC000;
	p0 =	por p1, p1  }
0x1a6: {  	s0 =	simm.s32 @!p0 $0x80;
	s1 =	simm.s32 @!p0 $0xE780;
	s13 =	sadd.s32 @!p0 $0x180, s25  }
0x1a7: {  	[tilespmem:s1], [sflag:$0x4] =	stream.indirect.gather @!p0 [spmem:s2], $0x80, s13, s0, $0xb8;
	[tilespmem:$0x12780] =	vst v63  }
0x1a8: {  	p0 =	sne.s32 s23, s8  }
.Ltmp2:
0x1a9: {  	_ = 	snop;
	(pc) =	sbr.rel @p0 .LBB2_1-.Ltmp2, $1  }
0x1aa: {  	_ =	sdelay $0x3  }
0x1ab: {  	_ =	sfence.sel $0x180000  }
0x1ac: {  	[bflag:$0x0] =	sbarrier.arrive $0xFFFF  }
0x1ad: {  	_ =	strace $0x9000004A  }
0x1ae: {  	[bflag:$0x2] =	sbarrier.arrive $0xFFFF  }
0x1af: {  	s1 =	sld [smem:$0x7FD];
	_ =	sdelay $0x2  }
0x1b0: {  	s0 =	rddreg [dreg:$0x4];
	p0 =	seq.s32 s1, $0x1  }
0x1b1: {  	s0 =	sadd.s32 @!p0 $0x100000, s0  }
0x1b2: {  	[sflag:s0] =	ssyncadd.tile.s32 @!p0 $0x1;
	_ =	shalt  }
.Lfunc_end2:
_tile_overlayer_lowered:
.L_overlay_start_2:
0x1b3: {  	(tag) =	ssettag $0x2  }
0x1b4: {  	s0 =	rddreg [dreg:$0x0];
	s2 =	stileid.u32  }
0x1b5: {  	s1 =	rddreg [dreg:$0x1];
	p0 =	sne.s32 s2, $0x0  }
0x1b6: {  	s3 =	rddreg [dreg:$0x2];
	[bflag:$0x3] =	sbarrier.arrive $0xFFFF;
	s2 =	simm.s32 @!p0 $0x1C05  }
0x1b7: {  	[timem:s3], [sflag:s2] =	dma.local @!p0 [hbm:s0], s1  }
0x1b8: {  	s0 =	simm.s32 @!p0 $0x5  }
0x1b9: {  	_ =	swait.ge @!p0 [sflag:s0], s1  }
0x1ba: {  	s1 =	ssub.s32 @!p0 $0x0, s1;
	[sflag:s0] =	ssyncset.done @!p0 $0x0  }
0x1bb: {  	[sflag:s0] =	ssyncadd.s32 @!p0 s1  }
0x1bc: {  	[bflag:$0x3] =	sbarrier.arrive $0xFFFF  }
0x1bd: {  	_ =	shalt  }

</sc_bundles>
